<compile_context>
chip_gen: v7x
topology: tpu7x:2x2x1
jax: 0.10.2.dev20260603
libtpu: 0.0.44.dev20260713+nightly
codegen_flags: <defaults>
</compile_context>

<pallas_src>
import functools

import jax
import jax.numpy as jnp
from jax import lax
from jax.experimental import pallas as pl
from jax.experimental.pallas import tpu as pltpu
from jax.experimental.pallas import tpu_sc as plsc

N = 10000
E = 80000
F = 32
D = 16

NC, NS = 2, 16
NW = NC * NS
EPW = 2560
NCH = 20
NP = 10240
RPT = NP // NS
EQ = E // 4

_MESH = dict(core_axis_name="c", subcore_axis_name="s")
_SC_PARAMS = pltpu.CompilerParams(use_tc_tiling_on_sc=False)


def _sc_gather(table, idx3):
    @functools.partial(
        pl.kernel,
        out_type=jax.ShapeDtypeStruct((E, F), jnp.float32),
        mesh=plsc.VectorSubcoreMesh(**_MESH),
        scratch_types=[
            pltpu.VMEM((NCH, 128), jnp.int32),
            pltpu.VMEM((EPW, F), jnp.float32),
            pltpu.SemaphoreType.DMA,
        ],
        compiler_params=_SC_PARAMS,
    )
    def k(table_hbm, idx_hbm, out_hbm, idx_v, rows_v, sem):
        cid = lax.axis_index("c")
        sid = lax.axis_index("s")
        wid = sid * NC + cid
        pltpu.sync_copy(idx_hbm.at[wid], idx_v)
        head = [
            pltpu.async_copy(table_hbm.at[idx_v.at[j]],
                             rows_v.at[pl.ds(j * 128, 128)], sem)
            for j in range(5)
        ]

        @pl.when(wid < NW - 1)
        def _tail_gather():
            tail = [
                pltpu.async_copy(table_hbm.at[idx_v.at[j]],
                                 rows_v.at[pl.ds(j * 128, 128)], sem)
                for j in range(5, NCH)
            ]
            for c in tail:
                c.wait()

        for c in head:
            c.wait()
        pltpu.sync_copy(rows_v.at[pl.ds(0, 640)],
                        out_hbm.at[pl.ds(wid * EPW, 640)])

        @pl.when(wid < NW - 1)
        def _tail_out():
            pltpu.sync_copy(rows_v.at[pl.ds(640, 1920)],
                            out_hbm.at[pl.ds(wid * EPW + 640, 1920)])

    return k(table, idx3)


def _sc_pack_e(eT):
    @functools.partial(
        pl.kernel,
        out_type=jax.ShapeDtypeStruct((EQ * 128,), jnp.float32),
        mesh=plsc.VectorSubcoreMesh(**_MESH),
        scratch_types=[
            pltpu.VMEM((EPW * D,), jnp.float32),
            pltpu.VMEM((EPW * 32,), jnp.float32),
        ],
        compiler_params=_SC_PARAMS,
    )
    def k(ef_hbm, out_hbm, et_v, o_v):
        cid = lax.axis_index("c")
        sid = lax.axis_index("s")
        wid = sid * NC + cid
        pltpu.sync_copy(ef_hbm.at[pl.ds(wid * EPW * D, 640 * D)],
                        et_v.at[pl.ds(0, 640 * D)])

        @pl.when(wid < NW - 1)
        def _tail_in():
            pltpu.sync_copy(ef_hbm.at[pl.ds(wid * EPW * D + 640 * D,
                                            1920 * D)],
                            et_v.at[pl.ds(640 * D, 1920 * D)])

        zeros16 = jnp.zeros((16,), jnp.float32)
        nq = jnp.where(wid < NW - 1, EPW // 4, 160)

        def row(q, carry):
            for kk in range(4):
                vec = et_v[pl.ds((4 * q + kk) * D, 16)]
                o_v[pl.ds(q * 128 + kk * 16, 16)] = vec
                o_v[pl.ds(q * 128 + 64 + kk * 16, 16)] = zeros16
            return carry

        lax.fori_loop(0, nq, row, 0)
        pltpu.sync_copy(o_v.at[pl.ds(0, 160 * 128)],
                        out_hbm.at[pl.ds(wid * (EPW * 32), 160 * 128)])

        @pl.when(wid < NW - 1)
        def _tail_out():
            pltpu.sync_copy(
                o_v.at[pl.ds(160 * 128, 480 * 128)],
                out_hbm.at[pl.ds(wid * (EPW * 32) + 160 * 128, 480 * 128)])

    return k(eT)


def _sc_scatter(m, tgt3, zeros_np):
    @functools.partial(
        pl.kernel,
        out_type=jax.ShapeDtypeStruct((NC, NP, F), jnp.float32),
        mesh=plsc.VectorSubcoreMesh(**_MESH),
        scratch_types=[
            pltpu.VMEM((NCH, 128), jnp.int32),
            pltpu.VMEM((EPW, F), jnp.float32),
            pltpu.VMEM((RPT, F), jnp.float32),
            pltpu.VMEM_SHARED((NP, F), jnp.float32),
            pltpu.SemaphoreType.DMA,
        ],
        compiler_params=_SC_PARAMS,
    )
    def k(m_hbm, tgt_hbm, z_hbm, p_hbm, idx_v, m_v, stage_v, acc_sh, sem):
        cid = lax.axis_index("c")
        sid = lax.axis_index("s")
        wid = sid * NC + cid
        pltpu.sync_copy(z_hbm.at[pl.ds(sid * RPT, RPT)], stage_v)
        pltpu.sync_copy(stage_v, acc_sh.at[pl.ds(sid * RPT, RPT)])
        pltpu.sync_copy(tgt_hbm.at[wid], idx_v)
        pltpu.sync_copy(m_hbm.at[pl.ds(wid * EPW, 640)],
                        m_v.at[pl.ds(0, 640)])

        @pl.when(wid < NW - 1)
        def _tail_in():
            pltpu.sync_copy(m_hbm.at[pl.ds(wid * EPW + 640, 1920)],
                            m_v.at[pl.ds(640, 1920)])

        plsc.subcore_barrier()
        head = [
            pltpu.async_copy(m_v.at[pl.ds(j * 128, 128)],
                             acc_sh.at[idx_v.at[j]], sem, add=True)
            for j in range(5)
        ]

        @pl.when(wid < NW - 1)
        def _tail_add():
            tail = [
                pltpu.async_copy(m_v.at[pl.ds(j * 128, 128)],
                                 acc_sh.at[idx_v.at[j]], sem, add=True)
                for j in range(5, NCH)
            ]
            for c in tail:
                c.wait()

        for c in head:
            c.wait()
        plsc.subcore_barrier()
        pltpu.sync_copy(acc_sh.at[pl.ds(sid * RPT, RPT)], stage_v)
        pltpu.sync_copy(stage_v, p_hbm.at[cid, pl.ds(sid * RPT, RPT)])

    return k(m, tgt3, zeros_np)


def _tc_messages(e4, msgs_p, W4, B4, xh, root, bias1r):
    GRID = 25
    TQ = EQ // GRID
    NB = N // GRID

    v = jnp.arange(4 * D * F)
    jj = v // (D * F)
    dd = (v % (D * F)) // F
    bb = v % F
    S4 = jnp.concatenate([
        (jnp.arange(4 * D)[:, None] == (jj * D + dd)[None, :]
         ).astype(jnp.bfloat16),
        jnp.zeros((128 - 4 * D, 4 * D * F), jnp.bfloat16),
    ])
    T4 = (jnp.arange(4 * F)[:, None] == (jj * F + bb)[None, :]
          ).astype(jnp.bfloat16)
    dn = (((1,), (0,)), ((), ()))

    def body(e_ref, mg_ref, s_ref, t_ref, w4_ref, b4_ref, x_ref, root_ref,
             b_ref, m_ref, r_ref):
        eb = e_ref[...].astype(jnp.bfloat16)
        mp = mg_ref[...]
        mp16 = mp.astype(jnp.bfloat16)
        e_rep = jax.lax.dot_general(eb, s_ref[...], dn,
                                    preferred_element_type=jnp.float32)
        m_rep = jax.lax.dot_general(mp16, t_ref[...], dn,
                                    preferred_element_type=jnp.float32)
        z = (e_rep * m_rep).astype(jnp.bfloat16)
        m = jax.lax.dot_general(z, w4_ref[...], dn,
                                preferred_element_type=jnp.float32)
        m_ref[...] = m + jax.lax.dot_general(
            mp, b4_ref[...], dn, preferred_element_type=jnp.float32)
        r_ref[...] = x_ref[...] @ root_ref[...] + b_ref[...]

    return pl.pallas_call(
        body,
        grid=(GRID,),
        in_specs=[
            pl.BlockSpec((TQ, 128), lambda i: (i, 0)),
            pl.BlockSpec((TQ, 4 * F), lambda i: (i, 0)),
            pl.BlockSpec((128, 4 * D * F), lambda i: (0, 0)),
            pl.BlockSpec((4 * F, 4 * D * F), lambda i: (0, 0)),
            pl.BlockSpec((4 * D * F, 4 * F), lambda i: (0, 0)),
            pl.BlockSpec((4 * F, 4 * F), lambda i: (0, 0)),
            pl.BlockSpec((NB, F), lambda i: (i, 0)),
            pl.BlockSpec((F, F), lambda i: (0, 0)),
            pl.BlockSpec((1, F), lambda i: (0, 0)),
        ],
        out_specs=[
            pl.BlockSpec((TQ, 4 * F), lambda i: (i, 0)),
            pl.BlockSpec((NB, F), lambda i: (i, 0)),
        ],
        out_shape=[
            jax.ShapeDtypeStruct((EQ, 4 * F), jnp.float32),
            jax.ShapeDtypeStruct((N, F), jnp.float32),
        ],
    )(e4, msgs_p, S4, T4, W4, B4, xh, root, bias1r)


def _tc_relu3(pa, pb, r):
    def body(a_ref, b_ref, r_ref, h_ref):
        h_ref[...] = jnp.maximum(a_ref[...] + b_ref[...] + r_ref[...], 0.0)

    return pl.pallas_call(
        body,
        out_shape=jax.ShapeDtypeStruct((N, F), jnp.float32),
    )(pa, pb, r)


def _tc_final(pa, pb, r, dw, db):
    def body(a_ref, b_ref, r_ref, w_ref, db_ref, o_ref):
        h = jnp.maximum(a_ref[...] + b_ref[...] + r_ref[...], 0.0)
        pooled = jnp.sum(h, axis=0, keepdims=True)
        o_ref[...] = pooled @ w_ref[...] + db_ref[...]

    return pl.pallas_call(
        body,
        out_shape=jax.ShapeDtypeStruct((1, 1), jnp.float32),
    )(pa, pb, r, dw, db.reshape(1, 1))


def _expand_w(w_k, b_k):
    Wt = w_k.reshape(D * F, F).astype(jnp.bfloat16)
    Bm = b_k.reshape(F, F)
    eye4b = jnp.eye(4, dtype=jnp.bfloat16)
    eye4f = jnp.eye(4, dtype=jnp.float32)
    W4 = (eye4b[:, None, :, None] * Wt[None, :, None, :]
          ).reshape(4 * D * F, 4 * F)
    B4 = (eye4f[:, None, :, None] * Bm[None, :, None, :]
          ).reshape(4 * F, 4 * F)
    return W4, B4


def kernel(x, edge_index, e, w_k1, b_k1, root1, bias1,
           w_k2, b_k2, root2, bias2, dense_w, dense_b):
    src = edge_index[0]
    tgt = edge_index[1]
    pad = jnp.zeros((NW * NCH * 128 - E,), jnp.int32)
    src3 = jnp.concatenate([src, pad]).reshape(NW, NCH, 128)
    tgt3 = jnp.concatenate([tgt, pad]).reshape(NW, NCH, 128)
    e4 = _sc_pack_e(e.reshape(E * D)).reshape(EQ, 128)
    W41, B41 = _expand_w(w_k1, b_k1)
    W42, B42 = _expand_w(w_k2, b_k2)
    zeros_np = jnp.zeros((NP, F), jnp.float32)

    msgs1 = _sc_gather(x, src3)
    m1, r1 = _tc_messages(e4, msgs1.reshape(EQ, 4 * F), W41, B41, x,
                          root1, bias1.reshape(1, F))
    p1 = _sc_scatter(m1.reshape(E, F), tgt3, zeros_np)
    h1 = _tc_relu3(p1[0, :N], p1[1, :N], r1)
    msgs2 = _sc_gather(h1, src3)
    m2, r2 = _tc_messages(e4, msgs2.reshape(EQ, 4 * F), W42, B42, h1,
                          root2, bias2.reshape(1, F))
    p2 = _sc_scatter(m2.reshape(E, F), tgt3, zeros_np)
    return _tc_final(p2[0, :N], p2[1, :N], r2[:N], dense_w, dense_b)

# --- scband reference (transcript-rebuilt; emitter-appended) ---
"""Pipeline reference for scband-gnn-v2-53652731461898 (READ-ONLY COPY).

The authoritative reference and input builder live on the scoring server;
editing this copy changes nothing except your own understanding.
"""

import jax, jax.numpy as jnp
import numpy as np

N_NODES = 10000
N_EDGES = 80000
F_IN = 32
D_EDGE = 16
CHANNELS = 32


def setup_inputs(seed: int = 0) -> dict:
    key = jax.random.key(seed)
    ks = jax.random.split(key, 8)
    x = jax.random.normal(ks[0], (N_NODES, F_IN), dtype=jnp.float32)
    edge_index = jax.random.randint(ks[1], (2, N_EDGES), 0, N_NODES, dtype=jnp.int32)
    e = jax.random.normal(ks[2], (N_EDGES, D_EDGE), dtype=jnp.float32)
    # ECCConv layer 1 params: edge-kernel network (Dense: d_edge -> F_in*channels), root kernel, bias
    w_k1 = jax.random.normal(ks[3], (D_EDGE, F_IN * CHANNELS), dtype=jnp.float32) * 0.05
    b_k1 = jnp.zeros((F_IN * CHANNELS,), dtype=jnp.float32)
    root1 = jax.random.normal(ks[4], (F_IN, CHANNELS), dtype=jnp.float32) * 0.05
    bias1 = jnp.zeros((CHANNELS,), dtype=jnp.float32)
    # ECCConv layer 2 params (input dim = channels of layer 1)
    w_k2 = jax.random.normal(ks[5], (D_EDGE, CHANNELS * CHANNELS), dtype=jnp.float32) * 0.05
    b_k2 = jnp.zeros((CHANNELS * CHANNELS,), dtype=jnp.float32)
    root2 = jax.random.normal(ks[6], (CHANNELS, CHANNELS), dtype=jnp.float32) * 0.05
    bias2 = jnp.zeros((CHANNELS,), dtype=jnp.float32)
    # Final Dense(1)
    dense_w = jax.random.normal(ks[7], (CHANNELS, 1), dtype=jnp.float32) * 0.05
    dense_b = jnp.zeros((1,), dtype=jnp.float32)
    return {"x": x, "edge_index": edge_index, "e": e,
            "w_k1": w_k1, "b_k1": b_k1, "root1": root1, "bias1": bias1,
            "w_k2": w_k2, "b_k2": b_k2, "root2": root2, "bias2": bias2,
            "dense_w": dense_w, "dense_b": dense_b}


def _ecc_conv(x, e, src, tgt, w_k, b_k, root, bias):
    # Spektral ECCConv, single mode: per-edge filter-generating network
    n = x.shape[0]
    f_in = x.shape[1]
    kern = (e @ w_k + b_k).reshape(e.shape[0], f_in, -1)  # [E, F_in, F_out]
    msgs = jnp.take(x, src, axis=0)                        # gather source node feats [E, F_in]
    m = jnp.einsum("ab,abc->ac", msgs, kern)               # edge-conditioned messages [E, F_out]
    out = jax.ops.segment_sum(m, tgt, num_segments=n)      # scatter-add to targets [N, F_out]
    out = out + x @ root + bias                            # root/self term + bias
    return jax.nn.relu(out)                                # activation='relu'


def reference(x, edge_index, e, w_k1, b_k1, root1, bias1, w_k2, b_k2, root2, bias2, dense_w, dense_b):
    src = edge_index[0]
    tgt = edge_index[1]
    h = _ecc_conv(x, e, src, tgt, w_k1, b_k1, root1, bias1)
    h = _ecc_conv(h, e, src, tgt, w_k2, b_k2, root2, bias2)
    pooled = jnp.sum(h, axis=0, keepdims=True)             # GlobalSumPool (single mode)
    return pooled @ dense_w + dense_b                      # Dense(1) -> [1, 1]

if __name__ == "__main__":
    import jax
    _d = setup_inputs()
    print(jax.jit(kernel)(*tuple(_d.values())))

</pallas_src>

<mosaic_0001>
#map = affine_map<(d0, d1) -> (0)>
module attributes {stable_mosaic.version = 14 : i64} {
  func.func @k(%arg0: i32, %arg1: i32, %arg2: memref<1280000xf32, #tpu.memory_space<hbm>>, %arg3: memref<2560000xf32, #tpu.memory_space<hbm>>, %arg4: memref<40960xf32, #tpu.memory_space<vmem>>, %arg5: memref<81920xf32, #tpu.memory_space<vmem>>) attributes {dimension_semantics = [#tpu.dimension_semantics<core_parallel>, #tpu.dimension_semantics<subcore_parallel>], iteration_bounds = array<i64: 2, 16>, scalar_prefetch = 0 : i64, scratch_operands = 2 : i64, tpu.core_type = #tpu.core_type<sc_vector_subcore>, window_params = [{transform_indices = #map}, {transform_indices = #map}]} {
    %mul3A = arith.constant 2 : i32
    %mul3A_0 = arith.muli %arg1, %mul3A : i32
    %add3A = arith.addi %mul3A_0, %arg0 : i32
    %mul3A_1 = arith.constant 2560 : i32
    %mul3A_2 = arith.muli %add3A, %mul3A_1 : i32
    %mul3A_3 = arith.constant 16 : i32
    %mul3A_4 = arith.muli %mul3A_2, %mul3A_3 : i32
    "tpu.region"() ({
      %run_scoped3A = tpu.sem_alloc : memref<!tpu.dma_semaphore, #tpu.memory_space<semaphore_mem>>
      %dma_start3A = arith.constant 0 : i32
      %dma_start3A_27 = tpu.memref_slice %arg4[%dma_start3A] : memref<40960xf32, #tpu.memory_space<vmem>> -> memref<10240xf32, #tpu.memory_space<vmem>>
      %dma_start3A_28 = tpu.memref_slice %arg2[%mul3A_4] : memref<1280000xf32, #tpu.memory_space<hbm>> -> memref<10240xf32, #tpu.memory_space<hbm>>
      %dma_start3A_29 = arith.constant 0 : i32
      %dma_start3A_30 = tpu.memref_slice %arg4[%dma_start3A_29] : memref<40960xf32, #tpu.memory_space<vmem>> -> memref<10240xf32, #tpu.memory_space<vmem>>
      %dma_start3A_31 = tpu.memref_slice %arg2[%mul3A_4] : memref<1280000xf32, #tpu.memory_space<hbm>> -> memref<10240xf32, #tpu.memory_space<hbm>>
      tpu.enqueue_dma source(%dma_start3A_31 : memref<10240xf32, #tpu.memory_space<hbm>>) target(%dma_start3A_30 : memref<10240xf32, #tpu.memory_space<vmem>>) target_semaphore(%run_scoped3A : memref<!tpu.dma_semaphore, #tpu.memory_space<semaphore_mem>>)
      %dma_wait3A = arith.constant 0 : i32
      %dma_wait3A_32 = tpu.memref_slice %arg4[%dma_wait3A] : memref<40960xf32, #tpu.memory_space<vmem>> -> memref<10240xf32, #tpu.memory_space<vmem>>
      %dma_wait3A_33 = tpu.memref_slice %arg2[%mul3A_4] : memref<1280000xf32, #tpu.memory_space<hbm>> -> memref<10240xf32, #tpu.memory_space<hbm>>
      %dma_wait3A_34 = arith.constant 0 : i32
      %dma_wait3A_35 = tpu.memref_slice %arg4[%dma_wait3A_34] : memref<40960xf32, #tpu.memory_space<vmem>> -> memref<10240xf32, #tpu.memory_space<vmem>>
      %dma_wait3A_36 = tpu.memref_slice %arg2[%mul3A_4] : memref<1280000xf32, #tpu.memory_space<hbm>> -> memref<10240xf32, #tpu.memory_space<hbm>>
      tpu.wait_dma2 semaphore(%run_scoped3A : memref<!tpu.dma_semaphore, #tpu.memory_space<semaphore_mem>>) src(%dma_wait3A_36 : memref<10240xf32, #tpu.memory_space<hbm>>) dst(%dma_wait3A_35 : memref<10240xf32, #tpu.memory_space<vmem>>)
      tpu.yield
    }) : () -> ()
    %lt3A = arith.constant 31 : i32
    %lt3A_5 = arith.cmpi slt, %add3A, %lt3A : i32
    %convert_element_type3A = arith.extui %lt3A_5 : i1 to i32
    %cond3A = arith.constant 0 : i32
    %cond3A_6 = arith.cmpi ne, %convert_element_type3A, %cond3A : i32
    scf.if %cond3A_6 {
      %mul3A_27 = arith.constant 2560 : i32
      %mul3A_28 = arith.muli %add3A, %mul3A_27 : i32
      %mul3A_29 = arith.constant 16 : i32
      %mul3A_30 = arith.muli %mul3A_28, %mul3A_29 : i32
      %add3A_31 = arith.constant 10240 : i32
      %add3A_32 = arith.addi %mul3A_30, %add3A_31 : i32
      "tpu.region"() ({
        %run_scoped3A = tpu.sem_alloc : memref<!tpu.dma_semaphore, #tpu.memory_space<semaphore_mem>>
        %dma_start3A = arith.constant 10240 : i32
        %dma_start3A_33 = tpu.memref_slice %arg4[%dma_start3A] : memref<40960xf32, #tpu.memory_space<vmem>> -> memref<30720xf32, #tpu.memory_space<vmem>>
        %dma_start3A_34 = tpu.memref_slice %arg2[%add3A_32] : memref<1280000xf32, #tpu.memory_space<hbm>> -> memref<30720xf32, #tpu.memory_space<hbm>>
        %dma_start3A_35 = arith.constant 10240 : i32
        %dma_start3A_36 = tpu.memref_slice %arg4[%dma_start3A_35] : memref<40960xf32, #tpu.memory_space<vmem>> -> memref<30720xf32, #tpu.memory_space<vmem>>
        %dma_start3A_37 = tpu.memref_slice %arg2[%add3A_32] : memref<1280000xf32, #tpu.memory_space<hbm>> -> memref<30720xf32, #tpu.memory_space<hbm>>
        tpu.enqueue_dma source(%dma_start3A_37 : memref<30720xf32, #tpu.memory_space<hbm>>) target(%dma_start3A_36 : memref<30720xf32, #tpu.memory_space<vmem>>) target_semaphore(%run_scoped3A : memref<!tpu.dma_semaphore, #tpu.memory_space<semaphore_mem>>)
        %dma_wait3A = arith.constant 10240 : i32
        %dma_wait3A_38 = tpu.memref_slice %arg4[%dma_wait3A] : memref<40960xf32, #tpu.memory_space<vmem>> -> memref<30720xf32, #tpu.memory_space<vmem>>
        %dma_wait3A_39 = tpu.memref_slice %arg2[%add3A_32] : memref<1280000xf32, #tpu.memory_space<hbm>> -> memref<30720xf32, #tpu.memory_space<hbm>>
        %dma_wait3A_40 = arith.constant 10240 : i32
        %dma_wait3A_41 = tpu.memref_slice %arg4[%dma_wait3A_40] : memref<40960xf32, #tpu.memory_space<vmem>> -> memref<30720xf32, #tpu.memory_space<vmem>>
        %dma_wait3A_42 = tpu.memref_slice %arg2[%add3A_32] : memref<1280000xf32, #tpu.memory_space<hbm>> -> memref<30720xf32, #tpu.memory_space<hbm>>
        tpu.wait_dma2 semaphore(%run_scoped3A : memref<!tpu.dma_semaphore, #tpu.memory_space<semaphore_mem>>) src(%dma_wait3A_42 : memref<30720xf32, #tpu.memory_space<hbm>>) dst(%dma_wait3A_41 : memref<30720xf32, #tpu.memory_space<vmem>>)
        tpu.yield
      }) : () -> ()
    } else {
    }
    %broadcast_in_dim3A = arith.constant 0.000000e+00 : f32
    %broadcast_in_dim3A_7 = vector.broadcast %broadcast_in_dim3A : f32 to vector<16xf32>
    %lt3A_8 = arith.constant 31 : i32
    %lt3A_9 = arith.cmpi slt, %add3A, %lt3A_8 : i32
    %jit3A = arith.constant 640 : i32
    %jit3A_10 = arith.constant 160 : i32
    %select_n3A = arith.select %lt3A_9, %jit3A, %jit3A_10 : i32
    %while3A = arith.constant 0 : i32
    %while3A_11 = arith.constant 0 : i32
    %while3A_12 = arith.subi %select_n3A, %while3A_11 : i32
    %while3A_13 = arith.addi %while3A_11, %while3A_12 : i32
    %while3A_14 = arith.constant 1 : i32
    %while3A_15 = arith.divsi %while3A_12, %while3A_14 : i32
    %while3A_16 = arith.muli %while3A_15, %while3A_14 : i32
    %while3A_17 = arith.addi %while3A_11, %while3A_16 : i32
    %while3A_18 = arith.constant 1 : i32
    scf.for %while3A_27 = %while3A_11 to %while3A_17 step %while3A_18  : i32 {
      %mul3A_28 = arith.constant 4 : i32
      %mul3A_29 = arith.muli %mul3A_28, %while3A_27 : i32
      %add3A_30 = arith.constant 0 : i32
      %add3A_31 = arith.addi %mul3A_29, %add3A_30 : i32
      %mul3A_32 = arith.constant 16 : i32
      %mul3A_33 = arith.muli %add3A_31, %mul3A_32 : i32
      %get3A = arith.index_cast %mul3A_33 : i32 to index
      %get3A_34 = tpu.vector_load %arg4[%get3A] {strides = array<i32>} : memref<40960xf32, #tpu.memory_space<vmem>>, vector<16xf32>,
      %get3A_35 = vector.shape_cast %get3A_34 : vector<16xf32> to vector<16xf32>
      %mul3A_36 = arith.constant 128 : i32
      %mul3A_37 = arith.muli %while3A_27, %mul3A_36 : i32
      %add3A_38 = arith.constant 0 : i32
      %add3A_39 = arith.addi %mul3A_37, %add3A_38 : i32
      %swap3A = arith.index_cast %add3A_39 : i32 to index
      %swap3A_40 = tpu.vector_load %arg5[%swap3A] {strides = array<i32>} : memref<81920xf32, #tpu.memory_space<vmem>>, vector<16xf32>,
      %swap3A_41 = vector.shape_cast %swap3A_40 : vector<16xf32> to vector<16xf32>
      %swap3A_42 = vector.shape_cast %get3A_35 : vector<16xf32> to vector<16xf32>
      tpu.vector_store %arg5[%swap3A], %swap3A_42 {strides = array<i32>} : memref<81920xf32, #tpu.memory_space<vmem>>, vector<16xf32>,
      %mul3A_43 = arith.constant 128 : i32
      %mul3A_44 = arith.muli %while3A_27, %mul3A_43 : i32
      %add3A_45 = arith.constant 64 : i32
      %add3A_46 = arith.addi %mul3A_44, %add3A_45 : i32
      %add3A_47 = arith.constant 0 : i32
      %add3A_48 = arith.addi %add3A_46, %add3A_47 : i32
      %swap3A_49 = arith.index_cast %add3A_48 : i32 to index
      %swap3A_50 = tpu.vector_load %arg5[%swap3A_49] {strides = array<i32>} : memref<81920xf32, #tpu.memory_space<vmem>>, vector<16xf32>,
      %swap3A_51 = vector.shape_cast %swap3A_50 : vector<16xf32> to vector<16xf32>
      %swap3A_52 = vector.shape_cast %broadcast_in_dim3A_7 : vector<16xf32> to vector<16xf32>
      tpu.vector_store %arg5[%swap3A_49], %swap3A_52 {strides = array<i32>} : memref<81920xf32, #tpu.memory_space<vmem>>, vector<16xf32>,
      %mul3A_53 = arith.constant 4 : i32
      %mul3A_54 = arith.muli %mul3A_53, %while3A_27 : i32
      %add3A_55 = arith.constant 1 : i32
      %add3A_56 = arith.addi %mul3A_54, %add3A_55 : i32
      %mul3A_57 = arith.constant 16 : i32
      %mul3A_58 = arith.muli %add3A_56, %mul3A_57 : i32
      %get3A_59 = arith.index_cast %mul3A_58 : i32 to index
      %get3A_60 = tpu.vector_load %arg4[%get3A_59] {strides = array<i32>} : memref<40960xf32, #tpu.memory_space<vmem>>, vector<16xf32>,
      %get3A_61 = vector.shape_cast %get3A_60 : vector<16xf32> to vector<16xf32>
      %mul3A_62 = arith.constant 128 : i32
      %mul3A_63 = arith.muli %while3A_27, %mul3A_62 : i32
      %add3A_64 = arith.constant 16 : i32
      %add3A_65 = arith.addi %mul3A_63, %add3A_64 : i32
      %swap3A_66 = arith.index_cast %add3A_65 : i32 to index
      %swap3A_67 = tpu.vector_load %arg5[%swap3A_66] {strides = array<i32>} : memref<81920xf32, #tpu.memory_space<vmem>>, vector<16xf32>,
      %swap3A_68 = vector.shape_cast %swap3A_67 : vector<16xf32> to vector<16xf32>
      %swap3A_69 = vector.shape_cast %get3A_61 : vector<16xf32> to vector<16xf32>
      tpu.vector_store %arg5[%swap3A_66], %swap3A_69 {strides = array<i32>} : memref<81920xf32, #tpu.memory_space<vmem>>, vector<16xf32>,
      %mul3A_70 = arith.constant 128 : i32
      %mul3A_71 = arith.muli %while3A_27, %mul3A_70 : i32
      %add3A_72 = arith.constant 64 : i32
      %add3A_73 = arith.addi %mul3A_71, %add3A_72 : i32
      %add3A_74 = arith.constant 16 : i32
      %add3A_75 = arith.addi %add3A_73, %add3A_74 : i32
      %swap3A_76 = arith.index_cast %add3A_75 : i32 to index
      %swap3A_77 = tpu.vector_load %arg5[%swap3A_76] {strides = array<i32>} : memref<81920xf32, #tpu.memory_space<vmem>>, vector<16xf32>,
      %swap3A_78 = vector.shape_cast %swap3A_77 : vector<16xf32> to vector<16xf32>
      %swap3A_79 = vector.shape_cast %broadcast_in_dim3A_7 : vector<16xf32> to vector<16xf32>
      tpu.vector_store %arg5[%swap3A_76], %swap3A_79 {strides = array<i32>} : memref<81920xf32, #tpu.memory_space<vmem>>, vector<16xf32>,
      %mul3A_80 = arith.constant 4 : i32
      %mul3A_81 = arith.muli %mul3A_80, %while3A_27 : i32
      %add3A_82 = arith.constant 2 : i32
      %add3A_83 = arith.addi %mul3A_81, %add3A_82 : i32
      %mul3A_84 = arith.constant 16 : i32
      %mul3A_85 = arith.muli %add3A_83, %mul3A_84 : i32
      %get3A_86 = arith.index_cast %mul3A_85 : i32 to index
      %get3A_87 = tpu.vector_load %arg4[%get3A_86] {strides = array<i32>} : memref<40960xf32, #tpu.memory_space<vmem>>, vector<16xf32>,
      %get3A_88 = vector.shape_cast %get3A_87 : vector<16xf32> to vector<16xf32>
      %mul3A_89 = arith.constant 128 : i32
      %mul3A_90 = arith.muli %while3A_27, %mul3A_89 : i32
      %add3A_91 = arith.constant 32 : i32
      %add3A_92 = arith.addi %mul3A_90, %add3A_91 : i32
      %swap3A_93 = arith.index_cast %add3A_92 : i32 to index
      %swap3A_94 = tpu.vector_load %arg5[%swap3A_93] {strides = array<i32>} : memref<81920xf32, #tpu.memory_space<vmem>>, vector<16xf32>,
      %swap3A_95 = vector.shape_cast %swap3A_94 : vector<16xf32> to vector<16xf32>
      %swap3A_96 = vector.shape_cast %get3A_88 : vector<16xf32> to vector<16xf32>
      tpu.vector_store %arg5[%swap3A_93], %swap3A_96 {strides = array<i32>} : memref<81920xf32, #tpu.memory_space<vmem>>, vector<16xf32>,
      %mul3A_97 = arith.constant 128 : i32
      %mul3A_98 = arith.muli %while3A_27, %mul3A_97 : i32
      %add3A_99 = arith.constant 64 : i32
      %add3A_100 = arith.addi %mul3A_98, %add3A_99 : i32
      %add3A_101 = arith.constant 32 : i32
      %add3A_102 = arith.addi %add3A_100, %add3A_101 : i32
      %swap3A_103 = arith.index_cast %add3A_102 : i32 to index
      %swap3A_104 = tpu.vector_load %arg5[%swap3A_103] {strides = array<i32>} : memref<81920xf32, #tpu.memory_space<vmem>>, vector<16xf32>,
      %swap3A_105 = vector.shape_cast %swap3A_104 : vector<16xf32> to vector<16xf32>
      %swap3A_106 = vector.shape_cast %broadcast_in_dim3A_7 : vector<16xf32> to vector<16xf32>
      tpu.vector_store %arg5[%swap3A_103], %swap3A_106 {strides = array<i32>} : memref<81920xf32, #tpu.memory_space<vmem>>, vector<16xf32>,
      %mul3A_107 = arith.constant 4 : i32
      %mul3A_108 = arith.muli %mul3A_107, %while3A_27 : i32
      %add3A_109 = arith.constant 3 : i32
      %add3A_110 = arith.addi %mul3A_108, %add3A_109 : i32
      %mul3A_111 = arith.constant 16 : i32
      %mul3A_112 = arith.muli %add3A_110, %mul3A_111 : i32
      %get3A_113 = arith.index_cast %mul3A_112 : i32 to index
      %get3A_114 = tpu.vector_load %arg4[%get3A_113] {strides = array<i32>} : memref<40960xf32, #tpu.memory_space<vmem>>, vector<16xf32>,
      %get3A_115 = vector.shape_cast %get3A_114 : vector<16xf32> to vector<16xf32>
      %mul3A_116 = arith.constant 128 : i32
      %mul3A_117 = arith.muli %while3A_27, %mul3A_116 : i32
      %add3A_118 = arith.constant 48 : i32
      %add3A_119 = arith.addi %mul3A_117, %add3A_118 : i32
      %swap3A_120 = arith.index_cast %add3A_119 : i32 to index
      %swap3A_121 = tpu.vector_load %arg5[%swap3A_120] {strides = array<i32>} : memref<81920xf32, #tpu.memory_space<vmem>>, vector<16xf32>,
      %swap3A_122 = vector.shape_cast %swap3A_121 : vector<16xf32> to vector<16xf32>
      %swap3A_123 = vector.shape_cast %get3A_115 : vector<16xf32> to vector<16xf32>
      tpu.vector_store %arg5[%swap3A_120], %swap3A_123 {strides = array<i32>} : memref<81920xf32, #tpu.memory_space<vmem>>, vector<16xf32>,
      %mul3A_124 = arith.constant 128 : i32
      %mul3A_125 = arith.muli %while3A_27, %mul3A_124 : i32
      %add3A_126 = arith.constant 64 : i32
      %add3A_127 = arith.addi %mul3A_125, %add3A_126 : i32
      %add3A_128 = arith.constant 48 : i32
      %add3A_129 = arith.addi %add3A_127, %add3A_128 : i32
      %swap3A_130 = arith.index_cast %add3A_129 : i32 to index
      %swap3A_131 = tpu.vector_load %arg5[%swap3A_130] {strides = array<i32>} : memref<81920xf32, #tpu.memory_space<vmem>>, vector<16xf32>,
      %swap3A_132 = vector.shape_cast %swap3A_131 : vector<16xf32> to vector<16xf32>
      %swap3A_133 = vector.shape_cast %broadcast_in_dim3A_7 : vector<16xf32> to vector<16xf32>
      tpu.vector_store %arg5[%swap3A_130], %swap3A_133 {strides = array<i32>} : memref<81920xf32, #tpu.memory_space<vmem>>, vector<16xf32>,
    }
    %while3A_19 = arith.constant 1 : i32
    scf.for %while3A_27 = %while3A_17 to %while3A_13 step %while3A_19  : i32 {
      %mul3A_28 = arith.constant 4 : i32
      %mul3A_29 = arith.muli %mul3A_28, %while3A_27 : i32
      %add3A_30 = arith.constant 0 : i32
      %add3A_31 = arith.addi %mul3A_29, %add3A_30 : i32
      %mul3A_32 = arith.constant 16 : i32
      %mul3A_33 = arith.muli %add3A_31, %mul3A_32 : i32
      %get3A = arith.index_cast %mul3A_33 : i32 to index
      %get3A_34 = tpu.vector_load %arg4[%get3A] {strides = array<i32>} : memref<40960xf32, #tpu.memory_space<vmem>>, vector<16xf32>,
      %get3A_35 = vector.shape_cast %get3A_34 : vector<16xf32> to vector<16xf32>
      %mul3A_36 = arith.constant 128 : i32
      %mul3A_37 = arith.muli %while3A_27, %mul3A_36 : i32
      %add3A_38 = arith.constant 0 : i32
      %add3A_39 = arith.addi %mul3A_37, %add3A_38 : i32
      %swap3A = arith.index_cast %add3A_39 : i32 to index
      %swap3A_40 = tpu.vector_load %arg5[%swap3A] {strides = array<i32>} : memref<81920xf32, #tpu.memory_space<vmem>>, vector<16xf32>,
      %swap3A_41 = vector.shape_cast %swap3A_40 : vector<16xf32> to vector<16xf32>
      %swap3A_42 = vector.shape_cast %get3A_35 : vector<16xf32> to vector<16xf32>
      tpu.vector_store %arg5[%swap3A], %swap3A_42 {strides = array<i32>} : memref<81920xf32, #tpu.memory_space<vmem>>, vector<16xf32>,
      %mul3A_43 = arith.constant 128 : i32
      %mul3A_44 = arith.muli %while3A_27, %mul3A_43 : i32
      %add3A_45 = arith.constant 64 : i32
      %add3A_46 = arith.addi %mul3A_44, %add3A_45 : i32
      %add3A_47 = arith.constant 0 : i32
      %add3A_48 = arith.addi %add3A_46, %add3A_47 : i32
      %swap3A_49 = arith.index_cast %add3A_48 : i32 to index
      %swap3A_50 = tpu.vector_load %arg5[%swap3A_49] {strides = array<i32>} : memref<81920xf32, #tpu.memory_space<vmem>>, vector<16xf32>,
      %swap3A_51 = vector.shape_cast %swap3A_50 : vector<16xf32> to vector<16xf32>
      %swap3A_52 = vector.shape_cast %broadcast_in_dim3A_7 : vector<16xf32> to vector<16xf32>
      tpu.vector_store %arg5[%swap3A_49], %swap3A_52 {strides = array<i32>} : memref<81920xf32, #tpu.memory_space<vmem>>, vector<16xf32>,
      %mul3A_53 = arith.constant 4 : i32
      %mul3A_54 = arith.muli %mul3A_53, %while3A_27 : i32
      %add3A_55 = arith.constant 1 : i32
      %add3A_56 = arith.addi %mul3A_54, %add3A_55 : i32
      %mul3A_57 = arith.constant 16 : i32
      %mul3A_58 = arith.muli %add3A_56, %mul3A_57 : i32
      %get3A_59 = arith.index_cast %mul3A_58 : i32 to index
      %get3A_60 = tpu.vector_load %arg4[%get3A_59] {strides = array<i32>} : memref<40960xf32, #tpu.memory_space<vmem>>, vector<16xf32>,
      %get3A_61 = vector.shape_cast %get3A_60 : vector<16xf32> to vector<16xf32>
      %mul3A_62 = arith.constant 128 : i32
      %mul3A_63 = arith.muli %while3A_27, %mul3A_62 : i32
      %add3A_64 = arith.constant 16 : i32
      %add3A_65 = arith.addi %mul3A_63, %add3A_64 : i32
      %swap3A_66 = arith.index_cast %add3A_65 : i32 to index
      %swap3A_67 = tpu.vector_load %arg5[%swap3A_66] {strides = array<i32>} : memref<81920xf32, #tpu.memory_space<vmem>>, vector<16xf32>,
      %swap3A_68 = vector.shape_cast %swap3A_67 : vector<16xf32> to vector<16xf32>
      %swap3A_69 = vector.shape_cast %get3A_61 : vector<16xf32> to vector<16xf32>
      tpu.vector_store %arg5[%swap3A_66], %swap3A_69 {strides = array<i32>} : memref<81920xf32, #tpu.memory_space<vmem>>, vector<16xf32>,
      %mul3A_70 = arith.constant 128 : i32
      %mul3A_71 = arith.muli %while3A_27, %mul3A_70 : i32
      %add3A_72 = arith.constant 64 : i32
      %add3A_73 = arith.addi %mul3A_71, %add3A_72 : i32
      %add3A_74 = arith.constant 16 : i32
      %add3A_75 = arith.addi %add3A_73, %add3A_74 : i32
      %swap3A_76 = arith.index_cast %add3A_75 : i32 to index
      %swap3A_77 = tpu.vector_load %arg5[%swap3A_76] {strides = array<i32>} : memref<81920xf32, #tpu.memory_space<vmem>>, vector<16xf32>,
      %swap3A_78 = vector.shape_cast %swap3A_77 : vector<16xf32> to vector<16xf32>
      %swap3A_79 = vector.shape_cast %broadcast_in_dim3A_7 : vector<16xf32> to vector<16xf32>
      tpu.vector_store %arg5[%swap3A_76], %swap3A_79 {strides = array<i32>} : memref<81920xf32, #tpu.memory_space<vmem>>, vector<16xf32>,
      %mul3A_80 = arith.constant 4 : i32
      %mul3A_81 = arith.muli %mul3A_80, %while3A_27 : i32
      %add3A_82 = arith.constant 2 : i32
      %add3A_83 = arith.addi %mul3A_81, %add3A_82 : i32
      %mul3A_84 = arith.constant 16 : i32
      %mul3A_85 = arith.muli %add3A_83, %mul3A_84 : i32
      %get3A_86 = arith.index_cast %mul3A_85 : i32 to index
      %get3A_87 = tpu.vector_load %arg4[%get3A_86] {strides = array<i32>} : memref<40960xf32, #tpu.memory_space<vmem>>, vector<16xf32>,
      %get3A_88 = vector.shape_cast %get3A_87 : vector<16xf32> to vector<16xf32>
      %mul3A_89 = arith.constant 128 : i32
      %mul3A_90 = arith.muli %while3A_27, %mul3A_89 : i32
      %add3A_91 = arith.constant 32 : i32
      %add3A_92 = arith.addi %mul3A_90, %add3A_91 : i32
      %swap3A_93 = arith.index_cast %add3A_92 : i32 to index
      %swap3A_94 = tpu.vector_load %arg5[%swap3A_93] {strides = array<i32>} : memref<81920xf32, #tpu.memory_space<vmem>>, vector<16xf32>,
      %swap3A_95 = vector.shape_cast %swap3A_94 : vector<16xf32> to vector<16xf32>
      %swap3A_96 = vector.shape_cast %get3A_88 : vector<16xf32> to vector<16xf32>
      tpu.vector_store %arg5[%swap3A_93], %swap3A_96 {strides = array<i32>} : memref<81920xf32, #tpu.memory_space<vmem>>, vector<16xf32>,
      %mul3A_97 = arith.constant 128 : i32
      %mul3A_98 = arith.muli %while3A_27, %mul3A_97 : i32
      %add3A_99 = arith.constant 64 : i32
      %add3A_100 = arith.addi %mul3A_98, %add3A_99 : i32
      %add3A_101 = arith.constant 32 : i32
      %add3A_102 = arith.addi %add3A_100, %add3A_101 : i32
      %swap3A_103 = arith.index_cast %add3A_102 : i32 to index
      %swap3A_104 = tpu.vector_load %arg5[%swap3A_103] {strides = array<i32>} : memref<81920xf32, #tpu.memory_space<vmem>>, vector<16xf32>,
      %swap3A_105 = vector.shape_cast %swap3A_104 : vector<16xf32> to vector<16xf32>
      %swap3A_106 = vector.shape_cast %broadcast_in_dim3A_7 : vector<16xf32> to vector<16xf32>
      tpu.vector_store %arg5[%swap3A_103], %swap3A_106 {strides = array<i32>} : memref<81920xf32, #tpu.memory_space<vmem>>, vector<16xf32>,
      %mul3A_107 = arith.constant 4 : i32
      %mul3A_108 = arith.muli %mul3A_107, %while3A_27 : i32
      %add3A_109 = arith.constant 3 : i32
      %add3A_110 = arith.addi %mul3A_108, %add3A_109 : i32
      %mul3A_111 = arith.constant 16 : i32
      %mul3A_112 = arith.muli %add3A_110, %mul3A_111 : i32
      %get3A_113 = arith.index_cast %mul3A_112 : i32 to index
      %get3A_114 = tpu.vector_load %arg4[%get3A_113] {strides = array<i32>} : memref<40960xf32, #tpu.memory_space<vmem>>, vector<16xf32>,
      %get3A_115 = vector.shape_cast %get3A_114 : vector<16xf32> to vector<16xf32>
      %mul3A_116 = arith.constant 128 : i32
      %mul3A_117 = arith.muli %while3A_27, %mul3A_116 : i32
      %add3A_118 = arith.constant 48 : i32
      %add3A_119 = arith.addi %mul3A_117, %add3A_118 : i32
      %swap3A_120 = arith.index_cast %add3A_119 : i32 to index
      %swap3A_121 = tpu.vector_load %arg5[%swap3A_120] {strides = array<i32>} : memref<81920xf32, #tpu.memory_space<vmem>>, vector<16xf32>,
      %swap3A_122 = vector.shape_cast %swap3A_121 : vector<16xf32> to vector<16xf32>
      %swap3A_123 = vector.shape_cast %get3A_115 : vector<16xf32> to vector<16xf32>
      tpu.vector_store %arg5[%swap3A_120], %swap3A_123 {strides = array<i32>} : memref<81920xf32, #tpu.memory_space<vmem>>, vector<16xf32>,
      %mul3A_124 = arith.constant 128 : i32
      %mul3A_125 = arith.muli %while3A_27, %mul3A_124 : i32
      %add3A_126 = arith.constant 64 : i32
      %add3A_127 = arith.addi %mul3A_125, %add3A_126 : i32
      %add3A_128 = arith.constant 48 : i32
      %add3A_129 = arith.addi %add3A_127, %add3A_128 : i32
      %swap3A_130 = arith.index_cast %add3A_129 : i32 to index
      %swap3A_131 = tpu.vector_load %arg5[%swap3A_130] {strides = array<i32>} : memref<81920xf32, #tpu.memory_space<vmem>>, vector<16xf32>,
      %swap3A_132 = vector.shape_cast %swap3A_131 : vector<16xf32> to vector<16xf32>
      %swap3A_133 = vector.shape_cast %broadcast_in_dim3A_7 : vector<16xf32> to vector<16xf32>
      tpu.vector_store %arg5[%swap3A_130], %swap3A_133 {strides = array<i32>} : memref<81920xf32, #tpu.memory_space<vmem>>, vector<16xf32>,
    }
    %mul3A_20 = arith.constant 81920 : i32
    %mul3A_21 = arith.muli %add3A, %mul3A_20 : i32
    "tpu.region"() ({
      %run_scoped3A = tpu.sem_alloc : memref<!tpu.dma_semaphore, #tpu.memory_space<semaphore_mem>>
      %dma_start3A = arith.constant 0 : i32
      %dma_start3A_27 = tpu.memref_slice %arg5[%dma_start3A] : memref<81920xf32, #tpu.memory_space<vmem>> -> memref<20480xf32, #tpu.memory_space<vmem>>
      %dma_start3A_28 = tpu.memref_slice %arg3[%mul3A_21] : memref<2560000xf32, #tpu.memory_space<hbm>> -> memref<20480xf32, #tpu.memory_space<hbm>>
      %dma_start3A_29 = tpu.memref_slice %arg3[%mul3A_21] : memref<2560000xf32, #tpu.memory_space<hbm>> -> memref<20480xf32, #tpu.memory_space<hbm>>
      %dma_start3A_30 = arith.constant 0 : i32
      %dma_start3A_31 = tpu.memref_slice %arg5[%dma_start3A_30] : memref<81920xf32, #tpu.memory_space<vmem>> -> memref<20480xf32, #tpu.memory_space<vmem>>
      tpu.enqueue_dma source(%dma_start3A_31 : memref<20480xf32, #tpu.memory_space<vmem>>) target(%dma_start3A_29 : memref<20480xf32, #tpu.memory_space<hbm>>) target_semaphore(%run_scoped3A : memref<!tpu.dma_semaphore, #tpu.memory_space<semaphore_mem>>)
      %dma_wait3A = arith.constant 0 : i32
      %dma_wait3A_32 = tpu.memref_slice %arg5[%dma_wait3A] : memref<81920xf32, #tpu.memory_space<vmem>> -> memref<20480xf32, #tpu.memory_space<vmem>>
      %dma_wait3A_33 = tpu.memref_slice %arg3[%mul3A_21] : memref<2560000xf32, #tpu.memory_space<hbm>> -> memref<20480xf32, #tpu.memory_space<hbm>>
      %dma_wait3A_34 = tpu.memref_slice %arg3[%mul3A_21] : memref<2560000xf32, #tpu.memory_space<hbm>> -> memref<20480xf32, #tpu.memory_space<hbm>>
      %dma_wait3A_35 = arith.constant 0 : i32
      %dma_wait3A_36 = tpu.memref_slice %arg5[%dma_wait3A_35] : memref<81920xf32, #tpu.memory_space<vmem>> -> memref<20480xf32, #tpu.memory_space<vmem>>
      tpu.wait_dma2 semaphore(%run_scoped3A : memref<!tpu.dma_semaphore, #tpu.memory_space<semaphore_mem>>) src(%dma_wait3A_36 : memref<20480xf32, #tpu.memory_space<vmem>>) dst(%dma_wait3A_34 : memref<20480xf32, #tpu.memory_space<hbm>>)
      tpu.yield
    }) : () -> ()
    %lt3A_22 = arith.constant 31 : i32
    %lt3A_23 = arith.cmpi slt, %add3A, %lt3A_22 : i32
    %convert_element_type3A_24 = arith.extui %lt3A_23 : i1 to i32
    %cond3A_25 = arith.constant 0 : i32
    %cond3A_26 = arith.cmpi ne, %convert_element_type3A_24, %cond3A_25 : i32
    scf.if %cond3A_26 {
      %mul3A_27 = arith.constant 81920 : i32
      %mul3A_28 = arith.muli %add3A, %mul3A_27 : i32
      %add3A_29 = arith.constant 20480 : i32
      %add3A_30 = arith.addi %mul3A_28, %add3A_29 : i32
      "tpu.region"() ({
        %run_scoped3A = tpu.sem_alloc : memref<!tpu.dma_semaphore, #tpu.memory_space<semaphore_mem>>
        %dma_start3A = arith.constant 20480 : i32
        %dma_start3A_31 = tpu.memref_slice %arg5[%dma_start3A] : memref<81920xf32, #tpu.memory_space<vmem>> -> memref<61440xf32, #tpu.memory_space<vmem>>
        %dma_start3A_32 = tpu.memref_slice %arg3[%add3A_30] : memref<2560000xf32, #tpu.memory_space<hbm>> -> memref<61440xf32, #tpu.memory_space<hbm>>
        %dma_start3A_33 = tpu.memref_slice %arg3[%add3A_30] : memref<2560000xf32, #tpu.memory_space<hbm>> -> memref<61440xf32, #tpu.memory_space<hbm>>
        %dma_start3A_34 = arith.constant 20480 : i32
        %dma_start3A_35 = tpu.memref_slice %arg5[%dma_start3A_34] : memref<81920xf32, #tpu.memory_space<vmem>> -> memref<61440xf32, #tpu.memory_space<vmem>>
        tpu.enqueue_dma source(%dma_start3A_35 : memref<61440xf32, #tpu.memory_space<vmem>>) target(%dma_start3A_33 : memref<61440xf32, #tpu.memory_space<hbm>>) target_semaphore(%run_scoped3A : memref<!tpu.dma_semaphore, #tpu.memory_space<semaphore_mem>>)
        %dma_wait3A = arith.constant 20480 : i32
        %dma_wait3A_36 = tpu.memref_slice %arg5[%dma_wait3A] : memref<81920xf32, #tpu.memory_space<vmem>> -> memref<61440xf32, #tpu.memory_space<vmem>>
        %dma_wait3A_37 = tpu.memref_slice %arg3[%add3A_30] : memref<2560000xf32, #tpu.memory_space<hbm>> -> memref<61440xf32, #tpu.memory_space<hbm>>
        %dma_wait3A_38 = tpu.memref_slice %arg3[%add3A_30] : memref<2560000xf32, #tpu.memory_space<hbm>> -> memref<61440xf32, #tpu.memory_space<hbm>>
        %dma_wait3A_39 = arith.constant 20480 : i32
        %dma_wait3A_40 = tpu.memref_slice %arg5[%dma_wait3A_39] : memref<81920xf32, #tpu.memory_space<vmem>> -> memref<61440xf32, #tpu.memory_space<vmem>>
        tpu.wait_dma2 semaphore(%run_scoped3A : memref<!tpu.dma_semaphore, #tpu.memory_space<semaphore_mem>>) src(%dma_wait3A_40 : memref<61440xf32, #tpu.memory_space<vmem>>) dst(%dma_wait3A_38 : memref<61440xf32, #tpu.memory_space<hbm>>)
        tpu.yield
      }) : () -> ()
    } else {
    }
    return
  }
}

#map = affine_map<(d0, d1) -> (0, 0)>
#map1 = affine_map<(d0, d1) -> (0, 0, 0)>
module attributes {stable_mosaic.version = 14 : i64} {
  func.func @k(%arg0: i32, %arg1: i32, %arg2: memref<10000x32xf32, #tpu.memory_space<hbm>>, %arg3: memref<32x20x128xi32, #tpu.memory_space<hbm>>, %arg4: memref<80000x32xf32, #tpu.memory_space<hbm>>, %arg5: memref<20x128xi32, #tpu.memory_space<vmem>>, %arg6: memref<2560x32xf32, #tpu.memory_space<vmem>>, %arg7: memref<!tpu.dma_semaphore, #tpu.memory_space<semaphore_mem>>) attributes {dimension_semantics = [#tpu.dimension_semantics<core_parallel>, #tpu.dimension_semantics<subcore_parallel>], iteration_bounds = array<i64: 2, 16>, scalar_prefetch = 0 : i64, scratch_operands = 3 : i64, tpu.core_type = #tpu.core_type<sc_vector_subcore>, window_params = [{transform_indices = #map}, {transform_indices = #map1}, {transform_indices = #map}]} {
    %mul3A = arith.constant 2 : i32
    %mul3A_0 = arith.muli %arg1, %mul3A : i32
    %add3A = arith.addi %mul3A_0, %arg0 : i32
    "tpu.region"() ({
      %run_scoped3A = tpu.sem_alloc : memref<!tpu.dma_semaphore, #tpu.memory_space<semaphore_mem>>
      %dma_start3A_108 = arith.constant 0 : i32
      %dma_start3A_109 = arith.constant 0 : i32
      %dma_start3A_110 = tpu.memref_slice %arg3[%add3A, %dma_start3A_108, %dma_start3A_109] : memref<32x20x128xi32, #tpu.memory_space<hbm>> -> memref<1x20x128xi32, #tpu.memory_space<hbm>>
      %dma_start3A_111 = tpu.memref_squeeze %dma_start3A_110 : memref<1x20x128xi32, #tpu.memory_space<hbm>> -> memref<20x128xi32, #tpu.memory_space<hbm>>
      %dma_start3A_112 = arith.constant 0 : i32
      %dma_start3A_113 = arith.constant 0 : i32
      %dma_start3A_114 = tpu.memref_slice %arg3[%add3A, %dma_start3A_112, %dma_start3A_113] : memref<32x20x128xi32, #tpu.memory_space<hbm>> -> memref<1x20x128xi32, #tpu.memory_space<hbm>>
      %dma_start3A_115 = tpu.memref_squeeze %dma_start3A_114 : memref<1x20x128xi32, #tpu.memory_space<hbm>> -> memref<20x128xi32, #tpu.memory_space<hbm>>
      tpu.enqueue_dma source(%dma_start3A_115 : memref<20x128xi32, #tpu.memory_space<hbm>>) target(%arg5 : memref<20x128xi32, #tpu.memory_space<vmem>>) target_semaphore(%run_scoped3A : memref<!tpu.dma_semaphore, #tpu.memory_space<semaphore_mem>>)
      %dma_wait3A_116 = arith.constant 0 : i32
      %dma_wait3A_117 = arith.constant 0 : i32
      %dma_wait3A_118 = tpu.memref_slice %arg3[%add3A, %dma_wait3A_116, %dma_wait3A_117] : memref<32x20x128xi32, #tpu.memory_space<hbm>> -> memref<1x20x128xi32, #tpu.memory_space<hbm>>
      %dma_wait3A_119 = tpu.memref_squeeze %dma_wait3A_118 : memref<1x20x128xi32, #tpu.memory_space<hbm>> -> memref<20x128xi32, #tpu.memory_space<hbm>>
      %dma_wait3A_120 = arith.constant 0 : i32
      %dma_wait3A_121 = arith.constant 0 : i32
      %dma_wait3A_122 = tpu.memref_slice %arg3[%add3A, %dma_wait3A_120, %dma_wait3A_121] : memref<32x20x128xi32, #tpu.memory_space<hbm>> -> memref<1x20x128xi32, #tpu.memory_space<hbm>>
      %dma_wait3A_123 = tpu.memref_squeeze %dma_wait3A_122 : memref<1x20x128xi32, #tpu.memory_space<hbm>> -> memref<20x128xi32, #tpu.memory_space<hbm>>
      tpu.wait_dma2 semaphore(%run_scoped3A : memref<!tpu.dma_semaphore, #tpu.memory_space<semaphore_mem>>) src(%dma_wait3A_123 : memref<20x128xi32, #tpu.memory_space<hbm>>) dst(%arg5 : memref<20x128xi32, #tpu.memory_space<vmem>>)
      tpu.yield
    }) : () -> ()
    %dma_start3A = arith.constant 0 : i32
    %dma_start3A_1 = arith.constant 0 : i32
    %dma_start3A_2 = arith.constant 0 : i32
    %dma_start3A_3 = tpu.memref_slice %arg6[%dma_start3A_1, %dma_start3A_2] : memref<2560x32xf32, #tpu.memory_space<vmem>> -> memref<128x32xf32, #tpu.memory_space<vmem>>
    %dma_start3A_4 = arith.constant 0 : i32
    %dma_start3A_5 = tpu.memref_slice %arg5[%dma_start3A, %dma_start3A_4] : memref<20x128xi32, #tpu.memory_space<vmem>> -> memref<1x128xi32, #tpu.memory_space<vmem>>
    %dma_start3A_6 = tpu.memref_squeeze %dma_start3A_5 : memref<1x128xi32, #tpu.memory_space<vmem>> -> memref<128xi32, #tpu.memory_space<vmem>>
    %dma_start3A_7 = arith.constant 0 : i32
    %dma_start3A_8 = arith.constant 0 : i32
    %dma_start3A_9 = tpu.memref_slice %arg2[%dma_start3A_7, %dma_start3A_8] : memref<10000x32xf32, #tpu.memory_space<hbm>> -> memref<10000x32xf32, #tpu.memory_space<hbm>>
    tpu.enqueue_indirect_dma source(%dma_start3A_9 : memref<10000x32xf32, #tpu.memory_space<hbm>>) target(%dma_start3A_3 : memref<128x32xf32, #tpu.memory_space<vmem>>) offsets(%dma_start3A_6 : memref<128xi32, #tpu.memory_space<vmem>>) semaphore(%arg7 : memref<!tpu.dma_semaphore, #tpu.memory_space<semaphore_mem>>)
    %dma_start3A_10 = arith.constant 1 : i32
    %dma_start3A_11 = arith.constant 128 : i32
    %dma_start3A_12 = arith.constant 0 : i32
    %dma_start3A_13 = tpu.memref_slice %arg6[%dma_start3A_11, %dma_start3A_12] : memref<2560x32xf32, #tpu.memory_space<vmem>> -> memref<128x32xf32, #tpu.memory_space<vmem>>
    %dma_start3A_14 = arith.constant 0 : i32
    %dma_start3A_15 = tpu.memref_slice %arg5[%dma_start3A_10, %dma_start3A_14] : memref<20x128xi32, #tpu.memory_space<vmem>> -> memref<1x128xi32, #tpu.memory_space<vmem>>
    %dma_start3A_16 = tpu.memref_squeeze %dma_start3A_15 : memref<1x128xi32, #tpu.memory_space<vmem>> -> memref<128xi32, #tpu.memory_space<vmem>>
    %dma_start3A_17 = arith.constant 0 : i32
    %dma_start3A_18 = arith.constant 0 : i32
    %dma_start3A_19 = tpu.memref_slice %arg2[%dma_start3A_17, %dma_start3A_18] : memref<10000x32xf32, #tpu.memory_space<hbm>> -> memref<10000x32xf32, #tpu.memory_space<hbm>>
    tpu.enqueue_indirect_dma source(%dma_start3A_19 : memref<10000x32xf32, #tpu.memory_space<hbm>>) target(%dma_start3A_13 : memref<128x32xf32, #tpu.memory_space<vmem>>) offsets(%dma_start3A_16 : memref<128xi32, #tpu.memory_space<vmem>>) semaphore(%arg7 : memref<!tpu.dma_semaphore, #tpu.memory_space<semaphore_mem>>)
    %dma_start3A_20 = arith.constant 2 : i32
    %dma_start3A_21 = arith.constant 256 : i32
    %dma_start3A_22 = arith.constant 0 : i32
    %dma_start3A_23 = tpu.memref_slice %arg6[%dma_start3A_21, %dma_start3A_22] : memref<2560x32xf32, #tpu.memory_space<vmem>> -> memref<128x32xf32, #tpu.memory_space<vmem>>
    %dma_start3A_24 = arith.constant 0 : i32
    %dma_start3A_25 = tpu.memref_slice %arg5[%dma_start3A_20, %dma_start3A_24] : memref<20x128xi32, #tpu.memory_space<vmem>> -> memref<1x128xi32, #tpu.memory_space<vmem>>
    %dma_start3A_26 = tpu.memref_squeeze %dma_start3A_25 : memref<1x128xi32, #tpu.memory_space<vmem>> -> memref<128xi32, #tpu.memory_space<vmem>>
    %dma_start3A_27 = arith.constant 0 : i32
    %dma_start3A_28 = arith.constant 0 : i32
    %dma_start3A_29 = tpu.memref_slice %arg2[%dma_start3A_27, %dma_start3A_28] : memref<10000x32xf32, #tpu.memory_space<hbm>> -> memref<10000x32xf32, #tpu.memory_space<hbm>>
    tpu.enqueue_indirect_dma source(%dma_start3A_29 : memref<10000x32xf32, #tpu.memory_space<hbm>>) target(%dma_start3A_23 : memref<128x32xf32, #tpu.memory_space<vmem>>) offsets(%dma_start3A_26 : memref<128xi32, #tpu.memory_space<vmem>>) semaphore(%arg7 : memref<!tpu.dma_semaphore, #tpu.memory_space<semaphore_mem>>)
    %dma_start3A_30 = arith.constant 3 : i32
    %dma_start3A_31 = arith.constant 384 : i32
    %dma_start3A_32 = arith.constant 0 : i32
    %dma_start3A_33 = tpu.memref_slice %arg6[%dma_start3A_31, %dma_start3A_32] : memref<2560x32xf32, #tpu.memory_space<vmem>> -> memref<128x32xf32, #tpu.memory_space<vmem>>
    %dma_start3A_34 = arith.constant 0 : i32
    %dma_start3A_35 = tpu.memref_slice %arg5[%dma_start3A_30, %dma_start3A_34] : memref<20x128xi32, #tpu.memory_space<vmem>> -> memref<1x128xi32, #tpu.memory_space<vmem>>
    %dma_start3A_36 = tpu.memref_squeeze %dma_start3A_35 : memref<1x128xi32, #tpu.memory_space<vmem>> -> memref<128xi32, #tpu.memory_space<vmem>>
    %dma_start3A_37 = arith.constant 0 : i32
    %dma_start3A_38 = arith.constant 0 : i32
    %dma_start3A_39 = tpu.memref_slice %arg2[%dma_start3A_37, %dma_start3A_38] : memref<10000x32xf32, #tpu.memory_space<hbm>> -> memref<10000x32xf32, #tpu.memory_space<hbm>>
    tpu.enqueue_indirect_dma source(%dma_start3A_39 : memref<10000x32xf32, #tpu.memory_space<hbm>>) target(%dma_start3A_33 : memref<128x32xf32, #tpu.memory_space<vmem>>) offsets(%dma_start3A_36 : memref<128xi32, #tpu.memory_space<vmem>>) semaphore(%arg7 : memref<!tpu.dma_semaphore, #tpu.memory_space<semaphore_mem>>)
    %dma_start3A_40 = arith.constant 4 : i32
    %dma_start3A_41 = arith.constant 512 : i32
    %dma_start3A_42 = arith.constant 0 : i32
    %dma_start3A_43 = tpu.memref_slice %arg6[%dma_start3A_41, %dma_start3A_42] : memref<2560x32xf32, #tpu.memory_space<vmem>> -> memref<128x32xf32, #tpu.memory_space<vmem>>
    %dma_start3A_44 = arith.constant 0 : i32
    %dma_start3A_45 = tpu.memref_slice %arg5[%dma_start3A_40, %dma_start3A_44] : memref<20x128xi32, #tpu.memory_space<vmem>> -> memref<1x128xi32, #tpu.memory_space<vmem>>
    %dma_start3A_46 = tpu.memref_squeeze %dma_start3A_45 : memref<1x128xi32, #tpu.memory_space<vmem>> -> memref<128xi32, #tpu.memory_space<vmem>>
    %dma_start3A_47 = arith.constant 0 : i32
    %dma_start3A_48 = arith.constant 0 : i32
    %dma_start3A_49 = tpu.memref_slice %arg2[%dma_start3A_47, %dma_start3A_48] : memref<10000x32xf32, #tpu.memory_space<hbm>> -> memref<10000x32xf32, #tpu.memory_space<hbm>>
    tpu.enqueue_indirect_dma source(%dma_start3A_49 : memref<10000x32xf32, #tpu.memory_space<hbm>>) target(%dma_start3A_43 : memref<128x32xf32, #tpu.memory_space<vmem>>) offsets(%dma_start3A_46 : memref<128xi32, #tpu.memory_space<vmem>>) semaphore(%arg7 : memref<!tpu.dma_semaphore, #tpu.memory_space<semaphore_mem>>)
    %lt3A = arith.constant 31 : i32
    %lt3A_50 = arith.cmpi slt, %add3A, %lt3A : i32
    %convert_element_type3A = arith.extui %lt3A_50 : i1 to i32
    %cond3A = arith.constant 0 : i32
    %cond3A_51 = arith.cmpi ne, %convert_element_type3A, %cond3A : i32
    scf.if %cond3A_51 {
      %dma_start3A_108 = arith.constant 5 : i32
      %dma_start3A_109 = arith.constant 640 : i32
      %dma_start3A_110 = arith.constant 0 : i32
      %dma_start3A_111 = tpu.memref_slice %arg6[%dma_start3A_109, %dma_start3A_110] : memref<2560x32xf32, #tpu.memory_space<vmem>> -> memref<128x32xf32, #tpu.memory_space<vmem>>
      %dma_start3A_112 = arith.constant 0 : i32
      %dma_start3A_113 = tpu.memref_slice %arg5[%dma_start3A_108, %dma_start3A_112] : memref<20x128xi32, #tpu.memory_space<vmem>> -> memref<1x128xi32, #tpu.memory_space<vmem>>
      %dma_start3A_114 = tpu.memref_squeeze %dma_start3A_113 : memref<1x128xi32, #tpu.memory_space<vmem>> -> memref<128xi32, #tpu.memory_space<vmem>>
      %dma_start3A_115 = arith.constant 0 : i32
      %dma_start3A_116 = arith.constant 0 : i32
      %dma_start3A_117 = tpu.memref_slice %arg2[%dma_start3A_115, %dma_start3A_116] : memref<10000x32xf32, #tpu.memory_space<hbm>> -> memref<10000x32xf32, #tpu.memory_space<hbm>>
      tpu.enqueue_indirect_dma source(%dma_start3A_117 : memref<10000x32xf32, #tpu.memory_space<hbm>>) target(%dma_start3A_111 : memref<128x32xf32, #tpu.memory_space<vmem>>) offsets(%dma_start3A_114 : memref<128xi32, #tpu.memory_space<vmem>>) semaphore(%arg7 : memref<!tpu.dma_semaphore, #tpu.memory_space<semaphore_mem>>)
      %dma_start3A_118 = arith.constant 6 : i32
      %dma_start3A_119 = arith.constant 768 : i32
      %dma_start3A_120 = arith.constant 0 : i32
      %dma_start3A_121 = tpu.memref_slice %arg6[%dma_start3A_119, %dma_start3A_120] : memref<2560x32xf32, #tpu.memory_space<vmem>> -> memref<128x32xf32, #tpu.memory_space<vmem>>
      %dma_start3A_122 = arith.constant 0 : i32
      %dma_start3A_123 = tpu.memref_slice %arg5[%dma_start3A_118, %dma_start3A_122] : memref<20x128xi32, #tpu.memory_space<vmem>> -> memref<1x128xi32, #tpu.memory_space<vmem>>
      %dma_start3A_124 = tpu.memref_squeeze %dma_start3A_123 : memref<1x128xi32, #tpu.memory_space<vmem>> -> memref<128xi32, #tpu.memory_space<vmem>>
      %dma_start3A_125 = arith.constant 0 : i32
      %dma_start3A_126 = arith.constant 0 : i32
      %dma_start3A_127 = tpu.memref_slice %arg2[%dma_start3A_125, %dma_start3A_126] : memref<10000x32xf32, #tpu.memory_space<hbm>> -> memref<10000x32xf32, #tpu.memory_space<hbm>>
      tpu.enqueue_indirect_dma source(%dma_start3A_127 : memref<10000x32xf32, #tpu.memory_space<hbm>>) target(%dma_start3A_121 : memref<128x32xf32, #tpu.memory_space<vmem>>) offsets(%dma_start3A_124 : memref<128xi32, #tpu.memory_space<vmem>>) semaphore(%arg7 : memref<!tpu.dma_semaphore, #tpu.memory_space<semaphore_mem>>)
      %dma_start3A_128 = arith.constant 7 : i32
      %dma_start3A_129 = arith.constant 896 : i32
      %dma_start3A_130 = arith.constant 0 : i32
      %dma_start3A_131 = tpu.memref_slice %arg6[%dma_start3A_129, %dma_start3A_130] : memref<2560x32xf32, #tpu.memory_space<vmem>> -> memref<128x32xf32, #tpu.memory_space<vmem>>
      %dma_start3A_132 = arith.constant 0 : i32
      %dma_start3A_133 = tpu.memref_slice %arg5[%dma_start3A_128, %dma_start3A_132] : memref<20x128xi32, #tpu.memory_space<vmem>> -> memref<1x128xi32, #tpu.memory_space<vmem>>
      %dma_start3A_134 = tpu.memref_squeeze %dma_start3A_133 : memref<1x128xi32, #tpu.memory_space<vmem>> -> memref<128xi32, #tpu.memory_space<vmem>>
      %dma_start3A_135 = arith.constant 0 : i32
      %dma_start3A_136 = arith.constant 0 : i32
      %dma_start3A_137 = tpu.memref_slice %arg2[%dma_start3A_135, %dma_start3A_136] : memref<10000x32xf32, #tpu.memory_space<hbm>> -> memref<10000x32xf32, #tpu.memory_space<hbm>>
      tpu.enqueue_indirect_dma source(%dma_start3A_137 : memref<10000x32xf32, #tpu.memory_space<hbm>>) target(%dma_start3A_131 : memref<128x32xf32, #tpu.memory_space<vmem>>) offsets(%dma_start3A_134 : memref<128xi32, #tpu.memory_space<vmem>>) semaphore(%arg7 : memref<!tpu.dma_semaphore, #tpu.memory_space<semaphore_mem>>)
      %dma_start3A_138 = arith.constant 8 : i32
      %dma_start3A_139 = arith.constant 1024 : i32
      %dma_start3A_140 = arith.constant 0 : i32
      %dma_start3A_141 = tpu.memref_slice %arg6[%dma_start3A_139, %dma_start3A_140] : memref<2560x32xf32, #tpu.memory_space<vmem>> -> memref<128x32xf32, #tpu.memory_space<vmem>>
      %dma_start3A_142 = arith.constant 0 : i32
      %dma_start3A_143 = tpu.memref_slice %arg5[%dma_start3A_138, %dma_start3A_142] : memref<20x128xi32, #tpu.memory_space<vmem>> -> memref<1x128xi32, #tpu.memory_space<vmem>>
      %dma_start3A_144 = tpu.memref_squeeze %dma_start3A_143 : memref<1x128xi32, #tpu.memory_space<vmem>> -> memref<128xi32, #tpu.memory_space<vmem>>
      %dma_start3A_145 = arith.constant 0 : i32
      %dma_start3A_146 = arith.constant 0 : i32
      %dma_start3A_147 = tpu.memref_slice %arg2[%dma_start3A_145, %dma_start3A_146] : memref<10000x32xf32, #tpu.memory_space<hbm>> -> memref<10000x32xf32, #tpu.memory_space<hbm>>
      tpu.enqueue_indirect_dma source(%dma_start3A_147 : memref<10000x32xf32, #tpu.memory_space<hbm>>) target(%dma_start3A_141 : memref<128x32xf32, #tpu.memory_space<vmem>>) offsets(%dma_start3A_144 : memref<128xi32, #tpu.memory_space<vmem>>) semaphore(%arg7 : memref<!tpu.dma_semaphore, #tpu.memory_space<semaphore_mem>>)
      %dma_start3A_148 = arith.constant 9 : i32
      %dma_start3A_149 = arith.constant 1152 : i32
      %dma_start3A_150 = arith.constant 0 : i32
      %dma_start3A_151 = tpu.memref_slice %arg6[%dma_start3A_149, %dma_start3A_150] : memref<2560x32xf32, #tpu.memory_space<vmem>> -> memref<128x32xf32, #tpu.memory_space<vmem>>
      %dma_start3A_152 = arith.constant 0 : i32
      %dma_start3A_153 = tpu.memref_slice %arg5[%dma_start3A_148, %dma_start3A_152] : memref<20x128xi32, #tpu.memory_space<vmem>> -> memref<1x128xi32, #tpu.memory_space<vmem>>
      %dma_start3A_154 = tpu.memref_squeeze %dma_start3A_153 : memref<1x128xi32, #tpu.memory_space<vmem>> -> memref<128xi32, #tpu.memory_space<vmem>>
      %dma_start3A_155 = arith.constant 0 : i32
      %dma_start3A_156 = arith.constant 0 : i32
      %dma_start3A_157 = tpu.memref_slice %arg2[%dma_start3A_155, %dma_start3A_156] : memref<10000x32xf32, #tpu.memory_space<hbm>> -> memref<10000x32xf32, #tpu.memory_space<hbm>>
      tpu.enqueue_indirect_dma source(%dma_start3A_157 : memref<10000x32xf32, #tpu.memory_space<hbm>>) target(%dma_start3A_151 : memref<128x32xf32, #tpu.memory_space<vmem>>) offsets(%dma_start3A_154 : memref<128xi32, #tpu.memory_space<vmem>>) semaphore(%arg7 : memref<!tpu.dma_semaphore, #tpu.memory_space<semaphore_mem>>)
      %dma_start3A_158 = arith.constant 10 : i32
      %dma_start3A_159 = arith.constant 1280 : i32
      %dma_start3A_160 = arith.constant 0 : i32
      %dma_start3A_161 = tpu.memref_slice %arg6[%dma_start3A_159, %dma_start3A_160] : memref<2560x32xf32, #tpu.memory_space<vmem>> -> memref<128x32xf32, #tpu.memory_space<vmem>>
      %dma_start3A_162 = arith.constant 0 : i32
      %dma_start3A_163 = tpu.memref_slice %arg5[%dma_start3A_158, %dma_start3A_162] : memref<20x128xi32, #tpu.memory_space<vmem>> -> memref<1x128xi32, #tpu.memory_space<vmem>>
      %dma_start3A_164 = tpu.memref_squeeze %dma_start3A_163 : memref<1x128xi32, #tpu.memory_space<vmem>> -> memref<128xi32, #tpu.memory_space<vmem>>
      %dma_start3A_165 = arith.constant 0 : i32
      %dma_start3A_166 = arith.constant 0 : i32
      %dma_start3A_167 = tpu.memref_slice %arg2[%dma_start3A_165, %dma_start3A_166] : memref<10000x32xf32, #tpu.memory_space<hbm>> -> memref<10000x32xf32, #tpu.memory_space<hbm>>
      tpu.enqueue_indirect_dma source(%dma_start3A_167 : memref<10000x32xf32, #tpu.memory_space<hbm>>) target(%dma_start3A_161 : memref<128x32xf32, #tpu.memory_space<vmem>>) offsets(%dma_start3A_164 : memref<128xi32, #tpu.memory_space<vmem>>) semaphore(%arg7 : memref<!tpu.dma_semaphore, #tpu.memory_space<semaphore_mem>>)
      %dma_start3A_168 = arith.constant 11 : i32
      %dma_start3A_169 = arith.constant 1408 : i32
      %dma_start3A_170 = arith.constant 0 : i32
      %dma_start3A_171 = tpu.memref_slice %arg6[%dma_start3A_169, %dma_start3A_170] : memref<2560x32xf32, #tpu.memory_space<vmem>> -> memref<128x32xf32, #tpu.memory_space<vmem>>
      %dma_start3A_172 = arith.constant 0 : i32
      %dma_start3A_173 = tpu.memref_slice %arg5[%dma_start3A_168, %dma_start3A_172] : memref<20x128xi32, #tpu.memory_space<vmem>> -> memref<1x128xi32, #tpu.memory_space<vmem>>
      %dma_start3A_174 = tpu.memref_squeeze %dma_start3A_173 : memref<1x128xi32, #tpu.memory_space<vmem>> -> memref<128xi32, #tpu.memory_space<vmem>>
      %dma_start3A_175 = arith.constant 0 : i32
      %dma_start3A_176 = arith.constant 0 : i32
      %dma_start3A_177 = tpu.memref_slice %arg2[%dma_start3A_175, %dma_start3A_176] : memref<10000x32xf32, #tpu.memory_space<hbm>> -> memref<10000x32xf32, #tpu.memory_space<hbm>>
      tpu.enqueue_indirect_dma source(%dma_start3A_177 : memref<10000x32xf32, #tpu.memory_space<hbm>>) target(%dma_start3A_171 : memref<128x32xf32, #tpu.memory_space<vmem>>) offsets(%dma_start3A_174 : memref<128xi32, #tpu.memory_space<vmem>>) semaphore(%arg7 : memref<!tpu.dma_semaphore, #tpu.memory_space<semaphore_mem>>)
      %dma_start3A_178 = arith.constant 12 : i32
      %dma_start3A_179 = arith.constant 1536 : i32
      %dma_start3A_180 = arith.constant 0 : i32
      %dma_start3A_181 = tpu.memref_slice %arg6[%dma_start3A_179, %dma_start3A_180] : memref<2560x32xf32, #tpu.memory_space<vmem>> -> memref<128x32xf32, #tpu.memory_space<vmem>>
      %dma_start3A_182 = arith.constant 0 : i32
      %dma_start3A_183 = tpu.memref_slice %arg5[%dma_start3A_178, %dma_start3A_182] : memref<20x128xi32, #tpu.memory_space<vmem>> -> memref<1x128xi32, #tpu.memory_space<vmem>>
      %dma_start3A_184 = tpu.memref_squeeze %dma_start3A_183 : memref<1x128xi32, #tpu.memory_space<vmem>> -> memref<128xi32, #tpu.memory_space<vmem>>
      %dma_start3A_185 = arith.constant 0 : i32
      %dma_start3A_186 = arith.constant 0 : i32
      %dma_start3A_187 = tpu.memref_slice %arg2[%dma_start3A_185, %dma_start3A_186] : memref<10000x32xf32, #tpu.memory_space<hbm>> -> memref<10000x32xf32, #tpu.memory_space<hbm>>
      tpu.enqueue_indirect_dma source(%dma_start3A_187 : memref<10000x32xf32, #tpu.memory_space<hbm>>) target(%dma_start3A_181 : memref<128x32xf32, #tpu.memory_space<vmem>>) offsets(%dma_start3A_184 : memref<128xi32, #tpu.memory_space<vmem>>) semaphore(%arg7 : memref<!tpu.dma_semaphore, #tpu.memory_space<semaphore_mem>>)
      %dma_start3A_188 = arith.constant 13 : i32
      %dma_start3A_189 = arith.constant 1664 : i32
      %dma_start3A_190 = arith.constant 0 : i32
      %dma_start3A_191 = tpu.memref_slice %arg6[%dma_start3A_189, %dma_start3A_190] : memref<2560x32xf32, #tpu.memory_space<vmem>> -> memref<128x32xf32, #tpu.memory_space<vmem>>
      %dma_start3A_192 = arith.constant 0 : i32
      %dma_start3A_193 = tpu.memref_slice %arg5[%dma_start3A_188, %dma_start3A_192] : memref<20x128xi32, #tpu.memory_space<vmem>> -> memref<1x128xi32, #tpu.memory_space<vmem>>
      %dma_start3A_194 = tpu.memref_squeeze %dma_start3A_193 : memref<1x128xi32, #tpu.memory_space<vmem>> -> memref<128xi32, #tpu.memory_space<vmem>>
      %dma_start3A_195 = arith.constant 0 : i32
      %dma_start3A_196 = arith.constant 0 : i32
      %dma_start3A_197 = tpu.memref_slice %arg2[%dma_start3A_195, %dma_start3A_196] : memref<10000x32xf32, #tpu.memory_space<hbm>> -> memref<10000x32xf32, #tpu.memory_space<hbm>>
      tpu.enqueue_indirect_dma source(%dma_start3A_197 : memref<10000x32xf32, #tpu.memory_space<hbm>>) target(%dma_start3A_191 : memref<128x32xf32, #tpu.memory_space<vmem>>) offsets(%dma_start3A_194 : memref<128xi32, #tpu.memory_space<vmem>>) semaphore(%arg7 : memref<!tpu.dma_semaphore, #tpu.memory_space<semaphore_mem>>)
      %dma_start3A_198 = arith.constant 14 : i32
      %dma_start3A_199 = arith.constant 1792 : i32
      %dma_start3A_200 = arith.constant 0 : i32
      %dma_start3A_201 = tpu.memref_slice %arg6[%dma_start3A_199, %dma_start3A_200] : memref<2560x32xf32, #tpu.memory_space<vmem>> -> memref<128x32xf32, #tpu.memory_space<vmem>>
      %dma_start3A_202 = arith.constant 0 : i32
      %dma_start3A_203 = tpu.memref_slice %arg5[%dma_start3A_198, %dma_start3A_202] : memref<20x128xi32, #tpu.memory_space<vmem>> -> memref<1x128xi32, #tpu.memory_space<vmem>>
      %dma_start3A_204 = tpu.memref_squeeze %dma_start3A_203 : memref<1x128xi32, #tpu.memory_space<vmem>> -> memref<128xi32, #tpu.memory_space<vmem>>
      %dma_start3A_205 = arith.constant 0 : i32
      %dma_start3A_206 = arith.constant 0 : i32
      %dma_start3A_207 = tpu.memref_slice %arg2[%dma_start3A_205, %dma_start3A_206] : memref<10000x32xf32, #tpu.memory_space<hbm>> -> memref<10000x32xf32, #tpu.memory_space<hbm>>
      tpu.enqueue_indirect_dma source(%dma_start3A_207 : memref<10000x32xf32, #tpu.memory_space<hbm>>) target(%dma_start3A_201 : memref<128x32xf32, #tpu.memory_space<vmem>>) offsets(%dma_start3A_204 : memref<128xi32, #tpu.memory_space<vmem>>) semaphore(%arg7 : memref<!tpu.dma_semaphore, #tpu.memory_space<semaphore_mem>>)
      %dma_start3A_208 = arith.constant 15 : i32
      %dma_start3A_209 = arith.constant 1920 : i32
      %dma_start3A_210 = arith.constant 0 : i32
      %dma_start3A_211 = tpu.memref_slice %arg6[%dma_start3A_209, %dma_start3A_210] : memref<2560x32xf32, #tpu.memory_space<vmem>> -> memref<128x32xf32, #tpu.memory_space<vmem>>
      %dma_start3A_212 = arith.constant 0 : i32
      %dma_start3A_213 = tpu.memref_slice %arg5[%dma_start3A_208, %dma_start3A_212] : memref<20x128xi32, #tpu.memory_space<vmem>> -> memref<1x128xi32, #tpu.memory_space<vmem>>
      %dma_start3A_214 = tpu.memref_squeeze %dma_start3A_213 : memref<1x128xi32, #tpu.memory_space<vmem>> -> memref<128xi32, #tpu.memory_space<vmem>>
      %dma_start3A_215 = arith.constant 0 : i32
      %dma_start3A_216 = arith.constant 0 : i32
      %dma_start3A_217 = tpu.memref_slice %arg2[%dma_start3A_215, %dma_start3A_216] : memref<10000x32xf32, #tpu.memory_space<hbm>> -> memref<10000x32xf32, #tpu.memory_space<hbm>>
      tpu.enqueue_indirect_dma source(%dma_start3A_217 : memref<10000x32xf32, #tpu.memory_space<hbm>>) target(%dma_start3A_211 : memref<128x32xf32, #tpu.memory_space<vmem>>) offsets(%dma_start3A_214 : memref<128xi32, #tpu.memory_space<vmem>>) semaphore(%arg7 : memref<!tpu.dma_semaphore, #tpu.memory_space<semaphore_mem>>)
      %dma_start3A_218 = arith.constant 16 : i32
      %dma_start3A_219 = arith.constant 2048 : i32
      %dma_start3A_220 = arith.constant 0 : i32
      %dma_start3A_221 = tpu.memref_slice %arg6[%dma_start3A_219, %dma_start3A_220] : memref<2560x32xf32, #tpu.memory_space<vmem>> -> memref<128x32xf32, #tpu.memory_space<vmem>>
      %dma_start3A_222 = arith.constant 0 : i32
      %dma_start3A_223 = tpu.memref_slice %arg5[%dma_start3A_218, %dma_start3A_222] : memref<20x128xi32, #tpu.memory_space<vmem>> -> memref<1x128xi32, #tpu.memory_space<vmem>>
      %dma_start3A_224 = tpu.memref_squeeze %dma_start3A_223 : memref<1x128xi32, #tpu.memory_space<vmem>> -> memref<128xi32, #tpu.memory_space<vmem>>
      %dma_start3A_225 = arith.constant 0 : i32
      %dma_start3A_226 = arith.constant 0 : i32
      %dma_start3A_227 = tpu.memref_slice %arg2[%dma_start3A_225, %dma_start3A_226] : memref<10000x32xf32, #tpu.memory_space<hbm>> -> memref<10000x32xf32, #tpu.memory_space<hbm>>
      tpu.enqueue_indirect_dma source(%dma_start3A_227 : memref<10000x32xf32, #tpu.memory_space<hbm>>) target(%dma_start3A_221 : memref<128x32xf32, #tpu.memory_space<vmem>>) offsets(%dma_start3A_224 : memref<128xi32, #tpu.memory_space<vmem>>) semaphore(%arg7 : memref<!tpu.dma_semaphore, #tpu.memory_space<semaphore_mem>>)
      %dma_start3A_228 = arith.constant 17 : i32
      %dma_start3A_229 = arith.constant 2176 : i32
      %dma_start3A_230 = arith.constant 0 : i32
      %dma_start3A_231 = tpu.memref_slice %arg6[%dma_start3A_229, %dma_start3A_230] : memref<2560x32xf32, #tpu.memory_space<vmem>> -> memref<128x32xf32, #tpu.memory_space<vmem>>
      %dma_start3A_232 = arith.constant 0 : i32
      %dma_start3A_233 = tpu.memref_slice %arg5[%dma_start3A_228, %dma_start3A_232] : memref<20x128xi32, #tpu.memory_space<vmem>> -> memref<1x128xi32, #tpu.memory_space<vmem>>
      %dma_start3A_234 = tpu.memref_squeeze %dma_start3A_233 : memref<1x128xi32, #tpu.memory_space<vmem>> -> memref<128xi32, #tpu.memory_space<vmem>>
      %dma_start3A_235 = arith.constant 0 : i32
      %dma_start3A_236 = arith.constant 0 : i32
      %dma_start3A_237 = tpu.memref_slice %arg2[%dma_start3A_235, %dma_start3A_236] : memref<10000x32xf32, #tpu.memory_space<hbm>> -> memref<10000x32xf32, #tpu.memory_space<hbm>>
      tpu.enqueue_indirect_dma source(%dma_start3A_237 : memref<10000x32xf32, #tpu.memory_space<hbm>>) target(%dma_start3A_231 : memref<128x32xf32, #tpu.memory_space<vmem>>) offsets(%dma_start3A_234 : memref<128xi32, #tpu.memory_space<vmem>>) semaphore(%arg7 : memref<!tpu.dma_semaphore, #tpu.memory_space<semaphore_mem>>)
      %dma_start3A_238 = arith.constant 18 : i32
      %dma_start3A_239 = arith.constant 2304 : i32
      %dma_start3A_240 = arith.constant 0 : i32
      %dma_start3A_241 = tpu.memref_slice %arg6[%dma_start3A_239, %dma_start3A_240] : memref<2560x32xf32, #tpu.memory_space<vmem>> -> memref<128x32xf32, #tpu.memory_space<vmem>>
      %dma_start3A_242 = arith.constant 0 : i32
      %dma_start3A_243 = tpu.memref_slice %arg5[%dma_start3A_238, %dma_start3A_242] : memref<20x128xi32, #tpu.memory_space<vmem>> -> memref<1x128xi32, #tpu.memory_space<vmem>>
      %dma_start3A_244 = tpu.memref_squeeze %dma_start3A_243 : memref<1x128xi32, #tpu.memory_space<vmem>> -> memref<128xi32, #tpu.memory_space<vmem>>
      %dma_start3A_245 = arith.constant 0 : i32
      %dma_start3A_246 = arith.constant 0 : i32
      %dma_start3A_247 = tpu.memref_slice %arg2[%dma_start3A_245, %dma_start3A_246] : memref<10000x32xf32, #tpu.memory_space<hbm>> -> memref<10000x32xf32, #tpu.memory_space<hbm>>
      tpu.enqueue_indirect_dma source(%dma_start3A_247 : memref<10000x32xf32, #tpu.memory_space<hbm>>) target(%dma_start3A_241 : memref<128x32xf32, #tpu.memory_space<vmem>>) offsets(%dma_start3A_244 : memref<128xi32, #tpu.memory_space<vmem>>) semaphore(%arg7 : memref<!tpu.dma_semaphore, #tpu.memory_space<semaphore_mem>>)
      %dma_start3A_248 = arith.constant 19 : i32
      %dma_start3A_249 = arith.constant 2432 : i32
      %dma_start3A_250 = arith.constant 0 : i32
      %dma_start3A_251 = tpu.memref_slice %arg6[%dma_start3A_249, %dma_start3A_250] : memref<2560x32xf32, #tpu.memory_space<vmem>> -> memref<128x32xf32, #tpu.memory_space<vmem>>
      %dma_start3A_252 = arith.constant 0 : i32
      %dma_start3A_253 = tpu.memref_slice %arg5[%dma_start3A_248, %dma_start3A_252] : memref<20x128xi32, #tpu.memory_space<vmem>> -> memref<1x128xi32, #tpu.memory_space<vmem>>
      %dma_start3A_254 = tpu.memref_squeeze %dma_start3A_253 : memref<1x128xi32, #tpu.memory_space<vmem>> -> memref<128xi32, #tpu.memory_space<vmem>>
      %dma_start3A_255 = arith.constant 0 : i32
      %dma_start3A_256 = arith.constant 0 : i32
      %dma_start3A_257 = tpu.memref_slice %arg2[%dma_start3A_255, %dma_start3A_256] : memref<10000x32xf32, #tpu.memory_space<hbm>> -> memref<10000x32xf32, #tpu.memory_space<hbm>>
      tpu.enqueue_indirect_dma source(%dma_start3A_257 : memref<10000x32xf32, #tpu.memory_space<hbm>>) target(%dma_start3A_251 : memref<128x32xf32, #tpu.memory_space<vmem>>) offsets(%dma_start3A_254 : memref<128xi32, #tpu.memory_space<vmem>>) semaphore(%arg7 : memref<!tpu.dma_semaphore, #tpu.memory_space<semaphore_mem>>)
      %dma_wait3A_258 = arith.constant 5 : i32
      %dma_wait3A_259 = arith.constant 640 : i32
      %dma_wait3A_260 = arith.constant 0 : i32
      %dma_wait3A_261 = tpu.memref_slice %arg6[%dma_wait3A_259, %dma_wait3A_260] : memref<2560x32xf32, #tpu.memory_space<vmem>> -> memref<128x32xf32, #tpu.memory_space<vmem>>
      %dma_wait3A_262 = arith.constant 0 : i32
      %dma_wait3A_263 = tpu.memref_slice %arg5[%dma_wait3A_258, %dma_wait3A_262] : memref<20x128xi32, #tpu.memory_space<vmem>> -> memref<1x128xi32, #tpu.memory_space<vmem>>
      %dma_wait3A_264 = tpu.memref_squeeze %dma_wait3A_263 : memref<1x128xi32, #tpu.memory_space<vmem>> -> memref<128xi32, #tpu.memory_space<vmem>>
      %dma_wait3A_265 = arith.constant 0 : i32
      %dma_wait3A_266 = arith.constant 0 : i32
      %dma_wait3A_267 = tpu.memref_slice %arg2[%dma_wait3A_265, %dma_wait3A_266] : memref<10000x32xf32, #tpu.memory_space<hbm>> -> memref<10000x32xf32, #tpu.memory_space<hbm>>
      tpu.wait_indirect_dma semaphore(%arg7 : memref<!tpu.dma_semaphore, #tpu.memory_space<semaphore_mem>>) src(%dma_wait3A_267 : memref<10000x32xf32, #tpu.memory_space<hbm>>) dst(%dma_wait3A_261 : memref<128x32xf32, #tpu.memory_space<vmem>>)
      %dma_wait3A_268 = arith.constant 6 : i32
      %dma_wait3A_269 = arith.constant 768 : i32
      %dma_wait3A_270 = arith.constant 0 : i32
      %dma_wait3A_271 = tpu.memref_slice %arg6[%dma_wait3A_269, %dma_wait3A_270] : memref<2560x32xf32, #tpu.memory_space<vmem>> -> memref<128x32xf32, #tpu.memory_space<vmem>>
      %dma_wait3A_272 = arith.constant 0 : i32
      %dma_wait3A_273 = tpu.memref_slice %arg5[%dma_wait3A_268, %dma_wait3A_272] : memref<20x128xi32, #tpu.memory_space<vmem>> -> memref<1x128xi32, #tpu.memory_space<vmem>>
      %dma_wait3A_274 = tpu.memref_squeeze %dma_wait3A_273 : memref<1x128xi32, #tpu.memory_space<vmem>> -> memref<128xi32, #tpu.memory_space<vmem>>
      %dma_wait3A_275 = arith.constant 0 : i32
      %dma_wait3A_276 = arith.constant 0 : i32
      %dma_wait3A_277 = tpu.memref_slice %arg2[%dma_wait3A_275, %dma_wait3A_276] : memref<10000x32xf32, #tpu.memory_space<hbm>> -> memref<10000x32xf32, #tpu.memory_space<hbm>>
      tpu.wait_indirect_dma semaphore(%arg7 : memref<!tpu.dma_semaphore, #tpu.memory_space<semaphore_mem>>) src(%dma_wait3A_277 : memref<10000x32xf32, #tpu.memory_space<hbm>>) dst(%dma_wait3A_271 : memref<128x32xf32, #tpu.memory_space<vmem>>)
      %dma_wait3A_278 = arith.constant 7 : i32
      %dma_wait3A_279 = arith.constant 896 : i32
      %dma_wait3A_280 = arith.constant 0 : i32
      %dma_wait3A_281 = tpu.memref_slice %arg6[%dma_wait3A_279, %dma_wait3A_280] : memref<2560x32xf32, #tpu.memory_space<vmem>> -> memref<128x32xf32, #tpu.memory_space<vmem>>
      %dma_wait3A_282 = arith.constant 0 : i32
      %dma_wait3A_283 = tpu.memref_slice %arg5[%dma_wait3A_278, %dma_wait3A_282] : memref<20x128xi32, #tpu.memory_space<vmem>> -> memref<1x128xi32, #tpu.memory_space<vmem>>
      %dma_wait3A_284 = tpu.memref_squeeze %dma_wait3A_283 : memref<1x128xi32, #tpu.memory_space<vmem>> -> memref<128xi32, #tpu.memory_space<vmem>>
      %dma_wait3A_285 = arith.constant 0 : i32
      %dma_wait3A_286 = arith.constant 0 : i32
      %dma_wait3A_287 = tpu.memref_slice %arg2[%dma_wait3A_285, %dma_wait3A_286] : memref<10000x32xf32, #tpu.memory_space<hbm>> -> memref<10000x32xf32, #tpu.memory_space<hbm>>
      tpu.wait_indirect_dma semaphore(%arg7 : memref<!tpu.dma_semaphore, #tpu.memory_space<semaphore_mem>>) src(%dma_wait3A_287 : memref<10000x32xf32, #tpu.memory_space<hbm>>) dst(%dma_wait3A_281 : memref<128x32xf32, #tpu.memory_space<vmem>>)
      %dma_wait3A_288 = arith.constant 8 : i32
      %dma_wait3A_289 = arith.constant 1024 : i32
      %dma_wait3A_290 = arith.constant 0 : i32
      %dma_wait3A_291 = tpu.memref_slice %arg6[%dma_wait3A_289, %dma_wait3A_290] : memref<2560x32xf32, #tpu.memory_space<vmem>> -> memref<128x32xf32, #tpu.memory_space<vmem>>
      %dma_wait3A_292 = arith.constant 0 : i32
      %dma_wait3A_293 = tpu.memref_slice %arg5[%dma_wait3A_288, %dma_wait3A_292] : memref<20x128xi32, #tpu.memory_space<vmem>> -> memref<1x128xi32, #tpu.memory_space<vmem>>
      %dma_wait3A_294 = tpu.memref_squeeze %dma_wait3A_293 : memref<1x128xi32, #tpu.memory_space<vmem>> -> memref<128xi32, #tpu.memory_space<vmem>>
      %dma_wait3A_295 = arith.constant 0 : i32
      %dma_wait3A_296 = arith.constant 0 : i32
      %dma_wait3A_297 = tpu.memref_slice %arg2[%dma_wait3A_295, %dma_wait3A_296] : memref<10000x32xf32, #tpu.memory_space<hbm>> -> memref<10000x32xf32, #tpu.memory_space<hbm>>
      tpu.wait_indirect_dma semaphore(%arg7 : memref<!tpu.dma_semaphore, #tpu.memory_space<semaphore_mem>>) src(%dma_wait3A_297 : memref<10000x32xf32, #tpu.memory_space<hbm>>) dst(%dma_wait3A_291 : memref<128x32xf32, #tpu.memory_space<vmem>>)
      %dma_wait3A_298 = arith.constant 9 : i32
      %dma_wait3A_299 = arith.constant 1152 : i32
      %dma_wait3A_300 = arith.constant 0 : i32
      %dma_wait3A_301 = tpu.memref_slice %arg6[%dma_wait3A_299, %dma_wait3A_300] : memref<2560x32xf32, #tpu.memory_space<vmem>> -> memref<128x32xf32, #tpu.memory_space<vmem>>
      %dma_wait3A_302 = arith.constant 0 : i32
      %dma_wait3A_303 = tpu.memref_slice %arg5[%dma_wait3A_298, %dma_wait3A_302] : memref<20x128xi32, #tpu.memory_space<vmem>> -> memref<1x128xi32, #tpu.memory_space<vmem>>
      %dma_wait3A_304 = tpu.memref_squeeze %dma_wait3A_303 : memref<1x128xi32, #tpu.memory_space<vmem>> -> memref<128xi32, #tpu.memory_space<vmem>>
      %dma_wait3A_305 = arith.constant 0 : i32
      %dma_wait3A_306 = arith.constant 0 : i32
      %dma_wait3A_307 = tpu.memref_slice %arg2[%dma_wait3A_305, %dma_wait3A_306] : memref<10000x32xf32, #tpu.memory_space<hbm>> -> memref<10000x32xf32, #tpu.memory_space<hbm>>
      tpu.wait_indirect_dma semaphore(%arg7 : memref<!tpu.dma_semaphore, #tpu.memory_space<semaphore_mem>>) src(%dma_wait3A_307 : memref<10000x32xf32, #tpu.memory_space<hbm>>) dst(%dma_wait3A_301 : memref<128x32xf32, #tpu.memory_space<vmem>>)
      %dma_wait3A_308 = arith.constant 10 : i32
      %dma_wait3A_309 = arith.constant 1280 : i32
      %dma_wait3A_310 = arith.constant 0 : i32
      %dma_wait3A_311 = tpu.memref_slice %arg6[%dma_wait3A_309, %dma_wait3A_310] : memref<2560x32xf32, #tpu.memory_space<vmem>> -> memref<128x32xf32, #tpu.memory_space<vmem>>
      %dma_wait3A_312 = arith.constant 0 : i32
      %dma_wait3A_313 = tpu.memref_slice %arg5[%dma_wait3A_308, %dma_wait3A_312] : memref<20x128xi32, #tpu.memory_space<vmem>> -> memref<1x128xi32, #tpu.memory_space<vmem>>
      %dma_wait3A_314 = tpu.memref_squeeze %dma_wait3A_313 : memref<1x128xi32, #tpu.memory_space<vmem>> -> memref<128xi32, #tpu.memory_space<vmem>>
      %dma_wait3A_315 = arith.constant 0 : i32
      %dma_wait3A_316 = arith.constant 0 : i32
      %dma_wait3A_317 = tpu.memref_slice %arg2[%dma_wait3A_315, %dma_wait3A_316] : memref<10000x32xf32, #tpu.memory_space<hbm>> -> memref<10000x32xf32, #tpu.memory_space<hbm>>
      tpu.wait_indirect_dma semaphore(%arg7 : memref<!tpu.dma_semaphore, #tpu.memory_space<semaphore_mem>>) src(%dma_wait3A_317 : memref<10000x32xf32, #tpu.memory_space<hbm>>) dst(%dma_wait3A_311 : memref<128x32xf32, #tpu.memory_space<vmem>>)
      %dma_wait3A_318 = arith.constant 11 : i32
      %dma_wait3A_319 = arith.constant 1408 : i32
      %dma_wait3A_320 = arith.constant 0 : i32
      %dma_wait3A_321 = tpu.memref_slice %arg6[%dma_wait3A_319, %dma_wait3A_320] : memref<2560x32xf32, #tpu.memory_space<vmem>> -> memref<128x32xf32, #tpu.memory_space<vmem>>
      %dma_wait3A_322 = arith.constant 0 : i32
      %dma_wait3A_323 = tpu.memref_slice %arg5[%dma_wait3A_318, %dma_wait3A_322] : memref<20x128xi32, #tpu.memory_space<vmem>> -> memref<1x128xi32, #tpu.memory_space<vmem>>
      %dma_wait3A_324 = tpu.memref_squeeze %dma_wait3A_323 : memref<1x128xi32, #tpu.memory_space<vmem>> -> memref<128xi32, #tpu.memory_space<vmem>>
      %dma_wait3A_325 = arith.constant 0 : i32
      %dma_wait3A_326 = arith.constant 0 : i32
      %dma_wait3A_327 = tpu.memref_slice %arg2[%dma_wait3A_325, %dma_wait3A_326] : memref<10000x32xf32, #tpu.memory_space<hbm>> -> memref<10000x32xf32, #tpu.memory_space<hbm>>
      tpu.wait_indirect_dma semaphore(%arg7 : memref<!tpu.dma_semaphore, #tpu.memory_space<semaphore_mem>>) src(%dma_wait3A_327 : memref<10000x32xf32, #tpu.memory_space<hbm>>) dst(%dma_wait3A_321 : memref<128x32xf32, #tpu.memory_space<vmem>>)
      %dma_wait3A_328 = arith.constant 12 : i32
      %dma_wait3A_329 = arith.constant 1536 : i32
      %dma_wait3A_330 = arith.constant 0 : i32
      %dma_wait3A_331 = tpu.memref_slice %arg6[%dma_wait3A_329, %dma_wait3A_330] : memref<2560x32xf32, #tpu.memory_space<vmem>> -> memref<128x32xf32, #tpu.memory_space<vmem>>
      %dma_wait3A_332 = arith.constant 0 : i32
      %dma_wait3A_333 = tpu.memref_slice %arg5[%dma_wait3A_328, %dma_wait3A_332] : memref<20x128xi32, #tpu.memory_space<vmem>> -> memref<1x128xi32, #tpu.memory_space<vmem>>
      %dma_wait3A_334 = tpu.memref_squeeze %dma_wait3A_333 : memref<1x128xi32, #tpu.memory_space<vmem>> -> memref<128xi32, #tpu.memory_space<vmem>>
      %dma_wait3A_335 = arith.constant 0 : i32
      %dma_wait3A_336 = arith.constant 0 : i32
      %dma_wait3A_337 = tpu.memref_slice %arg2[%dma_wait3A_335, %dma_wait3A_336] : memref<10000x32xf32, #tpu.memory_space<hbm>> -> memref<10000x32xf32, #tpu.memory_space<hbm>>
      tpu.wait_indirect_dma semaphore(%arg7 : memref<!tpu.dma_semaphore, #tpu.memory_space<semaphore_mem>>) src(%dma_wait3A_337 : memref<10000x32xf32, #tpu.memory_space<hbm>>) dst(%dma_wait3A_331 : memref<128x32xf32, #tpu.memory_space<vmem>>)
      %dma_wait3A_338 = arith.constant 13 : i32
      %dma_wait3A_339 = arith.constant 1664 : i32
      %dma_wait3A_340 = arith.constant 0 : i32
      %dma_wait3A_341 = tpu.memref_slice %arg6[%dma_wait3A_339, %dma_wait3A_340] : memref<2560x32xf32, #tpu.memory_space<vmem>> -> memref<128x32xf32, #tpu.memory_space<vmem>>
      %dma_wait3A_342 = arith.constant 0 : i32
      %dma_wait3A_343 = tpu.memref_slice %arg5[%dma_wait3A_338, %dma_wait3A_342] : memref<20x128xi32, #tpu.memory_space<vmem>> -> memref<1x128xi32, #tpu.memory_space<vmem>>
      %dma_wait3A_344 = tpu.memref_squeeze %dma_wait3A_343 : memref<1x128xi32, #tpu.memory_space<vmem>> -> memref<128xi32, #tpu.memory_space<vmem>>
      %dma_wait3A_345 = arith.constant 0 : i32
      %dma_wait3A_346 = arith.constant 0 : i32
      %dma_wait3A_347 = tpu.memref_slice %arg2[%dma_wait3A_345, %dma_wait3A_346] : memref<10000x32xf32, #tpu.memory_space<hbm>> -> memref<10000x32xf32, #tpu.memory_space<hbm>>
      tpu.wait_indirect_dma semaphore(%arg7 : memref<!tpu.dma_semaphore, #tpu.memory_space<semaphore_mem>>) src(%dma_wait3A_347 : memref<10000x32xf32, #tpu.memory_space<hbm>>) dst(%dma_wait3A_341 : memref<128x32xf32, #tpu.memory_space<vmem>>)
      %dma_wait3A_348 = arith.constant 14 : i32
      %dma_wait3A_349 = arith.constant 1792 : i32
      %dma_wait3A_350 = arith.constant 0 : i32
      %dma_wait3A_351 = tpu.memref_slice %arg6[%dma_wait3A_349, %dma_wait3A_350] : memref<2560x32xf32, #tpu.memory_space<vmem>> -> memref<128x32xf32, #tpu.memory_space<vmem>>
      %dma_wait3A_352 = arith.constant 0 : i32
      %dma_wait3A_353 = tpu.memref_slice %arg5[%dma_wait3A_348, %dma_wait3A_352] : memref<20x128xi32, #tpu.memory_space<vmem>> -> memref<1x128xi32, #tpu.memory_space<vmem>>
      %dma_wait3A_354 = tpu.memref_squeeze %dma_wait3A_353 : memref<1x128xi32, #tpu.memory_space<vmem>> -> memref<128xi32, #tpu.memory_space<vmem>>
      %dma_wait3A_355 = arith.constant 0 : i32
      %dma_wait3A_356 = arith.constant 0 : i32
      %dma_wait3A_357 = tpu.memref_slice %arg2[%dma_wait3A_355, %dma_wait3A_356] : memref<10000x32xf32, #tpu.memory_space<hbm>> -> memref<10000x32xf32, #tpu.memory_space<hbm>>
      tpu.wait_indirect_dma semaphore(%arg7 : memref<!tpu.dma_semaphore, #tpu.memory_space<semaphore_mem>>) src(%dma_wait3A_357 : memref<10000x32xf32, #tpu.memory_space<hbm>>) dst(%dma_wait3A_351 : memref<128x32xf32, #tpu.memory_space<vmem>>)
      %dma_wait3A_358 = arith.constant 15 : i32
      %dma_wait3A_359 = arith.constant 1920 : i32
      %dma_wait3A_360 = arith.constant 0 : i32
      %dma_wait3A_361 = tpu.memref_slice %arg6[%dma_wait3A_359, %dma_wait3A_360] : memref<2560x32xf32, #tpu.memory_space<vmem>> -> memref<128x32xf32, #tpu.memory_space<vmem>>
      %dma_wait3A_362 = arith.constant 0 : i32
      %dma_wait3A_363 = tpu.memref_slice %arg5[%dma_wait3A_358, %dma_wait3A_362] : memref<20x128xi32, #tpu.memory_space<vmem>> -> memref<1x128xi32, #tpu.memory_space<vmem>>
      %dma_wait3A_364 = tpu.memref_squeeze %dma_wait3A_363 : memref<1x128xi32, #tpu.memory_space<vmem>> -> memref<128xi32, #tpu.memory_space<vmem>>
      %dma_wait3A_365 = arith.constant 0 : i32
      %dma_wait3A_366 = arith.constant 0 : i32
      %dma_wait3A_367 = tpu.memref_slice %arg2[%dma_wait3A_365, %dma_wait3A_366] : memref<10000x32xf32, #tpu.memory_space<hbm>> -> memref<10000x32xf32, #tpu.memory_space<hbm>>
      tpu.wait_indirect_dma semaphore(%arg7 : memref<!tpu.dma_semaphore, #tpu.memory_space<semaphore_mem>>) src(%dma_wait3A_367 : memref<10000x32xf32, #tpu.memory_space<hbm>>) dst(%dma_wait3A_361 : memref<128x32xf32, #tpu.memory_space<vmem>>)
      %dma_wait3A_368 = arith.constant 16 : i32
      %dma_wait3A_369 = arith.constant 2048 : i32
      %dma_wait3A_370 = arith.constant 0 : i32
      %dma_wait3A_371 = tpu.memref_slice %arg6[%dma_wait3A_369, %dma_wait3A_370] : memref<2560x32xf32, #tpu.memory_space<vmem>> -> memref<128x32xf32, #tpu.memory_space<vmem>>
      %dma_wait3A_372 = arith.constant 0 : i32
      %dma_wait3A_373 = tpu.memref_slice %arg5[%dma_wait3A_368, %dma_wait3A_372] : memref<20x128xi32, #tpu.memory_space<vmem>> -> memref<1x128xi32, #tpu.memory_space<vmem>>
      %dma_wait3A_374 = tpu.memref_squeeze %dma_wait3A_373 : memref<1x128xi32, #tpu.memory_space<vmem>> -> memref<128xi32, #tpu.memory_space<vmem>>
      %dma_wait3A_375 = arith.constant 0 : i32
      %dma_wait3A_376 = arith.constant 0 : i32
      %dma_wait3A_377 = tpu.memref_slice %arg2[%dma_wait3A_375, %dma_wait3A_376] : memref<10000x32xf32, #tpu.memory_space<hbm>> -> memref<10000x32xf32, #tpu.memory_space<hbm>>
      tpu.wait_indirect_dma semaphore(%arg7 : memref<!tpu.dma_semaphore, #tpu.memory_space<semaphore_mem>>) src(%dma_wait3A_377 : memref<10000x32xf32, #tpu.memory_space<hbm>>) dst(%dma_wait3A_371 : memref<128x32xf32, #tpu.memory_space<vmem>>)
      %dma_wait3A_378 = arith.constant 17 : i32
      %dma_wait3A_379 = arith.constant 2176 : i32
      %dma_wait3A_380 = arith.constant 0 : i32
      %dma_wait3A_381 = tpu.memref_slice %arg6[%dma_wait3A_379, %dma_wait3A_380] : memref<2560x32xf32, #tpu.memory_space<vmem>> -> memref<128x32xf32, #tpu.memory_space<vmem>>
      %dma_wait3A_382 = arith.constant 0 : i32
      %dma_wait3A_383 = tpu.memref_slice %arg5[%dma_wait3A_378, %dma_wait3A_382] : memref<20x128xi32, #tpu.memory_space<vmem>> -> memref<1x128xi32, #tpu.memory_space<vmem>>
      %dma_wait3A_384 = tpu.memref_squeeze %dma_wait3A_383 : memref<1x128xi32, #tpu.memory_space<vmem>> -> memref<128xi32, #tpu.memory_space<vmem>>
      %dma_wait3A_385 = arith.constant 0 : i32
      %dma_wait3A_386 = arith.constant 0 : i32
      %dma_wait3A_387 = tpu.memref_slice %arg2[%dma_wait3A_385, %dma_wait3A_386] : memref<10000x32xf32, #tpu.memory_space<hbm>> -> memref<10000x32xf32, #tpu.memory_space<hbm>>
      tpu.wait_indirect_dma semaphore(%arg7 : memref<!tpu.dma_semaphore, #tpu.memory_space<semaphore_mem>>) src(%dma_wait3A_387 : memref<10000x32xf32, #tpu.memory_space<hbm>>) dst(%dma_wait3A_381 : memref<128x32xf32, #tpu.memory_space<vmem>>)
      %dma_wait3A_388 = arith.constant 18 : i32
      %dma_wait3A_389 = arith.constant 2304 : i32
      %dma_wait3A_390 = arith.constant 0 : i32
      %dma_wait3A_391 = tpu.memref_slice %arg6[%dma_wait3A_389, %dma_wait3A_390] : memref<2560x32xf32, #tpu.memory_space<vmem>> -> memref<128x32xf32, #tpu.memory_space<vmem>>
      %dma_wait3A_392 = arith.constant 0 : i32
      %dma_wait3A_393 = tpu.memref_slice %arg5[%dma_wait3A_388, %dma_wait3A_392] : memref<20x128xi32, #tpu.memory_space<vmem>> -> memref<1x128xi32, #tpu.memory_space<vmem>>
      %dma_wait3A_394 = tpu.memref_squeeze %dma_wait3A_393 : memref<1x128xi32, #tpu.memory_space<vmem>> -> memref<128xi32, #tpu.memory_space<vmem>>
      %dma_wait3A_395 = arith.constant 0 : i32
      %dma_wait3A_396 = arith.constant 0 : i32
      %dma_wait3A_397 = tpu.memref_slice %arg2[%dma_wait3A_395, %dma_wait3A_396] : memref<10000x32xf32, #tpu.memory_space<hbm>> -> memref<10000x32xf32, #tpu.memory_space<hbm>>
      tpu.wait_indirect_dma semaphore(%arg7 : memref<!tpu.dma_semaphore, #tpu.memory_space<semaphore_mem>>) src(%dma_wait3A_397 : memref<10000x32xf32, #tpu.memory_space<hbm>>) dst(%dma_wait3A_391 : memref<128x32xf32, #tpu.memory_space<vmem>>)
      %dma_wait3A_398 = arith.constant 19 : i32
      %dma_wait3A_399 = arith.constant 2432 : i32
      %dma_wait3A_400 = arith.constant 0 : i32
      %dma_wait3A_401 = tpu.memref_slice %arg6[%dma_wait3A_399, %dma_wait3A_400] : memref<2560x32xf32, #tpu.memory_space<vmem>> -> memref<128x32xf32, #tpu.memory_space<vmem>>
      %dma_wait3A_402 = arith.constant 0 : i32
      %dma_wait3A_403 = tpu.memref_slice %arg5[%dma_wait3A_398, %dma_wait3A_402] : memref<20x128xi32, #tpu.memory_space<vmem>> -> memref<1x128xi32, #tpu.memory_space<vmem>>
      %dma_wait3A_404 = tpu.memref_squeeze %dma_wait3A_403 : memref<1x128xi32, #tpu.memory_space<vmem>> -> memref<128xi32, #tpu.memory_space<vmem>>
      %dma_wait3A_405 = arith.constant 0 : i32
      %dma_wait3A_406 = arith.constant 0 : i32
      %dma_wait3A_407 = tpu.memref_slice %arg2[%dma_wait3A_405, %dma_wait3A_406] : memref<10000x32xf32, #tpu.memory_space<hbm>> -> memref<10000x32xf32, #tpu.memory_space<hbm>>
      tpu.wait_indirect_dma semaphore(%arg7 : memref<!tpu.dma_semaphore, #tpu.memory_space<semaphore_mem>>) src(%dma_wait3A_407 : memref<10000x32xf32, #tpu.memory_space<hbm>>) dst(%dma_wait3A_401 : memref<128x32xf32, #tpu.memory_space<vmem>>)
    } else {
    }
    %dma_wait3A = arith.constant 0 : i32
    %dma_wait3A_52 = arith.constant 0 : i32
    %dma_wait3A_53 = arith.constant 0 : i32
    %dma_wait3A_54 = tpu.memref_slice %arg6[%dma_wait3A_52, %dma_wait3A_53] : memref<2560x32xf32, #tpu.memory_space<vmem>> -> memref<128x32xf32, #tpu.memory_space<vmem>>
    %dma_wait3A_55 = arith.constant 0 : i32
    %dma_wait3A_56 = tpu.memref_slice %arg5[%dma_wait3A, %dma_wait3A_55] : memref<20x128xi32, #tpu.memory_space<vmem>> -> memref<1x128xi32, #tpu.memory_space<vmem>>
    %dma_wait3A_57 = tpu.memref_squeeze %dma_wait3A_56 : memref<1x128xi32, #tpu.memory_space<vmem>> -> memref<128xi32, #tpu.memory_space<vmem>>
    %dma_wait3A_58 = arith.constant 0 : i32
    %dma_wait3A_59 = arith.constant 0 : i32
    %dma_wait3A_60 = tpu.memref_slice %arg2[%dma_wait3A_58, %dma_wait3A_59] : memref<10000x32xf32, #tpu.memory_space<hbm>> -> memref<10000x32xf32, #tpu.memory_space<hbm>>
    tpu.wait_indirect_dma semaphore(%arg7 : memref<!tpu.dma_semaphore, #tpu.memory_space<semaphore_mem>>) src(%dma_wait3A_60 : memref<10000x32xf32, #tpu.memory_space<hbm>>) dst(%dma_wait3A_54 : memref<128x32xf32, #tpu.memory_space<vmem>>)
    %dma_wait3A_61 = arith.constant 1 : i32
    %dma_wait3A_62 = arith.constant 128 : i32
    %dma_wait3A_63 = arith.constant 0 : i32
    %dma_wait3A_64 = tpu.memref_slice %arg6[%dma_wait3A_62, %dma_wait3A_63] : memref<2560x32xf32, #tpu.memory_space<vmem>> -> memref<128x32xf32, #tpu.memory_space<vmem>>
    %dma_wait3A_65 = arith.constant 0 : i32
    %dma_wait3A_66 = tpu.memref_slice %arg5[%dma_wait3A_61, %dma_wait3A_65] : memref<20x128xi32, #tpu.memory_space<vmem>> -> memref<1x128xi32, #tpu.memory_space<vmem>>
    %dma_wait3A_67 = tpu.memref_squeeze %dma_wait3A_66 : memref<1x128xi32, #tpu.memory_space<vmem>> -> memref<128xi32, #tpu.memory_space<vmem>>
    %dma_wait3A_68 = arith.constant 0 : i32
    %dma_wait3A_69 = arith.constant 0 : i32
    %dma_wait3A_70 = tpu.memref_slice %arg2[%dma_wait3A_68, %dma_wait3A_69] : memref<10000x32xf32, #tpu.memory_space<hbm>> -> memref<10000x32xf32, #tpu.memory_space<hbm>>
    tpu.wait_indirect_dma semaphore(%arg7 : memref<!tpu.dma_semaphore, #tpu.memory_space<semaphore_mem>>) src(%dma_wait3A_70 : memref<10000x32xf32, #tpu.memory_space<hbm>>) dst(%dma_wait3A_64 : memref<128x32xf32, #tpu.memory_space<vmem>>)
    %dma_wait3A_71 = arith.constant 2 : i32
    %dma_wait3A_72 = arith.constant 256 : i32
    %dma_wait3A_73 = arith.constant 0 : i32
    %dma_wait3A_74 = tpu.memref_slice %arg6[%dma_wait3A_72, %dma_wait3A_73] : memref<2560x32xf32, #tpu.memory_space<vmem>> -> memref<128x32xf32, #tpu.memory_space<vmem>>
    %dma_wait3A_75 = arith.constant 0 : i32
    %dma_wait3A_76 = tpu.memref_slice %arg5[%dma_wait3A_71, %dma_wait3A_75] : memref<20x128xi32, #tpu.memory_space<vmem>> -> memref<1x128xi32, #tpu.memory_space<vmem>>
    %dma_wait3A_77 = tpu.memref_squeeze %dma_wait3A_76 : memref<1x128xi32, #tpu.memory_space<vmem>> -> memref<128xi32, #tpu.memory_space<vmem>>
    %dma_wait3A_78 = arith.constant 0 : i32
    %dma_wait3A_79 = arith.constant 0 : i32
    %dma_wait3A_80 = tpu.memref_slice %arg2[%dma_wait3A_78, %dma_wait3A_79] : memref<10000x32xf32, #tpu.memory_space<hbm>> -> memref<10000x32xf32, #tpu.memory_space<hbm>>
    tpu.wait_indirect_dma semaphore(%arg7 : memref<!tpu.dma_semaphore, #tpu.memory_space<semaphore_mem>>) src(%dma_wait3A_80 : memref<10000x32xf32, #tpu.memory_space<hbm>>) dst(%dma_wait3A_74 : memref<128x32xf32, #tpu.memory_space<vmem>>)
    %dma_wait3A_81 = arith.constant 3 : i32
    %dma_wait3A_82 = arith.constant 384 : i32
    %dma_wait3A_83 = arith.constant 0 : i32
    %dma_wait3A_84 = tpu.memref_slice %arg6[%dma_wait3A_82, %dma_wait3A_83] : memref<2560x32xf32, #tpu.memory_space<vmem>> -> memref<128x32xf32, #tpu.memory_space<vmem>>
    %dma_wait3A_85 = arith.constant 0 : i32
    %dma_wait3A_86 = tpu.memref_slice %arg5[%dma_wait3A_81, %dma_wait3A_85] : memref<20x128xi32, #tpu.memory_space<vmem>> -> memref<1x128xi32, #tpu.memory_space<vmem>>
    %dma_wait3A_87 = tpu.memref_squeeze %dma_wait3A_86 : memref<1x128xi32, #tpu.memory_space<vmem>> -> memref<128xi32, #tpu.memory_space<vmem>>
    %dma_wait3A_88 = arith.constant 0 : i32
    %dma_wait3A_89 = arith.constant 0 : i32
    %dma_wait3A_90 = tpu.memref_slice %arg2[%dma_wait3A_88, %dma_wait3A_89] : memref<10000x32xf32, #tpu.memory_space<hbm>> -> memref<10000x32xf32, #tpu.memory_space<hbm>>
    tpu.wait_indirect_dma semaphore(%arg7 : memref<!tpu.dma_semaphore, #tpu.memory_space<semaphore_mem>>) src(%dma_wait3A_90 : memref<10000x32xf32, #tpu.memory_space<hbm>>) dst(%dma_wait3A_84 : memref<128x32xf32, #tpu.memory_space<vmem>>)
    %dma_wait3A_91 = arith.constant 4 : i32
    %dma_wait3A_92 = arith.constant 512 : i32
    %dma_wait3A_93 = arith.constant 0 : i32
    %dma_wait3A_94 = tpu.memref_slice %arg6[%dma_wait3A_92, %dma_wait3A_93] : memref<2560x32xf32, #tpu.memory_space<vmem>> -> memref<128x32xf32, #tpu.memory_space<vmem>>
    %dma_wait3A_95 = arith.constant 0 : i32
    %dma_wait3A_96 = tpu.memref_slice %arg5[%dma_wait3A_91, %dma_wait3A_95] : memref<20x128xi32, #tpu.memory_space<vmem>> -> memref<1x128xi32, #tpu.memory_space<vmem>>
    %dma_wait3A_97 = tpu.memref_squeeze %dma_wait3A_96 : memref<1x128xi32, #tpu.memory_space<vmem>> -> memref<128xi32, #tpu.memory_space<vmem>>
    %dma_wait3A_98 = arith.constant 0 : i32
    %dma_wait3A_99 = arith.constant 0 : i32
    %dma_wait3A_100 = tpu.memref_slice %arg2[%dma_wait3A_98, %dma_wait3A_99] : memref<10000x32xf32, #tpu.memory_space<hbm>> -> memref<10000x32xf32, #tpu.memory_space<hbm>>
    tpu.wait_indirect_dma semaphore(%arg7 : memref<!tpu.dma_semaphore, #tpu.memory_space<semaphore_mem>>) src(%dma_wait3A_100 : memref<10000x32xf32, #tpu.memory_space<hbm>>) dst(%dma_wait3A_94 : memref<128x32xf32, #tpu.memory_space<vmem>>)
    %mul3A_101 = arith.constant 2560 : i32
    %mul3A_102 = arith.muli %add3A, %mul3A_101 : i32
    "tpu.region"() ({
      %run_scoped3A = tpu.sem_alloc : memref<!tpu.dma_semaphore, #tpu.memory_space<semaphore_mem>>
      %dma_start3A_108 = arith.constant 0 : i32
      %dma_start3A_109 = arith.constant 0 : i32
      %dma_start3A_110 = tpu.memref_slice %arg6[%dma_start3A_108, %dma_start3A_109] : memref<2560x32xf32, #tpu.memory_space<vmem>> -> memref<640x32xf32, #tpu.memory_space<vmem>>
      %dma_start3A_111 = arith.constant 0 : i32
      %dma_start3A_112 = tpu.memref_slice %arg4[%mul3A_102, %dma_start3A_111] : memref<80000x32xf32, #tpu.memory_space<hbm>> -> memref<640x32xf32, #tpu.memory_space<hbm>>
      %dma_start3A_113 = arith.constant 0 : i32
      %dma_start3A_114 = tpu.memref_slice %arg4[%mul3A_102, %dma_start3A_113] : memref<80000x32xf32, #tpu.memory_space<hbm>> -> memref<640x32xf32, #tpu.memory_space<hbm>>
      %dma_start3A_115 = arith.constant 0 : i32
      %dma_start3A_116 = arith.constant 0 : i32
      %dma_start3A_117 = tpu.memref_slice %arg6[%dma_start3A_115, %dma_start3A_116] : memref<2560x32xf32, #tpu.memory_space<vmem>> -> memref<640x32xf32, #tpu.memory_space<vmem>>
      tpu.enqueue_dma source(%dma_start3A_117 : memref<640x32xf32, #tpu.memory_space<vmem>>) target(%dma_start3A_114 : memref<640x32xf32, #tpu.memory_space<hbm>>) target_semaphore(%run_scoped3A : memref<!tpu.dma_semaphore, #tpu.memory_space<semaphore_mem>>)
      %dma_wait3A_118 = arith.constant 0 : i32
      %dma_wait3A_119 = arith.constant 0 : i32
      %dma_wait3A_120 = tpu.memref_slice %arg6[%dma_wait3A_118, %dma_wait3A_119] : memref<2560x32xf32, #tpu.memory_space<vmem>> -> memref<640x32xf32, #tpu.memory_space<vmem>>
      %dma_wait3A_121 = arith.constant 0 : i32
      %dma_wait3A_122 = tpu.memref_slice %arg4[%mul3A_102, %dma_wait3A_121] : memref<80000x32xf32, #tpu.memory_space<hbm>> -> memref<640x32xf32, #tpu.memory_space<hbm>>
      %dma_wait3A_123 = arith.constant 0 : i32
      %dma_wait3A_124 = tpu.memref_slice %arg4[%mul3A_102, %dma_wait3A_123] : memref<80000x32xf32, #tpu.memory_space<hbm>> -> memref<640x32xf32, #tpu.memory_space<hbm>>
      %dma_wait3A_125 = arith.constant 0 : i32
      %dma_wait3A_126 = arith.constant 0 : i32
      %dma_wait3A_127 = tpu.memref_slice %arg6[%dma_wait3A_125, %dma_wait3A_126] : memref<2560x32xf32, #tpu.memory_space<vmem>> -> memref<640x32xf32, #tpu.memory_space<vmem>>
      tpu.wait_dma2 semaphore(%run_scoped3A : memref<!tpu.dma_semaphore, #tpu.memory_space<semaphore_mem>>) src(%dma_wait3A_127 : memref<640x32xf32, #tpu.memory_space<vmem>>) dst(%dma_wait3A_124 : memref<640x32xf32, #tpu.memory_space<hbm>>)
      tpu.yield
    }) : () -> ()
    %lt3A_103 = arith.constant 31 : i32
    %lt3A_104 = arith.cmpi slt, %add3A, %lt3A_103 : i32
    %convert_element_type3A_105 = arith.extui %lt3A_104 : i1 to i32
    %cond3A_106 = arith.constant 0 : i32
    %cond3A_107 = arith.cmpi ne, %convert_element_type3A_105, %cond3A_106 : i32
    scf.if %cond3A_107 {
      %mul3A_108 = arith.constant 2560 : i32
      %mul3A_109 = arith.muli %add3A, %mul3A_108 : i32
      %add3A_110 = arith.constant 640 : i32
      %add3A_111 = arith.addi %mul3A_109, %add3A_110 : i32
      "tpu.region"() ({
        %run_scoped3A = tpu.sem_alloc : memref<!tpu.dma_semaphore, #tpu.memory_space<semaphore_mem>>
        %dma_start3A_112 = arith.constant 640 : i32
        %dma_start3A_113 = arith.constant 0 : i32
        %dma_start3A_114 = tpu.memref_slice %arg6[%dma_start3A_112, %dma_start3A_113] : memref<2560x32xf32, #tpu.memory_space<vmem>> -> memref<1920x32xf32, #tpu.memory_space<vmem>>
        %dma_start3A_115 = arith.constant 0 : i32
        %dma_start3A_116 = tpu.memref_slice %arg4[%add3A_111, %dma_start3A_115] : memref<80000x32xf32, #tpu.memory_space<hbm>> -> memref<1920x32xf32, #tpu.memory_space<hbm>>
        %dma_start3A_117 = arith.constant 0 : i32
        %dma_start3A_118 = tpu.memref_slice %arg4[%add3A_111, %dma_start3A_117] : memref<80000x32xf32, #tpu.memory_space<hbm>> -> memref<1920x32xf32, #tpu.memory_space<hbm>>
        %dma_start3A_119 = arith.constant 640 : i32
        %dma_start3A_120 = arith.constant 0 : i32
        %dma_start3A_121 = tpu.memref_slice %arg6[%dma_start3A_119, %dma_start3A_120] : memref<2560x32xf32, #tpu.memory_space<vmem>> -> memref<1920x32xf32, #tpu.memory_space<vmem>>
        tpu.enqueue_dma source(%dma_start3A_121 : memref<1920x32xf32, #tpu.memory_space<vmem>>) target(%dma_start3A_118 : memref<1920x32xf32, #tpu.memory_space<hbm>>) target_semaphore(%run_scoped3A : memref<!tpu.dma_semaphore, #tpu.memory_space<semaphore_mem>>)
        %dma_wait3A_122 = arith.constant 640 : i32
        %dma_wait3A_123 = arith.constant 0 : i32
        %dma_wait3A_124 = tpu.memref_slice %arg6[%dma_wait3A_122, %dma_wait3A_123] : memref<2560x32xf32, #tpu.memory_space<vmem>> -> memref<1920x32xf32, #tpu.memory_space<vmem>>
        %dma_wait3A_125 = arith.constant 0 : i32
        %dma_wait3A_126 = tpu.memref_slice %arg4[%add3A_111, %dma_wait3A_125] : memref<80000x32xf32, #tpu.memory_space<hbm>> -> memref<1920x32xf32, #tpu.memory_space<hbm>>
        %dma_wait3A_127 = arith.constant 0 : i32
        %dma_wait3A_128 = tpu.memref_slice %arg4[%add3A_111, %dma_wait3A_127] : memref<80000x32xf32, #tpu.memory_space<hbm>> -> memref<1920x32xf32, #tpu.memory_space<hbm>>
        %dma_wait3A_129 = arith.constant 640 : i32
        %dma_wait3A_130 = arith.constant 0 : i32
        %dma_wait3A_131 = tpu.memref_slice %arg6[%dma_wait3A_129, %dma_wait3A_130] : memref<2560x32xf32, #tpu.memory_space<vmem>> -> memref<1920x32xf32, #tpu.memory_space<vmem>>
        tpu.wait_dma2 semaphore(%run_scoped3A : memref<!tpu.dma_semaphore, #tpu.memory_space<semaphore_mem>>) src(%dma_wait3A_131 : memref<1920x32xf32, #tpu.memory_space<vmem>>) dst(%dma_wait3A_128 : memref<1920x32xf32, #tpu.memory_space<hbm>>)
        tpu.yield
      }) : () -> ()
    } else {
    }
    return
  }
}

#map = affine_map<(d0, d1) -> (0, 0)>
#map1 = affine_map<(d0, d1) -> (0, 0, 0)>
module attributes {stable_mosaic.version = 14 : i64} {
  func.func @k(%arg0: i32, %arg1: i32, %arg2: memref<80000x32xf32, #tpu.memory_space<hbm>>, %arg3: memref<32x20x128xi32, #tpu.memory_space<hbm>>, %arg4: memref<10240x32xf32, #tpu.memory_space<hbm>>, %arg5: memref<2x10240x32xf32, #tpu.memory_space<hbm>>, %arg6: memref<20x128xi32, #tpu.memory_space<vmem>>, %arg7: memref<2560x32xf32, #tpu.memory_space<vmem>>, %arg8: memref<640x32xf32, #tpu.memory_space<vmem>>, %arg9: memref<10240x32xf32, #tpu.memory_space<vmem_shared>>, %arg10: memref<!tpu.dma_semaphore, #tpu.memory_space<semaphore_mem>>) attributes {dimension_semantics = [#tpu.dimension_semantics<core_parallel>, #tpu.dimension_semantics<subcore_parallel>], iteration_bounds = array<i64: 2, 16>, scalar_prefetch = 0 : i64, scratch_operands = 5 : i64, tpu.core_type = #tpu.core_type<sc_vector_subcore>, window_params = [{transform_indices = #map}, {transform_indices = #map1}, {transform_indices = #map}, {transform_indices = #map1}]} {
    %mul3A = arith.constant 2 : i32
    %mul3A_0 = arith.muli %arg1, %mul3A : i32
    %add3A = arith.addi %mul3A_0, %arg0 : i32
    %mul3A_1 = arith.constant 640 : i32
    %mul3A_2 = arith.muli %arg1, %mul3A_1 : i32
    "tpu.region"() ({
      %run_scoped3A = tpu.sem_alloc : memref<!tpu.dma_semaphore, #tpu.memory_space<semaphore_mem>>
      %dma_start3A_117 = arith.constant 0 : i32
      %dma_start3A_118 = tpu.memref_slice %arg4[%mul3A_2, %dma_start3A_117] : memref<10240x32xf32, #tpu.memory_space<hbm>> -> memref<640x32xf32, #tpu.memory_space<hbm>>
      %dma_start3A_119 = arith.constant 0 : i32
      %dma_start3A_120 = tpu.memref_slice %arg4[%mul3A_2, %dma_start3A_119] : memref<10240x32xf32, #tpu.memory_space<hbm>> -> memref<640x32xf32, #tpu.memory_space<hbm>>
      tpu.enqueue_dma source(%dma_start3A_120 : memref<640x32xf32, #tpu.memory_space<hbm>>) target(%arg8 : memref<640x32xf32, #tpu.memory_space<vmem>>) target_semaphore(%run_scoped3A : memref<!tpu.dma_semaphore, #tpu.memory_space<semaphore_mem>>)
      %dma_wait3A_121 = arith.constant 0 : i32
      %dma_wait3A_122 = tpu.memref_slice %arg4[%mul3A_2, %dma_wait3A_121] : memref<10240x32xf32, #tpu.memory_space<hbm>> -> memref<640x32xf32, #tpu.memory_space<hbm>>
      %dma_wait3A_123 = arith.constant 0 : i32
      %dma_wait3A_124 = tpu.memref_slice %arg4[%mul3A_2, %dma_wait3A_123] : memref<10240x32xf32, #tpu.memory_space<hbm>> -> memref<640x32xf32, #tpu.memory_space<hbm>>
      tpu.wait_dma2 semaphore(%run_scoped3A : memref<!tpu.dma_semaphore, #tpu.memory_space<semaphore_mem>>) src(%dma_wait3A_124 : memref<640x32xf32, #tpu.memory_space<hbm>>) dst(%arg8 : memref<640x32xf32, #tpu.memory_space<vmem>>)
      tpu.yield
    }) : () -> ()
    %mul3A_3 = arith.constant 640 : i32
    %mul3A_4 = arith.muli %arg1, %mul3A_3 : i32
    "tpu.region"() ({
      %run_scoped3A = tpu.sem_alloc : memref<!tpu.dma_semaphore, #tpu.memory_space<semaphore_mem>>
      %dma_start3A_117 = arith.constant 0 : i32
      %dma_start3A_118 = tpu.memref_slice %arg9[%mul3A_4, %dma_start3A_117] : memref<10240x32xf32, #tpu.memory_space<vmem_shared>> -> memref<640x32xf32, #tpu.memory_space<vmem_shared>>
      %dma_start3A_119 = arith.constant 0 : i32
      %dma_start3A_120 = tpu.memref_slice %arg9[%mul3A_4, %dma_start3A_119] : memref<10240x32xf32, #tpu.memory_space<vmem_shared>> -> memref<640x32xf32, #tpu.memory_space<vmem_shared>>
      tpu.enqueue_dma source(%arg8 : memref<640x32xf32, #tpu.memory_space<vmem>>) target(%dma_start3A_120 : memref<640x32xf32, #tpu.memory_space<vmem_shared>>) target_semaphore(%run_scoped3A : memref<!tpu.dma_semaphore, #tpu.memory_space<semaphore_mem>>)
      %dma_wait3A_121 = arith.constant 0 : i32
      %dma_wait3A_122 = tpu.memref_slice %arg9[%mul3A_4, %dma_wait3A_121] : memref<10240x32xf32, #tpu.memory_space<vmem_shared>> -> memref<640x32xf32, #tpu.memory_space<vmem_shared>>
      %dma_wait3A_123 = arith.constant 0 : i32
      %dma_wait3A_124 = tpu.memref_slice %arg9[%mul3A_4, %dma_wait3A_123] : memref<10240x32xf32, #tpu.memory_space<vmem_shared>> -> memref<640x32xf32, #tpu.memory_space<vmem_shared>>
      tpu.wait_dma2 semaphore(%run_scoped3A : memref<!tpu.dma_semaphore, #tpu.memory_space<semaphore_mem>>) src(%arg8 : memref<640x32xf32, #tpu.memory_space<vmem>>) dst(%dma_wait3A_124 : memref<640x32xf32, #tpu.memory_space<vmem_shared>>)
      tpu.yield
    }) : () -> ()
    "tpu.region"() ({
      %run_scoped3A = tpu.sem_alloc : memref<!tpu.dma_semaphore, #tpu.memory_space<semaphore_mem>>
      %dma_start3A_117 = arith.constant 0 : i32
      %dma_start3A_118 = arith.constant 0 : i32
      %dma_start3A_119 = tpu.memref_slice %arg3[%add3A, %dma_start3A_117, %dma_start3A_118] : memref<32x20x128xi32, #tpu.memory_space<hbm>> -> memref<1x20x128xi32, #tpu.memory_space<hbm>>
      %dma_start3A_120 = tpu.memref_squeeze %dma_start3A_119 : memref<1x20x128xi32, #tpu.memory_space<hbm>> -> memref<20x128xi32, #tpu.memory_space<hbm>>
      %dma_start3A_121 = arith.constant 0 : i32
      %dma_start3A_122 = arith.constant 0 : i32
      %dma_start3A_123 = tpu.memref_slice %arg3[%add3A, %dma_start3A_121, %dma_start3A_122] : memref<32x20x128xi32, #tpu.memory_space<hbm>> -> memref<1x20x128xi32, #tpu.memory_space<hbm>>
      %dma_start3A_124 = tpu.memref_squeeze %dma_start3A_123 : memref<1x20x128xi32, #tpu.memory_space<hbm>> -> memref<20x128xi32, #tpu.memory_space<hbm>>
      tpu.enqueue_dma source(%dma_start3A_124 : memref<20x128xi32, #tpu.memory_space<hbm>>) target(%arg6 : memref<20x128xi32, #tpu.memory_space<vmem>>) target_semaphore(%run_scoped3A : memref<!tpu.dma_semaphore, #tpu.memory_space<semaphore_mem>>)
      %dma_wait3A_125 = arith.constant 0 : i32
      %dma_wait3A_126 = arith.constant 0 : i32
      %dma_wait3A_127 = tpu.memref_slice %arg3[%add3A, %dma_wait3A_125, %dma_wait3A_126] : memref<32x20x128xi32, #tpu.memory_space<hbm>> -> memref<1x20x128xi32, #tpu.memory_space<hbm>>
      %dma_wait3A_128 = tpu.memref_squeeze %dma_wait3A_127 : memref<1x20x128xi32, #tpu.memory_space<hbm>> -> memref<20x128xi32, #tpu.memory_space<hbm>>
      %dma_wait3A_129 = arith.constant 0 : i32
      %dma_wait3A_130 = arith.constant 0 : i32
      %dma_wait3A_131 = tpu.memref_slice %arg3[%add3A, %dma_wait3A_129, %dma_wait3A_130] : memref<32x20x128xi32, #tpu.memory_space<hbm>> -> memref<1x20x128xi32, #tpu.memory_space<hbm>>
      %dma_wait3A_132 = tpu.memref_squeeze %dma_wait3A_131 : memref<1x20x128xi32, #tpu.memory_space<hbm>> -> memref<20x128xi32, #tpu.memory_space<hbm>>
      tpu.wait_dma2 semaphore(%run_scoped3A : memref<!tpu.dma_semaphore, #tpu.memory_space<semaphore_mem>>) src(%dma_wait3A_132 : memref<20x128xi32, #tpu.memory_space<hbm>>) dst(%arg6 : memref<20x128xi32, #tpu.memory_space<vmem>>)
      tpu.yield
    }) : () -> ()
    %mul3A_5 = arith.constant 2560 : i32
    %mul3A_6 = arith.muli %add3A, %mul3A_5 : i32
    "tpu.region"() ({
      %run_scoped3A = tpu.sem_alloc : memref<!tpu.dma_semaphore, #tpu.memory_space<semaphore_mem>>
      %dma_start3A_117 = arith.constant 0 : i32
      %dma_start3A_118 = arith.constant 0 : i32
      %dma_start3A_119 = tpu.memref_slice %arg7[%dma_start3A_117, %dma_start3A_118] : memref<2560x32xf32, #tpu.memory_space<vmem>> -> memref<640x32xf32, #tpu.memory_space<vmem>>
      %dma_start3A_120 = arith.constant 0 : i32
      %dma_start3A_121 = tpu.memref_slice %arg2[%mul3A_6, %dma_start3A_120] : memref<80000x32xf32, #tpu.memory_space<hbm>> -> memref<640x32xf32, #tpu.memory_space<hbm>>
      %dma_start3A_122 = arith.constant 0 : i32
      %dma_start3A_123 = arith.constant 0 : i32
      %dma_start3A_124 = tpu.memref_slice %arg7[%dma_start3A_122, %dma_start3A_123] : memref<2560x32xf32, #tpu.memory_space<vmem>> -> memref<640x32xf32, #tpu.memory_space<vmem>>
      %dma_start3A_125 = arith.constant 0 : i32
      %dma_start3A_126 = tpu.memref_slice %arg2[%mul3A_6, %dma_start3A_125] : memref<80000x32xf32, #tpu.memory_space<hbm>> -> memref<640x32xf32, #tpu.memory_space<hbm>>
      tpu.enqueue_dma source(%dma_start3A_126 : memref<640x32xf32, #tpu.memory_space<hbm>>) target(%dma_start3A_124 : memref<640x32xf32, #tpu.memory_space<vmem>>) target_semaphore(%run_scoped3A : memref<!tpu.dma_semaphore, #tpu.memory_space<semaphore_mem>>)
      %dma_wait3A_127 = arith.constant 0 : i32
      %dma_wait3A_128 = arith.constant 0 : i32
      %dma_wait3A_129 = tpu.memref_slice %arg7[%dma_wait3A_127, %dma_wait3A_128] : memref<2560x32xf32, #tpu.memory_space<vmem>> -> memref<640x32xf32, #tpu.memory_space<vmem>>
      %dma_wait3A_130 = arith.constant 0 : i32
      %dma_wait3A_131 = tpu.memref_slice %arg2[%mul3A_6, %dma_wait3A_130] : memref<80000x32xf32, #tpu.memory_space<hbm>> -> memref<640x32xf32, #tpu.memory_space<hbm>>
      %dma_wait3A_132 = arith.constant 0 : i32
      %dma_wait3A_133 = arith.constant 0 : i32
      %dma_wait3A_134 = tpu.memref_slice %arg7[%dma_wait3A_132, %dma_wait3A_133] : memref<2560x32xf32, #tpu.memory_space<vmem>> -> memref<640x32xf32, #tpu.memory_space<vmem>>
      %dma_wait3A_135 = arith.constant 0 : i32
      %dma_wait3A_136 = tpu.memref_slice %arg2[%mul3A_6, %dma_wait3A_135] : memref<80000x32xf32, #tpu.memory_space<hbm>> -> memref<640x32xf32, #tpu.memory_space<hbm>>
      tpu.wait_dma2 semaphore(%run_scoped3A : memref<!tpu.dma_semaphore, #tpu.memory_space<semaphore_mem>>) src(%dma_wait3A_136 : memref<640x32xf32, #tpu.memory_space<hbm>>) dst(%dma_wait3A_134 : memref<640x32xf32, #tpu.memory_space<vmem>>)
      tpu.yield
    }) : () -> ()
    %lt3A = arith.constant 31 : i32
    %lt3A_7 = arith.cmpi slt, %add3A, %lt3A : i32
    %convert_element_type3A = arith.extui %lt3A_7 : i1 to i32
    %cond3A = arith.constant 0 : i32
    %cond3A_8 = arith.cmpi ne, %convert_element_type3A, %cond3A : i32
    scf.if %cond3A_8 {
      %mul3A_117 = arith.constant 2560 : i32
      %mul3A_118 = arith.muli %add3A, %mul3A_117 : i32
      %add3A_119 = arith.constant 640 : i32
      %add3A_120 = arith.addi %mul3A_118, %add3A_119 : i32
      "tpu.region"() ({
        %run_scoped3A = tpu.sem_alloc : memref<!tpu.dma_semaphore, #tpu.memory_space<semaphore_mem>>
        %dma_start3A_121 = arith.constant 640 : i32
        %dma_start3A_122 = arith.constant 0 : i32
        %dma_start3A_123 = tpu.memref_slice %arg7[%dma_start3A_121, %dma_start3A_122] : memref<2560x32xf32, #tpu.memory_space<vmem>> -> memref<1920x32xf32, #tpu.memory_space<vmem>>
        %dma_start3A_124 = arith.constant 0 : i32
        %dma_start3A_125 = tpu.memref_slice %arg2[%add3A_120, %dma_start3A_124] : memref<80000x32xf32, #tpu.memory_space<hbm>> -> memref<1920x32xf32, #tpu.memory_space<hbm>>
        %dma_start3A_126 = arith.constant 640 : i32
        %dma_start3A_127 = arith.constant 0 : i32
        %dma_start3A_128 = tpu.memref_slice %arg7[%dma_start3A_126, %dma_start3A_127] : memref<2560x32xf32, #tpu.memory_space<vmem>> -> memref<1920x32xf32, #tpu.memory_space<vmem>>
        %dma_start3A_129 = arith.constant 0 : i32
        %dma_start3A_130 = tpu.memref_slice %arg2[%add3A_120, %dma_start3A_129] : memref<80000x32xf32, #tpu.memory_space<hbm>> -> memref<1920x32xf32, #tpu.memory_space<hbm>>
        tpu.enqueue_dma source(%dma_start3A_130 : memref<1920x32xf32, #tpu.memory_space<hbm>>) target(%dma_start3A_128 : memref<1920x32xf32, #tpu.memory_space<vmem>>) target_semaphore(%run_scoped3A : memref<!tpu.dma_semaphore, #tpu.memory_space<semaphore_mem>>)
        %dma_wait3A_131 = arith.constant 640 : i32
        %dma_wait3A_132 = arith.constant 0 : i32
        %dma_wait3A_133 = tpu.memref_slice %arg7[%dma_wait3A_131, %dma_wait3A_132] : memref<2560x32xf32, #tpu.memory_space<vmem>> -> memref<1920x32xf32, #tpu.memory_space<vmem>>
        %dma_wait3A_134 = arith.constant 0 : i32
        %dma_wait3A_135 = tpu.memref_slice %arg2[%add3A_120, %dma_wait3A_134] : memref<80000x32xf32, #tpu.memory_space<hbm>> -> memref<1920x32xf32, #tpu.memory_space<hbm>>
        %dma_wait3A_136 = arith.constant 640 : i32
        %dma_wait3A_137 = arith.constant 0 : i32
        %dma_wait3A_138 = tpu.memref_slice %arg7[%dma_wait3A_136, %dma_wait3A_137] : memref<2560x32xf32, #tpu.memory_space<vmem>> -> memref<1920x32xf32, #tpu.memory_space<vmem>>
        %dma_wait3A_139 = arith.constant 0 : i32
        %dma_wait3A_140 = tpu.memref_slice %arg2[%add3A_120, %dma_wait3A_139] : memref<80000x32xf32, #tpu.memory_space<hbm>> -> memref<1920x32xf32, #tpu.memory_space<hbm>>
        tpu.wait_dma2 semaphore(%run_scoped3A : memref<!tpu.dma_semaphore, #tpu.memory_space<semaphore_mem>>) src(%dma_wait3A_140 : memref<1920x32xf32, #tpu.memory_space<hbm>>) dst(%dma_wait3A_138 : memref<1920x32xf32, #tpu.memory_space<vmem>>)
        tpu.yield
      }) : () -> ()
    } else {
    }
    %barrier3A = arith.constant 0 : index
    tpu.barrier barrier_id(%barrier3A)
    %dma_start3A = arith.constant 0 : i32
    %dma_start3A_9 = arith.constant 0 : i32
    %dma_start3A_10 = arith.constant 0 : i32
    %dma_start3A_11 = tpu.memref_slice %arg7[%dma_start3A_9, %dma_start3A_10] : memref<2560x32xf32, #tpu.memory_space<vmem>> -> memref<128x32xf32, #tpu.memory_space<vmem>>
    %dma_start3A_12 = arith.constant 0 : i32
    %dma_start3A_13 = tpu.memref_slice %arg6[%dma_start3A, %dma_start3A_12] : memref<20x128xi32, #tpu.memory_space<vmem>> -> memref<1x128xi32, #tpu.memory_space<vmem>>
    %dma_start3A_14 = tpu.memref_squeeze %dma_start3A_13 : memref<1x128xi32, #tpu.memory_space<vmem>> -> memref<128xi32, #tpu.memory_space<vmem>>
    %dma_start3A_15 = arith.constant 0 : i32
    %dma_start3A_16 = arith.constant 0 : i32
    %dma_start3A_17 = tpu.memref_slice %arg9[%dma_start3A_15, %dma_start3A_16] : memref<10240x32xf32, #tpu.memory_space<vmem_shared>> -> memref<10240x32xf32, #tpu.memory_space<vmem_shared>>
    tpu.enqueue_indirect_dma source(%dma_start3A_11 : memref<128x32xf32, #tpu.memory_space<vmem>>) target(%dma_start3A_17 : memref<10240x32xf32, #tpu.memory_space<vmem_shared>>) offsets(%dma_start3A_14 : memref<128xi32, #tpu.memory_space<vmem>>) semaphore(%arg10 : memref<!tpu.dma_semaphore, #tpu.memory_space<semaphore_mem>>) {add = true}
    %dma_start3A_18 = arith.constant 1 : i32
    %dma_start3A_19 = arith.constant 128 : i32
    %dma_start3A_20 = arith.constant 0 : i32
    %dma_start3A_21 = tpu.memref_slice %arg7[%dma_start3A_19, %dma_start3A_20] : memref<2560x32xf32, #tpu.memory_space<vmem>> -> memref<128x32xf32, #tpu.memory_space<vmem>>
    %dma_start3A_22 = arith.constant 0 : i32
    %dma_start3A_23 = tpu.memref_slice %arg6[%dma_start3A_18, %dma_start3A_22] : memref<20x128xi32, #tpu.memory_space<vmem>> -> memref<1x128xi32, #tpu.memory_space<vmem>>
    %dma_start3A_24 = tpu.memref_squeeze %dma_start3A_23 : memref<1x128xi32, #tpu.memory_space<vmem>> -> memref<128xi32, #tpu.memory_space<vmem>>
    %dma_start3A_25 = arith.constant 0 : i32
    %dma_start3A_26 = arith.constant 0 : i32
    %dma_start3A_27 = tpu.memref_slice %arg9[%dma_start3A_25, %dma_start3A_26] : memref<10240x32xf32, #tpu.memory_space<vmem_shared>> -> memref<10240x32xf32, #tpu.memory_space<vmem_shared>>
    tpu.enqueue_indirect_dma source(%dma_start3A_21 : memref<128x32xf32, #tpu.memory_space<vmem>>) target(%dma_start3A_27 : memref<10240x32xf32, #tpu.memory_space<vmem_shared>>) offsets(%dma_start3A_24 : memref<128xi32, #tpu.memory_space<vmem>>) semaphore(%arg10 : memref<!tpu.dma_semaphore, #tpu.memory_space<semaphore_mem>>) {add = true}
    %dma_start3A_28 = arith.constant 2 : i32
    %dma_start3A_29 = arith.constant 256 : i32
    %dma_start3A_30 = arith.constant 0 : i32
    %dma_start3A_31 = tpu.memref_slice %arg7[%dma_start3A_29, %dma_start3A_30] : memref<2560x32xf32, #tpu.memory_space<vmem>> -> memref<128x32xf32, #tpu.memory_space<vmem>>
    %dma_start3A_32 = arith.constant 0 : i32
    %dma_start3A_33 = tpu.memref_slice %arg6[%dma_start3A_28, %dma_start3A_32] : memref<20x128xi32, #tpu.memory_space<vmem>> -> memref<1x128xi32, #tpu.memory_space<vmem>>
    %dma_start3A_34 = tpu.memref_squeeze %dma_start3A_33 : memref<1x128xi32, #tpu.memory_space<vmem>> -> memref<128xi32, #tpu.memory_space<vmem>>
    %dma_start3A_35 = arith.constant 0 : i32
    %dma_start3A_36 = arith.constant 0 : i32
    %dma_start3A_37 = tpu.memref_slice %arg9[%dma_start3A_35, %dma_start3A_36] : memref<10240x32xf32, #tpu.memory_space<vmem_shared>> -> memref<10240x32xf32, #tpu.memory_space<vmem_shared>>
    tpu.enqueue_indirect_dma source(%dma_start3A_31 : memref<128x32xf32, #tpu.memory_space<vmem>>) target(%dma_start3A_37 : memref<10240x32xf32, #tpu.memory_space<vmem_shared>>) offsets(%dma_start3A_34 : memref<128xi32, #tpu.memory_space<vmem>>) semaphore(%arg10 : memref<!tpu.dma_semaphore, #tpu.memory_space<semaphore_mem>>) {add = true}
    %dma_start3A_38 = arith.constant 3 : i32
    %dma_start3A_39 = arith.constant 384 : i32
    %dma_start3A_40 = arith.constant 0 : i32
    %dma_start3A_41 = tpu.memref_slice %arg7[%dma_start3A_39, %dma_start3A_40] : memref<2560x32xf32, #tpu.memory_space<vmem>> -> memref<128x32xf32, #tpu.memory_space<vmem>>
    %dma_start3A_42 = arith.constant 0 : i32
    %dma_start3A_43 = tpu.memref_slice %arg6[%dma_start3A_38, %dma_start3A_42] : memref<20x128xi32, #tpu.memory_space<vmem>> -> memref<1x128xi32, #tpu.memory_space<vmem>>
    %dma_start3A_44 = tpu.memref_squeeze %dma_start3A_43 : memref<1x128xi32, #tpu.memory_space<vmem>> -> memref<128xi32, #tpu.memory_space<vmem>>
    %dma_start3A_45 = arith.constant 0 : i32
    %dma_start3A_46 = arith.constant 0 : i32
    %dma_start3A_47 = tpu.memref_slice %arg9[%dma_start3A_45, %dma_start3A_46] : memref<10240x32xf32, #tpu.memory_space<vmem_shared>> -> memref<10240x32xf32, #tpu.memory_space<vmem_shared>>
    tpu.enqueue_indirect_dma source(%dma_start3A_41 : memref<128x32xf32, #tpu.memory_space<vmem>>) target(%dma_start3A_47 : memref<10240x32xf32, #tpu.memory_space<vmem_shared>>) offsets(%dma_start3A_44 : memref<128xi32, #tpu.memory_space<vmem>>) semaphore(%arg10 : memref<!tpu.dma_semaphore, #tpu.memory_space<semaphore_mem>>) {add = true}
    %dma_start3A_48 = arith.constant 4 : i32
    %dma_start3A_49 = arith.constant 512 : i32
    %dma_start3A_50 = arith.constant 0 : i32
    %dma_start3A_51 = tpu.memref_slice %arg7[%dma_start3A_49, %dma_start3A_50] : memref<2560x32xf32, #tpu.memory_space<vmem>> -> memref<128x32xf32, #tpu.memory_space<vmem>>
    %dma_start3A_52 = arith.constant 0 : i32
    %dma_start3A_53 = tpu.memref_slice %arg6[%dma_start3A_48, %dma_start3A_52] : memref<20x128xi32, #tpu.memory_space<vmem>> -> memref<1x128xi32, #tpu.memory_space<vmem>>
    %dma_start3A_54 = tpu.memref_squeeze %dma_start3A_53 : memref<1x128xi32, #tpu.memory_space<vmem>> -> memref<128xi32, #tpu.memory_space<vmem>>
    %dma_start3A_55 = arith.constant 0 : i32
    %dma_start3A_56 = arith.constant 0 : i32
    %dma_start3A_57 = tpu.memref_slice %arg9[%dma_start3A_55, %dma_start3A_56] : memref<10240x32xf32, #tpu.memory_space<vmem_shared>> -> memref<10240x32xf32, #tpu.memory_space<vmem_shared>>
    tpu.enqueue_indirect_dma source(%dma_start3A_51 : memref<128x32xf32, #tpu.memory_space<vmem>>) target(%dma_start3A_57 : memref<10240x32xf32, #tpu.memory_space<vmem_shared>>) offsets(%dma_start3A_54 : memref<128xi32, #tpu.memory_space<vmem>>) semaphore(%arg10 : memref<!tpu.dma_semaphore, #tpu.memory_space<semaphore_mem>>) {add = true}
    %lt3A_58 = arith.constant 31 : i32
    %lt3A_59 = arith.cmpi slt, %add3A, %lt3A_58 : i32
    %convert_element_type3A_60 = arith.extui %lt3A_59 : i1 to i32
    %cond3A_61 = arith.constant 0 : i32
    %cond3A_62 = arith.cmpi ne, %convert_element_type3A_60, %cond3A_61 : i32
    scf.if %cond3A_62 {
      %dma_start3A_117 = arith.constant 5 : i32
      %dma_start3A_118 = arith.constant 640 : i32
      %dma_start3A_119 = arith.constant 0 : i32
      %dma_start3A_120 = tpu.memref_slice %arg7[%dma_start3A_118, %dma_start3A_119] : memref<2560x32xf32, #tpu.memory_space<vmem>> -> memref<128x32xf32, #tpu.memory_space<vmem>>
      %dma_start3A_121 = arith.constant 0 : i32
      %dma_start3A_122 = tpu.memref_slice %arg6[%dma_start3A_117, %dma_start3A_121] : memref<20x128xi32, #tpu.memory_space<vmem>> -> memref<1x128xi32, #tpu.memory_space<vmem>>
      %dma_start3A_123 = tpu.memref_squeeze %dma_start3A_122 : memref<1x128xi32, #tpu.memory_space<vmem>> -> memref<128xi32, #tpu.memory_space<vmem>>
      %dma_start3A_124 = arith.constant 0 : i32
      %dma_start3A_125 = arith.constant 0 : i32
      %dma_start3A_126 = tpu.memref_slice %arg9[%dma_start3A_124, %dma_start3A_125] : memref<10240x32xf32, #tpu.memory_space<vmem_shared>> -> memref<10240x32xf32, #tpu.memory_space<vmem_shared>>
      tpu.enqueue_indirect_dma source(%dma_start3A_120 : memref<128x32xf32, #tpu.memory_space<vmem>>) target(%dma_start3A_126 : memref<10240x32xf32, #tpu.memory_space<vmem_shared>>) offsets(%dma_start3A_123 : memref<128xi32, #tpu.memory_space<vmem>>) semaphore(%arg10 : memref<!tpu.dma_semaphore, #tpu.memory_space<semaphore_mem>>) {add = true}
      %dma_start3A_127 = arith.constant 6 : i32
      %dma_start3A_128 = arith.constant 768 : i32
      %dma_start3A_129 = arith.constant 0 : i32
      %dma_start3A_130 = tpu.memref_slice %arg7[%dma_start3A_128, %dma_start3A_129] : memref<2560x32xf32, #tpu.memory_space<vmem>> -> memref<128x32xf32, #tpu.memory_space<vmem>>
      %dma_start3A_131 = arith.constant 0 : i32
      %dma_start3A_132 = tpu.memref_slice %arg6[%dma_start3A_127, %dma_start3A_131] : memref<20x128xi32, #tpu.memory_space<vmem>> -> memref<1x128xi32, #tpu.memory_space<vmem>>
      %dma_start3A_133 = tpu.memref_squeeze %dma_start3A_132 : memref<1x128xi32, #tpu.memory_space<vmem>> -> memref<128xi32, #tpu.memory_space<vmem>>
      %dma_start3A_134 = arith.constant 0 : i32
      %dma_start3A_135 = arith.constant 0 : i32
      %dma_start3A_136 = tpu.memref_slice %arg9[%dma_start3A_134, %dma_start3A_135] : memref<10240x32xf32, #tpu.memory_space<vmem_shared>> -> memref<10240x32xf32, #tpu.memory_space<vmem_shared>>
      tpu.enqueue_indirect_dma source(%dma_start3A_130 : memref<128x32xf32, #tpu.memory_space<vmem>>) target(%dma_start3A_136 : memref<10240x32xf32, #tpu.memory_space<vmem_shared>>) offsets(%dma_start3A_133 : memref<128xi32, #tpu.memory_space<vmem>>) semaphore(%arg10 : memref<!tpu.dma_semaphore, #tpu.memory_space<semaphore_mem>>) {add = true}
      %dma_start3A_137 = arith.constant 7 : i32
      %dma_start3A_138 = arith.constant 896 : i32
      %dma_start3A_139 = arith.constant 0 : i32
      %dma_start3A_140 = tpu.memref_slice %arg7[%dma_start3A_138, %dma_start3A_139] : memref<2560x32xf32, #tpu.memory_space<vmem>> -> memref<128x32xf32, #tpu.memory_space<vmem>>
      %dma_start3A_141 = arith.constant 0 : i32
      %dma_start3A_142 = tpu.memref_slice %arg6[%dma_start3A_137, %dma_start3A_141] : memref<20x128xi32, #tpu.memory_space<vmem>> -> memref<1x128xi32, #tpu.memory_space<vmem>>
      %dma_start3A_143 = tpu.memref_squeeze %dma_start3A_142 : memref<1x128xi32, #tpu.memory_space<vmem>> -> memref<128xi32, #tpu.memory_space<vmem>>
      %dma_start3A_144 = arith.constant 0 : i32
      %dma_start3A_145 = arith.constant 0 : i32
      %dma_start3A_146 = tpu.memref_slice %arg9[%dma_start3A_144, %dma_start3A_145] : memref<10240x32xf32, #tpu.memory_space<vmem_shared>> -> memref<10240x32xf32, #tpu.memory_space<vmem_shared>>
      tpu.enqueue_indirect_dma source(%dma_start3A_140 : memref<128x32xf32, #tpu.memory_space<vmem>>) target(%dma_start3A_146 : memref<10240x32xf32, #tpu.memory_space<vmem_shared>>) offsets(%dma_start3A_143 : memref<128xi32, #tpu.memory_space<vmem>>) semaphore(%arg10 : memref<!tpu.dma_semaphore, #tpu.memory_space<semaphore_mem>>) {add = true}
      %dma_start3A_147 = arith.constant 8 : i32
      %dma_start3A_148 = arith.constant 1024 : i32
      %dma_start3A_149 = arith.constant 0 : i32
      %dma_start3A_150 = tpu.memref_slice %arg7[%dma_start3A_148, %dma_start3A_149] : memref<2560x32xf32, #tpu.memory_space<vmem>> -> memref<128x32xf32, #tpu.memory_space<vmem>>
      %dma_start3A_151 = arith.constant 0 : i32
      %dma_start3A_152 = tpu.memref_slice %arg6[%dma_start3A_147, %dma_start3A_151] : memref<20x128xi32, #tpu.memory_space<vmem>> -> memref<1x128xi32, #tpu.memory_space<vmem>>
      %dma_start3A_153 = tpu.memref_squeeze %dma_start3A_152 : memref<1x128xi32, #tpu.memory_space<vmem>> -> memref<128xi32, #tpu.memory_space<vmem>>
      %dma_start3A_154 = arith.constant 0 : i32
      %dma_start3A_155 = arith.constant 0 : i32
      %dma_start3A_156 = tpu.memref_slice %arg9[%dma_start3A_154, %dma_start3A_155] : memref<10240x32xf32, #tpu.memory_space<vmem_shared>> -> memref<10240x32xf32, #tpu.memory_space<vmem_shared>>
      tpu.enqueue_indirect_dma source(%dma_start3A_150 : memref<128x32xf32, #tpu.memory_space<vmem>>) target(%dma_start3A_156 : memref<10240x32xf32, #tpu.memory_space<vmem_shared>>) offsets(%dma_start3A_153 : memref<128xi32, #tpu.memory_space<vmem>>) semaphore(%arg10 : memref<!tpu.dma_semaphore, #tpu.memory_space<semaphore_mem>>) {add = true}
      %dma_start3A_157 = arith.constant 9 : i32
      %dma_start3A_158 = arith.constant 1152 : i32
      %dma_start3A_159 = arith.constant 0 : i32
      %dma_start3A_160 = tpu.memref_slice %arg7[%dma_start3A_158, %dma_start3A_159] : memref<2560x32xf32, #tpu.memory_space<vmem>> -> memref<128x32xf32, #tpu.memory_space<vmem>>
      %dma_start3A_161 = arith.constant 0 : i32
      %dma_start3A_162 = tpu.memref_slice %arg6[%dma_start3A_157, %dma_start3A_161] : memref<20x128xi32, #tpu.memory_space<vmem>> -> memref<1x128xi32, #tpu.memory_space<vmem>>
      %dma_start3A_163 = tpu.memref_squeeze %dma_start3A_162 : memref<1x128xi32, #tpu.memory_space<vmem>> -> memref<128xi32, #tpu.memory_space<vmem>>
      %dma_start3A_164 = arith.constant 0 : i32
      %dma_start3A_165 = arith.constant 0 : i32
      %dma_start3A_166 = tpu.memref_slice %arg9[%dma_start3A_164, %dma_start3A_165] : memref<10240x32xf32, #tpu.memory_space<vmem_shared>> -> memref<10240x32xf32, #tpu.memory_space<vmem_shared>>
      tpu.enqueue_indirect_dma source(%dma_start3A_160 : memref<128x32xf32, #tpu.memory_space<vmem>>) target(%dma_start3A_166 : memref<10240x32xf32, #tpu.memory_space<vmem_shared>>) offsets(%dma_start3A_163 : memref<128xi32, #tpu.memory_space<vmem>>) semaphore(%arg10 : memref<!tpu.dma_semaphore, #tpu.memory_space<semaphore_mem>>) {add = true}
      %dma_start3A_167 = arith.constant 10 : i32
      %dma_start3A_168 = arith.constant 1280 : i32
      %dma_start3A_169 = arith.constant 0 : i32
      %dma_start3A_170 = tpu.memref_slice %arg7[%dma_start3A_168, %dma_start3A_169] : memref<2560x32xf32, #tpu.memory_space<vmem>> -> memref<128x32xf32, #tpu.memory_space<vmem>>
      %dma_start3A_171 = arith.constant 0 : i32
      %dma_start3A_172 = tpu.memref_slice %arg6[%dma_start3A_167, %dma_start3A_171] : memref<20x128xi32, #tpu.memory_space<vmem>> -> memref<1x128xi32, #tpu.memory_space<vmem>>
      %dma_start3A_173 = tpu.memref_squeeze %dma_start3A_172 : memref<1x128xi32, #tpu.memory_space<vmem>> -> memref<128xi32, #tpu.memory_space<vmem>>
      %dma_start3A_174 = arith.constant 0 : i32
      %dma_start3A_175 = arith.constant 0 : i32
      %dma_start3A_176 = tpu.memref_slice %arg9[%dma_start3A_174, %dma_start3A_175] : memref<10240x32xf32, #tpu.memory_space<vmem_shared>> -> memref<10240x32xf32, #tpu.memory_space<vmem_shared>>
      tpu.enqueue_indirect_dma source(%dma_start3A_170 : memref<128x32xf32, #tpu.memory_space<vmem>>) target(%dma_start3A_176 : memref<10240x32xf32, #tpu.memory_space<vmem_shared>>) offsets(%dma_start3A_173 : memref<128xi32, #tpu.memory_space<vmem>>) semaphore(%arg10 : memref<!tpu.dma_semaphore, #tpu.memory_space<semaphore_mem>>) {add = true}
      %dma_start3A_177 = arith.constant 11 : i32
      %dma_start3A_178 = arith.constant 1408 : i32
      %dma_start3A_179 = arith.constant 0 : i32
      %dma_start3A_180 = tpu.memref_slice %arg7[%dma_start3A_178, %dma_start3A_179] : memref<2560x32xf32, #tpu.memory_space<vmem>> -> memref<128x32xf32, #tpu.memory_space<vmem>>
      %dma_start3A_181 = arith.constant 0 : i32
      %dma_start3A_182 = tpu.memref_slice %arg6[%dma_start3A_177, %dma_start3A_181] : memref<20x128xi32, #tpu.memory_space<vmem>> -> memref<1x128xi32, #tpu.memory_space<vmem>>
      %dma_start3A_183 = tpu.memref_squeeze %dma_start3A_182 : memref<1x128xi32, #tpu.memory_space<vmem>> -> memref<128xi32, #tpu.memory_space<vmem>>
      %dma_start3A_184 = arith.constant 0 : i32
      %dma_start3A_185 = arith.constant 0 : i32
      %dma_start3A_186 = tpu.memref_slice %arg9[%dma_start3A_184, %dma_start3A_185] : memref<10240x32xf32, #tpu.memory_space<vmem_shared>> -> memref<10240x32xf32, #tpu.memory_space<vmem_shared>>
      tpu.enqueue_indirect_dma source(%dma_start3A_180 : memref<128x32xf32, #tpu.memory_space<vmem>>) target(%dma_start3A_186 : memref<10240x32xf32, #tpu.memory_space<vmem_shared>>) offsets(%dma_start3A_183 : memref<128xi32, #tpu.memory_space<vmem>>) semaphore(%arg10 : memref<!tpu.dma_semaphore, #tpu.memory_space<semaphore_mem>>) {add = true}
      %dma_start3A_187 = arith.constant 12 : i32
      %dma_start3A_188 = arith.constant 1536 : i32
      %dma_start3A_189 = arith.constant 0 : i32
      %dma_start3A_190 = tpu.memref_slice %arg7[%dma_start3A_188, %dma_start3A_189] : memref<2560x32xf32, #tpu.memory_space<vmem>> -> memref<128x32xf32, #tpu.memory_space<vmem>>
      %dma_start3A_191 = arith.constant 0 : i32
      %dma_start3A_192 = tpu.memref_slice %arg6[%dma_start3A_187, %dma_start3A_191] : memref<20x128xi32, #tpu.memory_space<vmem>> -> memref<1x128xi32, #tpu.memory_space<vmem>>
      %dma_start3A_193 = tpu.memref_squeeze %dma_start3A_192 : memref<1x128xi32, #tpu.memory_space<vmem>> -> memref<128xi32, #tpu.memory_space<vmem>>
      %dma_start3A_194 = arith.constant 0 : i32
      %dma_start3A_195 = arith.constant 0 : i32
      %dma_start3A_196 = tpu.memref_slice %arg9[%dma_start3A_194, %dma_start3A_195] : memref<10240x32xf32, #tpu.memory_space<vmem_shared>> -> memref<10240x32xf32, #tpu.memory_space<vmem_shared>>
      tpu.enqueue_indirect_dma source(%dma_start3A_190 : memref<128x32xf32, #tpu.memory_space<vmem>>) target(%dma_start3A_196 : memref<10240x32xf32, #tpu.memory_space<vmem_shared>>) offsets(%dma_start3A_193 : memref<128xi32, #tpu.memory_space<vmem>>) semaphore(%arg10 : memref<!tpu.dma_semaphore, #tpu.memory_space<semaphore_mem>>) {add = true}
      %dma_start3A_197 = arith.constant 13 : i32
      %dma_start3A_198 = arith.constant 1664 : i32
      %dma_start3A_199 = arith.constant 0 : i32
      %dma_start3A_200 = tpu.memref_slice %arg7[%dma_start3A_198, %dma_start3A_199] : memref<2560x32xf32, #tpu.memory_space<vmem>> -> memref<128x32xf32, #tpu.memory_space<vmem>>
      %dma_start3A_201 = arith.constant 0 : i32
      %dma_start3A_202 = tpu.memref_slice %arg6[%dma_start3A_197, %dma_start3A_201] : memref<20x128xi32, #tpu.memory_space<vmem>> -> memref<1x128xi32, #tpu.memory_space<vmem>>
      %dma_start3A_203 = tpu.memref_squeeze %dma_start3A_202 : memref<1x128xi32, #tpu.memory_space<vmem>> -> memref<128xi32, #tpu.memory_space<vmem>>
      %dma_start3A_204 = arith.constant 0 : i32
      %dma_start3A_205 = arith.constant 0 : i32
      %dma_start3A_206 = tpu.memref_slice %arg9[%dma_start3A_204, %dma_start3A_205] : memref<10240x32xf32, #tpu.memory_space<vmem_shared>> -> memref<10240x32xf32, #tpu.memory_space<vmem_shared>>
      tpu.enqueue_indirect_dma source(%dma_start3A_200 : memref<128x32xf32, #tpu.memory_space<vmem>>) target(%dma_start3A_206 : memref<10240x32xf32, #tpu.memory_space<vmem_shared>>) offsets(%dma_start3A_203 : memref<128xi32, #tpu.memory_space<vmem>>) semaphore(%arg10 : memref<!tpu.dma_semaphore, #tpu.memory_space<semaphore_mem>>) {add = true}
      %dma_start3A_207 = arith.constant 14 : i32
      %dma_start3A_208 = arith.constant 1792 : i32
      %dma_start3A_209 = arith.constant 0 : i32
      %dma_start3A_210 = tpu.memref_slice %arg7[%dma_start3A_208, %dma_start3A_209] : memref<2560x32xf32, #tpu.memory_space<vmem>> -> memref<128x32xf32, #tpu.memory_space<vmem>>
      %dma_start3A_211 = arith.constant 0 : i32
      %dma_start3A_212 = tpu.memref_slice %arg6[%dma_start3A_207, %dma_start3A_211] : memref<20x128xi32, #tpu.memory_space<vmem>> -> memref<1x128xi32, #tpu.memory_space<vmem>>
      %dma_start3A_213 = tpu.memref_squeeze %dma_start3A_212 : memref<1x128xi32, #tpu.memory_space<vmem>> -> memref<128xi32, #tpu.memory_space<vmem>>
      %dma_start3A_214 = arith.constant 0 : i32
      %dma_start3A_215 = arith.constant 0 : i32
      %dma_start3A_216 = tpu.memref_slice %arg9[%dma_start3A_214, %dma_start3A_215] : memref<10240x32xf32, #tpu.memory_space<vmem_shared>> -> memref<10240x32xf32, #tpu.memory_space<vmem_shared>>
      tpu.enqueue_indirect_dma source(%dma_start3A_210 : memref<128x32xf32, #tpu.memory_space<vmem>>) target(%dma_start3A_216 : memref<10240x32xf32, #tpu.memory_space<vmem_shared>>) offsets(%dma_start3A_213 : memref<128xi32, #tpu.memory_space<vmem>>) semaphore(%arg10 : memref<!tpu.dma_semaphore, #tpu.memory_space<semaphore_mem>>) {add = true}
      %dma_start3A_217 = arith.constant 15 : i32
      %dma_start3A_218 = arith.constant 1920 : i32
      %dma_start3A_219 = arith.constant 0 : i32
      %dma_start3A_220 = tpu.memref_slice %arg7[%dma_start3A_218, %dma_start3A_219] : memref<2560x32xf32, #tpu.memory_space<vmem>> -> memref<128x32xf32, #tpu.memory_space<vmem>>
      %dma_start3A_221 = arith.constant 0 : i32
      %dma_start3A_222 = tpu.memref_slice %arg6[%dma_start3A_217, %dma_start3A_221] : memref<20x128xi32, #tpu.memory_space<vmem>> -> memref<1x128xi32, #tpu.memory_space<vmem>>
      %dma_start3A_223 = tpu.memref_squeeze %dma_start3A_222 : memref<1x128xi32, #tpu.memory_space<vmem>> -> memref<128xi32, #tpu.memory_space<vmem>>
      %dma_start3A_224 = arith.constant 0 : i32
      %dma_start3A_225 = arith.constant 0 : i32
      %dma_start3A_226 = tpu.memref_slice %arg9[%dma_start3A_224, %dma_start3A_225] : memref<10240x32xf32, #tpu.memory_space<vmem_shared>> -> memref<10240x32xf32, #tpu.memory_space<vmem_shared>>
      tpu.enqueue_indirect_dma source(%dma_start3A_220 : memref<128x32xf32, #tpu.memory_space<vmem>>) target(%dma_start3A_226 : memref<10240x32xf32, #tpu.memory_space<vmem_shared>>) offsets(%dma_start3A_223 : memref<128xi32, #tpu.memory_space<vmem>>) semaphore(%arg10 : memref<!tpu.dma_semaphore, #tpu.memory_space<semaphore_mem>>) {add = true}
      %dma_start3A_227 = arith.constant 16 : i32
      %dma_start3A_228 = arith.constant 2048 : i32
      %dma_start3A_229 = arith.constant 0 : i32
      %dma_start3A_230 = tpu.memref_slice %arg7[%dma_start3A_228, %dma_start3A_229] : memref<2560x32xf32, #tpu.memory_space<vmem>> -> memref<128x32xf32, #tpu.memory_space<vmem>>
      %dma_start3A_231 = arith.constant 0 : i32
      %dma_start3A_232 = tpu.memref_slice %arg6[%dma_start3A_227, %dma_start3A_231] : memref<20x128xi32, #tpu.memory_space<vmem>> -> memref<1x128xi32, #tpu.memory_space<vmem>>
      %dma_start3A_233 = tpu.memref_squeeze %dma_start3A_232 : memref<1x128xi32, #tpu.memory_space<vmem>> -> memref<128xi32, #tpu.memory_space<vmem>>
      %dma_start3A_234 = arith.constant 0 : i32
      %dma_start3A_235 = arith.constant 0 : i32
      %dma_start3A_236 = tpu.memref_slice %arg9[%dma_start3A_234, %dma_start3A_235] : memref<10240x32xf32, #tpu.memory_space<vmem_shared>> -> memref<10240x32xf32, #tpu.memory_space<vmem_shared>>
      tpu.enqueue_indirect_dma source(%dma_start3A_230 : memref<128x32xf32, #tpu.memory_space<vmem>>) target(%dma_start3A_236 : memref<10240x32xf32, #tpu.memory_space<vmem_shared>>) offsets(%dma_start3A_233 : memref<128xi32, #tpu.memory_space<vmem>>) semaphore(%arg10 : memref<!tpu.dma_semaphore, #tpu.memory_space<semaphore_mem>>) {add = true}
      %dma_start3A_237 = arith.constant 17 : i32
      %dma_start3A_238 = arith.constant 2176 : i32
      %dma_start3A_239 = arith.constant 0 : i32
      %dma_start3A_240 = tpu.memref_slice %arg7[%dma_start3A_238, %dma_start3A_239] : memref<2560x32xf32, #tpu.memory_space<vmem>> -> memref<128x32xf32, #tpu.memory_space<vmem>>
      %dma_start3A_241 = arith.constant 0 : i32
      %dma_start3A_242 = tpu.memref_slice %arg6[%dma_start3A_237, %dma_start3A_241] : memref<20x128xi32, #tpu.memory_space<vmem>> -> memref<1x128xi32, #tpu.memory_space<vmem>>
      %dma_start3A_243 = tpu.memref_squeeze %dma_start3A_242 : memref<1x128xi32, #tpu.memory_space<vmem>> -> memref<128xi32, #tpu.memory_space<vmem>>
      %dma_start3A_244 = arith.constant 0 : i32
      %dma_start3A_245 = arith.constant 0 : i32
      %dma_start3A_246 = tpu.memref_slice %arg9[%dma_start3A_244, %dma_start3A_245] : memref<10240x32xf32, #tpu.memory_space<vmem_shared>> -> memref<10240x32xf32, #tpu.memory_space<vmem_shared>>
      tpu.enqueue_indirect_dma source(%dma_start3A_240 : memref<128x32xf32, #tpu.memory_space<vmem>>) target(%dma_start3A_246 : memref<10240x32xf32, #tpu.memory_space<vmem_shared>>) offsets(%dma_start3A_243 : memref<128xi32, #tpu.memory_space<vmem>>) semaphore(%arg10 : memref<!tpu.dma_semaphore, #tpu.memory_space<semaphore_mem>>) {add = true}
      %dma_start3A_247 = arith.constant 18 : i32
      %dma_start3A_248 = arith.constant 2304 : i32
      %dma_start3A_249 = arith.constant 0 : i32
      %dma_start3A_250 = tpu.memref_slice %arg7[%dma_start3A_248, %dma_start3A_249] : memref<2560x32xf32, #tpu.memory_space<vmem>> -> memref<128x32xf32, #tpu.memory_space<vmem>>
      %dma_start3A_251 = arith.constant 0 : i32
      %dma_start3A_252 = tpu.memref_slice %arg6[%dma_start3A_247, %dma_start3A_251] : memref<20x128xi32, #tpu.memory_space<vmem>> -> memref<1x128xi32, #tpu.memory_space<vmem>>
      %dma_start3A_253 = tpu.memref_squeeze %dma_start3A_252 : memref<1x128xi32, #tpu.memory_space<vmem>> -> memref<128xi32, #tpu.memory_space<vmem>>
      %dma_start3A_254 = arith.constant 0 : i32
      %dma_start3A_255 = arith.constant 0 : i32
      %dma_start3A_256 = tpu.memref_slice %arg9[%dma_start3A_254, %dma_start3A_255] : memref<10240x32xf32, #tpu.memory_space<vmem_shared>> -> memref<10240x32xf32, #tpu.memory_space<vmem_shared>>
      tpu.enqueue_indirect_dma source(%dma_start3A_250 : memref<128x32xf32, #tpu.memory_space<vmem>>) target(%dma_start3A_256 : memref<10240x32xf32, #tpu.memory_space<vmem_shared>>) offsets(%dma_start3A_253 : memref<128xi32, #tpu.memory_space<vmem>>) semaphore(%arg10 : memref<!tpu.dma_semaphore, #tpu.memory_space<semaphore_mem>>) {add = true}
      %dma_start3A_257 = arith.constant 19 : i32
      %dma_start3A_258 = arith.constant 2432 : i32
      %dma_start3A_259 = arith.constant 0 : i32
      %dma_start3A_260 = tpu.memref_slice %arg7[%dma_start3A_258, %dma_start3A_259] : memref<2560x32xf32, #tpu.memory_space<vmem>> -> memref<128x32xf32, #tpu.memory_space<vmem>>
      %dma_start3A_261 = arith.constant 0 : i32
      %dma_start3A_262 = tpu.memref_slice %arg6[%dma_start3A_257, %dma_start3A_261] : memref<20x128xi32, #tpu.memory_space<vmem>> -> memref<1x128xi32, #tpu.memory_space<vmem>>
      %dma_start3A_263 = tpu.memref_squeeze %dma_start3A_262 : memref<1x128xi32, #tpu.memory_space<vmem>> -> memref<128xi32, #tpu.memory_space<vmem>>
      %dma_start3A_264 = arith.constant 0 : i32
      %dma_start3A_265 = arith.constant 0 : i32
      %dma_start3A_266 = tpu.memref_slice %arg9[%dma_start3A_264, %dma_start3A_265] : memref<10240x32xf32, #tpu.memory_space<vmem_shared>> -> memref<10240x32xf32, #tpu.memory_space<vmem_shared>>
      tpu.enqueue_indirect_dma source(%dma_start3A_260 : memref<128x32xf32, #tpu.memory_space<vmem>>) target(%dma_start3A_266 : memref<10240x32xf32, #tpu.memory_space<vmem_shared>>) offsets(%dma_start3A_263 : memref<128xi32, #tpu.memory_space<vmem>>) semaphore(%arg10 : memref<!tpu.dma_semaphore, #tpu.memory_space<semaphore_mem>>) {add = true}
      %dma_wait3A_267 = arith.constant 5 : i32
      %dma_wait3A_268 = arith.constant 640 : i32
      %dma_wait3A_269 = arith.constant 0 : i32
      %dma_wait3A_270 = tpu.memref_slice %arg7[%dma_wait3A_268, %dma_wait3A_269] : memref<2560x32xf32, #tpu.memory_space<vmem>> -> memref<128x32xf32, #tpu.memory_space<vmem>>
      %dma_wait3A_271 = arith.constant 0 : i32
      %dma_wait3A_272 = tpu.memref_slice %arg6[%dma_wait3A_267, %dma_wait3A_271] : memref<20x128xi32, #tpu.memory_space<vmem>> -> memref<1x128xi32, #tpu.memory_space<vmem>>
      %dma_wait3A_273 = tpu.memref_squeeze %dma_wait3A_272 : memref<1x128xi32, #tpu.memory_space<vmem>> -> memref<128xi32, #tpu.memory_space<vmem>>
      %dma_wait3A_274 = arith.constant 0 : i32
      %dma_wait3A_275 = arith.constant 0 : i32
      %dma_wait3A_276 = tpu.memref_slice %arg9[%dma_wait3A_274, %dma_wait3A_275] : memref<10240x32xf32, #tpu.memory_space<vmem_shared>> -> memref<10240x32xf32, #tpu.memory_space<vmem_shared>>
      tpu.wait_indirect_dma semaphore(%arg10 : memref<!tpu.dma_semaphore, #tpu.memory_space<semaphore_mem>>) src(%dma_wait3A_270 : memref<128x32xf32, #tpu.memory_space<vmem>>) dst(%dma_wait3A_276 : memref<10240x32xf32, #tpu.memory_space<vmem_shared>>)
      %dma_wait3A_277 = arith.constant 6 : i32
      %dma_wait3A_278 = arith.constant 768 : i32
      %dma_wait3A_279 = arith.constant 0 : i32
      %dma_wait3A_280 = tpu.memref_slice %arg7[%dma_wait3A_278, %dma_wait3A_279] : memref<2560x32xf32, #tpu.memory_space<vmem>> -> memref<128x32xf32, #tpu.memory_space<vmem>>
      %dma_wait3A_281 = arith.constant 0 : i32
      %dma_wait3A_282 = tpu.memref_slice %arg6[%dma_wait3A_277, %dma_wait3A_281] : memref<20x128xi32, #tpu.memory_space<vmem>> -> memref<1x128xi32, #tpu.memory_space<vmem>>
      %dma_wait3A_283 = tpu.memref_squeeze %dma_wait3A_282 : memref<1x128xi32, #tpu.memory_space<vmem>> -> memref<128xi32, #tpu.memory_space<vmem>>
      %dma_wait3A_284 = arith.constant 0 : i32
      %dma_wait3A_285 = arith.constant 0 : i32
      %dma_wait3A_286 = tpu.memref_slice %arg9[%dma_wait3A_284, %dma_wait3A_285] : memref<10240x32xf32, #tpu.memory_space<vmem_shared>> -> memref<10240x32xf32, #tpu.memory_space<vmem_shared>>
      tpu.wait_indirect_dma semaphore(%arg10 : memref<!tpu.dma_semaphore, #tpu.memory_space<semaphore_mem>>) src(%dma_wait3A_280 : memref<128x32xf32, #tpu.memory_space<vmem>>) dst(%dma_wait3A_286 : memref<10240x32xf32, #tpu.memory_space<vmem_shared>>)
      %dma_wait3A_287 = arith.constant 7 : i32
      %dma_wait3A_288 = arith.constant 896 : i32
      %dma_wait3A_289 = arith.constant 0 : i32
      %dma_wait3A_290 = tpu.memref_slice %arg7[%dma_wait3A_288, %dma_wait3A_289] : memref<2560x32xf32, #tpu.memory_space<vmem>> -> memref<128x32xf32, #tpu.memory_space<vmem>>
      %dma_wait3A_291 = arith.constant 0 : i32
      %dma_wait3A_292 = tpu.memref_slice %arg6[%dma_wait3A_287, %dma_wait3A_291] : memref<20x128xi32, #tpu.memory_space<vmem>> -> memref<1x128xi32, #tpu.memory_space<vmem>>
      %dma_wait3A_293 = tpu.memref_squeeze %dma_wait3A_292 : memref<1x128xi32, #tpu.memory_space<vmem>> -> memref<128xi32, #tpu.memory_space<vmem>>
      %dma_wait3A_294 = arith.constant 0 : i32
      %dma_wait3A_295 = arith.constant 0 : i32
      %dma_wait3A_296 = tpu.memref_slice %arg9[%dma_wait3A_294, %dma_wait3A_295] : memref<10240x32xf32, #tpu.memory_space<vmem_shared>> -> memref<10240x32xf32, #tpu.memory_space<vmem_shared>>
      tpu.wait_indirect_dma semaphore(%arg10 : memref<!tpu.dma_semaphore, #tpu.memory_space<semaphore_mem>>) src(%dma_wait3A_290 : memref<128x32xf32, #tpu.memory_space<vmem>>) dst(%dma_wait3A_296 : memref<10240x32xf32, #tpu.memory_space<vmem_shared>>)
      %dma_wait3A_297 = arith.constant 8 : i32
      %dma_wait3A_298 = arith.constant 1024 : i32
      %dma_wait3A_299 = arith.constant 0 : i32
      %dma_wait3A_300 = tpu.memref_slice %arg7[%dma_wait3A_298, %dma_wait3A_299] : memref<2560x32xf32, #tpu.memory_space<vmem>> -> memref<128x32xf32, #tpu.memory_space<vmem>>
      %dma_wait3A_301 = arith.constant 0 : i32
      %dma_wait3A_302 = tpu.memref_slice %arg6[%dma_wait3A_297, %dma_wait3A_301] : memref<20x128xi32, #tpu.memory_space<vmem>> -> memref<1x128xi32, #tpu.memory_space<vmem>>
      %dma_wait3A_303 = tpu.memref_squeeze %dma_wait3A_302 : memref<1x128xi32, #tpu.memory_space<vmem>> -> memref<128xi32, #tpu.memory_space<vmem>>
      %dma_wait3A_304 = arith.constant 0 : i32
      %dma_wait3A_305 = arith.constant 0 : i32
      %dma_wait3A_306 = tpu.memref_slice %arg9[%dma_wait3A_304, %dma_wait3A_305] : memref<10240x32xf32, #tpu.memory_space<vmem_shared>> -> memref<10240x32xf32, #tpu.memory_space<vmem_shared>>
      tpu.wait_indirect_dma semaphore(%arg10 : memref<!tpu.dma_semaphore, #tpu.memory_space<semaphore_mem>>) src(%dma_wait3A_300 : memref<128x32xf32, #tpu.memory_space<vmem>>) dst(%dma_wait3A_306 : memref<10240x32xf32, #tpu.memory_space<vmem_shared>>)
      %dma_wait3A_307 = arith.constant 9 : i32
      %dma_wait3A_308 = arith.constant 1152 : i32
      %dma_wait3A_309 = arith.constant 0 : i32
      %dma_wait3A_310 = tpu.memref_slice %arg7[%dma_wait3A_308, %dma_wait3A_309] : memref<2560x32xf32, #tpu.memory_space<vmem>> -> memref<128x32xf32, #tpu.memory_space<vmem>>
      %dma_wait3A_311 = arith.constant 0 : i32
      %dma_wait3A_312 = tpu.memref_slice %arg6[%dma_wait3A_307, %dma_wait3A_311] : memref<20x128xi32, #tpu.memory_space<vmem>> -> memref<1x128xi32, #tpu.memory_space<vmem>>
      %dma_wait3A_313 = tpu.memref_squeeze %dma_wait3A_312 : memref<1x128xi32, #tpu.memory_space<vmem>> -> memref<128xi32, #tpu.memory_space<vmem>>
      %dma_wait3A_314 = arith.constant 0 : i32
      %dma_wait3A_315 = arith.constant 0 : i32
      %dma_wait3A_316 = tpu.memref_slice %arg9[%dma_wait3A_314, %dma_wait3A_315] : memref<10240x32xf32, #tpu.memory_space<vmem_shared>> -> memref<10240x32xf32, #tpu.memory_space<vmem_shared>>
      tpu.wait_indirect_dma semaphore(%arg10 : memref<!tpu.dma_semaphore, #tpu.memory_space<semaphore_mem>>) src(%dma_wait3A_310 : memref<128x32xf32, #tpu.memory_space<vmem>>) dst(%dma_wait3A_316 : memref<10240x32xf32, #tpu.memory_space<vmem_shared>>)
      %dma_wait3A_317 = arith.constant 10 : i32
      %dma_wait3A_318 = arith.constant 1280 : i32
      %dma_wait3A_319 = arith.constant 0 : i32
      %dma_wait3A_320 = tpu.memref_slice %arg7[%dma_wait3A_318, %dma_wait3A_319] : memref<2560x32xf32, #tpu.memory_space<vmem>> -> memref<128x32xf32, #tpu.memory_space<vmem>>
      %dma_wait3A_321 = arith.constant 0 : i32
      %dma_wait3A_322 = tpu.memref_slice %arg6[%dma_wait3A_317, %dma_wait3A_321] : memref<20x128xi32, #tpu.memory_space<vmem>> -> memref<1x128xi32, #tpu.memory_space<vmem>>
      %dma_wait3A_323 = tpu.memref_squeeze %dma_wait3A_322 : memref<1x128xi32, #tpu.memory_space<vmem>> -> memref<128xi32, #tpu.memory_space<vmem>>
      %dma_wait3A_324 = arith.constant 0 : i32
      %dma_wait3A_325 = arith.constant 0 : i32
      %dma_wait3A_326 = tpu.memref_slice %arg9[%dma_wait3A_324, %dma_wait3A_325] : memref<10240x32xf32, #tpu.memory_space<vmem_shared>> -> memref<10240x32xf32, #tpu.memory_space<vmem_shared>>
      tpu.wait_indirect_dma semaphore(%arg10 : memref<!tpu.dma_semaphore, #tpu.memory_space<semaphore_mem>>) src(%dma_wait3A_320 : memref<128x32xf32, #tpu.memory_space<vmem>>) dst(%dma_wait3A_326 : memref<10240x32xf32, #tpu.memory_space<vmem_shared>>)
      %dma_wait3A_327 = arith.constant 11 : i32
      %dma_wait3A_328 = arith.constant 1408 : i32
      %dma_wait3A_329 = arith.constant 0 : i32
      %dma_wait3A_330 = tpu.memref_slice %arg7[%dma_wait3A_328, %dma_wait3A_329] : memref<2560x32xf32, #tpu.memory_space<vmem>> -> memref<128x32xf32, #tpu.memory_space<vmem>>
      %dma_wait3A_331 = arith.constant 0 : i32
      %dma_wait3A_332 = tpu.memref_slice %arg6[%dma_wait3A_327, %dma_wait3A_331] : memref<20x128xi32, #tpu.memory_space<vmem>> -> memref<1x128xi32, #tpu.memory_space<vmem>>
      %dma_wait3A_333 = tpu.memref_squeeze %dma_wait3A_332 : memref<1x128xi32, #tpu.memory_space<vmem>> -> memref<128xi32, #tpu.memory_space<vmem>>
      %dma_wait3A_334 = arith.constant 0 : i32
      %dma_wait3A_335 = arith.constant 0 : i32
      %dma_wait3A_336 = tpu.memref_slice %arg9[%dma_wait3A_334, %dma_wait3A_335] : memref<10240x32xf32, #tpu.memory_space<vmem_shared>> -> memref<10240x32xf32, #tpu.memory_space<vmem_shared>>
      tpu.wait_indirect_dma semaphore(%arg10 : memref<!tpu.dma_semaphore, #tpu.memory_space<semaphore_mem>>) src(%dma_wait3A_330 : memref<128x32xf32, #tpu.memory_space<vmem>>) dst(%dma_wait3A_336 : memref<10240x32xf32, #tpu.memory_space<vmem_shared>>)
      %dma_wait3A_337 = arith.constant 12 : i32
      %dma_wait3A_338 = arith.constant 1536 : i32
      %dma_wait3A_339 = arith.constant 0 : i32
      %dma_wait3A_340 = tpu.memref_slice %arg7[%dma_wait3A_338, %dma_wait3A_339] : memref<2560x32xf32, #tpu.memory_space<vmem>> -> memref<128x32xf32, #tpu.memory_space<vmem>>
      %dma_wait3A_341 = arith.constant 0 : i32
      %dma_wait3A_342 = tpu.memref_slice %arg6[%dma_wait3A_337, %dma_wait3A_341] : memref<20x128xi32, #tpu.memory_space<vmem>> -> memref<1x128xi32, #tpu.memory_space<vmem>>
      %dma_wait3A_343 = tpu.memref_squeeze %dma_wait3A_342 : memref<1x128xi32, #tpu.memory_space<vmem>> -> memref<128xi32, #tpu.memory_space<vmem>>
      %dma_wait3A_344 = arith.constant 0 : i32
      %dma_wait3A_345 = arith.constant 0 : i32
      %dma_wait3A_346 = tpu.memref_slice %arg9[%dma_wait3A_344, %dma_wait3A_345] : memref<10240x32xf32, #tpu.memory_space<vmem_shared>> -> memref<10240x32xf32, #tpu.memory_space<vmem_shared>>
      tpu.wait_indirect_dma semaphore(%arg10 : memref<!tpu.dma_semaphore, #tpu.memory_space<semaphore_mem>>) src(%dma_wait3A_340 : memref<128x32xf32, #tpu.memory_space<vmem>>) dst(%dma_wait3A_346 : memref<10240x32xf32, #tpu.memory_space<vmem_shared>>)
      %dma_wait3A_347 = arith.constant 13 : i32
      %dma_wait3A_348 = arith.constant 1664 : i32
      %dma_wait3A_349 = arith.constant 0 : i32
      %dma_wait3A_350 = tpu.memref_slice %arg7[%dma_wait3A_348, %dma_wait3A_349] : memref<2560x32xf32, #tpu.memory_space<vmem>> -> memref<128x32xf32, #tpu.memory_space<vmem>>
      %dma_wait3A_351 = arith.constant 0 : i32
      %dma_wait3A_352 = tpu.memref_slice %arg6[%dma_wait3A_347, %dma_wait3A_351] : memref<20x128xi32, #tpu.memory_space<vmem>> -> memref<1x128xi32, #tpu.memory_space<vmem>>
      %dma_wait3A_353 = tpu.memref_squeeze %dma_wait3A_352 : memref<1x128xi32, #tpu.memory_space<vmem>> -> memref<128xi32, #tpu.memory_space<vmem>>
      %dma_wait3A_354 = arith.constant 0 : i32
      %dma_wait3A_355 = arith.constant 0 : i32
      %dma_wait3A_356 = tpu.memref_slice %arg9[%dma_wait3A_354, %dma_wait3A_355] : memref<10240x32xf32, #tpu.memory_space<vmem_shared>> -> memref<10240x32xf32, #tpu.memory_space<vmem_shared>>
      tpu.wait_indirect_dma semaphore(%arg10 : memref<!tpu.dma_semaphore, #tpu.memory_space<semaphore_mem>>) src(%dma_wait3A_350 : memref<128x32xf32, #tpu.memory_space<vmem>>) dst(%dma_wait3A_356 : memref<10240x32xf32, #tpu.memory_space<vmem_shared>>)
      %dma_wait3A_357 = arith.constant 14 : i32
      %dma_wait3A_358 = arith.constant 1792 : i32
      %dma_wait3A_359 = arith.constant 0 : i32
      %dma_wait3A_360 = tpu.memref_slice %arg7[%dma_wait3A_358, %dma_wait3A_359] : memref<2560x32xf32, #tpu.memory_space<vmem>> -> memref<128x32xf32, #tpu.memory_space<vmem>>
      %dma_wait3A_361 = arith.constant 0 : i32
      %dma_wait3A_362 = tpu.memref_slice %arg6[%dma_wait3A_357, %dma_wait3A_361] : memref<20x128xi32, #tpu.memory_space<vmem>> -> memref<1x128xi32, #tpu.memory_space<vmem>>
      %dma_wait3A_363 = tpu.memref_squeeze %dma_wait3A_362 : memref<1x128xi32, #tpu.memory_space<vmem>> -> memref<128xi32, #tpu.memory_space<vmem>>
      %dma_wait3A_364 = arith.constant 0 : i32
      %dma_wait3A_365 = arith.constant 0 : i32
      %dma_wait3A_366 = tpu.memref_slice %arg9[%dma_wait3A_364, %dma_wait3A_365] : memref<10240x32xf32, #tpu.memory_space<vmem_shared>> -> memref<10240x32xf32, #tpu.memory_space<vmem_shared>>
      tpu.wait_indirect_dma semaphore(%arg10 : memref<!tpu.dma_semaphore, #tpu.memory_space<semaphore_mem>>) src(%dma_wait3A_360 : memref<128x32xf32, #tpu.memory_space<vmem>>) dst(%dma_wait3A_366 : memref<10240x32xf32, #tpu.memory_space<vmem_shared>>)
      %dma_wait3A_367 = arith.constant 15 : i32
      %dma_wait3A_368 = arith.constant 1920 : i32
      %dma_wait3A_369 = arith.constant 0 : i32
      %dma_wait3A_370 = tpu.memref_slice %arg7[%dma_wait3A_368, %dma_wait3A_369] : memref<2560x32xf32, #tpu.memory_space<vmem>> -> memref<128x32xf32, #tpu.memory_space<vmem>>
      %dma_wait3A_371 = arith.constant 0 : i32
      %dma_wait3A_372 = tpu.memref_slice %arg6[%dma_wait3A_367, %dma_wait3A_371] : memref<20x128xi32, #tpu.memory_space<vmem>> -> memref<1x128xi32, #tpu.memory_space<vmem>>
      %dma_wait3A_373 = tpu.memref_squeeze %dma_wait3A_372 : memref<1x128xi32, #tpu.memory_space<vmem>> -> memref<128xi32, #tpu.memory_space<vmem>>
      %dma_wait3A_374 = arith.constant 0 : i32
      %dma_wait3A_375 = arith.constant 0 : i32
      %dma_wait3A_376 = tpu.memref_slice %arg9[%dma_wait3A_374, %dma_wait3A_375] : memref<10240x32xf32, #tpu.memory_space<vmem_shared>> -> memref<10240x32xf32, #tpu.memory_space<vmem_shared>>
      tpu.wait_indirect_dma semaphore(%arg10 : memref<!tpu.dma_semaphore, #tpu.memory_space<semaphore_mem>>) src(%dma_wait3A_370 : memref<128x32xf32, #tpu.memory_space<vmem>>) dst(%dma_wait3A_376 : memref<10240x32xf32, #tpu.memory_space<vmem_shared>>)
      %dma_wait3A_377 = arith.constant 16 : i32
      %dma_wait3A_378 = arith.constant 2048 : i32
      %dma_wait3A_379 = arith.constant 0 : i32
      %dma_wait3A_380 = tpu.memref_slice %arg7[%dma_wait3A_378, %dma_wait3A_379] : memref<2560x32xf32, #tpu.memory_space<vmem>> -> memref<128x32xf32, #tpu.memory_space<vmem>>
      %dma_wait3A_381 = arith.constant 0 : i32
      %dma_wait3A_382 = tpu.memref_slice %arg6[%dma_wait3A_377, %dma_wait3A_381] : memref<20x128xi32, #tpu.memory_space<vmem>> -> memref<1x128xi32, #tpu.memory_space<vmem>>
      %dma_wait3A_383 = tpu.memref_squeeze %dma_wait3A_382 : memref<1x128xi32, #tpu.memory_space<vmem>> -> memref<128xi32, #tpu.memory_space<vmem>>
      %dma_wait3A_384 = arith.constant 0 : i32
      %dma_wait3A_385 = arith.constant 0 : i32
      %dma_wait3A_386 = tpu.memref_slice %arg9[%dma_wait3A_384, %dma_wait3A_385] : memref<10240x32xf32, #tpu.memory_space<vmem_shared>> -> memref<10240x32xf32, #tpu.memory_space<vmem_shared>>
      tpu.wait_indirect_dma semaphore(%arg10 : memref<!tpu.dma_semaphore, #tpu.memory_space<semaphore_mem>>) src(%dma_wait3A_380 : memref<128x32xf32, #tpu.memory_space<vmem>>) dst(%dma_wait3A_386 : memref<10240x32xf32, #tpu.memory_space<vmem_shared>>)
      %dma_wait3A_387 = arith.constant 17 : i32
      %dma_wait3A_388 = arith.constant 2176 : i32
      %dma_wait3A_389 = arith.constant 0 : i32
      %dma_wait3A_390 = tpu.memref_slice %arg7[%dma_wait3A_388, %dma_wait3A_389] : memref<2560x32xf32, #tpu.memory_space<vmem>> -> memref<128x32xf32, #tpu.memory_space<vmem>>
      %dma_wait3A_391 = arith.constant 0 : i32
      %dma_wait3A_392 = tpu.memref_slice %arg6[%dma_wait3A_387, %dma_wait3A_391] : memref<20x128xi32, #tpu.memory_space<vmem>> -> memref<1x128xi32, #tpu.memory_space<vmem>>
      %dma_wait3A_393 = tpu.memref_squeeze %dma_wait3A_392 : memref<1x128xi32, #tpu.memory_space<vmem>> -> memref<128xi32, #tpu.memory_space<vmem>>
      %dma_wait3A_394 = arith.constant 0 : i32
      %dma_wait3A_395 = arith.constant 0 : i32
      %dma_wait3A_396 = tpu.memref_slice %arg9[%dma_wait3A_394, %dma_wait3A_395] : memref<10240x32xf32, #tpu.memory_space<vmem_shared>> -> memref<10240x32xf32, #tpu.memory_space<vmem_shared>>
      tpu.wait_indirect_dma semaphore(%arg10 : memref<!tpu.dma_semaphore, #tpu.memory_space<semaphore_mem>>) src(%dma_wait3A_390 : memref<128x32xf32, #tpu.memory_space<vmem>>) dst(%dma_wait3A_396 : memref<10240x32xf32, #tpu.memory_space<vmem_shared>>)
      %dma_wait3A_397 = arith.constant 18 : i32
      %dma_wait3A_398 = arith.constant 2304 : i32
      %dma_wait3A_399 = arith.constant 0 : i32
      %dma_wait3A_400 = tpu.memref_slice %arg7[%dma_wait3A_398, %dma_wait3A_399] : memref<2560x32xf32, #tpu.memory_space<vmem>> -> memref<128x32xf32, #tpu.memory_space<vmem>>
      %dma_wait3A_401 = arith.constant 0 : i32
      %dma_wait3A_402 = tpu.memref_slice %arg6[%dma_wait3A_397, %dma_wait3A_401] : memref<20x128xi32, #tpu.memory_space<vmem>> -> memref<1x128xi32, #tpu.memory_space<vmem>>
      %dma_wait3A_403 = tpu.memref_squeeze %dma_wait3A_402 : memref<1x128xi32, #tpu.memory_space<vmem>> -> memref<128xi32, #tpu.memory_space<vmem>>
      %dma_wait3A_404 = arith.constant 0 : i32
      %dma_wait3A_405 = arith.constant 0 : i32
      %dma_wait3A_406 = tpu.memref_slice %arg9[%dma_wait3A_404, %dma_wait3A_405] : memref<10240x32xf32, #tpu.memory_space<vmem_shared>> -> memref<10240x32xf32, #tpu.memory_space<vmem_shared>>
      tpu.wait_indirect_dma semaphore(%arg10 : memref<!tpu.dma_semaphore, #tpu.memory_space<semaphore_mem>>) src(%dma_wait3A_400 : memref<128x32xf32, #tpu.memory_space<vmem>>) dst(%dma_wait3A_406 : memref<10240x32xf32, #tpu.memory_space<vmem_shared>>)
      %dma_wait3A_407 = arith.constant 19 : i32
      %dma_wait3A_408 = arith.constant 2432 : i32
      %dma_wait3A_409 = arith.constant 0 : i32
      %dma_wait3A_410 = tpu.memref_slice %arg7[%dma_wait3A_408, %dma_wait3A_409] : memref<2560x32xf32, #tpu.memory_space<vmem>> -> memref<128x32xf32, #tpu.memory_space<vmem>>
      %dma_wait3A_411 = arith.constant 0 : i32
      %dma_wait3A_412 = tpu.memref_slice %arg6[%dma_wait3A_407, %dma_wait3A_411] : memref<20x128xi32, #tpu.memory_space<vmem>> -> memref<1x128xi32, #tpu.memory_space<vmem>>
      %dma_wait3A_413 = tpu.memref_squeeze %dma_wait3A_412 : memref<1x128xi32, #tpu.memory_space<vmem>> -> memref<128xi32, #tpu.memory_space<vmem>>
      %dma_wait3A_414 = arith.constant 0 : i32
      %dma_wait3A_415 = arith.constant 0 : i32
      %dma_wait3A_416 = tpu.memref_slice %arg9[%dma_wait3A_414, %dma_wait3A_415] : memref<10240x32xf32, #tpu.memory_space<vmem_shared>> -> memref<10240x32xf32, #tpu.memory_space<vmem_shared>>
      tpu.wait_indirect_dma semaphore(%arg10 : memref<!tpu.dma_semaphore, #tpu.memory_space<semaphore_mem>>) src(%dma_wait3A_410 : memref<128x32xf32, #tpu.memory_space<vmem>>) dst(%dma_wait3A_416 : memref<10240x32xf32, #tpu.memory_space<vmem_shared>>)
    } else {
    }
    %dma_wait3A = arith.constant 0 : i32
    %dma_wait3A_63 = arith.constant 0 : i32
    %dma_wait3A_64 = arith.constant 0 : i32
    %dma_wait3A_65 = tpu.memref_slice %arg7[%dma_wait3A_63, %dma_wait3A_64] : memref<2560x32xf32, #tpu.memory_space<vmem>> -> memref<128x32xf32, #tpu.memory_space<vmem>>
    %dma_wait3A_66 = arith.constant 0 : i32
    %dma_wait3A_67 = tpu.memref_slice %arg6[%dma_wait3A, %dma_wait3A_66] : memref<20x128xi32, #tpu.memory_space<vmem>> -> memref<1x128xi32, #tpu.memory_space<vmem>>
    %dma_wait3A_68 = tpu.memref_squeeze %dma_wait3A_67 : memref<1x128xi32, #tpu.memory_space<vmem>> -> memref<128xi32, #tpu.memory_space<vmem>>
    %dma_wait3A_69 = arith.constant 0 : i32
    %dma_wait3A_70 = arith.constant 0 : i32
    %dma_wait3A_71 = tpu.memref_slice %arg9[%dma_wait3A_69, %dma_wait3A_70] : memref<10240x32xf32, #tpu.memory_space<vmem_shared>> -> memref<10240x32xf32, #tpu.memory_space<vmem_shared>>
    tpu.wait_indirect_dma semaphore(%arg10 : memref<!tpu.dma_semaphore, #tpu.memory_space<semaphore_mem>>) src(%dma_wait3A_65 : memref<128x32xf32, #tpu.memory_space<vmem>>) dst(%dma_wait3A_71 : memref<10240x32xf32, #tpu.memory_space<vmem_shared>>)
    %dma_wait3A_72 = arith.constant 1 : i32
    %dma_wait3A_73 = arith.constant 128 : i32
    %dma_wait3A_74 = arith.constant 0 : i32
    %dma_wait3A_75 = tpu.memref_slice %arg7[%dma_wait3A_73, %dma_wait3A_74] : memref<2560x32xf32, #tpu.memory_space<vmem>> -> memref<128x32xf32, #tpu.memory_space<vmem>>
    %dma_wait3A_76 = arith.constant 0 : i32
    %dma_wait3A_77 = tpu.memref_slice %arg6[%dma_wait3A_72, %dma_wait3A_76] : memref<20x128xi32, #tpu.memory_space<vmem>> -> memref<1x128xi32, #tpu.memory_space<vmem>>
    %dma_wait3A_78 = tpu.memref_squeeze %dma_wait3A_77 : memref<1x128xi32, #tpu.memory_space<vmem>> -> memref<128xi32, #tpu.memory_space<vmem>>
    %dma_wait3A_79 = arith.constant 0 : i32
    %dma_wait3A_80 = arith.constant 0 : i32
    %dma_wait3A_81 = tpu.memref_slice %arg9[%dma_wait3A_79, %dma_wait3A_80] : memref<10240x32xf32, #tpu.memory_space<vmem_shared>> -> memref<10240x32xf32, #tpu.memory_space<vmem_shared>>
    tpu.wait_indirect_dma semaphore(%arg10 : memref<!tpu.dma_semaphore, #tpu.memory_space<semaphore_mem>>) src(%dma_wait3A_75 : memref<128x32xf32, #tpu.memory_space<vmem>>) dst(%dma_wait3A_81 : memref<10240x32xf32, #tpu.memory_space<vmem_shared>>)
    %dma_wait3A_82 = arith.constant 2 : i32
    %dma_wait3A_83 = arith.constant 256 : i32
    %dma_wait3A_84 = arith.constant 0 : i32
    %dma_wait3A_85 = tpu.memref_slice %arg7[%dma_wait3A_83, %dma_wait3A_84] : memref<2560x32xf32, #tpu.memory_space<vmem>> -> memref<128x32xf32, #tpu.memory_space<vmem>>
    %dma_wait3A_86 = arith.constant 0 : i32
    %dma_wait3A_87 = tpu.memref_slice %arg6[%dma_wait3A_82, %dma_wait3A_86] : memref<20x128xi32, #tpu.memory_space<vmem>> -> memref<1x128xi32, #tpu.memory_space<vmem>>
    %dma_wait3A_88 = tpu.memref_squeeze %dma_wait3A_87 : memref<1x128xi32, #tpu.memory_space<vmem>> -> memref<128xi32, #tpu.memory_space<vmem>>
    %dma_wait3A_89 = arith.constant 0 : i32
    %dma_wait3A_90 = arith.constant 0 : i32
    %dma_wait3A_91 = tpu.memref_slice %arg9[%dma_wait3A_89, %dma_wait3A_90] : memref<10240x32xf32, #tpu.memory_space<vmem_shared>> -> memref<10240x32xf32, #tpu.memory_space<vmem_shared>>
    tpu.wait_indirect_dma semaphore(%arg10 : memref<!tpu.dma_semaphore, #tpu.memory_space<semaphore_mem>>) src(%dma_wait3A_85 : memref<128x32xf32, #tpu.memory_space<vmem>>) dst(%dma_wait3A_91 : memref<10240x32xf32, #tpu.memory_space<vmem_shared>>)
    %dma_wait3A_92 = arith.constant 3 : i32
    %dma_wait3A_93 = arith.constant 384 : i32
    %dma_wait3A_94 = arith.constant 0 : i32
    %dma_wait3A_95 = tpu.memref_slice %arg7[%dma_wait3A_93, %dma_wait3A_94] : memref<2560x32xf32, #tpu.memory_space<vmem>> -> memref<128x32xf32, #tpu.memory_space<vmem>>
    %dma_wait3A_96 = arith.constant 0 : i32
    %dma_wait3A_97 = tpu.memref_slice %arg6[%dma_wait3A_92, %dma_wait3A_96] : memref<20x128xi32, #tpu.memory_space<vmem>> -> memref<1x128xi32, #tpu.memory_space<vmem>>
    %dma_wait3A_98 = tpu.memref_squeeze %dma_wait3A_97 : memref<1x128xi32, #tpu.memory_space<vmem>> -> memref<128xi32, #tpu.memory_space<vmem>>
    %dma_wait3A_99 = arith.constant 0 : i32
    %dma_wait3A_100 = arith.constant 0 : i32
    %dma_wait3A_101 = tpu.memref_slice %arg9[%dma_wait3A_99, %dma_wait3A_100] : memref<10240x32xf32, #tpu.memory_space<vmem_shared>> -> memref<10240x32xf32, #tpu.memory_space<vmem_shared>>
    tpu.wait_indirect_dma semaphore(%arg10 : memref<!tpu.dma_semaphore, #tpu.memory_space<semaphore_mem>>) src(%dma_wait3A_95 : memref<128x32xf32, #tpu.memory_space<vmem>>) dst(%dma_wait3A_101 : memref<10240x32xf32, #tpu.memory_space<vmem_shared>>)
    %dma_wait3A_102 = arith.constant 4 : i32
    %dma_wait3A_103 = arith.constant 512 : i32
    %dma_wait3A_104 = arith.constant 0 : i32
    %dma_wait3A_105 = tpu.memref_slice %arg7[%dma_wait3A_103, %dma_wait3A_104] : memref<2560x32xf32, #tpu.memory_space<vmem>> -> memref<128x32xf32, #tpu.memory_space<vmem>>
    %dma_wait3A_106 = arith.constant 0 : i32
    %dma_wait3A_107 = tpu.memref_slice %arg6[%dma_wait3A_102, %dma_wait3A_106] : memref<20x128xi32, #tpu.memory_space<vmem>> -> memref<1x128xi32, #tpu.memory_space<vmem>>
    %dma_wait3A_108 = tpu.memref_squeeze %dma_wait3A_107 : memref<1x128xi32, #tpu.memory_space<vmem>> -> memref<128xi32, #tpu.memory_space<vmem>>
    %dma_wait3A_109 = arith.constant 0 : i32
    %dma_wait3A_110 = arith.constant 0 : i32
    %dma_wait3A_111 = tpu.memref_slice %arg9[%dma_wait3A_109, %dma_wait3A_110] : memref<10240x32xf32, #tpu.memory_space<vmem_shared>> -> memref<10240x32xf32, #tpu.memory_space<vmem_shared>>
    tpu.wait_indirect_dma semaphore(%arg10 : memref<!tpu.dma_semaphore, #tpu.memory_space<semaphore_mem>>) src(%dma_wait3A_105 : memref<128x32xf32, #tpu.memory_space<vmem>>) dst(%dma_wait3A_111 : memref<10240x32xf32, #tpu.memory_space<vmem_shared>>)
    %barrier3A_112 = arith.constant 0 : index
    tpu.barrier barrier_id(%barrier3A_112)
    %mul3A_113 = arith.constant 640 : i32
    %mul3A_114 = arith.muli %arg1, %mul3A_113 : i32
    "tpu.region"() ({
      %run_scoped3A = tpu.sem_alloc : memref<!tpu.dma_semaphore, #tpu.memory_space<semaphore_mem>>
      %dma_start3A_117 = arith.constant 0 : i32
      %dma_start3A_118 = tpu.memref_slice %arg9[%mul3A_114, %dma_start3A_117] : memref<10240x32xf32, #tpu.memory_space<vmem_shared>> -> memref<640x32xf32, #tpu.memory_space<vmem_shared>>
      %dma_start3A_119 = arith.constant 0 : i32
      %dma_start3A_120 = tpu.memref_slice %arg9[%mul3A_114, %dma_start3A_119] : memref<10240x32xf32, #tpu.memory_space<vmem_shared>> -> memref<640x32xf32, #tpu.memory_space<vmem_shared>>
      tpu.enqueue_dma source(%dma_start3A_120 : memref<640x32xf32, #tpu.memory_space<vmem_shared>>) target(%arg8 : memref<640x32xf32, #tpu.memory_space<vmem>>) target_semaphore(%run_scoped3A : memref<!tpu.dma_semaphore, #tpu.memory_space<semaphore_mem>>)
      %dma_wait3A_121 = arith.constant 0 : i32
      %dma_wait3A_122 = tpu.memref_slice %arg9[%mul3A_114, %dma_wait3A_121] : memref<10240x32xf32, #tpu.memory_space<vmem_shared>> -> memref<640x32xf32, #tpu.memory_space<vmem_shared>>
      %dma_wait3A_123 = arith.constant 0 : i32
      %dma_wait3A_124 = tpu.memref_slice %arg9[%mul3A_114, %dma_wait3A_123] : memref<10240x32xf32, #tpu.memory_space<vmem_shared>> -> memref<640x32xf32, #tpu.memory_space<vmem_shared>>
      tpu.wait_dma2 semaphore(%run_scoped3A : memref<!tpu.dma_semaphore, #tpu.memory_space<semaphore_mem>>) src(%dma_wait3A_124 : memref<640x32xf32, #tpu.memory_space<vmem_shared>>) dst(%arg8 : memref<640x32xf32, #tpu.memory_space<vmem>>)
      tpu.yield
    }) : () -> ()
    %mul3A_115 = arith.constant 640 : i32
    %mul3A_116 = arith.muli %arg1, %mul3A_115 : i32
    "tpu.region"() ({
      %run_scoped3A = tpu.sem_alloc : memref<!tpu.dma_semaphore, #tpu.memory_space<semaphore_mem>>
      %dma_start3A_117 = arith.constant 0 : i32
      %dma_start3A_118 = tpu.memref_slice %arg5[%arg0, %mul3A_116, %dma_start3A_117] : memref<2x10240x32xf32, #tpu.memory_space<hbm>> -> memref<1x640x32xf32, #tpu.memory_space<hbm>>
      %dma_start3A_119 = tpu.memref_squeeze %dma_start3A_118 : memref<1x640x32xf32, #tpu.memory_space<hbm>> -> memref<640x32xf32, #tpu.memory_space<hbm>>
      %dma_start3A_120 = arith.constant 0 : i32
      %dma_start3A_121 = tpu.memref_slice %arg5[%arg0, %mul3A_116, %dma_start3A_120] : memref<2x10240x32xf32, #tpu.memory_space<hbm>> -> memref<1x640x32xf32, #tpu.memory_space<hbm>>
      %dma_start3A_122 = tpu.memref_squeeze %dma_start3A_121 : memref<1x640x32xf32, #tpu.memory_space<hbm>> -> memref<640x32xf32, #tpu.memory_space<hbm>>
      tpu.enqueue_dma source(%arg8 : memref<640x32xf32, #tpu.memory_space<vmem>>) target(%dma_start3A_122 : memref<640x32xf32, #tpu.memory_space<hbm>>) target_semaphore(%run_scoped3A : memref<!tpu.dma_semaphore, #tpu.memory_space<semaphore_mem>>)
      %dma_wait3A_123 = arith.constant 0 : i32
      %dma_wait3A_124 = tpu.memref_slice %arg5[%arg0, %mul3A_116, %dma_wait3A_123] : memref<2x10240x32xf32, #tpu.memory_space<hbm>> -> memref<1x640x32xf32, #tpu.memory_space<hbm>>
      %dma_wait3A_125 = tpu.memref_squeeze %dma_wait3A_124 : memref<1x640x32xf32, #tpu.memory_space<hbm>> -> memref<640x32xf32, #tpu.memory_space<hbm>>
      %dma_wait3A_126 = arith.constant 0 : i32
      %dma_wait3A_127 = tpu.memref_slice %arg5[%arg0, %mul3A_116, %dma_wait3A_126] : memref<2x10240x32xf32, #tpu.memory_space<hbm>> -> memref<1x640x32xf32, #tpu.memory_space<hbm>>
      %dma_wait3A_128 = tpu.memref_squeeze %dma_wait3A_127 : memref<1x640x32xf32, #tpu.memory_space<hbm>> -> memref<640x32xf32, #tpu.memory_space<hbm>>
      tpu.wait_dma2 semaphore(%run_scoped3A : memref<!tpu.dma_semaphore, #tpu.memory_space<semaphore_mem>>) src(%arg8 : memref<640x32xf32, #tpu.memory_space<vmem>>) dst(%dma_wait3A_128 : memref<640x32xf32, #tpu.memory_space<hbm>>)
      tpu.yield
    }) : () -> ()
    return
  }
}

#map = affine_map<(d0, d1) -> (0, 0)>
#map1 = affine_map<(d0, d1) -> (0, 0, 0)>
module attributes {stable_mosaic.version = 14 : i64} {
  func.func @k(%arg0: i32, %arg1: i32, %arg2: memref<10000x32xf32, #tpu.memory_space<hbm>>, %arg3: memref<32x20x128xi32, #tpu.memory_space<hbm>>, %arg4: memref<80000x32xf32, #tpu.memory_space<hbm>>, %arg5: memref<20x128xi32, #tpu.memory_space<vmem>>, %arg6: memref<2560x32xf32, #tpu.memory_space<vmem>>, %arg7: memref<!tpu.dma_semaphore, #tpu.memory_space<semaphore_mem>>) attributes {dimension_semantics = [#tpu.dimension_semantics<core_parallel>, #tpu.dimension_semantics<subcore_parallel>], iteration_bounds = array<i64: 2, 16>, scalar_prefetch = 0 : i64, scratch_operands = 3 : i64, tpu.core_type = #tpu.core_type<sc_vector_subcore>, window_params = [{transform_indices = #map}, {transform_indices = #map1}, {transform_indices = #map}]} {
    %mul3A = arith.constant 2 : i32
    %mul3A_0 = arith.muli %arg1, %mul3A : i32
    %add3A = arith.addi %mul3A_0, %arg0 : i32
    "tpu.region"() ({
      %run_scoped3A = tpu.sem_alloc : memref<!tpu.dma_semaphore, #tpu.memory_space<semaphore_mem>>
      %dma_start3A_108 = arith.constant 0 : i32
      %dma_start3A_109 = arith.constant 0 : i32
      %dma_start3A_110 = tpu.memref_slice %arg3[%add3A, %dma_start3A_108, %dma_start3A_109] : memref<32x20x128xi32, #tpu.memory_space<hbm>> -> memref<1x20x128xi32, #tpu.memory_space<hbm>>
      %dma_start3A_111 = tpu.memref_squeeze %dma_start3A_110 : memref<1x20x128xi32, #tpu.memory_space<hbm>> -> memref<20x128xi32, #tpu.memory_space<hbm>>
      %dma_start3A_112 = arith.constant 0 : i32
      %dma_start3A_113 = arith.constant 0 : i32
      %dma_start3A_114 = tpu.memref_slice %arg3[%add3A, %dma_start3A_112, %dma_start3A_113] : memref<32x20x128xi32, #tpu.memory_space<hbm>> -> memref<1x20x128xi32, #tpu.memory_space<hbm>>
      %dma_start3A_115 = tpu.memref_squeeze %dma_start3A_114 : memref<1x20x128xi32, #tpu.memory_space<hbm>> -> memref<20x128xi32, #tpu.memory_space<hbm>>
      tpu.enqueue_dma source(%dma_start3A_115 : memref<20x128xi32, #tpu.memory_space<hbm>>) target(%arg5 : memref<20x128xi32, #tpu.memory_space<vmem>>) target_semaphore(%run_scoped3A : memref<!tpu.dma_semaphore, #tpu.memory_space<semaphore_mem>>)
      %dma_wait3A_116 = arith.constant 0 : i32
      %dma_wait3A_117 = arith.constant 0 : i32
      %dma_wait3A_118 = tpu.memref_slice %arg3[%add3A, %dma_wait3A_116, %dma_wait3A_117] : memref<32x20x128xi32, #tpu.memory_space<hbm>> -> memref<1x20x128xi32, #tpu.memory_space<hbm>>
      %dma_wait3A_119 = tpu.memref_squeeze %dma_wait3A_118 : memref<1x20x128xi32, #tpu.memory_space<hbm>> -> memref<20x128xi32, #tpu.memory_space<hbm>>
      %dma_wait3A_120 = arith.constant 0 : i32
      %dma_wait3A_121 = arith.constant 0 : i32
      %dma_wait3A_122 = tpu.memref_slice %arg3[%add3A, %dma_wait3A_120, %dma_wait3A_121] : memref<32x20x128xi32, #tpu.memory_space<hbm>> -> memref<1x20x128xi32, #tpu.memory_space<hbm>>
      %dma_wait3A_123 = tpu.memref_squeeze %dma_wait3A_122 : memref<1x20x128xi32, #tpu.memory_space<hbm>> -> memref<20x128xi32, #tpu.memory_space<hbm>>
      tpu.wait_dma2 semaphore(%run_scoped3A : memref<!tpu.dma_semaphore, #tpu.memory_space<semaphore_mem>>) src(%dma_wait3A_123 : memref<20x128xi32, #tpu.memory_space<hbm>>) dst(%arg5 : memref<20x128xi32, #tpu.memory_space<vmem>>)
      tpu.yield
    }) : () -> ()
    %dma_start3A = arith.constant 0 : i32
    %dma_start3A_1 = arith.constant 0 : i32
    %dma_start3A_2 = arith.constant 0 : i32
    %dma_start3A_3 = tpu.memref_slice %arg6[%dma_start3A_1, %dma_start3A_2] : memref<2560x32xf32, #tpu.memory_space<vmem>> -> memref<128x32xf32, #tpu.memory_space<vmem>>
    %dma_start3A_4 = arith.constant 0 : i32
    %dma_start3A_5 = tpu.memref_slice %arg5[%dma_start3A, %dma_start3A_4] : memref<20x128xi32, #tpu.memory_space<vmem>> -> memref<1x128xi32, #tpu.memory_space<vmem>>
    %dma_start3A_6 = tpu.memref_squeeze %dma_start3A_5 : memref<1x128xi32, #tpu.memory_space<vmem>> -> memref<128xi32, #tpu.memory_space<vmem>>
    %dma_start3A_7 = arith.constant 0 : i32
    %dma_start3A_8 = arith.constant 0 : i32
    %dma_start3A_9 = tpu.memref_slice %arg2[%dma_start3A_7, %dma_start3A_8] : memref<10000x32xf32, #tpu.memory_space<hbm>> -> memref<10000x32xf32, #tpu.memory_space<hbm>>
    tpu.enqueue_indirect_dma source(%dma_start3A_9 : memref<10000x32xf32, #tpu.memory_space<hbm>>) target(%dma_start3A_3 : memref<128x32xf32, #tpu.memory_space<vmem>>) offsets(%dma_start3A_6 : memref<128xi32, #tpu.memory_space<vmem>>) semaphore(%arg7 : memref<!tpu.dma_semaphore, #tpu.memory_space<semaphore_mem>>)
    %dma_start3A_10 = arith.constant 1 : i32
    %dma_start3A_11 = arith.constant 128 : i32
    %dma_start3A_12 = arith.constant 0 : i32
    %dma_start3A_13 = tpu.memref_slice %arg6[%dma_start3A_11, %dma_start3A_12] : memref<2560x32xf32, #tpu.memory_space<vmem>> -> memref<128x32xf32, #tpu.memory_space<vmem>>
    %dma_start3A_14 = arith.constant 0 : i32
    %dma_start3A_15 = tpu.memref_slice %arg5[%dma_start3A_10, %dma_start3A_14] : memref<20x128xi32, #tpu.memory_space<vmem>> -> memref<1x128xi32, #tpu.memory_space<vmem>>
    %dma_start3A_16 = tpu.memref_squeeze %dma_start3A_15 : memref<1x128xi32, #tpu.memory_space<vmem>> -> memref<128xi32, #tpu.memory_space<vmem>>
    %dma_start3A_17 = arith.constant 0 : i32
    %dma_start3A_18 = arith.constant 0 : i32
    %dma_start3A_19 = tpu.memref_slice %arg2[%dma_start3A_17, %dma_start3A_18] : memref<10000x32xf32, #tpu.memory_space<hbm>> -> memref<10000x32xf32, #tpu.memory_space<hbm>>
    tpu.enqueue_indirect_dma source(%dma_start3A_19 : memref<10000x32xf32, #tpu.memory_space<hbm>>) target(%dma_start3A_13 : memref<128x32xf32, #tpu.memory_space<vmem>>) offsets(%dma_start3A_16 : memref<128xi32, #tpu.memory_space<vmem>>) semaphore(%arg7 : memref<!tpu.dma_semaphore, #tpu.memory_space<semaphore_mem>>)
    %dma_start3A_20 = arith.constant 2 : i32
    %dma_start3A_21 = arith.constant 256 : i32
    %dma_start3A_22 = arith.constant 0 : i32
    %dma_start3A_23 = tpu.memref_slice %arg6[%dma_start3A_21, %dma_start3A_22] : memref<2560x32xf32, #tpu.memory_space<vmem>> -> memref<128x32xf32, #tpu.memory_space<vmem>>
    %dma_start3A_24 = arith.constant 0 : i32
    %dma_start3A_25 = tpu.memref_slice %arg5[%dma_start3A_20, %dma_start3A_24] : memref<20x128xi32, #tpu.memory_space<vmem>> -> memref<1x128xi32, #tpu.memory_space<vmem>>
    %dma_start3A_26 = tpu.memref_squeeze %dma_start3A_25 : memref<1x128xi32, #tpu.memory_space<vmem>> -> memref<128xi32, #tpu.memory_space<vmem>>
    %dma_start3A_27 = arith.constant 0 : i32
    %dma_start3A_28 = arith.constant 0 : i32
    %dma_start3A_29 = tpu.memref_slice %arg2[%dma_start3A_27, %dma_start3A_28] : memref<10000x32xf32, #tpu.memory_space<hbm>> -> memref<10000x32xf32, #tpu.memory_space<hbm>>
    tpu.enqueue_indirect_dma source(%dma_start3A_29 : memref<10000x32xf32, #tpu.memory_space<hbm>>) target(%dma_start3A_23 : memref<128x32xf32, #tpu.memory_space<vmem>>) offsets(%dma_start3A_26 : memref<128xi32, #tpu.memory_space<vmem>>) semaphore(%arg7 : memref<!tpu.dma_semaphore, #tpu.memory_space<semaphore_mem>>)
    %dma_start3A_30 = arith.constant 3 : i32
    %dma_start3A_31 = arith.constant 384 : i32
    %dma_start3A_32 = arith.constant 0 : i32
    %dma_start3A_33 = tpu.memref_slice %arg6[%dma_start3A_31, %dma_start3A_32] : memref<2560x32xf32, #tpu.memory_space<vmem>> -> memref<128x32xf32, #tpu.memory_space<vmem>>
    %dma_start3A_34 = arith.constant 0 : i32
    %dma_start3A_35 = tpu.memref_slice %arg5[%dma_start3A_30, %dma_start3A_34] : memref<20x128xi32, #tpu.memory_space<vmem>> -> memref<1x128xi32, #tpu.memory_space<vmem>>
    %dma_start3A_36 = tpu.memref_squeeze %dma_start3A_35 : memref<1x128xi32, #tpu.memory_space<vmem>> -> memref<128xi32, #tpu.memory_space<vmem>>
    %dma_start3A_37 = arith.constant 0 : i32
    %dma_start3A_38 = arith.constant 0 : i32
    %dma_start3A_39 = tpu.memref_slice %arg2[%dma_start3A_37, %dma_start3A_38] : memref<10000x32xf32, #tpu.memory_space<hbm>> -> memref<10000x32xf32, #tpu.memory_space<hbm>>
    tpu.enqueue_indirect_dma source(%dma_start3A_39 : memref<10000x32xf32, #tpu.memory_space<hbm>>) target(%dma_start3A_33 : memref<128x32xf32, #tpu.memory_space<vmem>>) offsets(%dma_start3A_36 : memref<128xi32, #tpu.memory_space<vmem>>) semaphore(%arg7 : memref<!tpu.dma_semaphore, #tpu.memory_space<semaphore_mem>>)
    %dma_start3A_40 = arith.constant 4 : i32
    %dma_start3A_41 = arith.constant 512 : i32
    %dma_start3A_42 = arith.constant 0 : i32
    %dma_start3A_43 = tpu.memref_slice %arg6[%dma_start3A_41, %dma_start3A_42] : memref<2560x32xf32, #tpu.memory_space<vmem>> -> memref<128x32xf32, #tpu.memory_space<vmem>>
    %dma_start3A_44 = arith.constant 0 : i32
    %dma_start3A_45 = tpu.memref_slice %arg5[%dma_start3A_40, %dma_start3A_44] : memref<20x128xi32, #tpu.memory_space<vmem>> -> memref<1x128xi32, #tpu.memory_space<vmem>>
    %dma_start3A_46 = tpu.memref_squeeze %dma_start3A_45 : memref<1x128xi32, #tpu.memory_space<vmem>> -> memref<128xi32, #tpu.memory_space<vmem>>
    %dma_start3A_47 = arith.constant 0 : i32
    %dma_start3A_48 = arith.constant 0 : i32
    %dma_start3A_49 = tpu.memref_slice %arg2[%dma_start3A_47, %dma_start3A_48] : memref<10000x32xf32, #tpu.memory_space<hbm>> -> memref<10000x32xf32, #tpu.memory_space<hbm>>
    tpu.enqueue_indirect_dma source(%dma_start3A_49 : memref<10000x32xf32, #tpu.memory_space<hbm>>) target(%dma_start3A_43 : memref<128x32xf32, #tpu.memory_space<vmem>>) offsets(%dma_start3A_46 : memref<128xi32, #tpu.memory_space<vmem>>) semaphore(%arg7 : memref<!tpu.dma_semaphore, #tpu.memory_space<semaphore_mem>>)
    %lt3A = arith.constant 31 : i32
    %lt3A_50 = arith.cmpi slt, %add3A, %lt3A : i32
    %convert_element_type3A = arith.extui %lt3A_50 : i1 to i32
    %cond3A = arith.constant 0 : i32
    %cond3A_51 = arith.cmpi ne, %convert_element_type3A, %cond3A : i32
    scf.if %cond3A_51 {
      %dma_start3A_108 = arith.constant 5 : i32
      %dma_start3A_109 = arith.constant 640 : i32
      %dma_start3A_110 = arith.constant 0 : i32
      %dma_start3A_111 = tpu.memref_slice %arg6[%dma_start3A_109, %dma_start3A_110] : memref<2560x32xf32, #tpu.memory_space<vmem>> -> memref<128x32xf32, #tpu.memory_space<vmem>>
      %dma_start3A_112 = arith.constant 0 : i32
      %dma_start3A_113 = tpu.memref_slice %arg5[%dma_start3A_108, %dma_start3A_112] : memref<20x128xi32, #tpu.memory_space<vmem>> -> memref<1x128xi32, #tpu.memory_space<vmem>>
      %dma_start3A_114 = tpu.memref_squeeze %dma_start3A_113 : memref<1x128xi32, #tpu.memory_space<vmem>> -> memref<128xi32, #tpu.memory_space<vmem>>
      %dma_start3A_115 = arith.constant 0 : i32
      %dma_start3A_116 = arith.constant 0 : i32
      %dma_start3A_117 = tpu.memref_slice %arg2[%dma_start3A_115, %dma_start3A_116] : memref<10000x32xf32, #tpu.memory_space<hbm>> -> memref<10000x32xf32, #tpu.memory_space<hbm>>
      tpu.enqueue_indirect_dma source(%dma_start3A_117 : memref<10000x32xf32, #tpu.memory_space<hbm>>) target(%dma_start3A_111 : memref<128x32xf32, #tpu.memory_space<vmem>>) offsets(%dma_start3A_114 : memref<128xi32, #tpu.memory_space<vmem>>) semaphore(%arg7 : memref<!tpu.dma_semaphore, #tpu.memory_space<semaphore_mem>>)
      %dma_start3A_118 = arith.constant 6 : i32
      %dma_start3A_119 = arith.constant 768 : i32
      %dma_start3A_120 = arith.constant 0 : i32
      %dma_start3A_121 = tpu.memref_slice %arg6[%dma_start3A_119, %dma_start3A_120] : memref<2560x32xf32, #tpu.memory_space<vmem>> -> memref<128x32xf32, #tpu.memory_space<vmem>>
      %dma_start3A_122 = arith.constant 0 : i32
      %dma_start3A_123 = tpu.memref_slice %arg5[%dma_start3A_118, %dma_start3A_122] : memref<20x128xi32, #tpu.memory_space<vmem>> -> memref<1x128xi32, #tpu.memory_space<vmem>>
      %dma_start3A_124 = tpu.memref_squeeze %dma_start3A_123 : memref<1x128xi32, #tpu.memory_space<vmem>> -> memref<128xi32, #tpu.memory_space<vmem>>
      %dma_start3A_125 = arith.constant 0 : i32
      %dma_start3A_126 = arith.constant 0 : i32
      %dma_start3A_127 = tpu.memref_slice %arg2[%dma_start3A_125, %dma_start3A_126] : memref<10000x32xf32, #tpu.memory_space<hbm>> -> memref<10000x32xf32, #tpu.memory_space<hbm>>
      tpu.enqueue_indirect_dma source(%dma_start3A_127 : memref<10000x32xf32, #tpu.memory_space<hbm>>) target(%dma_start3A_121 : memref<128x32xf32, #tpu.memory_space<vmem>>) offsets(%dma_start3A_124 : memref<128xi32, #tpu.memory_space<vmem>>) semaphore(%arg7 : memref<!tpu.dma_semaphore, #tpu.memory_space<semaphore_mem>>)
      %dma_start3A_128 = arith.constant 7 : i32
      %dma_start3A_129 = arith.constant 896 : i32
      %dma_start3A_130 = arith.constant 0 : i32
      %dma_start3A_131 = tpu.memref_slice %arg6[%dma_start3A_129, %dma_start3A_130] : memref<2560x32xf32, #tpu.memory_space<vmem>> -> memref<128x32xf32, #tpu.memory_space<vmem>>
      %dma_start3A_132 = arith.constant 0 : i32
      %dma_start3A_133 = tpu.memref_slice %arg5[%dma_start3A_128, %dma_start3A_132] : memref<20x128xi32, #tpu.memory_space<vmem>> -> memref<1x128xi32, #tpu.memory_space<vmem>>
      %dma_start3A_134 = tpu.memref_squeeze %dma_start3A_133 : memref<1x128xi32, #tpu.memory_space<vmem>> -> memref<128xi32, #tpu.memory_space<vmem>>
      %dma_start3A_135 = arith.constant 0 : i32
      %dma_start3A_136 = arith.constant 0 : i32
      %dma_start3A_137 = tpu.memref_slice %arg2[%dma_start3A_135, %dma_start3A_136] : memref<10000x32xf32, #tpu.memory_space<hbm>> -> memref<10000x32xf32, #tpu.memory_space<hbm>>
      tpu.enqueue_indirect_dma source(%dma_start3A_137 : memref<10000x32xf32, #tpu.memory_space<hbm>>) target(%dma_start3A_131 : memref<128x32xf32, #tpu.memory_space<vmem>>) offsets(%dma_start3A_134 : memref<128xi32, #tpu.memory_space<vmem>>) semaphore(%arg7 : memref<!tpu.dma_semaphore, #tpu.memory_space<semaphore_mem>>)
      %dma_start3A_138 = arith.constant 8 : i32
      %dma_start3A_139 = arith.constant 1024 : i32
      %dma_start3A_140 = arith.constant 0 : i32
      %dma_start3A_141 = tpu.memref_slice %arg6[%dma_start3A_139, %dma_start3A_140] : memref<2560x32xf32, #tpu.memory_space<vmem>> -> memref<128x32xf32, #tpu.memory_space<vmem>>
      %dma_start3A_142 = arith.constant 0 : i32
      %dma_start3A_143 = tpu.memref_slice %arg5[%dma_start3A_138, %dma_start3A_142] : memref<20x128xi32, #tpu.memory_space<vmem>> -> memref<1x128xi32, #tpu.memory_space<vmem>>
      %dma_start3A_144 = tpu.memref_squeeze %dma_start3A_143 : memref<1x128xi32, #tpu.memory_space<vmem>> -> memref<128xi32, #tpu.memory_space<vmem>>
      %dma_start3A_145 = arith.constant 0 : i32
      %dma_start3A_146 = arith.constant 0 : i32
      %dma_start3A_147 = tpu.memref_slice %arg2[%dma_start3A_145, %dma_start3A_146] : memref<10000x32xf32, #tpu.memory_space<hbm>> -> memref<10000x32xf32, #tpu.memory_space<hbm>>
      tpu.enqueue_indirect_dma source(%dma_start3A_147 : memref<10000x32xf32, #tpu.memory_space<hbm>>) target(%dma_start3A_141 : memref<128x32xf32, #tpu.memory_space<vmem>>) offsets(%dma_start3A_144 : memref<128xi32, #tpu.memory_space<vmem>>) semaphore(%arg7 : memref<!tpu.dma_semaphore, #tpu.memory_space<semaphore_mem>>)
      %dma_start3A_148 = arith.constant 9 : i32
      %dma_start3A_149 = arith.constant 1152 : i32
      %dma_start3A_150 = arith.constant 0 : i32
      %dma_start3A_151 = tpu.memref_slice %arg6[%dma_start3A_149, %dma_start3A_150] : memref<2560x32xf32, #tpu.memory_space<vmem>> -> memref<128x32xf32, #tpu.memory_space<vmem>>
      %dma_start3A_152 = arith.constant 0 : i32
      %dma_start3A_153 = tpu.memref_slice %arg5[%dma_start3A_148, %dma_start3A_152] : memref<20x128xi32, #tpu.memory_space<vmem>> -> memref<1x128xi32, #tpu.memory_space<vmem>>
      %dma_start3A_154 = tpu.memref_squeeze %dma_start3A_153 : memref<1x128xi32, #tpu.memory_space<vmem>> -> memref<128xi32, #tpu.memory_space<vmem>>
      %dma_start3A_155 = arith.constant 0 : i32
      %dma_start3A_156 = arith.constant 0 : i32
      %dma_start3A_157 = tpu.memref_slice %arg2[%dma_start3A_155, %dma_start3A_156] : memref<10000x32xf32, #tpu.memory_space<hbm>> -> memref<10000x32xf32, #tpu.memory_space<hbm>>
      tpu.enqueue_indirect_dma source(%dma_start3A_157 : memref<10000x32xf32, #tpu.memory_space<hbm>>) target(%dma_start3A_151 : memref<128x32xf32, #tpu.memory_space<vmem>>) offsets(%dma_start3A_154 : memref<128xi32, #tpu.memory_space<vmem>>) semaphore(%arg7 : memref<!tpu.dma_semaphore, #tpu.memory_space<semaphore_mem>>)
      %dma_start3A_158 = arith.constant 10 : i32
      %dma_start3A_159 = arith.constant 1280 : i32
      %dma_start3A_160 = arith.constant 0 : i32
      %dma_start3A_161 = tpu.memref_slice %arg6[%dma_start3A_159, %dma_start3A_160] : memref<2560x32xf32, #tpu.memory_space<vmem>> -> memref<128x32xf32, #tpu.memory_space<vmem>>
      %dma_start3A_162 = arith.constant 0 : i32
      %dma_start3A_163 = tpu.memref_slice %arg5[%dma_start3A_158, %dma_start3A_162] : memref<20x128xi32, #tpu.memory_space<vmem>> -> memref<1x128xi32, #tpu.memory_space<vmem>>
      %dma_start3A_164 = tpu.memref_squeeze %dma_start3A_163 : memref<1x128xi32, #tpu.memory_space<vmem>> -> memref<128xi32, #tpu.memory_space<vmem>>
      %dma_start3A_165 = arith.constant 0 : i32
      %dma_start3A_166 = arith.constant 0 : i32
      %dma_start3A_167 = tpu.memref_slice %arg2[%dma_start3A_165, %dma_start3A_166] : memref<10000x32xf32, #tpu.memory_space<hbm>> -> memref<10000x32xf32, #tpu.memory_space<hbm>>
      tpu.enqueue_indirect_dma source(%dma_start3A_167 : memref<10000x32xf32, #tpu.memory_space<hbm>>) target(%dma_start3A_161 : memref<128x32xf32, #tpu.memory_space<vmem>>) offsets(%dma_start3A_164 : memref<128xi32, #tpu.memory_space<vmem>>) semaphore(%arg7 : memref<!tpu.dma_semaphore, #tpu.memory_space<semaphore_mem>>)
      %dma_start3A_168 = arith.constant 11 : i32
      %dma_start3A_169 = arith.constant 1408 : i32
      %dma_start3A_170 = arith.constant 0 : i32
      %dma_start3A_171 = tpu.memref_slice %arg6[%dma_start3A_169, %dma_start3A_170] : memref<2560x32xf32, #tpu.memory_space<vmem>> -> memref<128x32xf32, #tpu.memory_space<vmem>>
      %dma_start3A_172 = arith.constant 0 : i32
      %dma_start3A_173 = tpu.memref_slice %arg5[%dma_start3A_168, %dma_start3A_172] : memref<20x128xi32, #tpu.memory_space<vmem>> -> memref<1x128xi32, #tpu.memory_space<vmem>>
      %dma_start3A_174 = tpu.memref_squeeze %dma_start3A_173 : memref<1x128xi32, #tpu.memory_space<vmem>> -> memref<128xi32, #tpu.memory_space<vmem>>
      %dma_start3A_175 = arith.constant 0 : i32
      %dma_start3A_176 = arith.constant 0 : i32
      %dma_start3A_177 = tpu.memref_slice %arg2[%dma_start3A_175, %dma_start3A_176] : memref<10000x32xf32, #tpu.memory_space<hbm>> -> memref<10000x32xf32, #tpu.memory_space<hbm>>
      tpu.enqueue_indirect_dma source(%dma_start3A_177 : memref<10000x32xf32, #tpu.memory_space<hbm>>) target(%dma_start3A_171 : memref<128x32xf32, #tpu.memory_space<vmem>>) offsets(%dma_start3A_174 : memref<128xi32, #tpu.memory_space<vmem>>) semaphore(%arg7 : memref<!tpu.dma_semaphore, #tpu.memory_space<semaphore_mem>>)
      %dma_start3A_178 = arith.constant 12 : i32
      %dma_start3A_179 = arith.constant 1536 : i32
      %dma_start3A_180 = arith.constant 0 : i32
      %dma_start3A_181 = tpu.memref_slice %arg6[%dma_start3A_179, %dma_start3A_180] : memref<2560x32xf32, #tpu.memory_space<vmem>> -> memref<128x32xf32, #tpu.memory_space<vmem>>
      %dma_start3A_182 = arith.constant 0 : i32
      %dma_start3A_183 = tpu.memref_slice %arg5[%dma_start3A_178, %dma_start3A_182] : memref<20x128xi32, #tpu.memory_space<vmem>> -> memref<1x128xi32, #tpu.memory_space<vmem>>
      %dma_start3A_184 = tpu.memref_squeeze %dma_start3A_183 : memref<1x128xi32, #tpu.memory_space<vmem>> -> memref<128xi32, #tpu.memory_space<vmem>>
      %dma_start3A_185 = arith.constant 0 : i32
      %dma_start3A_186 = arith.constant 0 : i32
      %dma_start3A_187 = tpu.memref_slice %arg2[%dma_start3A_185, %dma_start3A_186] : memref<10000x32xf32, #tpu.memory_space<hbm>> -> memref<10000x32xf32, #tpu.memory_space<hbm>>
      tpu.enqueue_indirect_dma source(%dma_start3A_187 : memref<10000x32xf32, #tpu.memory_space<hbm>>) target(%dma_start3A_181 : memref<128x32xf32, #tpu.memory_space<vmem>>) offsets(%dma_start3A_184 : memref<128xi32, #tpu.memory_space<vmem>>) semaphore(%arg7 : memref<!tpu.dma_semaphore, #tpu.memory_space<semaphore_mem>>)
      %dma_start3A_188 = arith.constant 13 : i32
      %dma_start3A_189 = arith.constant 1664 : i32
      %dma_start3A_190 = arith.constant 0 : i32
      %dma_start3A_191 = tpu.memref_slice %arg6[%dma_start3A_189, %dma_start3A_190] : memref<2560x32xf32, #tpu.memory_space<vmem>> -> memref<128x32xf32, #tpu.memory_space<vmem>>
      %dma_start3A_192 = arith.constant 0 : i32
      %dma_start3A_193 = tpu.memref_slice %arg5[%dma_start3A_188, %dma_start3A_192] : memref<20x128xi32, #tpu.memory_space<vmem>> -> memref<1x128xi32, #tpu.memory_space<vmem>>
      %dma_start3A_194 = tpu.memref_squeeze %dma_start3A_193 : memref<1x128xi32, #tpu.memory_space<vmem>> -> memref<128xi32, #tpu.memory_space<vmem>>
      %dma_start3A_195 = arith.constant 0 : i32
      %dma_start3A_196 = arith.constant 0 : i32
      %dma_start3A_197 = tpu.memref_slice %arg2[%dma_start3A_195, %dma_start3A_196] : memref<10000x32xf32, #tpu.memory_space<hbm>> -> memref<10000x32xf32, #tpu.memory_space<hbm>>
      tpu.enqueue_indirect_dma source(%dma_start3A_197 : memref<10000x32xf32, #tpu.memory_space<hbm>>) target(%dma_start3A_191 : memref<128x32xf32, #tpu.memory_space<vmem>>) offsets(%dma_start3A_194 : memref<128xi32, #tpu.memory_space<vmem>>) semaphore(%arg7 : memref<!tpu.dma_semaphore, #tpu.memory_space<semaphore_mem>>)
      %dma_start3A_198 = arith.constant 14 : i32
      %dma_start3A_199 = arith.constant 1792 : i32
      %dma_start3A_200 = arith.constant 0 : i32
      %dma_start3A_201 = tpu.memref_slice %arg6[%dma_start3A_199, %dma_start3A_200] : memref<2560x32xf32, #tpu.memory_space<vmem>> -> memref<128x32xf32, #tpu.memory_space<vmem>>
      %dma_start3A_202 = arith.constant 0 : i32
      %dma_start3A_203 = tpu.memref_slice %arg5[%dma_start3A_198, %dma_start3A_202] : memref<20x128xi32, #tpu.memory_space<vmem>> -> memref<1x128xi32, #tpu.memory_space<vmem>>
      %dma_start3A_204 = tpu.memref_squeeze %dma_start3A_203 : memref<1x128xi32, #tpu.memory_space<vmem>> -> memref<128xi32, #tpu.memory_space<vmem>>
      %dma_start3A_205 = arith.constant 0 : i32
      %dma_start3A_206 = arith.constant 0 : i32
      %dma_start3A_207 = tpu.memref_slice %arg2[%dma_start3A_205, %dma_start3A_206] : memref<10000x32xf32, #tpu.memory_space<hbm>> -> memref<10000x32xf32, #tpu.memory_space<hbm>>
      tpu.enqueue_indirect_dma source(%dma_start3A_207 : memref<10000x32xf32, #tpu.memory_space<hbm>>) target(%dma_start3A_201 : memref<128x32xf32, #tpu.memory_space<vmem>>) offsets(%dma_start3A_204 : memref<128xi32, #tpu.memory_space<vmem>>) semaphore(%arg7 : memref<!tpu.dma_semaphore, #tpu.memory_space<semaphore_mem>>)
      %dma_start3A_208 = arith.constant 15 : i32
      %dma_start3A_209 = arith.constant 1920 : i32
      %dma_start3A_210 = arith.constant 0 : i32
      %dma_start3A_211 = tpu.memref_slice %arg6[%dma_start3A_209, %dma_start3A_210] : memref<2560x32xf32, #tpu.memory_space<vmem>> -> memref<128x32xf32, #tpu.memory_space<vmem>>
      %dma_start3A_212 = arith.constant 0 : i32
      %dma_start3A_213 = tpu.memref_slice %arg5[%dma_start3A_208, %dma_start3A_212] : memref<20x128xi32, #tpu.memory_space<vmem>> -> memref<1x128xi32, #tpu.memory_space<vmem>>
      %dma_start3A_214 = tpu.memref_squeeze %dma_start3A_213 : memref<1x128xi32, #tpu.memory_space<vmem>> -> memref<128xi32, #tpu.memory_space<vmem>>
      %dma_start3A_215 = arith.constant 0 : i32
      %dma_start3A_216 = arith.constant 0 : i32
      %dma_start3A_217 = tpu.memref_slice %arg2[%dma_start3A_215, %dma_start3A_216] : memref<10000x32xf32, #tpu.memory_space<hbm>> -> memref<10000x32xf32, #tpu.memory_space<hbm>>
      tpu.enqueue_indirect_dma source(%dma_start3A_217 : memref<10000x32xf32, #tpu.memory_space<hbm>>) target(%dma_start3A_211 : memref<128x32xf32, #tpu.memory_space<vmem>>) offsets(%dma_start3A_214 : memref<128xi32, #tpu.memory_space<vmem>>) semaphore(%arg7 : memref<!tpu.dma_semaphore, #tpu.memory_space<semaphore_mem>>)
      %dma_start3A_218 = arith.constant 16 : i32
      %dma_start3A_219 = arith.constant 2048 : i32
      %dma_start3A_220 = arith.constant 0 : i32
      %dma_start3A_221 = tpu.memref_slice %arg6[%dma_start3A_219, %dma_start3A_220] : memref<2560x32xf32, #tpu.memory_space<vmem>> -> memref<128x32xf32, #tpu.memory_space<vmem>>
      %dma_start3A_222 = arith.constant 0 : i32
      %dma_start3A_223 = tpu.memref_slice %arg5[%dma_start3A_218, %dma_start3A_222] : memref<20x128xi32, #tpu.memory_space<vmem>> -> memref<1x128xi32, #tpu.memory_space<vmem>>
      %dma_start3A_224 = tpu.memref_squeeze %dma_start3A_223 : memref<1x128xi32, #tpu.memory_space<vmem>> -> memref<128xi32, #tpu.memory_space<vmem>>
      %dma_start3A_225 = arith.constant 0 : i32
      %dma_start3A_226 = arith.constant 0 : i32
      %dma_start3A_227 = tpu.memref_slice %arg2[%dma_start3A_225, %dma_start3A_226] : memref<10000x32xf32, #tpu.memory_space<hbm>> -> memref<10000x32xf32, #tpu.memory_space<hbm>>
      tpu.enqueue_indirect_dma source(%dma_start3A_227 : memref<10000x32xf32, #tpu.memory_space<hbm>>) target(%dma_start3A_221 : memref<128x32xf32, #tpu.memory_space<vmem>>) offsets(%dma_start3A_224 : memref<128xi32, #tpu.memory_space<vmem>>) semaphore(%arg7 : memref<!tpu.dma_semaphore, #tpu.memory_space<semaphore_mem>>)
      %dma_start3A_228 = arith.constant 17 : i32
      %dma_start3A_229 = arith.constant 2176 : i32
      %dma_start3A_230 = arith.constant 0 : i32
      %dma_start3A_231 = tpu.memref_slice %arg6[%dma_start3A_229, %dma_start3A_230] : memref<2560x32xf32, #tpu.memory_space<vmem>> -> memref<128x32xf32, #tpu.memory_space<vmem>>
      %dma_start3A_232 = arith.constant 0 : i32
      %dma_start3A_233 = tpu.memref_slice %arg5[%dma_start3A_228, %dma_start3A_232] : memref<20x128xi32, #tpu.memory_space<vmem>> -> memref<1x128xi32, #tpu.memory_space<vmem>>
      %dma_start3A_234 = tpu.memref_squeeze %dma_start3A_233 : memref<1x128xi32, #tpu.memory_space<vmem>> -> memref<128xi32, #tpu.memory_space<vmem>>
      %dma_start3A_235 = arith.constant 0 : i32
      %dma_start3A_236 = arith.constant 0 : i32
      %dma_start3A_237 = tpu.memref_slice %arg2[%dma_start3A_235, %dma_start3A_236] : memref<10000x32xf32, #tpu.memory_space<hbm>> -> memref<10000x32xf32, #tpu.memory_space<hbm>>
      tpu.enqueue_indirect_dma source(%dma_start3A_237 : memref<10000x32xf32, #tpu.memory_space<hbm>>) target(%dma_start3A_231 : memref<128x32xf32, #tpu.memory_space<vmem>>) offsets(%dma_start3A_234 : memref<128xi32, #tpu.memory_space<vmem>>) semaphore(%arg7 : memref<!tpu.dma_semaphore, #tpu.memory_space<semaphore_mem>>)
      %dma_start3A_238 = arith.constant 18 : i32
      %dma_start3A_239 = arith.constant 2304 : i32
      %dma_start3A_240 = arith.constant 0 : i32
      %dma_start3A_241 = tpu.memref_slice %arg6[%dma_start3A_239, %dma_start3A_240] : memref<2560x32xf32, #tpu.memory_space<vmem>> -> memref<128x32xf32, #tpu.memory_space<vmem>>
      %dma_start3A_242 = arith.constant 0 : i32
      %dma_start3A_243 = tpu.memref_slice %arg5[%dma_start3A_238, %dma_start3A_242] : memref<20x128xi32, #tpu.memory_space<vmem>> -> memref<1x128xi32, #tpu.memory_space<vmem>>
      %dma_start3A_244 = tpu.memref_squeeze %dma_start3A_243 : memref<1x128xi32, #tpu.memory_space<vmem>> -> memref<128xi32, #tpu.memory_space<vmem>>
      %dma_start3A_245 = arith.constant 0 : i32
      %dma_start3A_246 = arith.constant 0 : i32
      %dma_start3A_247 = tpu.memref_slice %arg2[%dma_start3A_245, %dma_start3A_246] : memref<10000x32xf32, #tpu.memory_space<hbm>> -> memref<10000x32xf32, #tpu.memory_space<hbm>>
      tpu.enqueue_indirect_dma source(%dma_start3A_247 : memref<10000x32xf32, #tpu.memory_space<hbm>>) target(%dma_start3A_241 : memref<128x32xf32, #tpu.memory_space<vmem>>) offsets(%dma_start3A_244 : memref<128xi32, #tpu.memory_space<vmem>>) semaphore(%arg7 : memref<!tpu.dma_semaphore, #tpu.memory_space<semaphore_mem>>)
      %dma_start3A_248 = arith.constant 19 : i32
      %dma_start3A_249 = arith.constant 2432 : i32
      %dma_start3A_250 = arith.constant 0 : i32
      %dma_start3A_251 = tpu.memref_slice %arg6[%dma_start3A_249, %dma_start3A_250] : memref<2560x32xf32, #tpu.memory_space<vmem>> -> memref<128x32xf32, #tpu.memory_space<vmem>>
      %dma_start3A_252 = arith.constant 0 : i32
      %dma_start3A_253 = tpu.memref_slice %arg5[%dma_start3A_248, %dma_start3A_252] : memref<20x128xi32, #tpu.memory_space<vmem>> -> memref<1x128xi32, #tpu.memory_space<vmem>>
      %dma_start3A_254 = tpu.memref_squeeze %dma_start3A_253 : memref<1x128xi32, #tpu.memory_space<vmem>> -> memref<128xi32, #tpu.memory_space<vmem>>
      %dma_start3A_255 = arith.constant 0 : i32
      %dma_start3A_256 = arith.constant 0 : i32
      %dma_start3A_257 = tpu.memref_slice %arg2[%dma_start3A_255, %dma_start3A_256] : memref<10000x32xf32, #tpu.memory_space<hbm>> -> memref<10000x32xf32, #tpu.memory_space<hbm>>
      tpu.enqueue_indirect_dma source(%dma_start3A_257 : memref<10000x32xf32, #tpu.memory_space<hbm>>) target(%dma_start3A_251 : memref<128x32xf32, #tpu.memory_space<vmem>>) offsets(%dma_start3A_254 : memref<128xi32, #tpu.memory_space<vmem>>) semaphore(%arg7 : memref<!tpu.dma_semaphore, #tpu.memory_space<semaphore_mem>>)
      %dma_wait3A_258 = arith.constant 5 : i32
      %dma_wait3A_259 = arith.constant 640 : i32
      %dma_wait3A_260 = arith.constant 0 : i32
      %dma_wait3A_261 = tpu.memref_slice %arg6[%dma_wait3A_259, %dma_wait3A_260] : memref<2560x32xf32, #tpu.memory_space<vmem>> -> memref<128x32xf32, #tpu.memory_space<vmem>>
      %dma_wait3A_262 = arith.constant 0 : i32
      %dma_wait3A_263 = tpu.memref_slice %arg5[%dma_wait3A_258, %dma_wait3A_262] : memref<20x128xi32, #tpu.memory_space<vmem>> -> memref<1x128xi32, #tpu.memory_space<vmem>>
      %dma_wait3A_264 = tpu.memref_squeeze %dma_wait3A_263 : memref<1x128xi32, #tpu.memory_space<vmem>> -> memref<128xi32, #tpu.memory_space<vmem>>
      %dma_wait3A_265 = arith.constant 0 : i32
      %dma_wait3A_266 = arith.constant 0 : i32
      %dma_wait3A_267 = tpu.memref_slice %arg2[%dma_wait3A_265, %dma_wait3A_266] : memref<10000x32xf32, #tpu.memory_space<hbm>> -> memref<10000x32xf32, #tpu.memory_space<hbm>>
      tpu.wait_indirect_dma semaphore(%arg7 : memref<!tpu.dma_semaphore, #tpu.memory_space<semaphore_mem>>) src(%dma_wait3A_267 : memref<10000x32xf32, #tpu.memory_space<hbm>>) dst(%dma_wait3A_261 : memref<128x32xf32, #tpu.memory_space<vmem>>)
      %dma_wait3A_268 = arith.constant 6 : i32
      %dma_wait3A_269 = arith.constant 768 : i32
      %dma_wait3A_270 = arith.constant 0 : i32
      %dma_wait3A_271 = tpu.memref_slice %arg6[%dma_wait3A_269, %dma_wait3A_270] : memref<2560x32xf32, #tpu.memory_space<vmem>> -> memref<128x32xf32, #tpu.memory_space<vmem>>
      %dma_wait3A_272 = arith.constant 0 : i32
      %dma_wait3A_273 = tpu.memref_slice %arg5[%dma_wait3A_268, %dma_wait3A_272] : memref<20x128xi32, #tpu.memory_space<vmem>> -> memref<1x128xi32, #tpu.memory_space<vmem>>
      %dma_wait3A_274 = tpu.memref_squeeze %dma_wait3A_273 : memref<1x128xi32, #tpu.memory_space<vmem>> -> memref<128xi32, #tpu.memory_space<vmem>>
      %dma_wait3A_275 = arith.constant 0 : i32
      %dma_wait3A_276 = arith.constant 0 : i32
      %dma_wait3A_277 = tpu.memref_slice %arg2[%dma_wait3A_275, %dma_wait3A_276] : memref<10000x32xf32, #tpu.memory_space<hbm>> -> memref<10000x32xf32, #tpu.memory_space<hbm>>
      tpu.wait_indirect_dma semaphore(%arg7 : memref<!tpu.dma_semaphore, #tpu.memory_space<semaphore_mem>>) src(%dma_wait3A_277 : memref<10000x32xf32, #tpu.memory_space<hbm>>) dst(%dma_wait3A_271 : memref<128x32xf32, #tpu.memory_space<vmem>>)
      %dma_wait3A_278 = arith.constant 7 : i32
      %dma_wait3A_279 = arith.constant 896 : i32
      %dma_wait3A_280 = arith.constant 0 : i32
      %dma_wait3A_281 = tpu.memref_slice %arg6[%dma_wait3A_279, %dma_wait3A_280] : memref<2560x32xf32, #tpu.memory_space<vmem>> -> memref<128x32xf32, #tpu.memory_space<vmem>>
      %dma_wait3A_282 = arith.constant 0 : i32
      %dma_wait3A_283 = tpu.memref_slice %arg5[%dma_wait3A_278, %dma_wait3A_282] : memref<20x128xi32, #tpu.memory_space<vmem>> -> memref<1x128xi32, #tpu.memory_space<vmem>>
      %dma_wait3A_284 = tpu.memref_squeeze %dma_wait3A_283 : memref<1x128xi32, #tpu.memory_space<vmem>> -> memref<128xi32, #tpu.memory_space<vmem>>
      %dma_wait3A_285 = arith.constant 0 : i32
      %dma_wait3A_286 = arith.constant 0 : i32
      %dma_wait3A_287 = tpu.memref_slice %arg2[%dma_wait3A_285, %dma_wait3A_286] : memref<10000x32xf32, #tpu.memory_space<hbm>> -> memref<10000x32xf32, #tpu.memory_space<hbm>>
      tpu.wait_indirect_dma semaphore(%arg7 : memref<!tpu.dma_semaphore, #tpu.memory_space<semaphore_mem>>) src(%dma_wait3A_287 : memref<10000x32xf32, #tpu.memory_space<hbm>>) dst(%dma_wait3A_281 : memref<128x32xf32, #tpu.memory_space<vmem>>)
      %dma_wait3A_288 = arith.constant 8 : i32
      %dma_wait3A_289 = arith.constant 1024 : i32
      %dma_wait3A_290 = arith.constant 0 : i32
      %dma_wait3A_291 = tpu.memref_slice %arg6[%dma_wait3A_289, %dma_wait3A_290] : memref<2560x32xf32, #tpu.memory_space<vmem>> -> memref<128x32xf32, #tpu.memory_space<vmem>>
      %dma_wait3A_292 = arith.constant 0 : i32
      %dma_wait3A_293 = tpu.memref_slice %arg5[%dma_wait3A_288, %dma_wait3A_292] : memref<20x128xi32, #tpu.memory_space<vmem>> -> memref<1x128xi32, #tpu.memory_space<vmem>>
      %dma_wait3A_294 = tpu.memref_squeeze %dma_wait3A_293 : memref<1x128xi32, #tpu.memory_space<vmem>> -> memref<128xi32, #tpu.memory_space<vmem>>
      %dma_wait3A_295 = arith.constant 0 : i32
      %dma_wait3A_296 = arith.constant 0 : i32
      %dma_wait3A_297 = tpu.memref_slice %arg2[%dma_wait3A_295, %dma_wait3A_296] : memref<10000x32xf32, #tpu.memory_space<hbm>> -> memref<10000x32xf32, #tpu.memory_space<hbm>>
      tpu.wait_indirect_dma semaphore(%arg7 : memref<!tpu.dma_semaphore, #tpu.memory_space<semaphore_mem>>) src(%dma_wait3A_297 : memref<10000x32xf32, #tpu.memory_space<hbm>>) dst(%dma_wait3A_291 : memref<128x32xf32, #tpu.memory_space<vmem>>)
      %dma_wait3A_298 = arith.constant 9 : i32
      %dma_wait3A_299 = arith.constant 1152 : i32
      %dma_wait3A_300 = arith.constant 0 : i32
      %dma_wait3A_301 = tpu.memref_slice %arg6[%dma_wait3A_299, %dma_wait3A_300] : memref<2560x32xf32, #tpu.memory_space<vmem>> -> memref<128x32xf32, #tpu.memory_space<vmem>>
      %dma_wait3A_302 = arith.constant 0 : i32
      %dma_wait3A_303 = tpu.memref_slice %arg5[%dma_wait3A_298, %dma_wait3A_302] : memref<20x128xi32, #tpu.memory_space<vmem>> -> memref<1x128xi32, #tpu.memory_space<vmem>>
      %dma_wait3A_304 = tpu.memref_squeeze %dma_wait3A_303 : memref<1x128xi32, #tpu.memory_space<vmem>> -> memref<128xi32, #tpu.memory_space<vmem>>
      %dma_wait3A_305 = arith.constant 0 : i32
      %dma_wait3A_306 = arith.constant 0 : i32
      %dma_wait3A_307 = tpu.memref_slice %arg2[%dma_wait3A_305, %dma_wait3A_306] : memref<10000x32xf32, #tpu.memory_space<hbm>> -> memref<10000x32xf32, #tpu.memory_space<hbm>>
      tpu.wait_indirect_dma semaphore(%arg7 : memref<!tpu.dma_semaphore, #tpu.memory_space<semaphore_mem>>) src(%dma_wait3A_307 : memref<10000x32xf32, #tpu.memory_space<hbm>>) dst(%dma_wait3A_301 : memref<128x32xf32, #tpu.memory_space<vmem>>)
      %dma_wait3A_308 = arith.constant 10 : i32
      %dma_wait3A_309 = arith.constant 1280 : i32
      %dma_wait3A_310 = arith.constant 0 : i32
      %dma_wait3A_311 = tpu.memref_slice %arg6[%dma_wait3A_309, %dma_wait3A_310] : memref<2560x32xf32, #tpu.memory_space<vmem>> -> memref<128x32xf32, #tpu.memory_space<vmem>>
      %dma_wait3A_312 = arith.constant 0 : i32
      %dma_wait3A_313 = tpu.memref_slice %arg5[%dma_wait3A_308, %dma_wait3A_312] : memref<20x128xi32, #tpu.memory_space<vmem>> -> memref<1x128xi32, #tpu.memory_space<vmem>>
      %dma_wait3A_314 = tpu.memref_squeeze %dma_wait3A_313 : memref<1x128xi32, #tpu.memory_space<vmem>> -> memref<128xi32, #tpu.memory_space<vmem>>
      %dma_wait3A_315 = arith.constant 0 : i32
      %dma_wait3A_316 = arith.constant 0 : i32
      %dma_wait3A_317 = tpu.memref_slice %arg2[%dma_wait3A_315, %dma_wait3A_316] : memref<10000x32xf32, #tpu.memory_space<hbm>> -> memref<10000x32xf32, #tpu.memory_space<hbm>>
      tpu.wait_indirect_dma semaphore(%arg7 : memref<!tpu.dma_semaphore, #tpu.memory_space<semaphore_mem>>) src(%dma_wait3A_317 : memref<10000x32xf32, #tpu.memory_space<hbm>>) dst(%dma_wait3A_311 : memref<128x32xf32, #tpu.memory_space<vmem>>)
      %dma_wait3A_318 = arith.constant 11 : i32
      %dma_wait3A_319 = arith.constant 1408 : i32
      %dma_wait3A_320 = arith.constant 0 : i32
      %dma_wait3A_321 = tpu.memref_slice %arg6[%dma_wait3A_319, %dma_wait3A_320] : memref<2560x32xf32, #tpu.memory_space<vmem>> -> memref<128x32xf32, #tpu.memory_space<vmem>>
      %dma_wait3A_322 = arith.constant 0 : i32
      %dma_wait3A_323 = tpu.memref_slice %arg5[%dma_wait3A_318, %dma_wait3A_322] : memref<20x128xi32, #tpu.memory_space<vmem>> -> memref<1x128xi32, #tpu.memory_space<vmem>>
      %dma_wait3A_324 = tpu.memref_squeeze %dma_wait3A_323 : memref<1x128xi32, #tpu.memory_space<vmem>> -> memref<128xi32, #tpu.memory_space<vmem>>
      %dma_wait3A_325 = arith.constant 0 : i32
      %dma_wait3A_326 = arith.constant 0 : i32
      %dma_wait3A_327 = tpu.memref_slice %arg2[%dma_wait3A_325, %dma_wait3A_326] : memref<10000x32xf32, #tpu.memory_space<hbm>> -> memref<10000x32xf32, #tpu.memory_space<hbm>>
      tpu.wait_indirect_dma semaphore(%arg7 : memref<!tpu.dma_semaphore, #tpu.memory_space<semaphore_mem>>) src(%dma_wait3A_327 : memref<10000x32xf32, #tpu.memory_space<hbm>>) dst(%dma_wait3A_321 : memref<128x32xf32, #tpu.memory_space<vmem>>)
      %dma_wait3A_328 = arith.constant 12 : i32
      %dma_wait3A_329 = arith.constant 1536 : i32
      %dma_wait3A_330 = arith.constant 0 : i32
      %dma_wait3A_331 = tpu.memref_slice %arg6[%dma_wait3A_329, %dma_wait3A_330] : memref<2560x32xf32, #tpu.memory_space<vmem>> -> memref<128x32xf32, #tpu.memory_space<vmem>>
      %dma_wait3A_332 = arith.constant 0 : i32
      %dma_wait3A_333 = tpu.memref_slice %arg5[%dma_wait3A_328, %dma_wait3A_332] : memref<20x128xi32, #tpu.memory_space<vmem>> -> memref<1x128xi32, #tpu.memory_space<vmem>>
      %dma_wait3A_334 = tpu.memref_squeeze %dma_wait3A_333 : memref<1x128xi32, #tpu.memory_space<vmem>> -> memref<128xi32, #tpu.memory_space<vmem>>
      %dma_wait3A_335 = arith.constant 0 : i32
      %dma_wait3A_336 = arith.constant 0 : i32
      %dma_wait3A_337 = tpu.memref_slice %arg2[%dma_wait3A_335, %dma_wait3A_336] : memref<10000x32xf32, #tpu.memory_space<hbm>> -> memref<10000x32xf32, #tpu.memory_space<hbm>>
      tpu.wait_indirect_dma semaphore(%arg7 : memref<!tpu.dma_semaphore, #tpu.memory_space<semaphore_mem>>) src(%dma_wait3A_337 : memref<10000x32xf32, #tpu.memory_space<hbm>>) dst(%dma_wait3A_331 : memref<128x32xf32, #tpu.memory_space<vmem>>)
      %dma_wait3A_338 = arith.constant 13 : i32
      %dma_wait3A_339 = arith.constant 1664 : i32
      %dma_wait3A_340 = arith.constant 0 : i32
      %dma_wait3A_341 = tpu.memref_slice %arg6[%dma_wait3A_339, %dma_wait3A_340] : memref<2560x32xf32, #tpu.memory_space<vmem>> -> memref<128x32xf32, #tpu.memory_space<vmem>>
      %dma_wait3A_342 = arith.constant 0 : i32
      %dma_wait3A_343 = tpu.memref_slice %arg5[%dma_wait3A_338, %dma_wait3A_342] : memref<20x128xi32, #tpu.memory_space<vmem>> -> memref<1x128xi32, #tpu.memory_space<vmem>>
      %dma_wait3A_344 = tpu.memref_squeeze %dma_wait3A_343 : memref<1x128xi32, #tpu.memory_space<vmem>> -> memref<128xi32, #tpu.memory_space<vmem>>
      %dma_wait3A_345 = arith.constant 0 : i32
      %dma_wait3A_346 = arith.constant 0 : i32
      %dma_wait3A_347 = tpu.memref_slice %arg2[%dma_wait3A_345, %dma_wait3A_346] : memref<10000x32xf32, #tpu.memory_space<hbm>> -> memref<10000x32xf32, #tpu.memory_space<hbm>>
      tpu.wait_indirect_dma semaphore(%arg7 : memref<!tpu.dma_semaphore, #tpu.memory_space<semaphore_mem>>) src(%dma_wait3A_347 : memref<10000x32xf32, #tpu.memory_space<hbm>>) dst(%dma_wait3A_341 : memref<128x32xf32, #tpu.memory_space<vmem>>)
      %dma_wait3A_348 = arith.constant 14 : i32
      %dma_wait3A_349 = arith.constant 1792 : i32
      %dma_wait3A_350 = arith.constant 0 : i32
      %dma_wait3A_351 = tpu.memref_slice %arg6[%dma_wait3A_349, %dma_wait3A_350] : memref<2560x32xf32, #tpu.memory_space<vmem>> -> memref<128x32xf32, #tpu.memory_space<vmem>>
      %dma_wait3A_352 = arith.constant 0 : i32
      %dma_wait3A_353 = tpu.memref_slice %arg5[%dma_wait3A_348, %dma_wait3A_352] : memref<20x128xi32, #tpu.memory_space<vmem>> -> memref<1x128xi32, #tpu.memory_space<vmem>>
      %dma_wait3A_354 = tpu.memref_squeeze %dma_wait3A_353 : memref<1x128xi32, #tpu.memory_space<vmem>> -> memref<128xi32, #tpu.memory_space<vmem>>
      %dma_wait3A_355 = arith.constant 0 : i32
      %dma_wait3A_356 = arith.constant 0 : i32
      %dma_wait3A_357 = tpu.memref_slice %arg2[%dma_wait3A_355, %dma_wait3A_356] : memref<10000x32xf32, #tpu.memory_space<hbm>> -> memref<10000x32xf32, #tpu.memory_space<hbm>>
      tpu.wait_indirect_dma semaphore(%arg7 : memref<!tpu.dma_semaphore, #tpu.memory_space<semaphore_mem>>) src(%dma_wait3A_357 : memref<10000x32xf32, #tpu.memory_space<hbm>>) dst(%dma_wait3A_351 : memref<128x32xf32, #tpu.memory_space<vmem>>)
      %dma_wait3A_358 = arith.constant 15 : i32
      %dma_wait3A_359 = arith.constant 1920 : i32
      %dma_wait3A_360 = arith.constant 0 : i32
      %dma_wait3A_361 = tpu.memref_slice %arg6[%dma_wait3A_359, %dma_wait3A_360] : memref<2560x32xf32, #tpu.memory_space<vmem>> -> memref<128x32xf32, #tpu.memory_space<vmem>>
      %dma_wait3A_362 = arith.constant 0 : i32
      %dma_wait3A_363 = tpu.memref_slice %arg5[%dma_wait3A_358, %dma_wait3A_362] : memref<20x128xi32, #tpu.memory_space<vmem>> -> memref<1x128xi32, #tpu.memory_space<vmem>>
      %dma_wait3A_364 = tpu.memref_squeeze %dma_wait3A_363 : memref<1x128xi32, #tpu.memory_space<vmem>> -> memref<128xi32, #tpu.memory_space<vmem>>
      %dma_wait3A_365 = arith.constant 0 : i32
      %dma_wait3A_366 = arith.constant 0 : i32
      %dma_wait3A_367 = tpu.memref_slice %arg2[%dma_wait3A_365, %dma_wait3A_366] : memref<10000x32xf32, #tpu.memory_space<hbm>> -> memref<10000x32xf32, #tpu.memory_space<hbm>>
      tpu.wait_indirect_dma semaphore(%arg7 : memref<!tpu.dma_semaphore, #tpu.memory_space<semaphore_mem>>) src(%dma_wait3A_367 : memref<10000x32xf32, #tpu.memory_space<hbm>>) dst(%dma_wait3A_361 : memref<128x32xf32, #tpu.memory_space<vmem>>)
      %dma_wait3A_368 = arith.constant 16 : i32
      %dma_wait3A_369 = arith.constant 2048 : i32
      %dma_wait3A_370 = arith.constant 0 : i32
      %dma_wait3A_371 = tpu.memref_slice %arg6[%dma_wait3A_369, %dma_wait3A_370] : memref<2560x32xf32, #tpu.memory_space<vmem>> -> memref<128x32xf32, #tpu.memory_space<vmem>>
      %dma_wait3A_372 = arith.constant 0 : i32
      %dma_wait3A_373 = tpu.memref_slice %arg5[%dma_wait3A_368, %dma_wait3A_372] : memref<20x128xi32, #tpu.memory_space<vmem>> -> memref<1x128xi32, #tpu.memory_space<vmem>>
      %dma_wait3A_374 = tpu.memref_squeeze %dma_wait3A_373 : memref<1x128xi32, #tpu.memory_space<vmem>> -> memref<128xi32, #tpu.memory_space<vmem>>
      %dma_wait3A_375 = arith.constant 0 : i32
      %dma_wait3A_376 = arith.constant 0 : i32
      %dma_wait3A_377 = tpu.memref_slice %arg2[%dma_wait3A_375, %dma_wait3A_376] : memref<10000x32xf32, #tpu.memory_space<hbm>> -> memref<10000x32xf32, #tpu.memory_space<hbm>>
      tpu.wait_indirect_dma semaphore(%arg7 : memref<!tpu.dma_semaphore, #tpu.memory_space<semaphore_mem>>) src(%dma_wait3A_377 : memref<10000x32xf32, #tpu.memory_space<hbm>>) dst(%dma_wait3A_371 : memref<128x32xf32, #tpu.memory_space<vmem>>)
      %dma_wait3A_378 = arith.constant 17 : i32
      %dma_wait3A_379 = arith.constant 2176 : i32
      %dma_wait3A_380 = arith.constant 0 : i32
      %dma_wait3A_381 = tpu.memref_slice %arg6[%dma_wait3A_379, %dma_wait3A_380] : memref<2560x32xf32, #tpu.memory_space<vmem>> -> memref<128x32xf32, #tpu.memory_space<vmem>>
      %dma_wait3A_382 = arith.constant 0 : i32
      %dma_wait3A_383 = tpu.memref_slice %arg5[%dma_wait3A_378, %dma_wait3A_382] : memref<20x128xi32, #tpu.memory_space<vmem>> -> memref<1x128xi32, #tpu.memory_space<vmem>>
      %dma_wait3A_384 = tpu.memref_squeeze %dma_wait3A_383 : memref<1x128xi32, #tpu.memory_space<vmem>> -> memref<128xi32, #tpu.memory_space<vmem>>
      %dma_wait3A_385 = arith.constant 0 : i32
      %dma_wait3A_386 = arith.constant 0 : i32
      %dma_wait3A_387 = tpu.memref_slice %arg2[%dma_wait3A_385, %dma_wait3A_386] : memref<10000x32xf32, #tpu.memory_space<hbm>> -> memref<10000x32xf32, #tpu.memory_space<hbm>>
      tpu.wait_indirect_dma semaphore(%arg7 : memref<!tpu.dma_semaphore, #tpu.memory_space<semaphore_mem>>) src(%dma_wait3A_387 : memref<10000x32xf32, #tpu.memory_space<hbm>>) dst(%dma_wait3A_381 : memref<128x32xf32, #tpu.memory_space<vmem>>)
      %dma_wait3A_388 = arith.constant 18 : i32
      %dma_wait3A_389 = arith.constant 2304 : i32
      %dma_wait3A_390 = arith.constant 0 : i32
      %dma_wait3A_391 = tpu.memref_slice %arg6[%dma_wait3A_389, %dma_wait3A_390] : memref<2560x32xf32, #tpu.memory_space<vmem>> -> memref<128x32xf32, #tpu.memory_space<vmem>>
      %dma_wait3A_392 = arith.constant 0 : i32
      %dma_wait3A_393 = tpu.memref_slice %arg5[%dma_wait3A_388, %dma_wait3A_392] : memref<20x128xi32, #tpu.memory_space<vmem>> -> memref<1x128xi32, #tpu.memory_space<vmem>>
      %dma_wait3A_394 = tpu.memref_squeeze %dma_wait3A_393 : memref<1x128xi32, #tpu.memory_space<vmem>> -> memref<128xi32, #tpu.memory_space<vmem>>
      %dma_wait3A_395 = arith.constant 0 : i32
      %dma_wait3A_396 = arith.constant 0 : i32
      %dma_wait3A_397 = tpu.memref_slice %arg2[%dma_wait3A_395, %dma_wait3A_396] : memref<10000x32xf32, #tpu.memory_space<hbm>> -> memref<10000x32xf32, #tpu.memory_space<hbm>>
      tpu.wait_indirect_dma semaphore(%arg7 : memref<!tpu.dma_semaphore, #tpu.memory_space<semaphore_mem>>) src(%dma_wait3A_397 : memref<10000x32xf32, #tpu.memory_space<hbm>>) dst(%dma_wait3A_391 : memref<128x32xf32, #tpu.memory_space<vmem>>)
      %dma_wait3A_398 = arith.constant 19 : i32
      %dma_wait3A_399 = arith.constant 2432 : i32
      %dma_wait3A_400 = arith.constant 0 : i32
      %dma_wait3A_401 = tpu.memref_slice %arg6[%dma_wait3A_399, %dma_wait3A_400] : memref<2560x32xf32, #tpu.memory_space<vmem>> -> memref<128x32xf32, #tpu.memory_space<vmem>>
      %dma_wait3A_402 = arith.constant 0 : i32
      %dma_wait3A_403 = tpu.memref_slice %arg5[%dma_wait3A_398, %dma_wait3A_402] : memref<20x128xi32, #tpu.memory_space<vmem>> -> memref<1x128xi32, #tpu.memory_space<vmem>>
      %dma_wait3A_404 = tpu.memref_squeeze %dma_wait3A_403 : memref<1x128xi32, #tpu.memory_space<vmem>> -> memref<128xi32, #tpu.memory_space<vmem>>
      %dma_wait3A_405 = arith.constant 0 : i32
      %dma_wait3A_406 = arith.constant 0 : i32
      %dma_wait3A_407 = tpu.memref_slice %arg2[%dma_wait3A_405, %dma_wait3A_406] : memref<10000x32xf32, #tpu.memory_space<hbm>> -> memref<10000x32xf32, #tpu.memory_space<hbm>>
      tpu.wait_indirect_dma semaphore(%arg7 : memref<!tpu.dma_semaphore, #tpu.memory_space<semaphore_mem>>) src(%dma_wait3A_407 : memref<10000x32xf32, #tpu.memory_space<hbm>>) dst(%dma_wait3A_401 : memref<128x32xf32, #tpu.memory_space<vmem>>)
    } else {
    }
    %dma_wait3A = arith.constant 0 : i32
    %dma_wait3A_52 = arith.constant 0 : i32
    %dma_wait3A_53 = arith.constant 0 : i32
    %dma_wait3A_54 = tpu.memref_slice %arg6[%dma_wait3A_52, %dma_wait3A_53] : memref<2560x32xf32, #tpu.memory_space<vmem>> -> memref<128x32xf32, #tpu.memory_space<vmem>>
    %dma_wait3A_55 = arith.constant 0 : i32
    %dma_wait3A_56 = tpu.memref_slice %arg5[%dma_wait3A, %dma_wait3A_55] : memref<20x128xi32, #tpu.memory_space<vmem>> -> memref<1x128xi32, #tpu.memory_space<vmem>>
    %dma_wait3A_57 = tpu.memref_squeeze %dma_wait3A_56 : memref<1x128xi32, #tpu.memory_space<vmem>> -> memref<128xi32, #tpu.memory_space<vmem>>
    %dma_wait3A_58 = arith.constant 0 : i32
    %dma_wait3A_59 = arith.constant 0 : i32
    %dma_wait3A_60 = tpu.memref_slice %arg2[%dma_wait3A_58, %dma_wait3A_59] : memref<10000x32xf32, #tpu.memory_space<hbm>> -> memref<10000x32xf32, #tpu.memory_space<hbm>>
    tpu.wait_indirect_dma semaphore(%arg7 : memref<!tpu.dma_semaphore, #tpu.memory_space<semaphore_mem>>) src(%dma_wait3A_60 : memref<10000x32xf32, #tpu.memory_space<hbm>>) dst(%dma_wait3A_54 : memref<128x32xf32, #tpu.memory_space<vmem>>)
    %dma_wait3A_61 = arith.constant 1 : i32
    %dma_wait3A_62 = arith.constant 128 : i32
    %dma_wait3A_63 = arith.constant 0 : i32
    %dma_wait3A_64 = tpu.memref_slice %arg6[%dma_wait3A_62, %dma_wait3A_63] : memref<2560x32xf32, #tpu.memory_space<vmem>> -> memref<128x32xf32, #tpu.memory_space<vmem>>
    %dma_wait3A_65 = arith.constant 0 : i32
    %dma_wait3A_66 = tpu.memref_slice %arg5[%dma_wait3A_61, %dma_wait3A_65] : memref<20x128xi32, #tpu.memory_space<vmem>> -> memref<1x128xi32, #tpu.memory_space<vmem>>
    %dma_wait3A_67 = tpu.memref_squeeze %dma_wait3A_66 : memref<1x128xi32, #tpu.memory_space<vmem>> -> memref<128xi32, #tpu.memory_space<vmem>>
    %dma_wait3A_68 = arith.constant 0 : i32
    %dma_wait3A_69 = arith.constant 0 : i32
    %dma_wait3A_70 = tpu.memref_slice %arg2[%dma_wait3A_68, %dma_wait3A_69] : memref<10000x32xf32, #tpu.memory_space<hbm>> -> memref<10000x32xf32, #tpu.memory_space<hbm>>
    tpu.wait_indirect_dma semaphore(%arg7 : memref<!tpu.dma_semaphore, #tpu.memory_space<semaphore_mem>>) src(%dma_wait3A_70 : memref<10000x32xf32, #tpu.memory_space<hbm>>) dst(%dma_wait3A_64 : memref<128x32xf32, #tpu.memory_space<vmem>>)
    %dma_wait3A_71 = arith.constant 2 : i32
    %dma_wait3A_72 = arith.constant 256 : i32
    %dma_wait3A_73 = arith.constant 0 : i32
    %dma_wait3A_74 = tpu.memref_slice %arg6[%dma_wait3A_72, %dma_wait3A_73] : memref<2560x32xf32, #tpu.memory_space<vmem>> -> memref<128x32xf32, #tpu.memory_space<vmem>>
    %dma_wait3A_75 = arith.constant 0 : i32
    %dma_wait3A_76 = tpu.memref_slice %arg5[%dma_wait3A_71, %dma_wait3A_75] : memref<20x128xi32, #tpu.memory_space<vmem>> -> memref<1x128xi32, #tpu.memory_space<vmem>>
    %dma_wait3A_77 = tpu.memref_squeeze %dma_wait3A_76 : memref<1x128xi32, #tpu.memory_space<vmem>> -> memref<128xi32, #tpu.memory_space<vmem>>
    %dma_wait3A_78 = arith.constant 0 : i32
    %dma_wait3A_79 = arith.constant 0 : i32
    %dma_wait3A_80 = tpu.memref_slice %arg2[%dma_wait3A_78, %dma_wait3A_79] : memref<10000x32xf32, #tpu.memory_space<hbm>> -> memref<10000x32xf32, #tpu.memory_space<hbm>>
    tpu.wait_indirect_dma semaphore(%arg7 : memref<!tpu.dma_semaphore, #tpu.memory_space<semaphore_mem>>) src(%dma_wait3A_80 : memref<10000x32xf32, #tpu.memory_space<hbm>>) dst(%dma_wait3A_74 : memref<128x32xf32, #tpu.memory_space<vmem>>)
    %dma_wait3A_81 = arith.constant 3 : i32
    %dma_wait3A_82 = arith.constant 384 : i32
    %dma_wait3A_83 = arith.constant 0 : i32
    %dma_wait3A_84 = tpu.memref_slice %arg6[%dma_wait3A_82, %dma_wait3A_83] : memref<2560x32xf32, #tpu.memory_space<vmem>> -> memref<128x32xf32, #tpu.memory_space<vmem>>
    %dma_wait3A_85 = arith.constant 0 : i32
    %dma_wait3A_86 = tpu.memref_slice %arg5[%dma_wait3A_81, %dma_wait3A_85] : memref<20x128xi32, #tpu.memory_space<vmem>> -> memref<1x128xi32, #tpu.memory_space<vmem>>
    %dma_wait3A_87 = tpu.memref_squeeze %dma_wait3A_86 : memref<1x128xi32, #tpu.memory_space<vmem>> -> memref<128xi32, #tpu.memory_space<vmem>>
    %dma_wait3A_88 = arith.constant 0 : i32
    %dma_wait3A_89 = arith.constant 0 : i32
    %dma_wait3A_90 = tpu.memref_slice %arg2[%dma_wait3A_88, %dma_wait3A_89] : memref<10000x32xf32, #tpu.memory_space<hbm>> -> memref<10000x32xf32, #tpu.memory_space<hbm>>
    tpu.wait_indirect_dma semaphore(%arg7 : memref<!tpu.dma_semaphore, #tpu.memory_space<semaphore_mem>>) src(%dma_wait3A_90 : memref<10000x32xf32, #tpu.memory_space<hbm>>) dst(%dma_wait3A_84 : memref<128x32xf32, #tpu.memory_space<vmem>>)
    %dma_wait3A_91 = arith.constant 4 : i32
    %dma_wait3A_92 = arith.constant 512 : i32
    %dma_wait3A_93 = arith.constant 0 : i32
    %dma_wait3A_94 = tpu.memref_slice %arg6[%dma_wait3A_92, %dma_wait3A_93] : memref<2560x32xf32, #tpu.memory_space<vmem>> -> memref<128x32xf32, #tpu.memory_space<vmem>>
    %dma_wait3A_95 = arith.constant 0 : i32
    %dma_wait3A_96 = tpu.memref_slice %arg5[%dma_wait3A_91, %dma_wait3A_95] : memref<20x128xi32, #tpu.memory_space<vmem>> -> memref<1x128xi32, #tpu.memory_space<vmem>>
    %dma_wait3A_97 = tpu.memref_squeeze %dma_wait3A_96 : memref<1x128xi32, #tpu.memory_space<vmem>> -> memref<128xi32, #tpu.memory_space<vmem>>
    %dma_wait3A_98 = arith.constant 0 : i32
    %dma_wait3A_99 = arith.constant 0 : i32
    %dma_wait3A_100 = tpu.memref_slice %arg2[%dma_wait3A_98, %dma_wait3A_99] : memref<10000x32xf32, #tpu.memory_space<hbm>> -> memref<10000x32xf32, #tpu.memory_space<hbm>>
    tpu.wait_indirect_dma semaphore(%arg7 : memref<!tpu.dma_semaphore, #tpu.memory_space<semaphore_mem>>) src(%dma_wait3A_100 : memref<10000x32xf32, #tpu.memory_space<hbm>>) dst(%dma_wait3A_94 : memref<128x32xf32, #tpu.memory_space<vmem>>)
    %mul3A_101 = arith.constant 2560 : i32
    %mul3A_102 = arith.muli %add3A, %mul3A_101 : i32
    "tpu.region"() ({
      %run_scoped3A = tpu.sem_alloc : memref<!tpu.dma_semaphore, #tpu.memory_space<semaphore_mem>>
      %dma_start3A_108 = arith.constant 0 : i32
      %dma_start3A_109 = arith.constant 0 : i32
      %dma_start3A_110 = tpu.memref_slice %arg6[%dma_start3A_108, %dma_start3A_109] : memref<2560x32xf32, #tpu.memory_space<vmem>> -> memref<640x32xf32, #tpu.memory_space<vmem>>
      %dma_start3A_111 = arith.constant 0 : i32
      %dma_start3A_112 = tpu.memref_slice %arg4[%mul3A_102, %dma_start3A_111] : memref<80000x32xf32, #tpu.memory_space<hbm>> -> memref<640x32xf32, #tpu.memory_space<hbm>>
      %dma_start3A_113 = arith.constant 0 : i32
      %dma_start3A_114 = tpu.memref_slice %arg4[%mul3A_102, %dma_start3A_113] : memref<80000x32xf32, #tpu.memory_space<hbm>> -> memref<640x32xf32, #tpu.memory_space<hbm>>
      %dma_start3A_115 = arith.constant 0 : i32
      %dma_start3A_116 = arith.constant 0 : i32
      %dma_start3A_117 = tpu.memref_slice %arg6[%dma_start3A_115, %dma_start3A_116] : memref<2560x32xf32, #tpu.memory_space<vmem>> -> memref<640x32xf32, #tpu.memory_space<vmem>>
      tpu.enqueue_dma source(%dma_start3A_117 : memref<640x32xf32, #tpu.memory_space<vmem>>) target(%dma_start3A_114 : memref<640x32xf32, #tpu.memory_space<hbm>>) target_semaphore(%run_scoped3A : memref<!tpu.dma_semaphore, #tpu.memory_space<semaphore_mem>>)
      %dma_wait3A_118 = arith.constant 0 : i32
      %dma_wait3A_119 = arith.constant 0 : i32
      %dma_wait3A_120 = tpu.memref_slice %arg6[%dma_wait3A_118, %dma_wait3A_119] : memref<2560x32xf32, #tpu.memory_space<vmem>> -> memref<640x32xf32, #tpu.memory_space<vmem>>
      %dma_wait3A_121 = arith.constant 0 : i32
      %dma_wait3A_122 = tpu.memref_slice %arg4[%mul3A_102, %dma_wait3A_121] : memref<80000x32xf32, #tpu.memory_space<hbm>> -> memref<640x32xf32, #tpu.memory_space<hbm>>
      %dma_wait3A_123 = arith.constant 0 : i32
      %dma_wait3A_124 = tpu.memref_slice %arg4[%mul3A_102, %dma_wait3A_123] : memref<80000x32xf32, #tpu.memory_space<hbm>> -> memref<640x32xf32, #tpu.memory_space<hbm>>
      %dma_wait3A_125 = arith.constant 0 : i32
      %dma_wait3A_126 = arith.constant 0 : i32
      %dma_wait3A_127 = tpu.memref_slice %arg6[%dma_wait3A_125, %dma_wait3A_126] : memref<2560x32xf32, #tpu.memory_space<vmem>> -> memref<640x32xf32, #tpu.memory_space<vmem>>
      tpu.wait_dma2 semaphore(%run_scoped3A : memref<!tpu.dma_semaphore, #tpu.memory_space<semaphore_mem>>) src(%dma_wait3A_127 : memref<640x32xf32, #tpu.memory_space<vmem>>) dst(%dma_wait3A_124 : memref<640x32xf32, #tpu.memory_space<hbm>>)
      tpu.yield
    }) : () -> ()
    %lt3A_103 = arith.constant 31 : i32
    %lt3A_104 = arith.cmpi slt, %add3A, %lt3A_103 : i32
    %convert_element_type3A_105 = arith.extui %lt3A_104 : i1 to i32
    %cond3A_106 = arith.constant 0 : i32
    %cond3A_107 = arith.cmpi ne, %convert_element_type3A_105, %cond3A_106 : i32
    scf.if %cond3A_107 {
      %mul3A_108 = arith.constant 2560 : i32
      %mul3A_109 = arith.muli %add3A, %mul3A_108 : i32
      %add3A_110 = arith.constant 640 : i32
      %add3A_111 = arith.addi %mul3A_109, %add3A_110 : i32
      "tpu.region"() ({
        %run_scoped3A = tpu.sem_alloc : memref<!tpu.dma_semaphore, #tpu.memory_space<semaphore_mem>>
        %dma_start3A_112 = arith.constant 640 : i32
        %dma_start3A_113 = arith.constant 0 : i32
        %dma_start3A_114 = tpu.memref_slice %arg6[%dma_start3A_112, %dma_start3A_113] : memref<2560x32xf32, #tpu.memory_space<vmem>> -> memref<1920x32xf32, #tpu.memory_space<vmem>>
        %dma_start3A_115 = arith.constant 0 : i32
        %dma_start3A_116 = tpu.memref_slice %arg4[%add3A_111, %dma_start3A_115] : memref<80000x32xf32, #tpu.memory_space<hbm>> -> memref<1920x32xf32, #tpu.memory_space<hbm>>
        %dma_start3A_117 = arith.constant 0 : i32
        %dma_start3A_118 = tpu.memref_slice %arg4[%add3A_111, %dma_start3A_117] : memref<80000x32xf32, #tpu.memory_space<hbm>> -> memref<1920x32xf32, #tpu.memory_space<hbm>>
        %dma_start3A_119 = arith.constant 640 : i32
        %dma_start3A_120 = arith.constant 0 : i32
        %dma_start3A_121 = tpu.memref_slice %arg6[%dma_start3A_119, %dma_start3A_120] : memref<2560x32xf32, #tpu.memory_space<vmem>> -> memref<1920x32xf32, #tpu.memory_space<vmem>>
        tpu.enqueue_dma source(%dma_start3A_121 : memref<1920x32xf32, #tpu.memory_space<vmem>>) target(%dma_start3A_118 : memref<1920x32xf32, #tpu.memory_space<hbm>>) target_semaphore(%run_scoped3A : memref<!tpu.dma_semaphore, #tpu.memory_space<semaphore_mem>>)
        %dma_wait3A_122 = arith.constant 640 : i32
        %dma_wait3A_123 = arith.constant 0 : i32
        %dma_wait3A_124 = tpu.memref_slice %arg6[%dma_wait3A_122, %dma_wait3A_123] : memref<2560x32xf32, #tpu.memory_space<vmem>> -> memref<1920x32xf32, #tpu.memory_space<vmem>>
        %dma_wait3A_125 = arith.constant 0 : i32
        %dma_wait3A_126 = tpu.memref_slice %arg4[%add3A_111, %dma_wait3A_125] : memref<80000x32xf32, #tpu.memory_space<hbm>> -> memref<1920x32xf32, #tpu.memory_space<hbm>>
        %dma_wait3A_127 = arith.constant 0 : i32
        %dma_wait3A_128 = tpu.memref_slice %arg4[%add3A_111, %dma_wait3A_127] : memref<80000x32xf32, #tpu.memory_space<hbm>> -> memref<1920x32xf32, #tpu.memory_space<hbm>>
        %dma_wait3A_129 = arith.constant 640 : i32
        %dma_wait3A_130 = arith.constant 0 : i32
        %dma_wait3A_131 = tpu.memref_slice %arg6[%dma_wait3A_129, %dma_wait3A_130] : memref<2560x32xf32, #tpu.memory_space<vmem>> -> memref<1920x32xf32, #tpu.memory_space<vmem>>
        tpu.wait_dma2 semaphore(%run_scoped3A : memref<!tpu.dma_semaphore, #tpu.memory_space<semaphore_mem>>) src(%dma_wait3A_131 : memref<1920x32xf32, #tpu.memory_space<vmem>>) dst(%dma_wait3A_128 : memref<1920x32xf32, #tpu.memory_space<hbm>>)
        tpu.yield
      }) : () -> ()
    } else {
    }
    return
  }
}

#map = affine_map<(d0, d1) -> (0, 0)>
#map1 = affine_map<(d0, d1) -> (0, 0, 0)>
module attributes {stable_mosaic.version = 14 : i64} {
  func.func @k(%arg0: i32, %arg1: i32, %arg2: memref<80000x32xf32, #tpu.memory_space<hbm>>, %arg3: memref<32x20x128xi32, #tpu.memory_space<hbm>>, %arg4: memref<10240x32xf32, #tpu.memory_space<hbm>>, %arg5: memref<2x10240x32xf32, #tpu.memory_space<hbm>>, %arg6: memref<20x128xi32, #tpu.memory_space<vmem>>, %arg7: memref<2560x32xf32, #tpu.memory_space<vmem>>, %arg8: memref<640x32xf32, #tpu.memory_space<vmem>>, %arg9: memref<10240x32xf32, #tpu.memory_space<vmem_shared>>, %arg10: memref<!tpu.dma_semaphore, #tpu.memory_space<semaphore_mem>>) attributes {dimension_semantics = [#tpu.dimension_semantics<core_parallel>, #tpu.dimension_semantics<subcore_parallel>], iteration_bounds = array<i64: 2, 16>, scalar_prefetch = 0 : i64, scratch_operands = 5 : i64, tpu.core_type = #tpu.core_type<sc_vector_subcore>, window_params = [{transform_indices = #map}, {transform_indices = #map1}, {transform_indices = #map}, {transform_indices = #map1}]} {
    %mul3A = arith.constant 2 : i32
    %mul3A_0 = arith.muli %arg1, %mul3A : i32
    %add3A = arith.addi %mul3A_0, %arg0 : i32
    %mul3A_1 = arith.constant 640 : i32
    %mul3A_2 = arith.muli %arg1, %mul3A_1 : i32
    "tpu.region"() ({
      %run_scoped3A = tpu.sem_alloc : memref<!tpu.dma_semaphore, #tpu.memory_space<semaphore_mem>>
      %dma_start3A_117 = arith.constant 0 : i32
      %dma_start3A_118 = tpu.memref_slice %arg4[%mul3A_2, %dma_start3A_117] : memref<10240x32xf32, #tpu.memory_space<hbm>> -> memref<640x32xf32, #tpu.memory_space<hbm>>
      %dma_start3A_119 = arith.constant 0 : i32
      %dma_start3A_120 = tpu.memref_slice %arg4[%mul3A_2, %dma_start3A_119] : memref<10240x32xf32, #tpu.memory_space<hbm>> -> memref<640x32xf32, #tpu.memory_space<hbm>>
      tpu.enqueue_dma source(%dma_start3A_120 : memref<640x32xf32, #tpu.memory_space<hbm>>) target(%arg8 : memref<640x32xf32, #tpu.memory_space<vmem>>) target_semaphore(%run_scoped3A : memref<!tpu.dma_semaphore, #tpu.memory_space<semaphore_mem>>)
      %dma_wait3A_121 = arith.constant 0 : i32
      %dma_wait3A_122 = tpu.memref_slice %arg4[%mul3A_2, %dma_wait3A_121] : memref<10240x32xf32, #tpu.memory_space<hbm>> -> memref<640x32xf32, #tpu.memory_space<hbm>>
      %dma_wait3A_123 = arith.constant 0 : i32
      %dma_wait3A_124 = tpu.memref_slice %arg4[%mul3A_2, %dma_wait3A_123] : memref<10240x32xf32, #tpu.memory_space<hbm>> -> memref<640x32xf32, #tpu.memory_space<hbm>>
      tpu.wait_dma2 semaphore(%run_scoped3A : memref<!tpu.dma_semaphore, #tpu.memory_space<semaphore_mem>>) src(%dma_wait3A_124 : memref<640x32xf32, #tpu.memory_space<hbm>>) dst(%arg8 : memref<640x32xf32, #tpu.memory_space<vmem>>)
      tpu.yield
    }) : () -> ()
    %mul3A_3 = arith.constant 640 : i32
    %mul3A_4 = arith.muli %arg1, %mul3A_3 : i32
    "tpu.region"() ({
      %run_scoped3A = tpu.sem_alloc : memref<!tpu.dma_semaphore, #tpu.memory_space<semaphore_mem>>
      %dma_start3A_117 = arith.constant 0 : i32
      %dma_start3A_118 = tpu.memref_slice %arg9[%mul3A_4, %dma_start3A_117] : memref<10240x32xf32, #tpu.memory_space<vmem_shared>> -> memref<640x32xf32, #tpu.memory_space<vmem_shared>>
      %dma_start3A_119 = arith.constant 0 : i32
      %dma_start3A_120 = tpu.memref_slice %arg9[%mul3A_4, %dma_start3A_119] : memref<10240x32xf32, #tpu.memory_space<vmem_shared>> -> memref<640x32xf32, #tpu.memory_space<vmem_shared>>
      tpu.enqueue_dma source(%arg8 : memref<640x32xf32, #tpu.memory_space<vmem>>) target(%dma_start3A_120 : memref<640x32xf32, #tpu.memory_space<vmem_shared>>) target_semaphore(%run_scoped3A : memref<!tpu.dma_semaphore, #tpu.memory_space<semaphore_mem>>)
      %dma_wait3A_121 = arith.constant 0 : i32
      %dma_wait3A_122 = tpu.memref_slice %arg9[%mul3A_4, %dma_wait3A_121] : memref<10240x32xf32, #tpu.memory_space<vmem_shared>> -> memref<640x32xf32, #tpu.memory_space<vmem_shared>>
      %dma_wait3A_123 = arith.constant 0 : i32
      %dma_wait3A_124 = tpu.memref_slice %arg9[%mul3A_4, %dma_wait3A_123] : memref<10240x32xf32, #tpu.memory_space<vmem_shared>> -> memref<640x32xf32, #tpu.memory_space<vmem_shared>>
      tpu.wait_dma2 semaphore(%run_scoped3A : memref<!tpu.dma_semaphore, #tpu.memory_space<semaphore_mem>>) src(%arg8 : memref<640x32xf32, #tpu.memory_space<vmem>>) dst(%dma_wait3A_124 : memref<640x32xf32, #tpu.memory_space<vmem_shared>>)
      tpu.yield
    }) : () -> ()
    "tpu.region"() ({
      %run_scoped3A = tpu.sem_alloc : memref<!tpu.dma_semaphore, #tpu.memory_space<semaphore_mem>>
      %dma_start3A_117 = arith.constant 0 : i32
      %dma_start3A_118 = arith.constant 0 : i32
      %dma_start3A_119 = tpu.memref_slice %arg3[%add3A, %dma_start3A_117, %dma_start3A_118] : memref<32x20x128xi32, #tpu.memory_space<hbm>> -> memref<1x20x128xi32, #tpu.memory_space<hbm>>
      %dma_start3A_120 = tpu.memref_squeeze %dma_start3A_119 : memref<1x20x128xi32, #tpu.memory_space<hbm>> -> memref<20x128xi32, #tpu.memory_space<hbm>>
      %dma_start3A_121 = arith.constant 0 : i32
      %dma_start3A_122 = arith.constant 0 : i32
      %dma_start3A_123 = tpu.memref_slice %arg3[%add3A, %dma_start3A_121, %dma_start3A_122] : memref<32x20x128xi32, #tpu.memory_space<hbm>> -> memref<1x20x128xi32, #tpu.memory_space<hbm>>
      %dma_start3A_124 = tpu.memref_squeeze %dma_start3A_123 : memref<1x20x128xi32, #tpu.memory_space<hbm>> -> memref<20x128xi32, #tpu.memory_space<hbm>>
      tpu.enqueue_dma source(%dma_start3A_124 : memref<20x128xi32, #tpu.memory_space<hbm>>) target(%arg6 : memref<20x128xi32, #tpu.memory_space<vmem>>) target_semaphore(%run_scoped3A : memref<!tpu.dma_semaphore, #tpu.memory_space<semaphore_mem>>)
      %dma_wait3A_125 = arith.constant 0 : i32
      %dma_wait3A_126 = arith.constant 0 : i32
      %dma_wait3A_127 = tpu.memref_slice %arg3[%add3A, %dma_wait3A_125, %dma_wait3A_126] : memref<32x20x128xi32, #tpu.memory_space<hbm>> -> memref<1x20x128xi32, #tpu.memory_space<hbm>>
      %dma_wait3A_128 = tpu.memref_squeeze %dma_wait3A_127 : memref<1x20x128xi32, #tpu.memory_space<hbm>> -> memref<20x128xi32, #tpu.memory_space<hbm>>
      %dma_wait3A_129 = arith.constant 0 : i32
      %dma_wait3A_130 = arith.constant 0 : i32
      %dma_wait3A_131 = tpu.memref_slice %arg3[%add3A, %dma_wait3A_129, %dma_wait3A_130] : memref<32x20x128xi32, #tpu.memory_space<hbm>> -> memref<1x20x128xi32, #tpu.memory_space<hbm>>
      %dma_wait3A_132 = tpu.memref_squeeze %dma_wait3A_131 : memref<1x20x128xi32, #tpu.memory_space<hbm>> -> memref<20x128xi32, #tpu.memory_space<hbm>>
      tpu.wait_dma2 semaphore(%run_scoped3A : memref<!tpu.dma_semaphore, #tpu.memory_space<semaphore_mem>>) src(%dma_wait3A_132 : memref<20x128xi32, #tpu.memory_space<hbm>>) dst(%arg6 : memref<20x128xi32, #tpu.memory_space<vmem>>)
      tpu.yield
    }) : () -> ()
    %mul3A_5 = arith.constant 2560 : i32
    %mul3A_6 = arith.muli %add3A, %mul3A_5 : i32
    "tpu.region"() ({
      %run_scoped3A = tpu.sem_alloc : memref<!tpu.dma_semaphore, #tpu.memory_space<semaphore_mem>>
      %dma_start3A_117 = arith.constant 0 : i32
      %dma_start3A_118 = arith.constant 0 : i32
      %dma_start3A_119 = tpu.memref_slice %arg7[%dma_start3A_117, %dma_start3A_118] : memref<2560x32xf32, #tpu.memory_space<vmem>> -> memref<640x32xf32, #tpu.memory_space<vmem>>
      %dma_start3A_120 = arith.constant 0 : i32
      %dma_start3A_121 = tpu.memref_slice %arg2[%mul3A_6, %dma_start3A_120] : memref<80000x32xf32, #tpu.memory_space<hbm>> -> memref<640x32xf32, #tpu.memory_space<hbm>>
      %dma_start3A_122 = arith.constant 0 : i32
      %dma_start3A_123 = arith.constant 0 : i32
      %dma_start3A_124 = tpu.memref_slice %arg7[%dma_start3A_122, %dma_start3A_123] : memref<2560x32xf32, #tpu.memory_space<vmem>> -> memref<640x32xf32, #tpu.memory_space<vmem>>
      %dma_start3A_125 = arith.constant 0 : i32
      %dma_start3A_126 = tpu.memref_slice %arg2[%mul3A_6, %dma_start3A_125] : memref<80000x32xf32, #tpu.memory_space<hbm>> -> memref<640x32xf32, #tpu.memory_space<hbm>>
      tpu.enqueue_dma source(%dma_start3A_126 : memref<640x32xf32, #tpu.memory_space<hbm>>) target(%dma_start3A_124 : memref<640x32xf32, #tpu.memory_space<vmem>>) target_semaphore(%run_scoped3A : memref<!tpu.dma_semaphore, #tpu.memory_space<semaphore_mem>>)
      %dma_wait3A_127 = arith.constant 0 : i32
      %dma_wait3A_128 = arith.constant 0 : i32
      %dma_wait3A_129 = tpu.memref_slice %arg7[%dma_wait3A_127, %dma_wait3A_128] : memref<2560x32xf32, #tpu.memory_space<vmem>> -> memref<640x32xf32, #tpu.memory_space<vmem>>
      %dma_wait3A_130 = arith.constant 0 : i32
      %dma_wait3A_131 = tpu.memref_slice %arg2[%mul3A_6, %dma_wait3A_130] : memref<80000x32xf32, #tpu.memory_space<hbm>> -> memref<640x32xf32, #tpu.memory_space<hbm>>
      %dma_wait3A_132 = arith.constant 0 : i32
      %dma_wait3A_133 = arith.constant 0 : i32
      %dma_wait3A_134 = tpu.memref_slice %arg7[%dma_wait3A_132, %dma_wait3A_133] : memref<2560x32xf32, #tpu.memory_space<vmem>> -> memref<640x32xf32, #tpu.memory_space<vmem>>
      %dma_wait3A_135 = arith.constant 0 : i32
      %dma_wait3A_136 = tpu.memref_slice %arg2[%mul3A_6, %dma_wait3A_135] : memref<80000x32xf32, #tpu.memory_space<hbm>> -> memref<640x32xf32, #tpu.memory_space<hbm>>
      tpu.wait_dma2 semaphore(%run_scoped3A : memref<!tpu.dma_semaphore, #tpu.memory_space<semaphore_mem>>) src(%dma_wait3A_136 : memref<640x32xf32, #tpu.memory_space<hbm>>) dst(%dma_wait3A_134 : memref<640x32xf32, #tpu.memory_space<vmem>>)
      tpu.yield
    }) : () -> ()
    %lt3A = arith.constant 31 : i32
    %lt3A_7 = arith.cmpi slt, %add3A, %lt3A : i32
    %convert_element_type3A = arith.extui %lt3A_7 : i1 to i32
    %cond3A = arith.constant 0 : i32
    %cond3A_8 = arith.cmpi ne, %convert_element_type3A, %cond3A : i32
    scf.if %cond3A_8 {
      %mul3A_117 = arith.constant 2560 : i32
      %mul3A_118 = arith.muli %add3A, %mul3A_117 : i32
      %add3A_119 = arith.constant 640 : i32
      %add3A_120 = arith.addi %mul3A_118, %add3A_119 : i32
      "tpu.region"() ({
        %run_scoped3A = tpu.sem_alloc : memref<!tpu.dma_semaphore, #tpu.memory_space<semaphore_mem>>
        %dma_start3A_121 = arith.constant 640 : i32
        %dma_start3A_122 = arith.constant 0 : i32
        %dma_start3A_123 = tpu.memref_slice %arg7[%dma_start3A_121, %dma_start3A_122] : memref<2560x32xf32, #tpu.memory_space<vmem>> -> memref<1920x32xf32, #tpu.memory_space<vmem>>
        %dma_start3A_124 = arith.constant 0 : i32
        %dma_start3A_125 = tpu.memref_slice %arg2[%add3A_120, %dma_start3A_124] : memref<80000x32xf32, #tpu.memory_space<hbm>> -> memref<1920x32xf32, #tpu.memory_space<hbm>>
        %dma_start3A_126 = arith.constant 640 : i32
        %dma_start3A_127 = arith.constant 0 : i32
        %dma_start3A_128 = tpu.memref_slice %arg7[%dma_start3A_126, %dma_start3A_127] : memref<2560x32xf32, #tpu.memory_space<vmem>> -> memref<1920x32xf32, #tpu.memory_space<vmem>>
        %dma_start3A_129 = arith.constant 0 : i32
        %dma_start3A_130 = tpu.memref_slice %arg2[%add3A_120, %dma_start3A_129] : memref<80000x32xf32, #tpu.memory_space<hbm>> -> memref<1920x32xf32, #tpu.memory_space<hbm>>
        tpu.enqueue_dma source(%dma_start3A_130 : memref<1920x32xf32, #tpu.memory_space<hbm>>) target(%dma_start3A_128 : memref<1920x32xf32, #tpu.memory_space<vmem>>) target_semaphore(%run_scoped3A : memref<!tpu.dma_semaphore, #tpu.memory_space<semaphore_mem>>)
        %dma_wait3A_131 = arith.constant 640 : i32
        %dma_wait3A_132 = arith.constant 0 : i32
        %dma_wait3A_133 = tpu.memref_slice %arg7[%dma_wait3A_131, %dma_wait3A_132] : memref<2560x32xf32, #tpu.memory_space<vmem>> -> memref<1920x32xf32, #tpu.memory_space<vmem>>
        %dma_wait3A_134 = arith.constant 0 : i32
        %dma_wait3A_135 = tpu.memref_slice %arg2[%add3A_120, %dma_wait3A_134] : memref<80000x32xf32, #tpu.memory_space<hbm>> -> memref<1920x32xf32, #tpu.memory_space<hbm>>
        %dma_wait3A_136 = arith.constant 640 : i32
        %dma_wait3A_137 = arith.constant 0 : i32
        %dma_wait3A_138 = tpu.memref_slice %arg7[%dma_wait3A_136, %dma_wait3A_137] : memref<2560x32xf32, #tpu.memory_space<vmem>> -> memref<1920x32xf32, #tpu.memory_space<vmem>>
        %dma_wait3A_139 = arith.constant 0 : i32
        %dma_wait3A_140 = tpu.memref_slice %arg2[%add3A_120, %dma_wait3A_139] : memref<80000x32xf32, #tpu.memory_space<hbm>> -> memref<1920x32xf32, #tpu.memory_space<hbm>>
        tpu.wait_dma2 semaphore(%run_scoped3A : memref<!tpu.dma_semaphore, #tpu.memory_space<semaphore_mem>>) src(%dma_wait3A_140 : memref<1920x32xf32, #tpu.memory_space<hbm>>) dst(%dma_wait3A_138 : memref<1920x32xf32, #tpu.memory_space<vmem>>)
        tpu.yield
      }) : () -> ()
    } else {
    }
    %barrier3A = arith.constant 0 : index
    tpu.barrier barrier_id(%barrier3A)
    %dma_start3A = arith.constant 0 : i32
    %dma_start3A_9 = arith.constant 0 : i32
    %dma_start3A_10 = arith.constant 0 : i32
    %dma_start3A_11 = tpu.memref_slice %arg7[%dma_start3A_9, %dma_start3A_10] : memref<2560x32xf32, #tpu.memory_space<vmem>> -> memref<128x32xf32, #tpu.memory_space<vmem>>
    %dma_start3A_12 = arith.constant 0 : i32
    %dma_start3A_13 = tpu.memref_slice %arg6[%dma_start3A, %dma_start3A_12] : memref<20x128xi32, #tpu.memory_space<vmem>> -> memref<1x128xi32, #tpu.memory_space<vmem>>
    %dma_start3A_14 = tpu.memref_squeeze %dma_start3A_13 : memref<1x128xi32, #tpu.memory_space<vmem>> -> memref<128xi32, #tpu.memory_space<vmem>>
    %dma_start3A_15 = arith.constant 0 : i32
    %dma_start3A_16 = arith.constant 0 : i32
    %dma_start3A_17 = tpu.memref_slice %arg9[%dma_start3A_15, %dma_start3A_16] : memref<10240x32xf32, #tpu.memory_space<vmem_shared>> -> memref<10240x32xf32, #tpu.memory_space<vmem_shared>>
    tpu.enqueue_indirect_dma source(%dma_start3A_11 : memref<128x32xf32, #tpu.memory_space<vmem>>) target(%dma_start3A_17 : memref<10240x32xf32, #tpu.memory_space<vmem_shared>>) offsets(%dma_start3A_14 : memref<128xi32, #tpu.memory_space<vmem>>) semaphore(%arg10 : memref<!tpu.dma_semaphore, #tpu.memory_space<semaphore_mem>>) {add = true}
    %dma_start3A_18 = arith.constant 1 : i32
    %dma_start3A_19 = arith.constant 128 : i32
    %dma_start3A_20 = arith.constant 0 : i32
    %dma_start3A_21 = tpu.memref_slice %arg7[%dma_start3A_19, %dma_start3A_20] : memref<2560x32xf32, #tpu.memory_space<vmem>> -> memref<128x32xf32, #tpu.memory_space<vmem>>
    %dma_start3A_22 = arith.constant 0 : i32
    %dma_start3A_23 = tpu.memref_slice %arg6[%dma_start3A_18, %dma_start3A_22] : memref<20x128xi32, #tpu.memory_space<vmem>> -> memref<1x128xi32, #tpu.memory_space<vmem>>
    %dma_start3A_24 = tpu.memref_squeeze %dma_start3A_23 : memref<1x128xi32, #tpu.memory_space<vmem>> -> memref<128xi32, #tpu.memory_space<vmem>>
    %dma_start3A_25 = arith.constant 0 : i32
    %dma_start3A_26 = arith.constant 0 : i32
    %dma_start3A_27 = tpu.memref_slice %arg9[%dma_start3A_25, %dma_start3A_26] : memref<10240x32xf32, #tpu.memory_space<vmem_shared>> -> memref<10240x32xf32, #tpu.memory_space<vmem_shared>>
    tpu.enqueue_indirect_dma source(%dma_start3A_21 : memref<128x32xf32, #tpu.memory_space<vmem>>) target(%dma_start3A_27 : memref<10240x32xf32, #tpu.memory_space<vmem_shared>>) offsets(%dma_start3A_24 : memref<128xi32, #tpu.memory_space<vmem>>) semaphore(%arg10 : memref<!tpu.dma_semaphore, #tpu.memory_space<semaphore_mem>>) {add = true}
    %dma_start3A_28 = arith.constant 2 : i32
    %dma_start3A_29 = arith.constant 256 : i32
    %dma_start3A_30 = arith.constant 0 : i32
    %dma_start3A_31 = tpu.memref_slice %arg7[%dma_start3A_29, %dma_start3A_30] : memref<2560x32xf32, #tpu.memory_space<vmem>> -> memref<128x32xf32, #tpu.memory_space<vmem>>
    %dma_start3A_32 = arith.constant 0 : i32
    %dma_start3A_33 = tpu.memref_slice %arg6[%dma_start3A_28, %dma_start3A_32] : memref<20x128xi32, #tpu.memory_space<vmem>> -> memref<1x128xi32, #tpu.memory_space<vmem>>
    %dma_start3A_34 = tpu.memref_squeeze %dma_start3A_33 : memref<1x128xi32, #tpu.memory_space<vmem>> -> memref<128xi32, #tpu.memory_space<vmem>>
    %dma_start3A_35 = arith.constant 0 : i32
    %dma_start3A_36 = arith.constant 0 : i32
    %dma_start3A_37 = tpu.memref_slice %arg9[%dma_start3A_35, %dma_start3A_36] : memref<10240x32xf32, #tpu.memory_space<vmem_shared>> -> memref<10240x32xf32, #tpu.memory_space<vmem_shared>>
    tpu.enqueue_indirect_dma source(%dma_start3A_31 : memref<128x32xf32, #tpu.memory_space<vmem>>) target(%dma_start3A_37 : memref<10240x32xf32, #tpu.memory_space<vmem_shared>>) offsets(%dma_start3A_34 : memref<128xi32, #tpu.memory_space<vmem>>) semaphore(%arg10 : memref<!tpu.dma_semaphore, #tpu.memory_space<semaphore_mem>>) {add = true}
    %dma_start3A_38 = arith.constant 3 : i32
    %dma_start3A_39 = arith.constant 384 : i32
    %dma_start3A_40 = arith.constant 0 : i32
    %dma_start3A_41 = tpu.memref_slice %arg7[%dma_start3A_39, %dma_start3A_40] : memref<2560x32xf32, #tpu.memory_space<vmem>> -> memref<128x32xf32, #tpu.memory_space<vmem>>
    %dma_start3A_42 = arith.constant 0 : i32
    %dma_start3A_43 = tpu.memref_slice %arg6[%dma_start3A_38, %dma_start3A_42] : memref<20x128xi32, #tpu.memory_space<vmem>> -> memref<1x128xi32, #tpu.memory_space<vmem>>
    %dma_start3A_44 = tpu.memref_squeeze %dma_start3A_43 : memref<1x128xi32, #tpu.memory_space<vmem>> -> memref<128xi32, #tpu.memory_space<vmem>>
    %dma_start3A_45 = arith.constant 0 : i32
    %dma_start3A_46 = arith.constant 0 : i32
    %dma_start3A_47 = tpu.memref_slice %arg9[%dma_start3A_45, %dma_start3A_46] : memref<10240x32xf32, #tpu.memory_space<vmem_shared>> -> memref<10240x32xf32, #tpu.memory_space<vmem_shared>>
    tpu.enqueue_indirect_dma source(%dma_start3A_41 : memref<128x32xf32, #tpu.memory_space<vmem>>) target(%dma_start3A_47 : memref<10240x32xf32, #tpu.memory_space<vmem_shared>>) offsets(%dma_start3A_44 : memref<128xi32, #tpu.memory_space<vmem>>) semaphore(%arg10 : memref<!tpu.dma_semaphore, #tpu.memory_space<semaphore_mem>>) {add = true}
    %dma_start3A_48 = arith.constant 4 : i32
    %dma_start3A_49 = arith.constant 512 : i32
    %dma_start3A_50 = arith.constant 0 : i32
    %dma_start3A_51 = tpu.memref_slice %arg7[%dma_start3A_49, %dma_start3A_50] : memref<2560x32xf32, #tpu.memory_space<vmem>> -> memref<128x32xf32, #tpu.memory_space<vmem>>
    %dma_start3A_52 = arith.constant 0 : i32
    %dma_start3A_53 = tpu.memref_slice %arg6[%dma_start3A_48, %dma_start3A_52] : memref<20x128xi32, #tpu.memory_space<vmem>> -> memref<1x128xi32, #tpu.memory_space<vmem>>
    %dma_start3A_54 = tpu.memref_squeeze %dma_start3A_53 : memref<1x128xi32, #tpu.memory_space<vmem>> -> memref<128xi32, #tpu.memory_space<vmem>>
    %dma_start3A_55 = arith.constant 0 : i32
    %dma_start3A_56 = arith.constant 0 : i32
    %dma_start3A_57 = tpu.memref_slice %arg9[%dma_start3A_55, %dma_start3A_56] : memref<10240x32xf32, #tpu.memory_space<vmem_shared>> -> memref<10240x32xf32, #tpu.memory_space<vmem_shared>>
    tpu.enqueue_indirect_dma source(%dma_start3A_51 : memref<128x32xf32, #tpu.memory_space<vmem>>) target(%dma_start3A_57 : memref<10240x32xf32, #tpu.memory_space<vmem_shared>>) offsets(%dma_start3A_54 : memref<128xi32, #tpu.memory_space<vmem>>) semaphore(%arg10 : memref<!tpu.dma_semaphore, #tpu.memory_space<semaphore_mem>>) {add = true}
    %lt3A_58 = arith.constant 31 : i32
    %lt3A_59 = arith.cmpi slt, %add3A, %lt3A_58 : i32
    %convert_element_type3A_60 = arith.extui %lt3A_59 : i1 to i32
    %cond3A_61 = arith.constant 0 : i32
    %cond3A_62 = arith.cmpi ne, %convert_element_type3A_60, %cond3A_61 : i32
    scf.if %cond3A_62 {
      %dma_start3A_117 = arith.constant 5 : i32
      %dma_start3A_118 = arith.constant 640 : i32
      %dma_start3A_119 = arith.constant 0 : i32
      %dma_start3A_120 = tpu.memref_slice %arg7[%dma_start3A_118, %dma_start3A_119] : memref<2560x32xf32, #tpu.memory_space<vmem>> -> memref<128x32xf32, #tpu.memory_space<vmem>>
      %dma_start3A_121 = arith.constant 0 : i32
      %dma_start3A_122 = tpu.memref_slice %arg6[%dma_start3A_117, %dma_start3A_121] : memref<20x128xi32, #tpu.memory_space<vmem>> -> memref<1x128xi32, #tpu.memory_space<vmem>>
      %dma_start3A_123 = tpu.memref_squeeze %dma_start3A_122 : memref<1x128xi32, #tpu.memory_space<vmem>> -> memref<128xi32, #tpu.memory_space<vmem>>
      %dma_start3A_124 = arith.constant 0 : i32
      %dma_start3A_125 = arith.constant 0 : i32
      %dma_start3A_126 = tpu.memref_slice %arg9[%dma_start3A_124, %dma_start3A_125] : memref<10240x32xf32, #tpu.memory_space<vmem_shared>> -> memref<10240x32xf32, #tpu.memory_space<vmem_shared>>
      tpu.enqueue_indirect_dma source(%dma_start3A_120 : memref<128x32xf32, #tpu.memory_space<vmem>>) target(%dma_start3A_126 : memref<10240x32xf32, #tpu.memory_space<vmem_shared>>) offsets(%dma_start3A_123 : memref<128xi32, #tpu.memory_space<vmem>>) semaphore(%arg10 : memref<!tpu.dma_semaphore, #tpu.memory_space<semaphore_mem>>) {add = true}
      %dma_start3A_127 = arith.constant 6 : i32
      %dma_start3A_128 = arith.constant 768 : i32
      %dma_start3A_129 = arith.constant 0 : i32
      %dma_start3A_130 = tpu.memref_slice %arg7[%dma_start3A_128, %dma_start3A_129] : memref<2560x32xf32, #tpu.memory_space<vmem>> -> memref<128x32xf32, #tpu.memory_space<vmem>>
      %dma_start3A_131 = arith.constant 0 : i32
      %dma_start3A_132 = tpu.memref_slice %arg6[%dma_start3A_127, %dma_start3A_131] : memref<20x128xi32, #tpu.memory_space<vmem>> -> memref<1x128xi32, #tpu.memory_space<vmem>>
      %dma_start3A_133 = tpu.memref_squeeze %dma_start3A_132 : memref<1x128xi32, #tpu.memory_space<vmem>> -> memref<128xi32, #tpu.memory_space<vmem>>
      %dma_start3A_134 = arith.constant 0 : i32
      %dma_start3A_135 = arith.constant 0 : i32
      %dma_start3A_136 = tpu.memref_slice %arg9[%dma_start3A_134, %dma_start3A_135] : memref<10240x32xf32, #tpu.memory_space<vmem_shared>> -> memref<10240x32xf32, #tpu.memory_space<vmem_shared>>
      tpu.enqueue_indirect_dma source(%dma_start3A_130 : memref<128x32xf32, #tpu.memory_space<vmem>>) target(%dma_start3A_136 : memref<10240x32xf32, #tpu.memory_space<vmem_shared>>) offsets(%dma_start3A_133 : memref<128xi32, #tpu.memory_space<vmem>>) semaphore(%arg10 : memref<!tpu.dma_semaphore, #tpu.memory_space<semaphore_mem>>) {add = true}
      %dma_start3A_137 = arith.constant 7 : i32
      %dma_start3A_138 = arith.constant 896 : i32
      %dma_start3A_139 = arith.constant 0 : i32
      %dma_start3A_140 = tpu.memref_slice %arg7[%dma_start3A_138, %dma_start3A_139] : memref<2560x32xf32, #tpu.memory_space<vmem>> -> memref<128x32xf32, #tpu.memory_space<vmem>>
      %dma_start3A_141 = arith.constant 0 : i32
      %dma_start3A_142 = tpu.memref_slice %arg6[%dma_start3A_137, %dma_start3A_141] : memref<20x128xi32, #tpu.memory_space<vmem>> -> memref<1x128xi32, #tpu.memory_space<vmem>>
      %dma_start3A_143 = tpu.memref_squeeze %dma_start3A_142 : memref<1x128xi32, #tpu.memory_space<vmem>> -> memref<128xi32, #tpu.memory_space<vmem>>
      %dma_start3A_144 = arith.constant 0 : i32
      %dma_start3A_145 = arith.constant 0 : i32
      %dma_start3A_146 = tpu.memref_slice %arg9[%dma_start3A_144, %dma_start3A_145] : memref<10240x32xf32, #tpu.memory_space<vmem_shared>> -> memref<10240x32xf32, #tpu.memory_space<vmem_shared>>
      tpu.enqueue_indirect_dma source(%dma_start3A_140 : memref<128x32xf32, #tpu.memory_space<vmem>>) target(%dma_start3A_146 : memref<10240x32xf32, #tpu.memory_space<vmem_shared>>) offsets(%dma_start3A_143 : memref<128xi32, #tpu.memory_space<vmem>>) semaphore(%arg10 : memref<!tpu.dma_semaphore, #tpu.memory_space<semaphore_mem>>) {add = true}
      %dma_start3A_147 = arith.constant 8 : i32
      %dma_start3A_148 = arith.constant 1024 : i32
      %dma_start3A_149 = arith.constant 0 : i32
      %dma_start3A_150 = tpu.memref_slice %arg7[%dma_start3A_148, %dma_start3A_149] : memref<2560x32xf32, #tpu.memory_space<vmem>> -> memref<128x32xf32, #tpu.memory_space<vmem>>
      %dma_start3A_151 = arith.constant 0 : i32
      %dma_start3A_152 = tpu.memref_slice %arg6[%dma_start3A_147, %dma_start3A_151] : memref<20x128xi32, #tpu.memory_space<vmem>> -> memref<1x128xi32, #tpu.memory_space<vmem>>
      %dma_start3A_153 = tpu.memref_squeeze %dma_start3A_152 : memref<1x128xi32, #tpu.memory_space<vmem>> -> memref<128xi32, #tpu.memory_space<vmem>>
      %dma_start3A_154 = arith.constant 0 : i32
      %dma_start3A_155 = arith.constant 0 : i32
      %dma_start3A_156 = tpu.memref_slice %arg9[%dma_start3A_154, %dma_start3A_155] : memref<10240x32xf32, #tpu.memory_space<vmem_shared>> -> memref<10240x32xf32, #tpu.memory_space<vmem_shared>>
      tpu.enqueue_indirect_dma source(%dma_start3A_150 : memref<128x32xf32, #tpu.memory_space<vmem>>) target(%dma_start3A_156 : memref<10240x32xf32, #tpu.memory_space<vmem_shared>>) offsets(%dma_start3A_153 : memref<128xi32, #tpu.memory_space<vmem>>) semaphore(%arg10 : memref<!tpu.dma_semaphore, #tpu.memory_space<semaphore_mem>>) {add = true}
      %dma_start3A_157 = arith.constant 9 : i32
      %dma_start3A_158 = arith.constant 1152 : i32
      %dma_start3A_159 = arith.constant 0 : i32
      %dma_start3A_160 = tpu.memref_slice %arg7[%dma_start3A_158, %dma_start3A_159] : memref<2560x32xf32, #tpu.memory_space<vmem>> -> memref<128x32xf32, #tpu.memory_space<vmem>>
      %dma_start3A_161 = arith.constant 0 : i32
      %dma_start3A_162 = tpu.memref_slice %arg6[%dma_start3A_157, %dma_start3A_161] : memref<20x128xi32, #tpu.memory_space<vmem>> -> memref<1x128xi32, #tpu.memory_space<vmem>>
      %dma_start3A_163 = tpu.memref_squeeze %dma_start3A_162 : memref<1x128xi32, #tpu.memory_space<vmem>> -> memref<128xi32, #tpu.memory_space<vmem>>
      %dma_start3A_164 = arith.constant 0 : i32
      %dma_start3A_165 = arith.constant 0 : i32
      %dma_start3A_166 = tpu.memref_slice %arg9[%dma_start3A_164, %dma_start3A_165] : memref<10240x32xf32, #tpu.memory_space<vmem_shared>> -> memref<10240x32xf32, #tpu.memory_space<vmem_shared>>
      tpu.enqueue_indirect_dma source(%dma_start3A_160 : memref<128x32xf32, #tpu.memory_space<vmem>>) target(%dma_start3A_166 : memref<10240x32xf32, #tpu.memory_space<vmem_shared>>) offsets(%dma_start3A_163 : memref<128xi32, #tpu.memory_space<vmem>>) semaphore(%arg10 : memref<!tpu.dma_semaphore, #tpu.memory_space<semaphore_mem>>) {add = true}
      %dma_start3A_167 = arith.constant 10 : i32
      %dma_start3A_168 = arith.constant 1280 : i32
      %dma_start3A_169 = arith.constant 0 : i32
      %dma_start3A_170 = tpu.memref_slice %arg7[%dma_start3A_168, %dma_start3A_169] : memref<2560x32xf32, #tpu.memory_space<vmem>> -> memref<128x32xf32, #tpu.memory_space<vmem>>
      %dma_start3A_171 = arith.constant 0 : i32
      %dma_start3A_172 = tpu.memref_slice %arg6[%dma_start3A_167, %dma_start3A_171] : memref<20x128xi32, #tpu.memory_space<vmem>> -> memref<1x128xi32, #tpu.memory_space<vmem>>
      %dma_start3A_173 = tpu.memref_squeeze %dma_start3A_172 : memref<1x128xi32, #tpu.memory_space<vmem>> -> memref<128xi32, #tpu.memory_space<vmem>>
      %dma_start3A_174 = arith.constant 0 : i32
      %dma_start3A_175 = arith.constant 0 : i32
      %dma_start3A_176 = tpu.memref_slice %arg9[%dma_start3A_174, %dma_start3A_175] : memref<10240x32xf32, #tpu.memory_space<vmem_shared>> -> memref<10240x32xf32, #tpu.memory_space<vmem_shared>>
      tpu.enqueue_indirect_dma source(%dma_start3A_170 : memref<128x32xf32, #tpu.memory_space<vmem>>) target(%dma_start3A_176 : memref<10240x32xf32, #tpu.memory_space<vmem_shared>>) offsets(%dma_start3A_173 : memref<128xi32, #tpu.memory_space<vmem>>) semaphore(%arg10 : memref<!tpu.dma_semaphore, #tpu.memory_space<semaphore_mem>>) {add = true}
      %dma_start3A_177 = arith.constant 11 : i32
      %dma_start3A_178 = arith.constant 1408 : i32
      %dma_start3A_179 = arith.constant 0 : i32
      %dma_start3A_180 = tpu.memref_slice %arg7[%dma_start3A_178, %dma_start3A_179] : memref<2560x32xf32, #tpu.memory_space<vmem>> -> memref<128x32xf32, #tpu.memory_space<vmem>>
      %dma_start3A_181 = arith.constant 0 : i32
      %dma_start3A_182 = tpu.memref_slice %arg6[%dma_start3A_177, %dma_start3A_181] : memref<20x128xi32, #tpu.memory_space<vmem>> -> memref<1x128xi32, #tpu.memory_space<vmem>>
      %dma_start3A_183 = tpu.memref_squeeze %dma_start3A_182 : memref<1x128xi32, #tpu.memory_space<vmem>> -> memref<128xi32, #tpu.memory_space<vmem>>
      %dma_start3A_184 = arith.constant 0 : i32
      %dma_start3A_185 = arith.constant 0 : i32
      %dma_start3A_186 = tpu.memref_slice %arg9[%dma_start3A_184, %dma_start3A_185] : memref<10240x32xf32, #tpu.memory_space<vmem_shared>> -> memref<10240x32xf32, #tpu.memory_space<vmem_shared>>
      tpu.enqueue_indirect_dma source(%dma_start3A_180 : memref<128x32xf32, #tpu.memory_space<vmem>>) target(%dma_start3A_186 : memref<10240x32xf32, #tpu.memory_space<vmem_shared>>) offsets(%dma_start3A_183 : memref<128xi32, #tpu.memory_space<vmem>>) semaphore(%arg10 : memref<!tpu.dma_semaphore, #tpu.memory_space<semaphore_mem>>) {add = true}
      %dma_start3A_187 = arith.constant 12 : i32
      %dma_start3A_188 = arith.constant 1536 : i32
      %dma_start3A_189 = arith.constant 0 : i32
      %dma_start3A_190 = tpu.memref_slice %arg7[%dma_start3A_188, %dma_start3A_189] : memref<2560x32xf32, #tpu.memory_space<vmem>> -> memref<128x32xf32, #tpu.memory_space<vmem>>
      %dma_start3A_191 = arith.constant 0 : i32
      %dma_start3A_192 = tpu.memref_slice %arg6[%dma_start3A_187, %dma_start3A_191] : memref<20x128xi32, #tpu.memory_space<vmem>> -> memref<1x128xi32, #tpu.memory_space<vmem>>
      %dma_start3A_193 = tpu.memref_squeeze %dma_start3A_192 : memref<1x128xi32, #tpu.memory_space<vmem>> -> memref<128xi32, #tpu.memory_space<vmem>>
      %dma_start3A_194 = arith.constant 0 : i32
      %dma_start3A_195 = arith.constant 0 : i32
      %dma_start3A_196 = tpu.memref_slice %arg9[%dma_start3A_194, %dma_start3A_195] : memref<10240x32xf32, #tpu.memory_space<vmem_shared>> -> memref<10240x32xf32, #tpu.memory_space<vmem_shared>>
      tpu.enqueue_indirect_dma source(%dma_start3A_190 : memref<128x32xf32, #tpu.memory_space<vmem>>) target(%dma_start3A_196 : memref<10240x32xf32, #tpu.memory_space<vmem_shared>>) offsets(%dma_start3A_193 : memref<128xi32, #tpu.memory_space<vmem>>) semaphore(%arg10 : memref<!tpu.dma_semaphore, #tpu.memory_space<semaphore_mem>>) {add = true}
      %dma_start3A_197 = arith.constant 13 : i32
      %dma_start3A_198 = arith.constant 1664 : i32
      %dma_start3A_199 = arith.constant 0 : i32
      %dma_start3A_200 = tpu.memref_slice %arg7[%dma_start3A_198, %dma_start3A_199] : memref<2560x32xf32, #tpu.memory_space<vmem>> -> memref<128x32xf32, #tpu.memory_space<vmem>>
      %dma_start3A_201 = arith.constant 0 : i32
      %dma_start3A_202 = tpu.memref_slice %arg6[%dma_start3A_197, %dma_start3A_201] : memref<20x128xi32, #tpu.memory_space<vmem>> -> memref<1x128xi32, #tpu.memory_space<vmem>>
      %dma_start3A_203 = tpu.memref_squeeze %dma_start3A_202 : memref<1x128xi32, #tpu.memory_space<vmem>> -> memref<128xi32, #tpu.memory_space<vmem>>
      %dma_start3A_204 = arith.constant 0 : i32
      %dma_start3A_205 = arith.constant 0 : i32
      %dma_start3A_206 = tpu.memref_slice %arg9[%dma_start3A_204, %dma_start3A_205] : memref<10240x32xf32, #tpu.memory_space<vmem_shared>> -> memref<10240x32xf32, #tpu.memory_space<vmem_shared>>
      tpu.enqueue_indirect_dma source(%dma_start3A_200 : memref<128x32xf32, #tpu.memory_space<vmem>>) target(%dma_start3A_206 : memref<10240x32xf32, #tpu.memory_space<vmem_shared>>) offsets(%dma_start3A_203 : memref<128xi32, #tpu.memory_space<vmem>>) semaphore(%arg10 : memref<!tpu.dma_semaphore, #tpu.memory_space<semaphore_mem>>) {add = true}
      %dma_start3A_207 = arith.constant 14 : i32
      %dma_start3A_208 = arith.constant 1792 : i32
      %dma_start3A_209 = arith.constant 0 : i32
      %dma_start3A_210 = tpu.memref_slice %arg7[%dma_start3A_208, %dma_start3A_209] : memref<2560x32xf32, #tpu.memory_space<vmem>> -> memref<128x32xf32, #tpu.memory_space<vmem>>
      %dma_start3A_211 = arith.constant 0 : i32
      %dma_start3A_212 = tpu.memref_slice %arg6[%dma_start3A_207, %dma_start3A_211] : memref<20x128xi32, #tpu.memory_space<vmem>> -> memref<1x128xi32, #tpu.memory_space<vmem>>
      %dma_start3A_213 = tpu.memref_squeeze %dma_start3A_212 : memref<1x128xi32, #tpu.memory_space<vmem>> -> memref<128xi32, #tpu.memory_space<vmem>>
      %dma_start3A_214 = arith.constant 0 : i32
      %dma_start3A_215 = arith.constant 0 : i32
      %dma_start3A_216 = tpu.memref_slice %arg9[%dma_start3A_214, %dma_start3A_215] : memref<10240x32xf32, #tpu.memory_space<vmem_shared>> -> memref<10240x32xf32, #tpu.memory_space<vmem_shared>>
      tpu.enqueue_indirect_dma source(%dma_start3A_210 : memref<128x32xf32, #tpu.memory_space<vmem>>) target(%dma_start3A_216 : memref<10240x32xf32, #tpu.memory_space<vmem_shared>>) offsets(%dma_start3A_213 : memref<128xi32, #tpu.memory_space<vmem>>) semaphore(%arg10 : memref<!tpu.dma_semaphore, #tpu.memory_space<semaphore_mem>>) {add = true}
      %dma_start3A_217 = arith.constant 15 : i32
      %dma_start3A_218 = arith.constant 1920 : i32
      %dma_start3A_219 = arith.constant 0 : i32
      %dma_start3A_220 = tpu.memref_slice %arg7[%dma_start3A_218, %dma_start3A_219] : memref<2560x32xf32, #tpu.memory_space<vmem>> -> memref<128x32xf32, #tpu.memory_space<vmem>>
      %dma_start3A_221 = arith.constant 0 : i32
      %dma_start3A_222 = tpu.memref_slice %arg6[%dma_start3A_217, %dma_start3A_221] : memref<20x128xi32, #tpu.memory_space<vmem>> -> memref<1x128xi32, #tpu.memory_space<vmem>>
      %dma_start3A_223 = tpu.memref_squeeze %dma_start3A_222 : memref<1x128xi32, #tpu.memory_space<vmem>> -> memref<128xi32, #tpu.memory_space<vmem>>
      %dma_start3A_224 = arith.constant 0 : i32
      %dma_start3A_225 = arith.constant 0 : i32
      %dma_start3A_226 = tpu.memref_slice %arg9[%dma_start3A_224, %dma_start3A_225] : memref<10240x32xf32, #tpu.memory_space<vmem_shared>> -> memref<10240x32xf32, #tpu.memory_space<vmem_shared>>
      tpu.enqueue_indirect_dma source(%dma_start3A_220 : memref<128x32xf32, #tpu.memory_space<vmem>>) target(%dma_start3A_226 : memref<10240x32xf32, #tpu.memory_space<vmem_shared>>) offsets(%dma_start3A_223 : memref<128xi32, #tpu.memory_space<vmem>>) semaphore(%arg10 : memref<!tpu.dma_semaphore, #tpu.memory_space<semaphore_mem>>) {add = true}
      %dma_start3A_227 = arith.constant 16 : i32
      %dma_start3A_228 = arith.constant 2048 : i32
      %dma_start3A_229 = arith.constant 0 : i32
      %dma_start3A_230 = tpu.memref_slice %arg7[%dma_start3A_228, %dma_start3A_229] : memref<2560x32xf32, #tpu.memory_space<vmem>> -> memref<128x32xf32, #tpu.memory_space<vmem>>
      %dma_start3A_231 = arith.constant 0 : i32
      %dma_start3A_232 = tpu.memref_slice %arg6[%dma_start3A_227, %dma_start3A_231] : memref<20x128xi32, #tpu.memory_space<vmem>> -> memref<1x128xi32, #tpu.memory_space<vmem>>
      %dma_start3A_233 = tpu.memref_squeeze %dma_start3A_232 : memref<1x128xi32, #tpu.memory_space<vmem>> -> memref<128xi32, #tpu.memory_space<vmem>>
      %dma_start3A_234 = arith.constant 0 : i32
      %dma_start3A_235 = arith.constant 0 : i32
      %dma_start3A_236 = tpu.memref_slice %arg9[%dma_start3A_234, %dma_start3A_235] : memref<10240x32xf32, #tpu.memory_space<vmem_shared>> -> memref<10240x32xf32, #tpu.memory_space<vmem_shared>>
      tpu.enqueue_indirect_dma source(%dma_start3A_230 : memref<128x32xf32, #tpu.memory_space<vmem>>) target(%dma_start3A_236 : memref<10240x32xf32, #tpu.memory_space<vmem_shared>>) offsets(%dma_start3A_233 : memref<128xi32, #tpu.memory_space<vmem>>) semaphore(%arg10 : memref<!tpu.dma_semaphore, #tpu.memory_space<semaphore_mem>>) {add = true}
      %dma_start3A_237 = arith.constant 17 : i32
      %dma_start3A_238 = arith.constant 2176 : i32
      %dma_start3A_239 = arith.constant 0 : i32
      %dma_start3A_240 = tpu.memref_slice %arg7[%dma_start3A_238, %dma_start3A_239] : memref<2560x32xf32, #tpu.memory_space<vmem>> -> memref<128x32xf32, #tpu.memory_space<vmem>>
      %dma_start3A_241 = arith.constant 0 : i32
      %dma_start3A_242 = tpu.memref_slice %arg6[%dma_start3A_237, %dma_start3A_241] : memref<20x128xi32, #tpu.memory_space<vmem>> -> memref<1x128xi32, #tpu.memory_space<vmem>>
      %dma_start3A_243 = tpu.memref_squeeze %dma_start3A_242 : memref<1x128xi32, #tpu.memory_space<vmem>> -> memref<128xi32, #tpu.memory_space<vmem>>
      %dma_start3A_244 = arith.constant 0 : i32
      %dma_start3A_245 = arith.constant 0 : i32
      %dma_start3A_246 = tpu.memref_slice %arg9[%dma_start3A_244, %dma_start3A_245] : memref<10240x32xf32, #tpu.memory_space<vmem_shared>> -> memref<10240x32xf32, #tpu.memory_space<vmem_shared>>
      tpu.enqueue_indirect_dma source(%dma_start3A_240 : memref<128x32xf32, #tpu.memory_space<vmem>>) target(%dma_start3A_246 : memref<10240x32xf32, #tpu.memory_space<vmem_shared>>) offsets(%dma_start3A_243 : memref<128xi32, #tpu.memory_space<vmem>>) semaphore(%arg10 : memref<!tpu.dma_semaphore, #tpu.memory_space<semaphore_mem>>) {add = true}
      %dma_start3A_247 = arith.constant 18 : i32
      %dma_start3A_248 = arith.constant 2304 : i32
      %dma_start3A_249 = arith.constant 0 : i32
      %dma_start3A_250 = tpu.memref_slice %arg7[%dma_start3A_248, %dma_start3A_249] : memref<2560x32xf32, #tpu.memory_space<vmem>> -> memref<128x32xf32, #tpu.memory_space<vmem>>
      %dma_start3A_251 = arith.constant 0 : i32
      %dma_start3A_252 = tpu.memref_slice %arg6[%dma_start3A_247, %dma_start3A_251] : memref<20x128xi32, #tpu.memory_space<vmem>> -> memref<1x128xi32, #tpu.memory_space<vmem>>
      %dma_start3A_253 = tpu.memref_squeeze %dma_start3A_252 : memref<1x128xi32, #tpu.memory_space<vmem>> -> memref<128xi32, #tpu.memory_space<vmem>>
      %dma_start3A_254 = arith.constant 0 : i32
      %dma_start3A_255 = arith.constant 0 : i32
      %dma_start3A_256 = tpu.memref_slice %arg9[%dma_start3A_254, %dma_start3A_255] : memref<10240x32xf32, #tpu.memory_space<vmem_shared>> -> memref<10240x32xf32, #tpu.memory_space<vmem_shared>>
      tpu.enqueue_indirect_dma source(%dma_start3A_250 : memref<128x32xf32, #tpu.memory_space<vmem>>) target(%dma_start3A_256 : memref<10240x32xf32, #tpu.memory_space<vmem_shared>>) offsets(%dma_start3A_253 : memref<128xi32, #tpu.memory_space<vmem>>) semaphore(%arg10 : memref<!tpu.dma_semaphore, #tpu.memory_space<semaphore_mem>>) {add = true}
      %dma_start3A_257 = arith.constant 19 : i32
      %dma_start3A_258 = arith.constant 2432 : i32
      %dma_start3A_259 = arith.constant 0 : i32
      %dma_start3A_260 = tpu.memref_slice %arg7[%dma_start3A_258, %dma_start3A_259] : memref<2560x32xf32, #tpu.memory_space<vmem>> -> memref<128x32xf32, #tpu.memory_space<vmem>>
      %dma_start3A_261 = arith.constant 0 : i32
      %dma_start3A_262 = tpu.memref_slice %arg6[%dma_start3A_257, %dma_start3A_261] : memref<20x128xi32, #tpu.memory_space<vmem>> -> memref<1x128xi32, #tpu.memory_space<vmem>>
      %dma_start3A_263 = tpu.memref_squeeze %dma_start3A_262 : memref<1x128xi32, #tpu.memory_space<vmem>> -> memref<128xi32, #tpu.memory_space<vmem>>
      %dma_start3A_264 = arith.constant 0 : i32
      %dma_start3A_265 = arith.constant 0 : i32
      %dma_start3A_266 = tpu.memref_slice %arg9[%dma_start3A_264, %dma_start3A_265] : memref<10240x32xf32, #tpu.memory_space<vmem_shared>> -> memref<10240x32xf32, #tpu.memory_space<vmem_shared>>
      tpu.enqueue_indirect_dma source(%dma_start3A_260 : memref<128x32xf32, #tpu.memory_space<vmem>>) target(%dma_start3A_266 : memref<10240x32xf32, #tpu.memory_space<vmem_shared>>) offsets(%dma_start3A_263 : memref<128xi32, #tpu.memory_space<vmem>>) semaphore(%arg10 : memref<!tpu.dma_semaphore, #tpu.memory_space<semaphore_mem>>) {add = true}
      %dma_wait3A_267 = arith.constant 5 : i32
      %dma_wait3A_268 = arith.constant 640 : i32
      %dma_wait3A_269 = arith.constant 0 : i32
      %dma_wait3A_270 = tpu.memref_slice %arg7[%dma_wait3A_268, %dma_wait3A_269] : memref<2560x32xf32, #tpu.memory_space<vmem>> -> memref<128x32xf32, #tpu.memory_space<vmem>>
      %dma_wait3A_271 = arith.constant 0 : i32
      %dma_wait3A_272 = tpu.memref_slice %arg6[%dma_wait3A_267, %dma_wait3A_271] : memref<20x128xi32, #tpu.memory_space<vmem>> -> memref<1x128xi32, #tpu.memory_space<vmem>>
      %dma_wait3A_273 = tpu.memref_squeeze %dma_wait3A_272 : memref<1x128xi32, #tpu.memory_space<vmem>> -> memref<128xi32, #tpu.memory_space<vmem>>
      %dma_wait3A_274 = arith.constant 0 : i32
      %dma_wait3A_275 = arith.constant 0 : i32
      %dma_wait3A_276 = tpu.memref_slice %arg9[%dma_wait3A_274, %dma_wait3A_275] : memref<10240x32xf32, #tpu.memory_space<vmem_shared>> -> memref<10240x32xf32, #tpu.memory_space<vmem_shared>>
      tpu.wait_indirect_dma semaphore(%arg10 : memref<!tpu.dma_semaphore, #tpu.memory_space<semaphore_mem>>) src(%dma_wait3A_270 : memref<128x32xf32, #tpu.memory_space<vmem>>) dst(%dma_wait3A_276 : memref<10240x32xf32, #tpu.memory_space<vmem_shared>>)
      %dma_wait3A_277 = arith.constant 6 : i32
      %dma_wait3A_278 = arith.constant 768 : i32
      %dma_wait3A_279 = arith.constant 0 : i32
      %dma_wait3A_280 = tpu.memref_slice %arg7[%dma_wait3A_278, %dma_wait3A_279] : memref<2560x32xf32, #tpu.memory_space<vmem>> -> memref<128x32xf32, #tpu.memory_space<vmem>>
      %dma_wait3A_281 = arith.constant 0 : i32
      %dma_wait3A_282 = tpu.memref_slice %arg6[%dma_wait3A_277, %dma_wait3A_281] : memref<20x128xi32, #tpu.memory_space<vmem>> -> memref<1x128xi32, #tpu.memory_space<vmem>>
      %dma_wait3A_283 = tpu.memref_squeeze %dma_wait3A_282 : memref<1x128xi32, #tpu.memory_space<vmem>> -> memref<128xi32, #tpu.memory_space<vmem>>
      %dma_wait3A_284 = arith.constant 0 : i32
      %dma_wait3A_285 = arith.constant 0 : i32
      %dma_wait3A_286 = tpu.memref_slice %arg9[%dma_wait3A_284, %dma_wait3A_285] : memref<10240x32xf32, #tpu.memory_space<vmem_shared>> -> memref<10240x32xf32, #tpu.memory_space<vmem_shared>>
      tpu.wait_indirect_dma semaphore(%arg10 : memref<!tpu.dma_semaphore, #tpu.memory_space<semaphore_mem>>) src(%dma_wait3A_280 : memref<128x32xf32, #tpu.memory_space<vmem>>) dst(%dma_wait3A_286 : memref<10240x32xf32, #tpu.memory_space<vmem_shared>>)
      %dma_wait3A_287 = arith.constant 7 : i32
      %dma_wait3A_288 = arith.constant 896 : i32
      %dma_wait3A_289 = arith.constant 0 : i32
      %dma_wait3A_290 = tpu.memref_slice %arg7[%dma_wait3A_288, %dma_wait3A_289] : memref<2560x32xf32, #tpu.memory_space<vmem>> -> memref<128x32xf32, #tpu.memory_space<vmem>>
      %dma_wait3A_291 = arith.constant 0 : i32
      %dma_wait3A_292 = tpu.memref_slice %arg6[%dma_wait3A_287, %dma_wait3A_291] : memref<20x128xi32, #tpu.memory_space<vmem>> -> memref<1x128xi32, #tpu.memory_space<vmem>>
      %dma_wait3A_293 = tpu.memref_squeeze %dma_wait3A_292 : memref<1x128xi32, #tpu.memory_space<vmem>> -> memref<128xi32, #tpu.memory_space<vmem>>
      %dma_wait3A_294 = arith.constant 0 : i32
      %dma_wait3A_295 = arith.constant 0 : i32
      %dma_wait3A_296 = tpu.memref_slice %arg9[%dma_wait3A_294, %dma_wait3A_295] : memref<10240x32xf32, #tpu.memory_space<vmem_shared>> -> memref<10240x32xf32, #tpu.memory_space<vmem_shared>>
      tpu.wait_indirect_dma semaphore(%arg10 : memref<!tpu.dma_semaphore, #tpu.memory_space<semaphore_mem>>) src(%dma_wait3A_290 : memref<128x32xf32, #tpu.memory_space<vmem>>) dst(%dma_wait3A_296 : memref<10240x32xf32, #tpu.memory_space<vmem_shared>>)
      %dma_wait3A_297 = arith.constant 8 : i32
      %dma_wait3A_298 = arith.constant 1024 : i32
      %dma_wait3A_299 = arith.constant 0 : i32
      %dma_wait3A_300 = tpu.memref_slice %arg7[%dma_wait3A_298, %dma_wait3A_299] : memref<2560x32xf32, #tpu.memory_space<vmem>> -> memref<128x32xf32, #tpu.memory_space<vmem>>
      %dma_wait3A_301 = arith.constant 0 : i32
      %dma_wait3A_302 = tpu.memref_slice %arg6[%dma_wait3A_297, %dma_wait3A_301] : memref<20x128xi32, #tpu.memory_space<vmem>> -> memref<1x128xi32, #tpu.memory_space<vmem>>
      %dma_wait3A_303 = tpu.memref_squeeze %dma_wait3A_302 : memref<1x128xi32, #tpu.memory_space<vmem>> -> memref<128xi32, #tpu.memory_space<vmem>>
      %dma_wait3A_304 = arith.constant 0 : i32
      %dma_wait3A_305 = arith.constant 0 : i32
      %dma_wait3A_306 = tpu.memref_slice %arg9[%dma_wait3A_304, %dma_wait3A_305] : memref<10240x32xf32, #tpu.memory_space<vmem_shared>> -> memref<10240x32xf32, #tpu.memory_space<vmem_shared>>
      tpu.wait_indirect_dma semaphore(%arg10 : memref<!tpu.dma_semaphore, #tpu.memory_space<semaphore_mem>>) src(%dma_wait3A_300 : memref<128x32xf32, #tpu.memory_space<vmem>>) dst(%dma_wait3A_306 : memref<10240x32xf32, #tpu.memory_space<vmem_shared>>)
      %dma_wait3A_307 = arith.constant 9 : i32
      %dma_wait3A_308 = arith.constant 1152 : i32
      %dma_wait3A_309 = arith.constant 0 : i32
      %dma_wait3A_310 = tpu.memref_slice %arg7[%dma_wait3A_308, %dma_wait3A_309] : memref<2560x32xf32, #tpu.memory_space<vmem>> -> memref<128x32xf32, #tpu.memory_space<vmem>>
      %dma_wait3A_311 = arith.constant 0 : i32
      %dma_wait3A_312 = tpu.memref_slice %arg6[%dma_wait3A_307, %dma_wait3A_311] : memref<20x128xi32, #tpu.memory_space<vmem>> -> memref<1x128xi32, #tpu.memory_space<vmem>>
      %dma_wait3A_313 = tpu.memref_squeeze %dma_wait3A_312 : memref<1x128xi32, #tpu.memory_space<vmem>> -> memref<128xi32, #tpu.memory_space<vmem>>
      %dma_wait3A_314 = arith.constant 0 : i32
      %dma_wait3A_315 = arith.constant 0 : i32
      %dma_wait3A_316 = tpu.memref_slice %arg9[%dma_wait3A_314, %dma_wait3A_315] : memref<10240x32xf32, #tpu.memory_space<vmem_shared>> -> memref<10240x32xf32, #tpu.memory_space<vmem_shared>>
      tpu.wait_indirect_dma semaphore(%arg10 : memref<!tpu.dma_semaphore, #tpu.memory_space<semaphore_mem>>) src(%dma_wait3A_310 : memref<128x32xf32, #tpu.memory_space<vmem>>) dst(%dma_wait3A_316 : memref<10240x32xf32, #tpu.memory_space<vmem_shared>>)
      %dma_wait3A_317 = arith.constant 10 : i32
      %dma_wait3A_318 = arith.constant 1280 : i32
      %dma_wait3A_319 = arith.constant 0 : i32
      %dma_wait3A_320 = tpu.memref_slice %arg7[%dma_wait3A_318, %dma_wait3A_319] : memref<2560x32xf32, #tpu.memory_space<vmem>> -> memref<128x32xf32, #tpu.memory_space<vmem>>
      %dma_wait3A_321 = arith.constant 0 : i32
      %dma_wait3A_322 = tpu.memref_slice %arg6[%dma_wait3A_317, %dma_wait3A_321] : memref<20x128xi32, #tpu.memory_space<vmem>> -> memref<1x128xi32, #tpu.memory_space<vmem>>
      %dma_wait3A_323 = tpu.memref_squeeze %dma_wait3A_322 : memref<1x128xi32, #tpu.memory_space<vmem>> -> memref<128xi32, #tpu.memory_space<vmem>>
      %dma_wait3A_324 = arith.constant 0 : i32
      %dma_wait3A_325 = arith.constant 0 : i32
      %dma_wait3A_326 = tpu.memref_slice %arg9[%dma_wait3A_324, %dma_wait3A_325] : memref<10240x32xf32, #tpu.memory_space<vmem_shared>> -> memref<10240x32xf32, #tpu.memory_space<vmem_shared>>
      tpu.wait_indirect_dma semaphore(%arg10 : memref<!tpu.dma_semaphore, #tpu.memory_space<semaphore_mem>>) src(%dma_wait3A_320 : memref<128x32xf32, #tpu.memory_space<vmem>>) dst(%dma_wait3A_326 : memref<10240x32xf32, #tpu.memory_space<vmem_shared>>)
      %dma_wait3A_327 = arith.constant 11 : i32
      %dma_wait3A_328 = arith.constant 1408 : i32
      %dma_wait3A_329 = arith.constant 0 : i32
      %dma_wait3A_330 = tpu.memref_slice %arg7[%dma_wait3A_328, %dma_wait3A_329] : memref<2560x32xf32, #tpu.memory_space<vmem>> -> memref<128x32xf32, #tpu.memory_space<vmem>>
      %dma_wait3A_331 = arith.constant 0 : i32
      %dma_wait3A_332 = tpu.memref_slice %arg6[%dma_wait3A_327, %dma_wait3A_331] : memref<20x128xi32, #tpu.memory_space<vmem>> -> memref<1x128xi32, #tpu.memory_space<vmem>>
      %dma_wait3A_333 = tpu.memref_squeeze %dma_wait3A_332 : memref<1x128xi32, #tpu.memory_space<vmem>> -> memref<128xi32, #tpu.memory_space<vmem>>
      %dma_wait3A_334 = arith.constant 0 : i32
      %dma_wait3A_335 = arith.constant 0 : i32
      %dma_wait3A_336 = tpu.memref_slice %arg9[%dma_wait3A_334, %dma_wait3A_335] : memref<10240x32xf32, #tpu.memory_space<vmem_shared>> -> memref<10240x32xf32, #tpu.memory_space<vmem_shared>>
      tpu.wait_indirect_dma semaphore(%arg10 : memref<!tpu.dma_semaphore, #tpu.memory_space<semaphore_mem>>) src(%dma_wait3A_330 : memref<128x32xf32, #tpu.memory_space<vmem>>) dst(%dma_wait3A_336 : memref<10240x32xf32, #tpu.memory_space<vmem_shared>>)
      %dma_wait3A_337 = arith.constant 12 : i32
      %dma_wait3A_338 = arith.constant 1536 : i32
      %dma_wait3A_339 = arith.constant 0 : i32
      %dma_wait3A_340 = tpu.memref_slice %arg7[%dma_wait3A_338, %dma_wait3A_339] : memref<2560x32xf32, #tpu.memory_space<vmem>> -> memref<128x32xf32, #tpu.memory_space<vmem>>
      %dma_wait3A_341 = arith.constant 0 : i32
      %dma_wait3A_342 = tpu.memref_slice %arg6[%dma_wait3A_337, %dma_wait3A_341] : memref<20x128xi32, #tpu.memory_space<vmem>> -> memref<1x128xi32, #tpu.memory_space<vmem>>
      %dma_wait3A_343 = tpu.memref_squeeze %dma_wait3A_342 : memref<1x128xi32, #tpu.memory_space<vmem>> -> memref<128xi32, #tpu.memory_space<vmem>>
      %dma_wait3A_344 = arith.constant 0 : i32
      %dma_wait3A_345 = arith.constant 0 : i32
      %dma_wait3A_346 = tpu.memref_slice %arg9[%dma_wait3A_344, %dma_wait3A_345] : memref<10240x32xf32, #tpu.memory_space<vmem_shared>> -> memref<10240x32xf32, #tpu.memory_space<vmem_shared>>
      tpu.wait_indirect_dma semaphore(%arg10 : memref<!tpu.dma_semaphore, #tpu.memory_space<semaphore_mem>>) src(%dma_wait3A_340 : memref<128x32xf32, #tpu.memory_space<vmem>>) dst(%dma_wait3A_346 : memref<10240x32xf32, #tpu.memory_space<vmem_shared>>)
      %dma_wait3A_347 = arith.constant 13 : i32
      %dma_wait3A_348 = arith.constant 1664 : i32
      %dma_wait3A_349 = arith.constant 0 : i32
      %dma_wait3A_350 = tpu.memref_slice %arg7[%dma_wait3A_348, %dma_wait3A_349] : memref<2560x32xf32, #tpu.memory_space<vmem>> -> memref<128x32xf32, #tpu.memory_space<vmem>>
      %dma_wait3A_351 = arith.constant 0 : i32
      %dma_wait3A_352 = tpu.memref_slice %arg6[%dma_wait3A_347, %dma_wait3A_351] : memref<20x128xi32, #tpu.memory_space<vmem>> -> memref<1x128xi32, #tpu.memory_space<vmem>>
      %dma_wait3A_353 = tpu.memref_squeeze %dma_wait3A_352 : memref<1x128xi32, #tpu.memory_space<vmem>> -> memref<128xi32, #tpu.memory_space<vmem>>
      %dma_wait3A_354 = arith.constant 0 : i32
      %dma_wait3A_355 = arith.constant 0 : i32
      %dma_wait3A_356 = tpu.memref_slice %arg9[%dma_wait3A_354, %dma_wait3A_355] : memref<10240x32xf32, #tpu.memory_space<vmem_shared>> -> memref<10240x32xf32, #tpu.memory_space<vmem_shared>>
      tpu.wait_indirect_dma semaphore(%arg10 : memref<!tpu.dma_semaphore, #tpu.memory_space<semaphore_mem>>) src(%dma_wait3A_350 : memref<128x32xf32, #tpu.memory_space<vmem>>) dst(%dma_wait3A_356 : memref<10240x32xf32, #tpu.memory_space<vmem_shared>>)
      %dma_wait3A_357 = arith.constant 14 : i32
      %dma_wait3A_358 = arith.constant 1792 : i32
      %dma_wait3A_359 = arith.constant 0 : i32
      %dma_wait3A_360 = tpu.memref_slice %arg7[%dma_wait3A_358, %dma_wait3A_359] : memref<2560x32xf32, #tpu.memory_space<vmem>> -> memref<128x32xf32, #tpu.memory_space<vmem>>
      %dma_wait3A_361 = arith.constant 0 : i32
      %dma_wait3A_362 = tpu.memref_slice %arg6[%dma_wait3A_357, %dma_wait3A_361] : memref<20x128xi32, #tpu.memory_space<vmem>> -> memref<1x128xi32, #tpu.memory_space<vmem>>
      %dma_wait3A_363 = tpu.memref_squeeze %dma_wait3A_362 : memref<1x128xi32, #tpu.memory_space<vmem>> -> memref<128xi32, #tpu.memory_space<vmem>>
      %dma_wait3A_364 = arith.constant 0 : i32
      %dma_wait3A_365 = arith.constant 0 : i32
      %dma_wait3A_366 = tpu.memref_slice %arg9[%dma_wait3A_364, %dma_wait3A_365] : memref<10240x32xf32, #tpu.memory_space<vmem_shared>> -> memref<10240x32xf32, #tpu.memory_space<vmem_shared>>
      tpu.wait_indirect_dma semaphore(%arg10 : memref<!tpu.dma_semaphore, #tpu.memory_space<semaphore_mem>>) src(%dma_wait3A_360 : memref<128x32xf32, #tpu.memory_space<vmem>>) dst(%dma_wait3A_366 : memref<10240x32xf32, #tpu.memory_space<vmem_shared>>)
      %dma_wait3A_367 = arith.constant 15 : i32
      %dma_wait3A_368 = arith.constant 1920 : i32
      %dma_wait3A_369 = arith.constant 0 : i32
      %dma_wait3A_370 = tpu.memref_slice %arg7[%dma_wait3A_368, %dma_wait3A_369] : memref<2560x32xf32, #tpu.memory_space<vmem>> -> memref<128x32xf32, #tpu.memory_space<vmem>>
      %dma_wait3A_371 = arith.constant 0 : i32
      %dma_wait3A_372 = tpu.memref_slice %arg6[%dma_wait3A_367, %dma_wait3A_371] : memref<20x128xi32, #tpu.memory_space<vmem>> -> memref<1x128xi32, #tpu.memory_space<vmem>>
      %dma_wait3A_373 = tpu.memref_squeeze %dma_wait3A_372 : memref<1x128xi32, #tpu.memory_space<vmem>> -> memref<128xi32, #tpu.memory_space<vmem>>
      %dma_wait3A_374 = arith.constant 0 : i32
      %dma_wait3A_375 = arith.constant 0 : i32
      %dma_wait3A_376 = tpu.memref_slice %arg9[%dma_wait3A_374, %dma_wait3A_375] : memref<10240x32xf32, #tpu.memory_space<vmem_shared>> -> memref<10240x32xf32, #tpu.memory_space<vmem_shared>>
      tpu.wait_indirect_dma semaphore(%arg10 : memref<!tpu.dma_semaphore, #tpu.memory_space<semaphore_mem>>) src(%dma_wait3A_370 : memref<128x32xf32, #tpu.memory_space<vmem>>) dst(%dma_wait3A_376 : memref<10240x32xf32, #tpu.memory_space<vmem_shared>>)
      %dma_wait3A_377 = arith.constant 16 : i32
      %dma_wait3A_378 = arith.constant 2048 : i32
      %dma_wait3A_379 = arith.constant 0 : i32
      %dma_wait3A_380 = tpu.memref_slice %arg7[%dma_wait3A_378, %dma_wait3A_379] : memref<2560x32xf32, #tpu.memory_space<vmem>> -> memref<128x32xf32, #tpu.memory_space<vmem>>
      %dma_wait3A_381 = arith.constant 0 : i32
      %dma_wait3A_382 = tpu.memref_slice %arg6[%dma_wait3A_377, %dma_wait3A_381] : memref<20x128xi32, #tpu.memory_space<vmem>> -> memref<1x128xi32, #tpu.memory_space<vmem>>
      %dma_wait3A_383 = tpu.memref_squeeze %dma_wait3A_382 : memref<1x128xi32, #tpu.memory_space<vmem>> -> memref<128xi32, #tpu.memory_space<vmem>>
      %dma_wait3A_384 = arith.constant 0 : i32
      %dma_wait3A_385 = arith.constant 0 : i32
      %dma_wait3A_386 = tpu.memref_slice %arg9[%dma_wait3A_384, %dma_wait3A_385] : memref<10240x32xf32, #tpu.memory_space<vmem_shared>> -> memref<10240x32xf32, #tpu.memory_space<vmem_shared>>
      tpu.wait_indirect_dma semaphore(%arg10 : memref<!tpu.dma_semaphore, #tpu.memory_space<semaphore_mem>>) src(%dma_wait3A_380 : memref<128x32xf32, #tpu.memory_space<vmem>>) dst(%dma_wait3A_386 : memref<10240x32xf32, #tpu.memory_space<vmem_shared>>)
      %dma_wait3A_387 = arith.constant 17 : i32
      %dma_wait3A_388 = arith.constant 2176 : i32
      %dma_wait3A_389 = arith.constant 0 : i32
      %dma_wait3A_390 = tpu.memref_slice %arg7[%dma_wait3A_388, %dma_wait3A_389] : memref<2560x32xf32, #tpu.memory_space<vmem>> -> memref<128x32xf32, #tpu.memory_space<vmem>>
      %dma_wait3A_391 = arith.constant 0 : i32
      %dma_wait3A_392 = tpu.memref_slice %arg6[%dma_wait3A_387, %dma_wait3A_391] : memref<20x128xi32, #tpu.memory_space<vmem>> -> memref<1x128xi32, #tpu.memory_space<vmem>>
      %dma_wait3A_393 = tpu.memref_squeeze %dma_wait3A_392 : memref<1x128xi32, #tpu.memory_space<vmem>> -> memref<128xi32, #tpu.memory_space<vmem>>
      %dma_wait3A_394 = arith.constant 0 : i32
      %dma_wait3A_395 = arith.constant 0 : i32
      %dma_wait3A_396 = tpu.memref_slice %arg9[%dma_wait3A_394, %dma_wait3A_395] : memref<10240x32xf32, #tpu.memory_space<vmem_shared>> -> memref<10240x32xf32, #tpu.memory_space<vmem_shared>>
      tpu.wait_indirect_dma semaphore(%arg10 : memref<!tpu.dma_semaphore, #tpu.memory_space<semaphore_mem>>) src(%dma_wait3A_390 : memref<128x32xf32, #tpu.memory_space<vmem>>) dst(%dma_wait3A_396 : memref<10240x32xf32, #tpu.memory_space<vmem_shared>>)
      %dma_wait3A_397 = arith.constant 18 : i32
      %dma_wait3A_398 = arith.constant 2304 : i32
      %dma_wait3A_399 = arith.constant 0 : i32
      %dma_wait3A_400 = tpu.memref_slice %arg7[%dma_wait3A_398, %dma_wait3A_399] : memref<2560x32xf32, #tpu.memory_space<vmem>> -> memref<128x32xf32, #tpu.memory_space<vmem>>
      %dma_wait3A_401 = arith.constant 0 : i32
      %dma_wait3A_402 = tpu.memref_slice %arg6[%dma_wait3A_397, %dma_wait3A_401] : memref<20x128xi32, #tpu.memory_space<vmem>> -> memref<1x128xi32, #tpu.memory_space<vmem>>
      %dma_wait3A_403 = tpu.memref_squeeze %dma_wait3A_402 : memref<1x128xi32, #tpu.memory_space<vmem>> -> memref<128xi32, #tpu.memory_space<vmem>>
      %dma_wait3A_404 = arith.constant 0 : i32
      %dma_wait3A_405 = arith.constant 0 : i32
      %dma_wait3A_406 = tpu.memref_slice %arg9[%dma_wait3A_404, %dma_wait3A_405] : memref<10240x32xf32, #tpu.memory_space<vmem_shared>> -> memref<10240x32xf32, #tpu.memory_space<vmem_shared>>
      tpu.wait_indirect_dma semaphore(%arg10 : memref<!tpu.dma_semaphore, #tpu.memory_space<semaphore_mem>>) src(%dma_wait3A_400 : memref<128x32xf32, #tpu.memory_space<vmem>>) dst(%dma_wait3A_406 : memref<10240x32xf32, #tpu.memory_space<vmem_shared>>)
      %dma_wait3A_407 = arith.constant 19 : i32
      %dma_wait3A_408 = arith.constant 2432 : i32
      %dma_wait3A_409 = arith.constant 0 : i32
      %dma_wait3A_410 = tpu.memref_slice %arg7[%dma_wait3A_408, %dma_wait3A_409] : memref<2560x32xf32, #tpu.memory_space<vmem>> -> memref<128x32xf32, #tpu.memory_space<vmem>>
      %dma_wait3A_411 = arith.constant 0 : i32
      %dma_wait3A_412 = tpu.memref_slice %arg6[%dma_wait3A_407, %dma_wait3A_411] : memref<20x128xi32, #tpu.memory_space<vmem>> -> memref<1x128xi32, #tpu.memory_space<vmem>>
      %dma_wait3A_413 = tpu.memref_squeeze %dma_wait3A_412 : memref<1x128xi32, #tpu.memory_space<vmem>> -> memref<128xi32, #tpu.memory_space<vmem>>
      %dma_wait3A_414 = arith.constant 0 : i32
      %dma_wait3A_415 = arith.constant 0 : i32
      %dma_wait3A_416 = tpu.memref_slice %arg9[%dma_wait3A_414, %dma_wait3A_415] : memref<10240x32xf32, #tpu.memory_space<vmem_shared>> -> memref<10240x32xf32, #tpu.memory_space<vmem_shared>>
      tpu.wait_indirect_dma semaphore(%arg10 : memref<!tpu.dma_semaphore, #tpu.memory_space<semaphore_mem>>) src(%dma_wait3A_410 : memref<128x32xf32, #tpu.memory_space<vmem>>) dst(%dma_wait3A_416 : memref<10240x32xf32, #tpu.memory_space<vmem_shared>>)
    } else {
    }
    %dma_wait3A = arith.constant 0 : i32
    %dma_wait3A_63 = arith.constant 0 : i32
    %dma_wait3A_64 = arith.constant 0 : i32
    %dma_wait3A_65 = tpu.memref_slice %arg7[%dma_wait3A_63, %dma_wait3A_64] : memref<2560x32xf32, #tpu.memory_space<vmem>> -> memref<128x32xf32, #tpu.memory_space<vmem>>
    %dma_wait3A_66 = arith.constant 0 : i32
    %dma_wait3A_67 = tpu.memref_slice %arg6[%dma_wait3A, %dma_wait3A_66] : memref<20x128xi32, #tpu.memory_space<vmem>> -> memref<1x128xi32, #tpu.memory_space<vmem>>
    %dma_wait3A_68 = tpu.memref_squeeze %dma_wait3A_67 : memref<1x128xi32, #tpu.memory_space<vmem>> -> memref<128xi32, #tpu.memory_space<vmem>>
    %dma_wait3A_69 = arith.constant 0 : i32
    %dma_wait3A_70 = arith.constant 0 : i32
    %dma_wait3A_71 = tpu.memref_slice %arg9[%dma_wait3A_69, %dma_wait3A_70] : memref<10240x32xf32, #tpu.memory_space<vmem_shared>> -> memref<10240x32xf32, #tpu.memory_space<vmem_shared>>
    tpu.wait_indirect_dma semaphore(%arg10 : memref<!tpu.dma_semaphore, #tpu.memory_space<semaphore_mem>>) src(%dma_wait3A_65 : memref<128x32xf32, #tpu.memory_space<vmem>>) dst(%dma_wait3A_71 : memref<10240x32xf32, #tpu.memory_space<vmem_shared>>)
    %dma_wait3A_72 = arith.constant 1 : i32
    %dma_wait3A_73 = arith.constant 128 : i32
    %dma_wait3A_74 = arith.constant 0 : i32
    %dma_wait3A_75 = tpu.memref_slice %arg7[%dma_wait3A_73, %dma_wait3A_74] : memref<2560x32xf32, #tpu.memory_space<vmem>> -> memref<128x32xf32, #tpu.memory_space<vmem>>
    %dma_wait3A_76 = arith.constant 0 : i32
    %dma_wait3A_77 = tpu.memref_slice %arg6[%dma_wait3A_72, %dma_wait3A_76] : memref<20x128xi32, #tpu.memory_space<vmem>> -> memref<1x128xi32, #tpu.memory_space<vmem>>
    %dma_wait3A_78 = tpu.memref_squeeze %dma_wait3A_77 : memref<1x128xi32, #tpu.memory_space<vmem>> -> memref<128xi32, #tpu.memory_space<vmem>>
    %dma_wait3A_79 = arith.constant 0 : i32
    %dma_wait3A_80 = arith.constant 0 : i32
    %dma_wait3A_81 = tpu.memref_slice %arg9[%dma_wait3A_79, %dma_wait3A_80] : memref<10240x32xf32, #tpu.memory_space<vmem_shared>> -> memref<10240x32xf32, #tpu.memory_space<vmem_shared>>
    tpu.wait_indirect_dma semaphore(%arg10 : memref<!tpu.dma_semaphore, #tpu.memory_space<semaphore_mem>>) src(%dma_wait3A_75 : memref<128x32xf32, #tpu.memory_space<vmem>>) dst(%dma_wait3A_81 : memref<10240x32xf32, #tpu.memory_space<vmem_shared>>)
    %dma_wait3A_82 = arith.constant 2 : i32
    %dma_wait3A_83 = arith.constant 256 : i32
    %dma_wait3A_84 = arith.constant 0 : i32
    %dma_wait3A_85 = tpu.memref_slice %arg7[%dma_wait3A_83, %dma_wait3A_84] : memref<2560x32xf32, #tpu.memory_space<vmem>> -> memref<128x32xf32, #tpu.memory_space<vmem>>
    %dma_wait3A_86 = arith.constant 0 : i32
    %dma_wait3A_87 = tpu.memref_slice %arg6[%dma_wait3A_82, %dma_wait3A_86] : memref<20x128xi32, #tpu.memory_space<vmem>> -> memref<1x128xi32, #tpu.memory_space<vmem>>
    %dma_wait3A_88 = tpu.memref_squeeze %dma_wait3A_87 : memref<1x128xi32, #tpu.memory_space<vmem>> -> memref<128xi32, #tpu.memory_space<vmem>>
    %dma_wait3A_89 = arith.constant 0 : i32
    %dma_wait3A_90 = arith.constant 0 : i32
    %dma_wait3A_91 = tpu.memref_slice %arg9[%dma_wait3A_89, %dma_wait3A_90] : memref<10240x32xf32, #tpu.memory_space<vmem_shared>> -> memref<10240x32xf32, #tpu.memory_space<vmem_shared>>
    tpu.wait_indirect_dma semaphore(%arg10 : memref<!tpu.dma_semaphore, #tpu.memory_space<semaphore_mem>>) src(%dma_wait3A_85 : memref<128x32xf32, #tpu.memory_space<vmem>>) dst(%dma_wait3A_91 : memref<10240x32xf32, #tpu.memory_space<vmem_shared>>)
    %dma_wait3A_92 = arith.constant 3 : i32
    %dma_wait3A_93 = arith.constant 384 : i32
    %dma_wait3A_94 = arith.constant 0 : i32
    %dma_wait3A_95 = tpu.memref_slice %arg7[%dma_wait3A_93, %dma_wait3A_94] : memref<2560x32xf32, #tpu.memory_space<vmem>> -> memref<128x32xf32, #tpu.memory_space<vmem>>
    %dma_wait3A_96 = arith.constant 0 : i32
    %dma_wait3A_97 = tpu.memref_slice %arg6[%dma_wait3A_92, %dma_wait3A_96] : memref<20x128xi32, #tpu.memory_space<vmem>> -> memref<1x128xi32, #tpu.memory_space<vmem>>
    %dma_wait3A_98 = tpu.memref_squeeze %dma_wait3A_97 : memref<1x128xi32, #tpu.memory_space<vmem>> -> memref<128xi32, #tpu.memory_space<vmem>>
    %dma_wait3A_99 = arith.constant 0 : i32
    %dma_wait3A_100 = arith.constant 0 : i32
    %dma_wait3A_101 = tpu.memref_slice %arg9[%dma_wait3A_99, %dma_wait3A_100] : memref<10240x32xf32, #tpu.memory_space<vmem_shared>> -> memref<10240x32xf32, #tpu.memory_space<vmem_shared>>
    tpu.wait_indirect_dma semaphore(%arg10 : memref<!tpu.dma_semaphore, #tpu.memory_space<semaphore_mem>>) src(%dma_wait3A_95 : memref<128x32xf32, #tpu.memory_space<vmem>>) dst(%dma_wait3A_101 : memref<10240x32xf32, #tpu.memory_space<vmem_shared>>)
    %dma_wait3A_102 = arith.constant 4 : i32
    %dma_wait3A_103 = arith.constant 512 : i32
    %dma_wait3A_104 = arith.constant 0 : i32
    %dma_wait3A_105 = tpu.memref_slice %arg7[%dma_wait3A_103, %dma_wait3A_104] : memref<2560x32xf32, #tpu.memory_space<vmem>> -> memref<128x32xf32, #tpu.memory_space<vmem>>
    %dma_wait3A_106 = arith.constant 0 : i32
    %dma_wait3A_107 = tpu.memref_slice %arg6[%dma_wait3A_102, %dma_wait3A_106] : memref<20x128xi32, #tpu.memory_space<vmem>> -> memref<1x128xi32, #tpu.memory_space<vmem>>
    %dma_wait3A_108 = tpu.memref_squeeze %dma_wait3A_107 : memref<1x128xi32, #tpu.memory_space<vmem>> -> memref<128xi32, #tpu.memory_space<vmem>>
    %dma_wait3A_109 = arith.constant 0 : i32
    %dma_wait3A_110 = arith.constant 0 : i32
    %dma_wait3A_111 = tpu.memref_slice %arg9[%dma_wait3A_109, %dma_wait3A_110] : memref<10240x32xf32, #tpu.memory_space<vmem_shared>> -> memref<10240x32xf32, #tpu.memory_space<vmem_shared>>
    tpu.wait_indirect_dma semaphore(%arg10 : memref<!tpu.dma_semaphore, #tpu.memory_space<semaphore_mem>>) src(%dma_wait3A_105 : memref<128x32xf32, #tpu.memory_space<vmem>>) dst(%dma_wait3A_111 : memref<10240x32xf32, #tpu.memory_space<vmem_shared>>)
    %barrier3A_112 = arith.constant 0 : index
    tpu.barrier barrier_id(%barrier3A_112)
    %mul3A_113 = arith.constant 640 : i32
    %mul3A_114 = arith.muli %arg1, %mul3A_113 : i32
    "tpu.region"() ({
      %run_scoped3A = tpu.sem_alloc : memref<!tpu.dma_semaphore, #tpu.memory_space<semaphore_mem>>
      %dma_start3A_117 = arith.constant 0 : i32
      %dma_start3A_118 = tpu.memref_slice %arg9[%mul3A_114, %dma_start3A_117] : memref<10240x32xf32, #tpu.memory_space<vmem_shared>> -> memref<640x32xf32, #tpu.memory_space<vmem_shared>>
      %dma_start3A_119 = arith.constant 0 : i32
      %dma_start3A_120 = tpu.memref_slice %arg9[%mul3A_114, %dma_start3A_119] : memref<10240x32xf32, #tpu.memory_space<vmem_shared>> -> memref<640x32xf32, #tpu.memory_space<vmem_shared>>
      tpu.enqueue_dma source(%dma_start3A_120 : memref<640x32xf32, #tpu.memory_space<vmem_shared>>) target(%arg8 : memref<640x32xf32, #tpu.memory_space<vmem>>) target_semaphore(%run_scoped3A : memref<!tpu.dma_semaphore, #tpu.memory_space<semaphore_mem>>)
      %dma_wait3A_121 = arith.constant 0 : i32
      %dma_wait3A_122 = tpu.memref_slice %arg9[%mul3A_114, %dma_wait3A_121] : memref<10240x32xf32, #tpu.memory_space<vmem_shared>> -> memref<640x32xf32, #tpu.memory_space<vmem_shared>>
      %dma_wait3A_123 = arith.constant 0 : i32
      %dma_wait3A_124 = tpu.memref_slice %arg9[%mul3A_114, %dma_wait3A_123] : memref<10240x32xf32, #tpu.memory_space<vmem_shared>> -> memref<640x32xf32, #tpu.memory_space<vmem_shared>>
      tpu.wait_dma2 semaphore(%run_scoped3A : memref<!tpu.dma_semaphore, #tpu.memory_space<semaphore_mem>>) src(%dma_wait3A_124 : memref<640x32xf32, #tpu.memory_space<vmem_shared>>) dst(%arg8 : memref<640x32xf32, #tpu.memory_space<vmem>>)
      tpu.yield
    }) : () -> ()
    %mul3A_115 = arith.constant 640 : i32
    %mul3A_116 = arith.muli %arg1, %mul3A_115 : i32
    "tpu.region"() ({
      %run_scoped3A = tpu.sem_alloc : memref<!tpu.dma_semaphore, #tpu.memory_space<semaphore_mem>>
      %dma_start3A_117 = arith.constant 0 : i32
      %dma_start3A_118 = tpu.memref_slice %arg5[%arg0, %mul3A_116, %dma_start3A_117] : memref<2x10240x32xf32, #tpu.memory_space<hbm>> -> memref<1x640x32xf32, #tpu.memory_space<hbm>>
      %dma_start3A_119 = tpu.memref_squeeze %dma_start3A_118 : memref<1x640x32xf32, #tpu.memory_space<hbm>> -> memref<640x32xf32, #tpu.memory_space<hbm>>
      %dma_start3A_120 = arith.constant 0 : i32
      %dma_start3A_121 = tpu.memref_slice %arg5[%arg0, %mul3A_116, %dma_start3A_120] : memref<2x10240x32xf32, #tpu.memory_space<hbm>> -> memref<1x640x32xf32, #tpu.memory_space<hbm>>
      %dma_start3A_122 = tpu.memref_squeeze %dma_start3A_121 : memref<1x640x32xf32, #tpu.memory_space<hbm>> -> memref<640x32xf32, #tpu.memory_space<hbm>>
      tpu.enqueue_dma source(%arg8 : memref<640x32xf32, #tpu.memory_space<vmem>>) target(%dma_start3A_122 : memref<640x32xf32, #tpu.memory_space<hbm>>) target_semaphore(%run_scoped3A : memref<!tpu.dma_semaphore, #tpu.memory_space<semaphore_mem>>)
      %dma_wait3A_123 = arith.constant 0 : i32
      %dma_wait3A_124 = tpu.memref_slice %arg5[%arg0, %mul3A_116, %dma_wait3A_123] : memref<2x10240x32xf32, #tpu.memory_space<hbm>> -> memref<1x640x32xf32, #tpu.memory_space<hbm>>
      %dma_wait3A_125 = tpu.memref_squeeze %dma_wait3A_124 : memref<1x640x32xf32, #tpu.memory_space<hbm>> -> memref<640x32xf32, #tpu.memory_space<hbm>>
      %dma_wait3A_126 = arith.constant 0 : i32
      %dma_wait3A_127 = tpu.memref_slice %arg5[%arg0, %mul3A_116, %dma_wait3A_126] : memref<2x10240x32xf32, #tpu.memory_space<hbm>> -> memref<1x640x32xf32, #tpu.memory_space<hbm>>
      %dma_wait3A_128 = tpu.memref_squeeze %dma_wait3A_127 : memref<1x640x32xf32, #tpu.memory_space<hbm>> -> memref<640x32xf32, #tpu.memory_space<hbm>>
      tpu.wait_dma2 semaphore(%run_scoped3A : memref<!tpu.dma_semaphore, #tpu.memory_space<semaphore_mem>>) src(%arg8 : memref<640x32xf32, #tpu.memory_space<vmem>>) dst(%dma_wait3A_128 : memref<640x32xf32, #tpu.memory_space<hbm>>)
      tpu.yield
    }) : () -> ()
    return
  }
}

module attributes {stable_mosaic.version = 14 : i64} {
  func.func @body(%arg0: i32, %arg1: memref<800x128xf32, #tpu.memory_space<vmem>>, %arg2: memref<800x128xf32, #tpu.memory_space<vmem>>, %arg3: memref<128x2048xbf16, #tpu.memory_space<vmem>>, %arg4: memref<128x2048xbf16, #tpu.memory_space<vmem>>, %arg5: memref<2048x128xbf16, #tpu.memory_space<vmem>>, %arg6: memref<128x128xf32, #tpu.memory_space<vmem>>, %arg7: memref<400x32xf32, #tpu.memory_space<vmem>>, %arg8: memref<32x32xf32, #tpu.memory_space<vmem>>, %arg9: memref<1x32xf32, #tpu.memory_space<vmem>>, %arg10: memref<800x128xf32, #tpu.memory_space<vmem>>, %arg11: memref<400x32xf32, #tpu.memory_space<vmem>>) attributes {dimension_semantics = [#tpu.dimension_semantics<arbitrary>], iteration_bounds = array<i64: 25>, scalar_prefetch = 0 : i64, scratch_operands = 0 : i64, tpu.core_type = #tpu.core_type<tc>, window_params = [{transform_indices = @transform_0, window_bounds = array<i64: 800, 128>}, {transform_indices = @transform_1, window_bounds = array<i64: 800, 128>}, {pipeline_mode = #tpu.pipeline_mode<synchronous>, transform_indices = @transform_2, window_bounds = array<i64: 128, 2048>}, {pipeline_mode = #tpu.pipeline_mode<synchronous>, transform_indices = @transform_3, window_bounds = array<i64: 128, 2048>}, {pipeline_mode = #tpu.pipeline_mode<synchronous>, transform_indices = @transform_4, window_bounds = array<i64: 2048, 128>}, {pipeline_mode = #tpu.pipeline_mode<synchronous>, transform_indices = @transform_5, window_bounds = array<i64: 128, 128>}, {transform_indices = @transform_6, window_bounds = array<i64: 400, 32>}, {pipeline_mode = #tpu.pipeline_mode<synchronous>, transform_indices = @transform_7, window_bounds = array<i64: 32, 32>}, {pipeline_mode = #tpu.pipeline_mode<synchronous>, transform_indices = @transform_8, window_bounds = array<i64: 1, 32>}, {transform_indices = @transform_9, window_bounds = array<i64: 800, 128>}, {transform_indices = @transform_10, window_bounds = array<i64: 400, 32>}]} {
    %get3A = arith.constant 0 : index
    %get3A_0 = arith.constant 0 : index
    %get3A_1 = vector.load %arg1[%get3A, %get3A_0] : memref<800x128xf32, #tpu.memory_space<vmem>>, vector<800x128xf32>
    %convert_element_type3A = arith.truncf %get3A_1 : vector<800x128xf32> to vector<800x128xbf16>
    %get3A_2 = arith.constant 0 : index
    %get3A_3 = arith.constant 0 : index
    %get3A_4 = vector.load %arg2[%get3A_2, %get3A_3] : memref<800x128xf32, #tpu.memory_space<vmem>>, vector<800x128xf32>
    %convert_element_type3A_5 = arith.truncf %get3A_4 : vector<800x128xf32> to vector<800x128xbf16>
    %get3A_6 = arith.constant 0 : index
    %get3A_7 = arith.constant 0 : index
    %get3A_8 = vector.load %arg3[%get3A_6, %get3A_7] : memref<128x2048xbf16, #tpu.memory_space<vmem>>, vector<128x2048xbf16>
    %dot_general3A = arith.constant dense<0.000000e+00> : vector<800x2048xf32>
    %dot_general3A_9 = tpu.matmul %convert_element_type3A, %get3A_8, %dot_general3A {dimension_numbers = #tpu.dot_dimension_numbers<[1], [0], [0], [1], [0, 0, 1, 1], [], []>, transpose_lhs_hint = false} : vector<800x128xbf16>, vector<128x2048xbf16>, vector<800x2048xf32> -> vector<800x2048xf32>
    %get3A_10 = arith.constant 0 : index
    %get3A_11 = arith.constant 0 : index
    %get3A_12 = vector.load %arg4[%get3A_10, %get3A_11] : memref<128x2048xbf16, #tpu.memory_space<vmem>>, vector<128x2048xbf16>
    %dot_general3A_13 = arith.constant dense<0.000000e+00> : vector<800x2048xf32>
    %dot_general3A_14 = tpu.matmul %convert_element_type3A_5, %get3A_12, %dot_general3A_13 {dimension_numbers = #tpu.dot_dimension_numbers<[1], [0], [0], [1], [0, 0, 1, 1], [], []>, transpose_lhs_hint = false} : vector<800x128xbf16>, vector<128x2048xbf16>, vector<800x2048xf32> -> vector<800x2048xf32>
    %mul3A = arith.mulf %dot_general3A_9, %dot_general3A_14 : vector<800x2048xf32>
    %convert_element_type3A_15 = arith.truncf %mul3A : vector<800x2048xf32> to vector<800x2048xbf16>
    %get3A_16 = arith.constant 0 : index
    %get3A_17 = arith.constant 0 : index
    %get3A_18 = vector.load %arg5[%get3A_16, %get3A_17] : memref<2048x128xbf16, #tpu.memory_space<vmem>>, vector<2048x128xbf16>
    %dot_general3A_19 = arith.constant dense<0.000000e+00> : vector<800x128xf32>
    %dot_general3A_20 = tpu.matmul %convert_element_type3A_15, %get3A_18, %dot_general3A_19 {dimension_numbers = #tpu.dot_dimension_numbers<[1], [0], [0], [1], [0, 0, 1, 1], [], []>, transpose_lhs_hint = false} : vector<800x2048xbf16>, vector<2048x128xbf16>, vector<800x128xf32> -> vector<800x128xf32>
    %get3A_21 = arith.constant 0 : index
    %get3A_22 = arith.constant 0 : index
    %get3A_23 = vector.load %arg6[%get3A_21, %get3A_22] : memref<128x128xf32, #tpu.memory_space<vmem>>, vector<128x128xf32>
    %dot_general3A_24 = arith.constant dense<0.000000e+00> : vector<800x128xf32>
    %dot_general3A_25 = tpu.matmul %get3A_4, %get3A_23, %dot_general3A_24 {dimension_numbers = #tpu.dot_dimension_numbers<[1], [0], [0], [1], [0, 0, 1, 1], [], []>, transpose_lhs_hint = false} : vector<800x128xf32>, vector<128x128xf32>, vector<800x128xf32> -> vector<800x128xf32>
    %add3A = arith.addf %dot_general3A_20, %dot_general3A_25 : vector<800x128xf32>
    %swap3A = arith.constant 0 : index
    %swap3A_26 = arith.constant 0 : index
    %swap3A_27 = vector.load %arg10[%swap3A, %swap3A_26] : memref<800x128xf32, #tpu.memory_space<vmem>>, vector<800x128xf32>
    tpu.vector_store %arg10[%swap3A, %swap3A_26], %add3A {strides = array<i32>} : memref<800x128xf32, #tpu.memory_space<vmem>>, vector<800x128xf32>,
    %get3A_28 = arith.constant 0 : index
    %get3A_29 = arith.constant 0 : index
    %get3A_30 = vector.load %arg7[%get3A_28, %get3A_29] : memref<400x32xf32, #tpu.memory_space<vmem>>, vector<400x32xf32>
    %get3A_31 = arith.constant 0 : index
    %get3A_32 = arith.constant 0 : index
    %get3A_33 = vector.load %arg8[%get3A_31, %get3A_32] : memref<32x32xf32, #tpu.memory_space<vmem>>, vector<32x32xf32>
    %dot_general3A_34 = arith.constant dense<0.000000e+00> : vector<400x32xf32>
    %dot_general3A_35 = tpu.matmul %get3A_30, %get3A_33, %dot_general3A_34 {dimension_numbers = #tpu.dot_dimension_numbers<[1], [0], [0], [1], [0, 0, 1, 1], [], []>, transpose_lhs_hint = false} : vector<400x32xf32>, vector<32x32xf32>, vector<400x32xf32> -> vector<400x32xf32>
    %get3A_36 = arith.constant 0 : index
    %get3A_37 = arith.constant 0 : index
    %get3A_38 = vector.load %arg9[%get3A_36, %get3A_37] : memref<1x32xf32, #tpu.memory_space<vmem>>, vector<1x32xf32>
    %add3A_39 = vector.broadcast %get3A_38 : vector<1x32xf32> to vector<400x32xf32>
    %add3A_40 = arith.addf %dot_general3A_35, %add3A_39 : vector<400x32xf32>
    %swap3A_41 = arith.constant 0 : index
    %swap3A_42 = arith.constant 0 : index
    %swap3A_43 = vector.load %arg11[%swap3A_41, %swap3A_42] : memref<400x32xf32, #tpu.memory_space<vmem>>, vector<400x32xf32>
    tpu.vector_store %arg11[%swap3A_41, %swap3A_42], %add3A_40 {strides = array<i32>} : memref<400x32xf32, #tpu.memory_space<vmem>>, vector<400x32xf32>,
    return
  }
  func.func @transform_0(%arg0: i32) -> (i32, i32) {
    %c0_i32 = arith.constant 0 : i32
    %c0_i32_0 = arith.constant 0 : i32
    return %arg0, %c0_i32 : i32, i32
  }
  func.func @transform_1(%arg0: i32) -> (i32, i32) {
    %c0_i32 = arith.constant 0 : i32
    %c0_i32_0 = arith.constant 0 : i32
    return %arg0, %c0_i32 : i32, i32
  }
  func.func @transform_2(%arg0: i32) -> (i32, i32) {
    %c0_i32 = arith.constant 0 : i32
    %c0_i32_0 = arith.constant 0 : i32
    %c0_i32_1 = arith.constant 0 : i32
    return %c0_i32, %c0_i32_0 : i32, i32
  }
  func.func @transform_3(%arg0: i32) -> (i32, i32) {
    %c0_i32 = arith.constant 0 : i32
    %c0_i32_0 = arith.constant 0 : i32
    %c0_i32_1 = arith.constant 0 : i32
    return %c0_i32, %c0_i32_0 : i32, i32
  }
  func.func @transform_4(%arg0: i32) -> (i32, i32) {
    %c0_i32 = arith.constant 0 : i32
    %c0_i32_0 = arith.constant 0 : i32
    %c0_i32_1 = arith.constant 0 : i32
    return %c0_i32, %c0_i32_0 : i32, i32
  }
  func.func @transform_5(%arg0: i32) -> (i32, i32) {
    %c0_i32 = arith.constant 0 : i32
    %c0_i32_0 = arith.constant 0 : i32
    %c0_i32_1 = arith.constant 0 : i32
    return %c0_i32, %c0_i32_0 : i32, i32
  }
  func.func @transform_6(%arg0: i32) -> (i32, i32) {
    %c0_i32 = arith.constant 0 : i32
    %c0_i32_0 = arith.constant 0 : i32
    return %arg0, %c0_i32 : i32, i32
  }
  func.func @transform_7(%arg0: i32) -> (i32, i32) {
    %c0_i32 = arith.constant 0 : i32
    %c0_i32_0 = arith.constant 0 : i32
    %c0_i32_1 = arith.constant 0 : i32
    return %c0_i32, %c0_i32_0 : i32, i32
  }
  func.func @transform_8(%arg0: i32) -> (i32, i32) {
    %c0_i32 = arith.constant 0 : i32
    %c0_i32_0 = arith.constant 0 : i32
    %c0_i32_1 = arith.constant 0 : i32
    return %c0_i32, %c0_i32_0 : i32, i32
  }
  func.func @transform_9(%arg0: i32) -> (i32, i32) {
    %c0_i32 = arith.constant 0 : i32
    %c0_i32_0 = arith.constant 0 : i32
    return %arg0, %c0_i32 : i32, i32
  }
  func.func @transform_10(%arg0: i32) -> (i32, i32) {
    %c0_i32 = arith.constant 0 : i32
    %c0_i32_0 = arith.constant 0 : i32
    return %arg0, %c0_i32 : i32, i32
  }
}

module attributes {stable_mosaic.version = 14 : i64} {
  func.func @body(%arg0: memref<10000x32xf32, #tpu.memory_space<vmem>>, %arg1: memref<10000x32xf32, #tpu.memory_space<vmem>>, %arg2: memref<10000x32xf32, #tpu.memory_space<vmem>>, %arg3: memref<10000x32xf32, #tpu.memory_space<vmem>>) attributes {dimension_semantics = [], scalar_prefetch = 0 : i64, scratch_operands = 0 : i64, tpu.core_type = #tpu.core_type<tc>} {
    %get3A = arith.constant 0 : index
    %get3A_0 = arith.constant 0 : index
    %get3A_1 = vector.load %arg0[%get3A, %get3A_0] : memref<10000x32xf32, #tpu.memory_space<vmem>>, vector<10000x32xf32>
    %get3A_2 = arith.constant 0 : index
    %get3A_3 = arith.constant 0 : index
    %get3A_4 = vector.load %arg1[%get3A_2, %get3A_3] : memref<10000x32xf32, #tpu.memory_space<vmem>>, vector<10000x32xf32>
    %add3A = arith.addf %get3A_1, %get3A_4 : vector<10000x32xf32>
    %get3A_5 = arith.constant 0 : index
    %get3A_6 = arith.constant 0 : index
    %get3A_7 = vector.load %arg2[%get3A_5, %get3A_6] : memref<10000x32xf32, #tpu.memory_space<vmem>>, vector<10000x32xf32>
    %add3A_8 = arith.addf %add3A, %get3A_7 : vector<10000x32xf32>
    %max3A = arith.constant 0.000000e+00 : f32
    %max3A_9 = vector.broadcast %max3A : f32 to vector<10000x32xf32>
    %max3A_10 = arith.maximumf %add3A_8, %max3A_9 : vector<10000x32xf32>
    %swap3A = arith.constant 0 : index
    %swap3A_11 = arith.constant 0 : index
    %swap3A_12 = vector.load %arg3[%swap3A, %swap3A_11] : memref<10000x32xf32, #tpu.memory_space<vmem>>, vector<10000x32xf32>
    tpu.vector_store %arg3[%swap3A, %swap3A_11], %max3A_10 {strides = array<i32>} : memref<10000x32xf32, #tpu.memory_space<vmem>>, vector<10000x32xf32>,
    return
  }
}

module attributes {stable_mosaic.version = 14 : i64} {
  func.func @body(%arg0: memref<10000x32xf32, #tpu.memory_space<vmem>>, %arg1: memref<10000x32xf32, #tpu.memory_space<vmem>>, %arg2: memref<10000x32xf32, #tpu.memory_space<vmem>>, %arg3: memref<32x1xf32, #tpu.memory_space<vmem>>, %arg4: memref<1x1xf32, #tpu.memory_space<vmem>>, %arg5: memref<1x1xf32, #tpu.memory_space<vmem>>) attributes {dimension_semantics = [], scalar_prefetch = 0 : i64, scratch_operands = 0 : i64, tpu.core_type = #tpu.core_type<tc>} {
    %get3A = arith.constant 0 : index
    %get3A_0 = arith.constant 0 : index
    %get3A_1 = vector.load %arg0[%get3A, %get3A_0] : memref<10000x32xf32, #tpu.memory_space<vmem>>, vector<10000x32xf32>
    %get3A_2 = arith.constant 0 : index
    %get3A_3 = arith.constant 0 : index
    %get3A_4 = vector.load %arg1[%get3A_2, %get3A_3] : memref<10000x32xf32, #tpu.memory_space<vmem>>, vector<10000x32xf32>
    %add3A = arith.addf %get3A_1, %get3A_4 : vector<10000x32xf32>
    %get3A_5 = arith.constant 0 : index
    %get3A_6 = arith.constant 0 : index
    %get3A_7 = vector.load %arg2[%get3A_5, %get3A_6] : memref<10000x32xf32, #tpu.memory_space<vmem>>, vector<10000x32xf32>
    %add3A_8 = arith.addf %add3A, %get3A_7 : vector<10000x32xf32>
    %max3A = arith.constant 0.000000e+00 : f32
    %max3A_9 = vector.broadcast %max3A : f32 to vector<10000x32xf32>
    %max3A_10 = arith.maximumf %add3A_8, %max3A_9 : vector<10000x32xf32>
    %reduce_sum3A = arith.constant dense<0.000000e+00> : vector<32xf32>
    %reduce_sum3A_11 = vector.multi_reduction <add>, %max3A_10, %reduce_sum3A [0] : vector<10000x32xf32> to vector<32xf32>
    %broadcast_in_dim3A = vector.shape_cast %reduce_sum3A_11 : vector<32xf32> to vector<1x32xf32>
    %get3A_12 = arith.constant 0 : index
    %get3A_13 = arith.constant 0 : index
    %get3A_14 = vector.load %arg3[%get3A_12, %get3A_13] : memref<32x1xf32, #tpu.memory_space<vmem>>, vector<32x1xf32>
    %dot_general3A = arith.constant dense<0.000000e+00> : vector<1x1xf32>
    %dot_general3A_15 = tpu.matmul %broadcast_in_dim3A, %get3A_14, %dot_general3A {dimension_numbers = #tpu.dot_dimension_numbers<[1], [0], [0], [1], [0, 0, 1, 1], [], []>, transpose_lhs_hint = false} : vector<1x32xf32>, vector<32x1xf32>, vector<1x1xf32> -> vector<1x1xf32>
    %get3A_16 = arith.constant 0 : index
    %get3A_17 = arith.constant 0 : index
    %get3A_18 = vector.load %arg4[%get3A_16, %get3A_17] : memref<1x1xf32, #tpu.memory_space<vmem>>, vector<1x1xf32>
    %add3A_19 = arith.addf %dot_general3A_15, %get3A_18 : vector<1x1xf32>
    %swap3A = arith.constant 0 : index
    %swap3A_20 = arith.constant 0 : index
    %swap3A_21 = vector.load %arg5[%swap3A, %swap3A_20] : memref<1x1xf32, #tpu.memory_space<vmem>>, vector<1x1xf32>
    tpu.vector_store %arg5[%swap3A, %swap3A_20], %add3A_19 {strides = array<i32>} : memref<1x1xf32, #tpu.memory_space<vmem>>, vector<1x1xf32>,
    return
  }
}

</mosaic_0001>

<sc_bundles>
// kernel: kernel.11.cloned.1.call-start
scs
__scs_entry_jumppad:
0x0: {  	(pc) =	sbr.rel $0x88, $3  }
0x1: {  	(tag) =	ssettag $0x0;
	lr =	simm.s32 $0x1  }
0x2: {  	[smem:$0x3F94] =	sst lr;
	_ =	strace $0xD0000000  }
0x3: {  	_ = 	snop  }
0x4: {  	_ = 	snop  }
0x5: {  	_ = 	snop  }
0x6: {  	_ = 	snop  }
0x7: {  	_ = 	snop  }
__scs_overlays_trampoline_lowered:
0x8: {  	[smem:$0x3FA3] =	sst s0  }
0x9: {  	[smem:$0x3FA4] =	sst s1  }
0xa: {  	[smem:$0x3FA5] =	sst s2  }
0xb: {  	[smem:$0x3FA6] =	sst s3  }
0xc: {  	[smem:$0x3FA7] =	sst s4  }
0xd: {  	[smem:$0x3FA8] =	sst s5  }
0xe: {  	[smem:$0x3FA9] =	sst s6  }
0xf: {  	[smem:$0x3FAA] =	sst s7  }
0x10: {  	[smem:$0x3FAB] =	sst s8  }
0x11: {  	[smem:$0x3FAC] =	sst s9;
	s0 =	simm.s32 @!p0 $0x0  }
0x12: {  	s1 =	sld [smem:$0x3F92];
	s0 =	simm.s32 @p0 $0x1  }
0x13: {  	[smem:$0x3FAD] =	sst s0;
	s0 =	simm.s32 @!p1 $0x0  }
0x14: {  	s2 =	sld [smem:$0x3F91];
	s0 =	simm.s32 @p1 $0x1  }
0x15: {  	[smem:$0x3FAE] =	sst s0;
	s0 =	simm.s32 @!p2 $0x0  }
0x16: {  	s3 =	sld [smem:$0x3FDB];
	s0 =	simm.s32 @p2 $0x1  }
0x17: {  	s4 =	simm.s32 $0x1BF5;
	[smem:$0x3FB0] =	sst s0  }
0x18: {  	s0 =	sld [smem:$0x3F93];
	_ =	swait.ge [sflag:s4], $0x0  }
0x19: {  	s7 =	sld [smem:$0x3F94]  }
0x1a: {  	s8 =	sadd.s32 $0xFFFFE003, lr  }
0x1b: {  	s9 =	sadd.s32 $0xFFFFFEF7, lr;
	s5 =	simm.s32 $0xFFFFFFFF;
	p2 =	slt.u32 s8, $0xFFFFF086  }
0x1c: {  	p1 =	slt.u32 s9, $0xF7A;
	s5 =	simm.s32 @!p2 $0x0  }
0x1d: {  	s5 =	simm.s32 @p1 $0x1;
	p0 =	seq.s32 s7, s2  }
0x1e: {  	s7 =	smul.u32 @!p0 $0xF7A, s2;
	p2 =	seq.s32 @!p0 s5, $0x0  }
0x1f: {  	s9 =	smul.u32 $0xF7A, s1;
	s8 =	simm.s32 @!p0 $0x1BF5;
	p2 =	por !p2, p0  }
0x20: {  	[sflag:s8] =	ssyncset.s32 @!p0 $0xFFFFF086;
	s6 =	sadd.s32 @!p0 s3, s7;
	s7 =	simm.s32 @!p0 $0x108  }
0x21: {  	s3 =	sadd.s32 s3, s9;
	s6 =	sadd.s32 @!p0 $0x88, s6;
	s7 =	simm.s32 @p2 $0x1082  }
0x22: {  	[simem:s7], [sflag:s8] =	dma.local @!p0 [hbm:s6], $0xF7A  }
0x23: {  	s9 =	sor.u32 $0xD0000000, s2;
	s6 =	simm.s32 $0x108;
	_ =	swait.ge @!p0 [sflag:s8], $0x0  }
0x24: {  	s3 =	sadd.s32 $0x88, s3;
	s6 =	simm.s32 @!p1 $0x1082;
	[sflag:s4] =	ssyncset.s32 $0xFFFFF086  }
0x25: {  	[simem:s6], [sflag:s4] =	dma.local [hbm:s3], $0xF7A  }
0x26: {  	[smem:$0x3F94] =	sst s1;
	(tag) =	ssettag s2;
	_ =	strace s9  }
0x27: {  	s1 =	sld [smem:$0x3FA4]  }
0x28: {  	s2 =	sld [smem:$0x3FA5]  }
0x29: {  	s4 =	sld [smem:$0x3FA7]  }
0x2a: {  	p0 =	seq.s32 s5, $0x0;
	s5 =	sld [smem:$0x3FA8]  }
0x2b: {  	s6 =	sld [smem:$0x3FA9]  }
0x2c: {  	s7 =	sld [smem:$0x3FAA]  }
0x2d: {  	s3 =	simm.s32 $0x108;
	s8 =	sld [smem:$0x3FAB]  }
0x2e: {  	s3 =	simm.s32 @!p0 $0x1082;
	s9 =	sld [smem:$0x3FAC]  }
0x2f: {  	lr =	sadd.s32 s0, s3;
	s0 =	sld [smem:$0x3FA3]  }
0x30: {  	s3 =	sld [smem:$0x3FA6]  }
0x31: {  	[smem:$0x3FAF] =	sst s10  }
0x32: {  	s10 =	sld [smem:$0x3FAD];
	_ =	sdelay $0x3  }
0x33: {  	p0 =	seq.s32 s10, $0x1;
	s10 =	sld [smem:$0x3FAF];
	_ =	sdelay $0x3  }
0x34: {  	[smem:$0x3FAF] =	sst s10  }
0x35: {  	s10 =	sld [smem:$0x3FAE];
	_ =	sdelay $0x3  }
0x36: {  	p1 =	seq.s32 s10, $0x1;
	s10 =	sld [smem:$0x3FAF];
	_ =	sdelay $0x3  }
0x37: {  	[smem:$0x3FAF] =	sst s10  }
0x38: {  	s10 =	sld [smem:$0x3FB0]  }
0x39: {  	_ = 	snop;
	(pc) =	sbr.ind lr, $3  }
0x3a: {  	_ = 	snop  }
0x3b: {  	_ = 	snop  }
0x3c: {  	p2 =	seq.s32 s10, $0x1;
	s10 =	sld [smem:$0x3FAF]  }
0x3d: {  	_ =	shalt  }
0x3e: {  	_ =	shalt  }
0x3f: {  	_ =	shalt  }
0x40: {  	_ =	shalt  }
0x41: {  	_ =	shalt  }
0x42: {  	_ =	shalt  }
0x43: {  	_ =	shalt  }
0x44: {  	_ =	shalt  }
0x45: {  	_ =	shalt  }
0x46: {  	_ =	shalt  }
0x47: {  	_ =	shalt  }
0x48: {  	_ =	shalt  }
0x49: {  	_ =	shalt  }
0x4a: {  	_ =	shalt  }
0x4b: {  	_ =	shalt  }
0x4c: {  	_ =	shalt  }
0x4d: {  	_ =	shalt  }
0x4e: {  	_ =	shalt  }
0x4f: {  	_ =	shalt  }
0x50: {  	_ =	shalt  }
0x51: {  	_ =	shalt  }
0x52: {  	_ =	shalt  }
0x53: {  	_ =	shalt  }
0x54: {  	_ =	shalt  }
0x55: {  	_ =	shalt  }
0x56: {  	_ =	shalt  }
0x57: {  	_ =	shalt  }
0x58: {  	_ =	shalt  }
0x59: {  	_ =	shalt  }
0x5a: {  	_ =	shalt  }
0x5b: {  	_ =	shalt  }
0x5c: {  	_ =	shalt  }
0x5d: {  	_ =	shalt  }
0x5e: {  	_ =	shalt  }
0x5f: {  	_ =	shalt  }
0x60: {  	_ =	shalt  }
0x61: {  	_ =	shalt  }
0x62: {  	_ =	shalt  }
0x63: {  	_ =	shalt  }
0x64: {  	_ =	shalt  }
0x65: {  	_ =	shalt  }
0x66: {  	_ =	shalt  }
0x67: {  	_ =	shalt  }
0x68: {  	_ =	shalt  }
0x69: {  	_ =	shalt  }
0x6a: {  	_ =	shalt  }
0x6b: {  	_ =	shalt  }
0x6c: {  	_ =	shalt  }
0x6d: {  	_ =	shalt  }
0x6e: {  	_ =	shalt  }
0x6f: {  	_ =	shalt  }
0x70: {  	_ =	shalt  }
0x71: {  	_ =	shalt  }
0x72: {  	_ =	shalt  }
0x73: {  	_ =	shalt  }
0x74: {  	_ =	shalt  }
0x75: {  	_ =	shalt  }
0x76: {  	_ =	shalt  }
0x77: {  	_ =	shalt  }
0x78: {  	_ =	shalt  }
0x79: {  	_ =	shalt  }
0x7a: {  	_ =	shalt  }
0x7b: {  	_ =	shalt  }
0x7c: {  	_ =	shalt  }
0x7d: {  	_ =	shalt  }
0x7e: {  	_ =	shalt  }
0x7f: {  	_ =	shalt  }
0x80: {  	_ =	shalt  }
0x81: {  	_ =	shalt  }
0x82: {  	_ =	shalt  }
0x83: {  	_ =	shalt  }
0x84: {  	_ =	shalt  }
0x85: {  	_ =	shalt  }
0x86: {  	_ =	shalt  }
0x87: {  	_ =	shalt  }
.Lfunc_end0:
.L_simem_size_0:
called_computation_lowered:
.L_overlay_start_0:
0x88: {  	s2 =	sld [smem:$0x3FD9]  }
0x89: {  	s3 =	sld [smem:$0x3FFE];
	_ =	sdelay $0x1  }
0x8a: {  	s1 =	srdreg.scid  }
0x8b: {  	s0 =	sand.u32 $0x1, s1  }
0x8c: {  	s16 =	sshll.u32 s0, $0xA;
	s2 =	sadd.s32 s3, s2  }
0x8d: {  	s2 =	sadd.s32 s2, s16  }
0x8e: {  	[smem:$0x3FBB] =	sst s2  }
0x8f: {  	_ = 	snop  }
0x90: {  	(tm) =	ssettm $0x1  }
0x91: {  	s17 =	sld [smem:$0x3FFB];
	_ =	sdelay $0x3  }
0x92: {  	_ =	strace s17  }
0x93: {  	s2 =	sld [smem:$0x3FFC];
	_ =	sdelay $0x3  }
0x94: {  	_ =	strace s2  }
0x95: {  	s2 =	sld [smem:$0x3FFD];
	_ =	sdelay $0x3  }
0x96: {  	_ =	strace s2  }
0x97: {  	_ =	strace $0x8FFFFFFF  }
0x98: {  	s18 =	sld [smem:$0x3FDB];
	_ =	sdelay $0x1  }
0x99: {  	s19 =	simm.s32 $_scs_section_size  }
0x9a: {  	s4 =	simm.s32 $_size__tile_overlayer_lowered;
	s5 =	simm.s32 $_tile_overlayer_lowered  }
0x9b: {  	s22 =	simm.s32 $0x1BFF;
	s21 =	sshll.u32 s5, $0x1;
	s2 =	sadd.s32 s19, s18  }
0x9c: {  	s6 =	simm.s32 $0x0;
	s20 =	sshll.u32 s4, $0x1;
	s4 =	sadd.s32 s21, s2  }
0x9d: {  	[timem:s6], [sflag:s22] =	dma.local [hbm:s4], s20  }
0x9e: {  	_ =	swait.ge [sflag:s22], s20  }
0x9f: {  	s3 =	ssub.s32 $0x0, s20;
	[sflag:s22] =	ssyncset.done $0x0  }
0xa0: {  	[sflag:s22] =	ssyncadd.s32 s3;
	_ =	sdelay $0x1  }
0xa1: {  	s23 =	simm.s32 $0x1B8B  }
0xa2: {  	_ =	swait.ge [sflag:s23], $0x1  }
0xa3: {  	[sflag:s23] =	ssyncset.done $0x0  }
0xa4: {  	s25 =	simm.s32 $0x1B8E;
	s24 =	sld [smem:$0x3FFE];
	[sflag:s23] =	ssyncadd.s32 $0xFFFFFFFF  }
0xa5: {  	s26 =	simm.s32 $execute0_lowered;
	[smem:$0x3FD2] =	sst s25  }
0xa6: {  	s4 =	sshll.u32 s26, $0x1;
	_ =	strace $0x80000046;
	[dreg:$0x1] =	wrdreg $0xFFFFFFFF  }
0xa7: {  	s28 =	simm.s32 $_size_execute0_lowered;
	s2 =	sadd.s32 s2, s4;
	[dreg:$0x0] =	wrdreg $0x0  }
0xa8: {  	s4 =	sshll.u32 s28, $0x1;
	[dreg:$0x2] =	wrdreg s2  }
0xa9: {  	[dreg:$0x3] =	wrdreg s4  }
0xaa: {  	[dreg:$0x4] =	wrdreg $0xC0  }
0xab: {  	_ =	task [dreg:s6], $0x5FFFF  }
0xac: {  	[dreg:$0x1] =	wrdreg $0xFFFFFFFF  }
0xad: {  	[dreg:$0x0] =	wrdreg $0x60  }
0xae: {  	[dreg:$0x2] =	wrdreg s24  }
0xaf: {  	[dreg:$0x3] =	wrdreg $0x9  }
0xb0: {  	_ =	task.clear_ibuf [dreg:s6], $0x4FFFF;
	_ =	strace $0x90000046  }
0xb1: {  	s29 =	simm.s32 $0x9;
	_ =	strace $0x80000048  }
0xb2: {  	_ =	swait.ge [sflag:s29], $0x1  }
0xb3: {  	[sflag:s29] =	ssyncadd.s32 $0xFFFFFFFF  }
0xb4: {  	_ =	strace $0x90000048  }
0xb5: {  	_ =	sfence  }
0xb6: {  	s30 =	sld [smem:$0x0];
	_ =	sdelay $0x2  }
0xb7: {  	s31 =	sshll.u32 s1, $0xD;
	s1 =	sshrl.u32 s1, $0x2  }
0xb8: {  	s3 =	sand.u32 $0x4000, s31;
	s1 =	sadd.s32 s1, s30  }
0xb9: {  	s0 =	sor.u32 s3, s0;
	s1 =	sshll.u32 s1, $0x11  }
0xba: {  	s0 =	sor.u32 s1, s0  }
0xbb: {  	s0 =	sadd.s32 $0x8F2B, s0  }
0xbc: {  	[sflag:s0] =	ssyncadd.remote.s32 $0x1  }
0xbd: {  	_ =	sfence.sel $0xFFFF  }
0xbe: {  	[dreg:$0x0] =	wrdreg $0xFFFFFFFF;
	(pc) =	sbr.abs _section_cstart, $3  }
0xbf: {  	[dreg:$0x1] =	wrdreg $0xFFFFFFFF  }
0xc0: {  	_ =	task.clear_ibuf [dreg:s6], $0x2FFFF;
	_ =	strace $0x9FFFFFFF  }
0xc1: {  	(tm) =	ssettm $0x7FFFFFFF  }
tec
execute0_lowered:
.L_overlay_start_1:
0x0: {  	(tag) =	ssettag $0x1  }
0x1: {  	s1 =	srdreg.scid  }
0x2: {  	s0 =	stileid.u32;
	s4 =	rddreg [dreg:$0x0];
	s2 =	simm.s32 $0x0  }
0x3: {  	s9 =	simm.s32 $0xA000;
	s3 =	sand.u32 $0x1, s1;
	s30 =	sshll.u32 s0, $0x1  }
0x4: {  	s10 =	simm.s32 $0x0;
	s1 =	rddreg [dreg:$0x1];
	s8 =	sor.u32 s3, s30  }
0x5: {  	[smem:$0x7FF] =	sst s2;
	s7 =	ssub.s32 $0x2, s3;
	s5 =	smul.u32 $0xA000, s8  }
0x6: {  	_ =	strace $0x80000047;
	s6 =	smul.u32 $0x14000, s8;
	s31 =	sshrl.u32 s7, $0x1  }
0x7: {  	p0 =	seq.s32 s8, $0x1F;
	s8 =	simm.s32 $0x1;
	s5 =	sshrl.u32 s5, $0x3  }
0x8: {  	s7 =	ssub.s32 s7, s31;
	s6 =	sshrl.u32 s6, $0x3;
	s5 =	sadd.s32 s5, s4  }
0x9: {  	s7 =	smax.u32 s7, $0x1;
	s6 =	sadd.s32 s6, s4;
	s3 =	sadd.s32 $0x13BC00, s5  }
0xa: {  	v0 =	vimm.f32 $0.0e+00;
	s4 =	sadd.s32 $0x13C100, s5;
	s5 =	sadd.s32 $0x3400, s6;
	s6 =	sadd.s32 $0x3E00, s6  }
.LBB2_1:
0xb: {  	[tilespmem:s2], [sflag:$0x1] =	stream.linear.gather [hbm4b:s3+s2], $0x2800, $0x38;
	[tilespmem:$0x1E000] =	vst v63  }
0xc: {  	s15 =	simm.s32 @!p0 $0x280;
	_ =	swait.ge [sflag:s8], $0x2800  }
0xd: {  	s12 =	simm.s32 @!p0 $0x0;
	s15 =	simm.s32 @p0 $0xA0;
	[sflag:s8] =	ssyncset.done $0x0  }
0xe: {  	s11 =	simm.s32 @!p0 $0x2800;
	p1 =	sne.s32 s15, $0x1;
	[sflag:s8] =	ssyncadd.s32 $0xFFFFD800  }
0xf: {  	[tilespmem:s11], [sflag:$0x1] =	stream.linear.gather @!p0 [hbm4b:s4+s12], $0x7800, $0x38;
	[tilespmem:$0x1E000] =	vst v63  }
.Ltmp0:
0x10: {  	s11 =	simm.s32 @!p0 $0x1;
	(pc) =	sbr.rel @!p1 .LBB2_3-.Ltmp0, $4  }
0x11: {  	_ =	swait.ge @!p0 [sflag:s11], $0x7800  }
0x12: {  	[sflag:s11] =	ssyncset.done @!p0 $0x0  }
0x13: {  	s14 =	simm.s32 $0x20;
	s13 =	simm.s32 $0xA040;
	[sflag:s11] =	ssyncadd.s32 @!p0 $0xFFFF8800  }
0x14: {  	s15 =	sadd.s32 $0xFFFFFFFF, s15;
	v1 =	vld [tilespmem:s14+$0xFFFFFFE0];
	[tilespmem:s13+$0x0] =	vst v0  }
.LBB2_2:
0x15: {  	p1 =	sne.s32 s15, $0x1;
	_ =	sdelay $0x3  }
0x16: {  	[tilespmem:s13+$0xFFFFFFC0] =	vst v1  }
0x17: {  	v1 =	vld [tilespmem:s14+$0xFFFFFFF0];
	_ =	sdelay $0x3  }
0x18: {  	[tilespmem:s13+$0x10] =	vst v0  }
0x19: {  	[tilespmem:s13+$0xFFFFFFD0] =	vst v1  }
0x1a: {  	v1 =	vld [tilespmem:s14+$0x0];
	_ =	sdelay $0x3  }
0x1b: {  	[tilespmem:s13+$0x20] =	vst v0  }
0x1c: {  	[tilespmem:s13+$0xFFFFFFE0] =	vst v1  }
0x1d: {  	v1 =	vld [tilespmem:s14+$0x10];
	[tilespmem:s13+$0x30] =	vst v0;
	_ =	sdelay $0x1  }
.Ltmp1:
0x1e: {  	(pc) =	sbr.rel @p1 .LBB2_2-.Ltmp1, $3  }
0x1f: {  	_ =	sdelay $0x1  }
0x20: {  	s14 =	sadd.s32 $0x40, s14;
	[tilespmem:s13+$0xFFFFFFF0] =	vst v1;
	s13 =	sadd.s32 $0x80, s13  }
0x21: {  	s15 =	sadd.s32 $0xFFFFFFFF, s15;
	v1 =	vld [tilespmem:s14+$0xFFFFFFE0];
	[tilespmem:s13+$0x0] =	vst v0  }
.LBB2_3:
0x22: {  	_ =	sdelay $0x3  }
0x23: {  	[tilespmem:s13+$0xFFFFFFC0] =	vst v1  }
0x24: {  	v1 =	vld [tilespmem:s14+$0xFFFFFFF0];
	_ =	sdelay $0x3  }
0x25: {  	[tilespmem:s13+$0x10] =	vst v0  }
0x26: {  	[tilespmem:s13+$0xFFFFFFD0] =	vst v1  }
0x27: {  	v1 =	vld [tilespmem:s14+$0x0];
	_ =	sdelay $0x3  }
0x28: {  	[tilespmem:s13+$0x20] =	vst v0  }
0x29: {  	[tilespmem:s13+$0xFFFFFFE0] =	vst v1  }
0x2a: {  	v1 =	vld [tilespmem:s14+$0x10];
	_ =	sdelay $0x3  }
0x2b: {  	[tilespmem:s13+$0x30] =	vst v0  }
0x2c: {  	[tilespmem:s13+$0xFFFFFFF0] =	vst v1  }
0x2d: {  	[hbm4b:s5+s2] =	stream.linear.scatter [tilespmem:s9], [sflag:$0x1], $0x5000, $0x38;
	[tilespmem:$0x1E000] =	vst v63  }
0x2e: {  	s10 =	sadd.s32 $0x1, s10;
	_ =	swait.ge [sflag:s8], $0x5000  }
0x2f: {  	p1 =	sne.s32 s10, s7;
	[sflag:s8] =	ssyncset.done $0x0  }
.Ltmp2:
0x30: {  	s13 =	simm.s32 @!p0 $0xF000;
	[sflag:s8] =	ssyncadd.s32 $0xFFFFB000;
	(pc) =	sbr.rel @p1 .LBB2_1-.Ltmp2, $4  }
0x31: {  	[hbm4b:s6+s12] =	stream.linear.scatter @!p0 [tilespmem:s13], [sflag:$0x1], $0xF000, $0x38;
	[tilespmem:$0x1E000] =	vst v63  }
0x32: {  	_ =	swait.ge @!p0 [sflag:s11], $0xF000  }
0x33: {  	[sflag:s11] =	ssyncset.done @!p0 $0x0  }
0x34: {  	[sflag:s11] =	ssyncadd.s32 @!p0 $0xFFFF1000  }
0x35: {  	_ =	sfence.sel $0x180000  }
0x36: {  	[bflag:$0x0] =	sbarrier.arrive $0xFFFF  }
0x37: {  	p0 =	sne.s32 s0, $0x0;
	_ =	strace $0x90000047  }
0x38: {  	s0 =	sadd.s32 @!p0 $0x100000, s1;
	[bflag:$0x2] =	sbarrier.arrive $0xFFFF  }
0x39: {  	[sflag:s0] =	ssyncadd.tile.s32 @!p0 $0x1;
	_ =	shalt  }
.Lfunc_end2:
_tile_overlayer_lowered:
.L_overlay_start_2:
0x3a: {  	(tag) =	ssettag $0x2  }
0x3b: {  	s0 =	rddreg [dreg:$0x0];
	s2 =	stileid.u32  }
0x3c: {  	s1 =	rddreg [dreg:$0x1];
	p0 =	sne.s32 s2, $0x0  }
0x3d: {  	s3 =	rddreg [dreg:$0x2];
	[bflag:$0x3] =	sbarrier.arrive $0xFFFF;
	s2 =	simm.s32 @!p0 $0x1C01  }
0x3e: {  	[timem:s3], [sflag:s2] =	dma.local @!p0 [hbm:s0], s1  }
0x3f: {  	s0 =	simm.s32 @!p0 $0x1  }
0x40: {  	_ =	swait.ge @!p0 [sflag:s0], s1  }
0x41: {  	s1 =	ssub.s32 @!p0 $0x0, s1;
	[sflag:s0] =	ssyncset.done @!p0 $0x0  }
0x42: {  	[sflag:s0] =	ssyncadd.s32 @!p0 s1  }
0x43: {  	[bflag:$0x3] =	sbarrier.arrive $0xFFFF  }
0x44: {  	_ =	shalt  }

// kernel: kernel.14.cloned.1.call-start
scs
__scs_entry_jumppad:
0x0: {  	(pc) =	sbr.rel $0x88, $3  }
0x1: {  	(tag) =	ssettag $0x0;
	lr =	simm.s32 $0x1  }
0x2: {  	[smem:$0x3F94] =	sst lr;
	_ =	strace $0xD0000000  }
0x3: {  	_ = 	snop  }
0x4: {  	_ = 	snop  }
0x5: {  	_ = 	snop  }
0x6: {  	_ = 	snop  }
0x7: {  	_ = 	snop  }
__scs_overlays_trampoline_lowered:
0x8: {  	[smem:$0x3FA3] =	sst s0  }
0x9: {  	[smem:$0x3FA4] =	sst s1  }
0xa: {  	[smem:$0x3FA5] =	sst s2  }
0xb: {  	[smem:$0x3FA6] =	sst s3  }
0xc: {  	[smem:$0x3FA7] =	sst s4  }
0xd: {  	[smem:$0x3FA8] =	sst s5  }
0xe: {  	[smem:$0x3FA9] =	sst s6  }
0xf: {  	[smem:$0x3FAA] =	sst s7  }
0x10: {  	[smem:$0x3FAB] =	sst s8  }
0x11: {  	[smem:$0x3FAC] =	sst s9;
	s0 =	simm.s32 @!p0 $0x0  }
0x12: {  	s1 =	sld [smem:$0x3F92];
	s0 =	simm.s32 @p0 $0x1  }
0x13: {  	[smem:$0x3FAD] =	sst s0;
	s0 =	simm.s32 @!p1 $0x0  }
0x14: {  	s2 =	sld [smem:$0x3F91];
	s0 =	simm.s32 @p1 $0x1  }
0x15: {  	[smem:$0x3FAE] =	sst s0;
	s0 =	simm.s32 @!p2 $0x0  }
0x16: {  	s3 =	sld [smem:$0x3FDB];
	s0 =	simm.s32 @p2 $0x1  }
0x17: {  	s4 =	simm.s32 $0x1BF5;
	[smem:$0x3FB0] =	sst s0  }
0x18: {  	s0 =	sld [smem:$0x3F93];
	_ =	swait.ge [sflag:s4], $0x0  }
0x19: {  	s7 =	sld [smem:$0x3F94]  }
0x1a: {  	s8 =	sadd.s32 $0xFFFFE003, lr  }
0x1b: {  	s9 =	sadd.s32 $0xFFFFFEF7, lr;
	s5 =	simm.s32 $0xFFFFFFFF;
	p2 =	slt.u32 s8, $0xFFFFF086  }
0x1c: {  	p1 =	slt.u32 s9, $0xF7A;
	s5 =	simm.s32 @!p2 $0x0  }
0x1d: {  	s5 =	simm.s32 @p1 $0x1;
	p0 =	seq.s32 s7, s2  }
0x1e: {  	s7 =	smul.u32 @!p0 $0xF7A, s2;
	p2 =	seq.s32 @!p0 s5, $0x0  }
0x1f: {  	s9 =	smul.u32 $0xF7A, s1;
	s8 =	simm.s32 @!p0 $0x1BF5;
	p2 =	por !p2, p0  }
0x20: {  	[sflag:s8] =	ssyncset.s32 @!p0 $0xFFFFF086;
	s6 =	sadd.s32 @!p0 s3, s7;
	s7 =	simm.s32 @!p0 $0x108  }
0x21: {  	s3 =	sadd.s32 s3, s9;
	s6 =	sadd.s32 @!p0 $0x88, s6;
	s7 =	simm.s32 @p2 $0x1082  }
0x22: {  	[simem:s7], [sflag:s8] =	dma.local @!p0 [hbm:s6], $0xF7A  }
0x23: {  	s9 =	sor.u32 $0xD0000000, s2;
	s6 =	simm.s32 $0x108;
	_ =	swait.ge @!p0 [sflag:s8], $0x0  }
0x24: {  	s3 =	sadd.s32 $0x88, s3;
	s6 =	simm.s32 @!p1 $0x1082;
	[sflag:s4] =	ssyncset.s32 $0xFFFFF086  }
0x25: {  	[simem:s6], [sflag:s4] =	dma.local [hbm:s3], $0xF7A  }
0x26: {  	[smem:$0x3F94] =	sst s1;
	(tag) =	ssettag s2;
	_ =	strace s9  }
0x27: {  	s1 =	sld [smem:$0x3FA4]  }
0x28: {  	s2 =	sld [smem:$0x3FA5]  }
0x29: {  	s4 =	sld [smem:$0x3FA7]  }
0x2a: {  	p0 =	seq.s32 s5, $0x0;
	s5 =	sld [smem:$0x3FA8]  }
0x2b: {  	s6 =	sld [smem:$0x3FA9]  }
0x2c: {  	s7 =	sld [smem:$0x3FAA]  }
0x2d: {  	s3 =	simm.s32 $0x108;
	s8 =	sld [smem:$0x3FAB]  }
0x2e: {  	s3 =	simm.s32 @!p0 $0x1082;
	s9 =	sld [smem:$0x3FAC]  }
0x2f: {  	lr =	sadd.s32 s0, s3;
	s0 =	sld [smem:$0x3FA3]  }
0x30: {  	s3 =	sld [smem:$0x3FA6]  }
0x31: {  	[smem:$0x3FAF] =	sst s10  }
0x32: {  	s10 =	sld [smem:$0x3FAD];
	_ =	sdelay $0x3  }
0x33: {  	p0 =	seq.s32 s10, $0x1;
	s10 =	sld [smem:$0x3FAF];
	_ =	sdelay $0x3  }
0x34: {  	[smem:$0x3FAF] =	sst s10  }
0x35: {  	s10 =	sld [smem:$0x3FAE];
	_ =	sdelay $0x3  }
0x36: {  	p1 =	seq.s32 s10, $0x1;
	s10 =	sld [smem:$0x3FAF];
	_ =	sdelay $0x3  }
0x37: {  	[smem:$0x3FAF] =	sst s10  }
0x38: {  	s10 =	sld [smem:$0x3FB0]  }
0x39: {  	_ = 	snop;
	(pc) =	sbr.ind lr, $3  }
0x3a: {  	_ = 	snop  }
0x3b: {  	_ = 	snop  }
0x3c: {  	p2 =	seq.s32 s10, $0x1;
	s10 =	sld [smem:$0x3FAF]  }
0x3d: {  	_ =	shalt  }
0x3e: {  	_ =	shalt  }
0x3f: {  	_ =	shalt  }
0x40: {  	_ =	shalt  }
0x41: {  	_ =	shalt  }
0x42: {  	_ =	shalt  }
0x43: {  	_ =	shalt  }
0x44: {  	_ =	shalt  }
0x45: {  	_ =	shalt  }
0x46: {  	_ =	shalt  }
0x47: {  	_ =	shalt  }
0x48: {  	_ =	shalt  }
0x49: {  	_ =	shalt  }
0x4a: {  	_ =	shalt  }
0x4b: {  	_ =	shalt  }
0x4c: {  	_ =	shalt  }
0x4d: {  	_ =	shalt  }
0x4e: {  	_ =	shalt  }
0x4f: {  	_ =	shalt  }
0x50: {  	_ =	shalt  }
0x51: {  	_ =	shalt  }
0x52: {  	_ =	shalt  }
0x53: {  	_ =	shalt  }
0x54: {  	_ =	shalt  }
0x55: {  	_ =	shalt  }
0x56: {  	_ =	shalt  }
0x57: {  	_ =	shalt  }
0x58: {  	_ =	shalt  }
0x59: {  	_ =	shalt  }
0x5a: {  	_ =	shalt  }
0x5b: {  	_ =	shalt  }
0x5c: {  	_ =	shalt  }
0x5d: {  	_ =	shalt  }
0x5e: {  	_ =	shalt  }
0x5f: {  	_ =	shalt  }
0x60: {  	_ =	shalt  }
0x61: {  	_ =	shalt  }
0x62: {  	_ =	shalt  }
0x63: {  	_ =	shalt  }
0x64: {  	_ =	shalt  }
0x65: {  	_ =	shalt  }
0x66: {  	_ =	shalt  }
0x67: {  	_ =	shalt  }
0x68: {  	_ =	shalt  }
0x69: {  	_ =	shalt  }
0x6a: {  	_ =	shalt  }
0x6b: {  	_ =	shalt  }
0x6c: {  	_ =	shalt  }
0x6d: {  	_ =	shalt  }
0x6e: {  	_ =	shalt  }
0x6f: {  	_ =	shalt  }
0x70: {  	_ =	shalt  }
0x71: {  	_ =	shalt  }
0x72: {  	_ =	shalt  }
0x73: {  	_ =	shalt  }
0x74: {  	_ =	shalt  }
0x75: {  	_ =	shalt  }
0x76: {  	_ =	shalt  }
0x77: {  	_ =	shalt  }
0x78: {  	_ =	shalt  }
0x79: {  	_ =	shalt  }
0x7a: {  	_ =	shalt  }
0x7b: {  	_ =	shalt  }
0x7c: {  	_ =	shalt  }
0x7d: {  	_ =	shalt  }
0x7e: {  	_ =	shalt  }
0x7f: {  	_ =	shalt  }
0x80: {  	_ =	shalt  }
0x81: {  	_ =	shalt  }
0x82: {  	_ =	shalt  }
0x83: {  	_ =	shalt  }
0x84: {  	_ =	shalt  }
0x85: {  	_ =	shalt  }
0x86: {  	_ =	shalt  }
0x87: {  	_ =	shalt  }
.Lfunc_end0:
.L_simem_size_0:
called_computation.1_lowered:
.L_overlay_start_0:
0x88: {  	s2 =	sld [smem:$0x3FD9]  }
0x89: {  	s3 =	sld [smem:$0x3FFE];
	_ =	sdelay $0x1  }
0x8a: {  	s1 =	srdreg.scid  }
0x8b: {  	s0 =	sand.u32 $0x1, s1  }
0x8c: {  	s17 =	sshll.u32 s0, $0xA;
	s2 =	sadd.s32 s3, s2  }
0x8d: {  	s2 =	sadd.s32 s2, s17  }
0x8e: {  	[smem:$0x3FBB] =	sst s2  }
0x8f: {  	_ = 	snop  }
0x90: {  	(tm) =	ssettm $0x1  }
0x91: {  	s18 =	sld [smem:$0x3FFB];
	_ =	sdelay $0x3  }
0x92: {  	_ =	strace s18  }
0x93: {  	s2 =	sld [smem:$0x3FFC];
	_ =	sdelay $0x3  }
0x94: {  	_ =	strace s2  }
0x95: {  	s2 =	sld [smem:$0x3FFD];
	_ =	sdelay $0x3  }
0x96: {  	_ =	strace s2  }
0x97: {  	_ =	strace $0x8FFFFFFF  }
0x98: {  	s19 =	sld [smem:$0x3FDB];
	_ =	sdelay $0x1  }
0x99: {  	s20 =	simm.s32 $_scs_section_size  }
0x9a: {  	s4 =	simm.s32 $_size__tile_overlayer_lowered;
	s5 =	simm.s32 $_tile_overlayer_lowered  }
0x9b: {  	s6 =	simm.s32 $0x1BFF;
	s21 =	sshll.u32 s5, $0x1;
	s3 =	sadd.s32 s20, s19  }
0x9c: {  	s22 =	simm.s32 $0x0;
	s4 =	sshll.u32 s4, $0x1;
	s5 =	sadd.s32 s21, s3  }
0x9d: {  	[timem:s22], [sflag:s6] =	dma.local [hbm:s5], s4  }
0x9e: {  	_ =	swait.ge [sflag:s6], s4  }
0x9f: {  	s4 =	ssub.s32 $0x0, s4;
	[sflag:s6] =	ssyncset.done $0x0  }
0xa0: {  	[sflag:s6] =	ssyncadd.s32 s4;
	_ =	sdelay $0x1  }
0xa1: {  	s23 =	simm.s32 $0x1B8B  }
0xa2: {  	_ =	swait.ge [sflag:s23], $0x1  }
0xa3: {  	[sflag:s23] =	ssyncset.done $0x0  }
0xa4: {  	[sflag:s23] =	ssyncadd.s32 $0xFFFFFFFF  }
0xa5: {  	s4 =	sld [smem:$0x0]  }
0xa6: {  	s5 =	sand.u32 $0xFFFFFFFE, s1  }
0xa7: {  	p0 =	sne.s32 s1, s5  }
0xa8: {  	s5 =	sshll.u32 @p0 s5, $0xE  }
0xa9: {  	s5 =	sadd.s32 @p0 $0x11B8D, s5;
	s6 =	sshll.u32 @p0 s4, $0x11  }
0xaa: {  	s5 =	sor.u32 @p0 s6, s5  }
0xab: {  	[sflag:s5] =	ssyncadd.remote.s32 @p0 $0x1;
	_ =	sdelay $0x1  }
0xac: {  	s5 =	simm.s32 @p0 $0x1B8D  }
0xad: {  	_ =	swait.eq @p0 [sflag:s5], $0x1  }
0xae: {  	[sflag:s5] =	ssyncadd.s32 @p0 $0xFFFFFFFF  }
0xaf: {  	s6 =	sshll.u32 @!p0 s1, $0xE  }
0xb0: {  	s6 =	sor.u32 @!p0 $0x4000, s6;
	s5 =	simm.s32 @!p0 $0x1B8D  }
0xb1: {  	s4 =	sshll.u32 @!p0 s4, $0x11;
	s6 =	sadd.s32 @!p0 $0x11B8D, s6;
	_ =	swait.eq @!p0 [sflag:s5], $0x1  }
0xb2: {  	s4 =	sor.u32 @!p0 s4, s6;
	[sflag:s5] =	ssyncadd.s32 @!p0 $0xFFFFFFFF  }
0xb3: {  	s25 =	simm.s32 $0x1B8E;
	s24 =	sld [smem:$0x3FFE];
	[sflag:s4] =	ssyncadd.remote.s32 @!p0 $0x1  }
0xb4: {  	s26 =	simm.s32 $execute0_lowered;
	[smem:$0x3FD2] =	sst s25  }
0xb5: {  	s5 =	sshll.u32 s26, $0x1;
	_ =	strace $0x80000049;
	[dreg:$0x1] =	wrdreg $0xFFFFFFFF  }
0xb6: {  	s28 =	simm.s32 $_size_execute0_lowered;
	s3 =	sadd.s32 s3, s5;
	[dreg:$0x0] =	wrdreg $0x0  }
0xb7: {  	s5 =	sshll.u32 s28, $0x1;
	[dreg:$0x2] =	wrdreg s3  }
0xb8: {  	[dreg:$0x3] =	wrdreg s5  }
0xb9: {  	[dreg:$0x4] =	wrdreg $0xC0  }
0xba: {  	_ =	task [dreg:s22], $0x5FFFF  }
0xbb: {  	[dreg:$0x1] =	wrdreg $0xFFFFFFFF  }
0xbc: {  	[dreg:$0x0] =	wrdreg $0x60  }
0xbd: {  	[dreg:$0x2] =	wrdreg s24  }
0xbe: {  	[dreg:$0x3] =	wrdreg $0xA  }
0xbf: {  	_ =	task.clear_ibuf [dreg:s22], $0x4FFFF;
	_ =	strace $0x90000049  }
0xc0: {  	s29 =	simm.s32 $0xA;
	_ =	strace $0x8000004B  }
0xc1: {  	_ =	swait.ge [sflag:s29], $0x1  }
0xc2: {  	[sflag:s29] =	ssyncadd.s32 $0xFFFFFFFF  }
0xc3: {  	_ =	strace $0x9000004B  }
0xc4: {  	_ =	sfence  }
0xc5: {  	s30 =	sld [smem:$0x0];
	_ =	sdelay $0x2  }
0xc6: {  	s31 =	sshll.u32 s1, $0xD;
	s1 =	sshrl.u32 s1, $0x2  }
0xc7: {  	s4 =	sand.u32 $0x4000, s31;
	s1 =	sadd.s32 s1, s30  }
0xc8: {  	s0 =	sor.u32 s4, s0;
	s1 =	sshll.u32 s1, $0x11  }
0xc9: {  	s0 =	sor.u32 s1, s0  }
0xca: {  	s0 =	sadd.s32 $0x8F2B, s0  }
0xcb: {  	[sflag:s0] =	ssyncadd.remote.s32 $0x1  }
0xcc: {  	_ =	sfence.sel $0xFFFF  }
0xcd: {  	[dreg:$0x0] =	wrdreg $0xFFFFFFFF;
	(pc) =	sbr.abs _section_cstart, $3  }
0xce: {  	[dreg:$0x1] =	wrdreg $0xFFFFFFFF  }
0xcf: {  	_ =	task.clear_ibuf [dreg:s22], $0x2FFFF;
	_ =	strace $0x9FFFFFFF  }
0xd0: {  	(tm) =	ssettm $0x7FFFFFFF  }
0xd1: {  	_ =	shalt  }
tec
execute0_lowered:
.L_overlay_start_1:
0x0: {  	(tag) =	ssettag $0x1  }
0x1: {  	s0 =	srdreg.scid  }
0x2: {  	s2 =	stileid.u32;
	s1 =	rddreg [dreg:$0x0];
	s9 =	simm.s32 $0x80  }
0x3: {  	s10 =	simm.s32 $0xA00;
	s11 =	simm.s32 $0x1A00;
	s12 =	simm.s32 $0x100  }
0x4: {  	s13 =	simm.s32 $0x2A00;
	s14 =	simm.s32 $0x180;
	s15 =	simm.s32 $0x3A00  }
0x5: {  	s16 =	simm.s32 $0x200;
	s17 =	simm.s32 $0x4A00;
	s18 =	simm.s32 $0x1  }
0x6: {  	s23 =	simm.s32 $0x700;
	s24 =	simm.s32 $0xEA00;
	s25 =	simm.s32 $0x780  }
0x7: {  	s28 =	simm.s32 $0x800;
	s29 =	simm.s32 $0x10A00;
	s30 =	simm.s32 $0x880  }
0x8: {  	s31 =	simm.s32 $0x11A00;
	s0 =	sand.u32 $0x1, s0;
	s3 =	sshll.u32 s2, $0x1  }
0x9: {  	s19 =	simm.s32 $0x980;
	s2 =	simm.s32 $0x0;
	s8 =	sor.u32 s0, s3  }
0xa: {  	s20 =	simm.s32 $0x13A00;
	[smem:$0x7FF] =	sst s2;
	s4 =	smul.u32 $0x140, s8  }
0xb: {  	s3 =	sadd.s32 $0x51600, s1;
	s0 =	ssub.s32 $0x2, s0;
	s5 =	smul.u32 $0x14000, s8  }
0xc: {  	_ =	strace $0x8000004A;
	s6 =	sshrl.u32 s0, $0x1;
	s7 =	smul.u32 $0x2800, s8  }
.Ltmp0:
0xd: {  	p0 =	seq.s32 s8, $0x1F;
	s8 =	simm.s32 $0x2;
	(pc) =	sbr.rel .LBB2_1-.Ltmp0, $4  }
0xe: {  	s4 =	sadd.s32 s4, s1;
	s1 =	sadd.s32 $0x5DC00, s1;
	s5 =	sshrl.u32 s5, $0x3  }
0xf: {  	s0 =	ssub.s32 s0, s6;
	s4 =	sadd.s32 $0x5B400, s4;
	s26 =	sadd.s32 s1, s5  }
0x10: {  	s5 =	sadd.s32 s1, s7;
	s7 =	smax.u32 s0, $0x1;
	s1 =	simm.s32 $0x900  }
0x11: {  	s0 =	simm.s32 $0x12A00;
	s6 =	sadd.s32 $0xA00, s26;
	s26 =	simm.s32 $0xFA00  }
.LBB2_3:
0x12: {  	_ =	swait.ge [sflag:s18], $0x1000  }
0x13: {  	[sflag:s18] =	ssyncset.done $0x0  }
0x14: {  	[sflag:s18] =	ssyncadd.s32 $0xFFFFF000  }
0x15: {  	_ =	swait.ge [sflag:s18], $0x1000  }
0x16: {  	[sflag:s18] =	ssyncset.done $0x0  }
0x17: {  	[sflag:s18] =	ssyncadd.s32 $0xFFFFF000  }
0x18: {  	_ =	swait.ge [sflag:s18], $0x1000  }
0x19: {  	[sflag:s18] =	ssyncset.done $0x0  }
0x1a: {  	[sflag:s18] =	ssyncadd.s32 $0xFFFFF000  }
0x1b: {  	_ =	swait.ge [sflag:s18], $0x1000  }
0x1c: {  	[sflag:s18] =	ssyncset.done $0x0  }
0x1d: {  	[sflag:s18] =	ssyncadd.s32 $0xFFFFF000  }
0x1e: {  	_ =	swait.ge [sflag:s18], $0x1000  }
0x1f: {  	[sflag:s18] =	ssyncset.done $0x0  }
0x20: {  	[sflag:s18] =	ssyncadd.s32 $0xFFFFF000  }
0x21: {  	[hbm4b:s5+s2] =	stream.linear.scatter [tilespmem:s10], [sflag:$0x2], $0x5000, $0x38;
	[tilespmem:$0x14A00] =	vst v63  }
0x22: {  	_ =	swait.ge [sflag:s8], $0x5000  }
0x23: {  	s21 =	simm.s32 @!p0 $0x0;
	s7 =	sadd.s32 $0xFFFFFFFF, s7;
	[sflag:s8] =	ssyncset.done $0x0  }
0x24: {  	s22 =	simm.s32 @!p0 $0x5A00;
	p1 =	sne.s32 s7, $0x0;
	[sflag:s8] =	ssyncadd.s32 $0xFFFFB000  }
0x25: {  	[hbm4b:s6+s21] =	stream.linear.scatter @!p0 [tilespmem:s22], [sflag:$0x2], $0xF000, $0x38;
	[tilespmem:$0x14A00] =	vst v63  }
.Ltmp1:
0x26: {  	_ = 	snop;
	(pc) =	sbr.rel @!p1 .LBB2_4-.Ltmp1, $4  }
0x27: {  	s21 =	simm.s32 @!p0 $0x2  }
0x28: {  	_ =	swait.ge @!p0 [sflag:s21], $0xF000  }
0x29: {  	[sflag:s21] =	ssyncset.done @!p0 $0x0  }
0x2a: {  	[sflag:s21] =	ssyncadd.s32 @!p0 $0xFFFF1000  }
.LBB2_1:
0x2b: {  	[tilespmem:s2], [sflag:$0x2] =	stream.linear.gather [hbm4b:s4+s2], $0xA00, $0x38;
	[tilespmem:$0x14A00] =	vst v63  }
0x2c: {  	_ =	swait.ge [sflag:s8], $0xA00  }
0x2d: {  	[sflag:s8] =	ssyncset.done $0x0  }
0x2e: {  	[sflag:s8] =	ssyncadd.s32 $0xFFFFF600  }
0x2f: {  	[tilespmem:s10], [sflag:$0x1] =	stream.indirect.gather [hbm4b:s3+s9], $0x20, s2, s9, $0xb8;
	[tilespmem:$0x14A00] =	vst v63  }
0x30: {  	_ = 	snop  }
0x31: {  	[tilespmem:s11], [sflag:$0x1] =	stream.indirect.gather [hbm4b:s3+s9], $0x20, s9, s9, $0xb8;
	[tilespmem:$0x14A00] =	vst v63  }
0x32: {  	_ = 	snop  }
0x33: {  	[tilespmem:s13], [sflag:$0x1] =	stream.indirect.gather [hbm4b:s3+s9], $0x20, s12, s9, $0xb8;
	[tilespmem:$0x14A00] =	vst v63  }
.Ltmp2:
0x34: {  	_ = 	snop;
	(pc) =	sbr.rel @p0 .LBB2_3-.Ltmp2, $4  }
0x35: {  	_ = 	snop  }
0x36: {  	[tilespmem:s15], [sflag:$0x1] =	stream.indirect.gather [hbm4b:s3+s9], $0x20, s14, s9, $0xb8;
	[tilespmem:$0x14A00] =	vst v63  }
0x37: {  	_ = 	snop  }
0x38: {  	[tilespmem:s17], [sflag:$0x1] =	stream.indirect.gather [hbm4b:s3+s9], $0x20, s16, s9, $0xb8;
	[tilespmem:$0x14A00] =	vst v63  }
0x39: {  	s21 =	simm.s32 $0x280;
	s22 =	simm.s32 $0x5A00  }
0x3a: {  	[tilespmem:s22], [sflag:$0x1] =	stream.indirect.gather [hbm4b:s3+s9], $0x20, s21, s9, $0xb8;
	[tilespmem:$0x14A00] =	vst v63  }
0x3b: {  	s21 =	simm.s32 $0x300;
	s22 =	simm.s32 $0x6A00  }
0x3c: {  	[tilespmem:s22], [sflag:$0x1] =	stream.indirect.gather [hbm4b:s3+s9], $0x20, s21, s9, $0xb8;
	[tilespmem:$0x14A00] =	vst v63  }
0x3d: {  	s21 =	simm.s32 $0x380;
	s22 =	simm.s32 $0x7A00  }
0x3e: {  	[tilespmem:s22], [sflag:$0x1] =	stream.indirect.gather [hbm4b:s3+s9], $0x20, s21, s9, $0xb8;
	[tilespmem:$0x14A00] =	vst v63  }
0x3f: {  	s21 =	simm.s32 $0x400;
	s22 =	simm.s32 $0x8A00  }
0x40: {  	[tilespmem:s22], [sflag:$0x1] =	stream.indirect.gather [hbm4b:s3+s9], $0x20, s21, s9, $0xb8;
	[tilespmem:$0x14A00] =	vst v63  }
0x41: {  	s21 =	simm.s32 $0x480;
	s22 =	simm.s32 $0x9A00  }
0x42: {  	[tilespmem:s22], [sflag:$0x1] =	stream.indirect.gather [hbm4b:s3+s9], $0x20, s21, s9, $0xb8;
	[tilespmem:$0x14A00] =	vst v63  }
0x43: {  	s21 =	simm.s32 $0x500;
	s22 =	simm.s32 $0xAA00  }
0x44: {  	[tilespmem:s22], [sflag:$0x1] =	stream.indirect.gather [hbm4b:s3+s9], $0x20, s21, s9, $0xb8;
	[tilespmem:$0x14A00] =	vst v63  }
0x45: {  	s21 =	simm.s32 $0x580;
	s22 =	simm.s32 $0xBA00  }
0x46: {  	[tilespmem:s22], [sflag:$0x1] =	stream.indirect.gather [hbm4b:s3+s9], $0x20, s21, s9, $0xb8;
	[tilespmem:$0x14A00] =	vst v63  }
0x47: {  	s21 =	simm.s32 $0x600;
	s22 =	simm.s32 $0xCA00  }
0x48: {  	[tilespmem:s22], [sflag:$0x1] =	stream.indirect.gather [hbm4b:s3+s9], $0x20, s21, s9, $0xb8;
	[tilespmem:$0x14A00] =	vst v63  }
0x49: {  	s21 =	simm.s32 $0x680;
	s22 =	simm.s32 $0xDA00  }
0x4a: {  	[tilespmem:s22], [sflag:$0x1] =	stream.indirect.gather [hbm4b:s3+s9], $0x20, s21, s9, $0xb8;
	[tilespmem:$0x14A00] =	vst v63  }
0x4b: {  	_ = 	snop  }
0x4c: {  	[tilespmem:s24], [sflag:$0x1] =	stream.indirect.gather [hbm4b:s3+s9], $0x20, s23, s9, $0xb8;
	[tilespmem:$0x14A00] =	vst v63  }
0x4d: {  	_ = 	snop  }
0x4e: {  	[tilespmem:s26], [sflag:$0x1] =	stream.indirect.gather [hbm4b:s3+s9], $0x20, s25, s9, $0xb8;
	[tilespmem:$0x14A00] =	vst v63  }
0x4f: {  	_ = 	snop  }
0x50: {  	[tilespmem:s29], [sflag:$0x1] =	stream.indirect.gather [hbm4b:s3+s9], $0x20, s28, s9, $0xb8;
	[tilespmem:$0x14A00] =	vst v63  }
0x51: {  	_ = 	snop  }
0x52: {  	[tilespmem:s31], [sflag:$0x1] =	stream.indirect.gather [hbm4b:s3+s9], $0x20, s30, s9, $0xb8;
	[tilespmem:$0x14A00] =	vst v63  }
0x53: {  	_ = 	snop  }
0x54: {  	[tilespmem:s0], [sflag:$0x1] =	stream.indirect.gather [hbm4b:s3+s9], $0x20, s1, s9, $0xb8;
	[tilespmem:$0x14A00] =	vst v63  }
0x55: {  	_ = 	snop  }
0x56: {  	[tilespmem:s20], [sflag:$0x1] =	stream.indirect.gather [hbm4b:s3+s9], $0x20, s19, s9, $0xb8;
	[tilespmem:$0x14A00] =	vst v63  }
0x57: {  	_ =	swait.ge [sflag:s18], $0x1000  }
0x58: {  	[sflag:s18] =	ssyncset.done $0x0  }
0x59: {  	[sflag:s18] =	ssyncadd.s32 $0xFFFFF000  }
0x5a: {  	_ =	swait.ge [sflag:s18], $0x1000  }
0x5b: {  	[sflag:s18] =	ssyncset.done $0x0  }
0x5c: {  	[sflag:s18] =	ssyncadd.s32 $0xFFFFF000  }
0x5d: {  	_ =	swait.ge [sflag:s18], $0x1000  }
0x5e: {  	[sflag:s18] =	ssyncset.done $0x0  }
0x5f: {  	[sflag:s18] =	ssyncadd.s32 $0xFFFFF000  }
0x60: {  	_ =	swait.ge [sflag:s18], $0x1000  }
0x61: {  	[sflag:s18] =	ssyncset.done $0x0  }
0x62: {  	[sflag:s18] =	ssyncadd.s32 $0xFFFFF000  }
0x63: {  	_ =	swait.ge [sflag:s18], $0x1000  }
0x64: {  	[sflag:s18] =	ssyncset.done $0x0  }
0x65: {  	[sflag:s18] =	ssyncadd.s32 $0xFFFFF000  }
0x66: {  	_ =	swait.ge [sflag:s18], $0x1000  }
0x67: {  	[sflag:s18] =	ssyncset.done $0x0  }
0x68: {  	[sflag:s18] =	ssyncadd.s32 $0xFFFFF000  }
0x69: {  	_ =	swait.ge [sflag:s18], $0x1000  }
0x6a: {  	[sflag:s18] =	ssyncset.done $0x0  }
0x6b: {  	[sflag:s18] =	ssyncadd.s32 $0xFFFFF000  }
0x6c: {  	_ =	swait.ge [sflag:s18], $0x1000  }
0x6d: {  	[sflag:s18] =	ssyncset.done $0x0  }
0x6e: {  	[sflag:s18] =	ssyncadd.s32 $0xFFFFF000  }
0x6f: {  	_ =	swait.ge [sflag:s18], $0x1000  }
0x70: {  	[sflag:s18] =	ssyncset.done $0x0  }
0x71: {  	[sflag:s18] =	ssyncadd.s32 $0xFFFFF000  }
0x72: {  	_ =	swait.ge [sflag:s18], $0x1000  }
0x73: {  	[sflag:s18] =	ssyncset.done $0x0  }
0x74: {  	[sflag:s18] =	ssyncadd.s32 $0xFFFFF000  }
0x75: {  	_ =	swait.ge [sflag:s18], $0x1000  }
0x76: {  	[sflag:s18] =	ssyncset.done $0x0  }
0x77: {  	[sflag:s18] =	ssyncadd.s32 $0xFFFFF000  }
0x78: {  	_ =	swait.ge [sflag:s18], $0x1000  }
0x79: {  	[sflag:s18] =	ssyncset.done $0x0  }
0x7a: {  	[sflag:s18] =	ssyncadd.s32 $0xFFFFF000  }
0x7b: {  	_ =	swait.ge [sflag:s18], $0x1000  }
0x7c: {  	[sflag:s18] =	ssyncset.done $0x0  }
0x7d: {  	[sflag:s18] =	ssyncadd.s32 $0xFFFFF000  }
0x7e: {  	_ =	swait.ge [sflag:s18], $0x1000  }
.Ltmp3:
0x7f: {  	[sflag:s18] =	ssyncset.done $0x0;
	(pc) =	sbr.rel .LBB2_3-.Ltmp3, $4  }
0x80: {  	[sflag:s18] =	ssyncadd.s32 $0xFFFFF000  }
0x81: {  	_ =	swait.ge [sflag:s18], $0x1000  }
0x82: {  	[sflag:s18] =	ssyncset.done $0x0  }
0x83: {  	[sflag:s18] =	ssyncadd.s32 $0xFFFFF000  }
.LBB2_4:
0x84: {  	_ =	sfence.sel $0x180000  }
0x85: {  	[bflag:$0x0] =	sbarrier.arrive $0xFFFF  }
0x86: {  	_ =	strace $0x9000004A  }
0x87: {  	s0 =	stileid.u32;
	[bflag:$0x2] =	sbarrier.arrive $0xFFFF  }
0x88: {  	p0 =	sne.s32 s0, $0x0;
	s0 =	rddreg [dreg:$0x1]  }
0x89: {  	s0 =	sadd.s32 @!p0 $0x100000, s0  }
0x8a: {  	[sflag:s0] =	ssyncadd.tile.s32 @!p0 $0x1;
	_ =	shalt  }
.Lfunc_end2:
_tile_overlayer_lowered:
.L_overlay_start_2:
0x8b: {  	(tag) =	ssettag $0x2  }
0x8c: {  	s0 =	rddreg [dreg:$0x0];
	s2 =	stileid.u32  }
0x8d: {  	s1 =	rddreg [dreg:$0x1];
	p0 =	sne.s32 s2, $0x0  }
0x8e: {  	s3 =	rddreg [dreg:$0x2];
	[bflag:$0x3] =	sbarrier.arrive $0xFFFF;
	s2 =	simm.s32 @!p0 $0x1C02  }
0x8f: {  	[timem:s3], [sflag:s2] =	dma.local @!p0 [hbm:s0], s1  }
0x90: {  	s0 =	simm.s32 @!p0 $0x2  }
0x91: {  	_ =	swait.ge @!p0 [sflag:s0], s1  }
0x92: {  	s1 =	ssub.s32 @!p0 $0x0, s1;
	[sflag:s0] =	ssyncset.done @!p0 $0x0  }
0x93: {  	[sflag:s0] =	ssyncadd.s32 @!p0 s1  }
0x94: {  	[bflag:$0x3] =	sbarrier.arrive $0xFFFF  }
0x95: {  	_ =	shalt  }

// kernel: kernel.17.cloned.1.call-start
scs
__scs_entry_jumppad:
0x0: {  	(pc) =	sbr.rel $0x88, $3  }
0x1: {  	(tag) =	ssettag $0x0;
	lr =	simm.s32 $0x1  }
0x2: {  	[smem:$0x3F94] =	sst lr;
	_ =	strace $0xD0000000  }
0x3: {  	_ = 	snop  }
0x4: {  	_ = 	snop  }
0x5: {  	_ = 	snop  }
0x6: {  	_ = 	snop  }
0x7: {  	_ = 	snop  }
__scs_overlays_trampoline_lowered:
0x8: {  	[smem:$0x3FA3] =	sst s0  }
0x9: {  	[smem:$0x3FA4] =	sst s1  }
0xa: {  	[smem:$0x3FA5] =	sst s2  }
0xb: {  	[smem:$0x3FA6] =	sst s3  }
0xc: {  	[smem:$0x3FA7] =	sst s4  }
0xd: {  	[smem:$0x3FA8] =	sst s5  }
0xe: {  	[smem:$0x3FA9] =	sst s6  }
0xf: {  	[smem:$0x3FAA] =	sst s7  }
0x10: {  	[smem:$0x3FAB] =	sst s8  }
0x11: {  	[smem:$0x3FAC] =	sst s9;
	s0 =	simm.s32 @!p0 $0x0  }
0x12: {  	s1 =	sld [smem:$0x3F92];
	s0 =	simm.s32 @p0 $0x1  }
0x13: {  	[smem:$0x3FAD] =	sst s0;
	s0 =	simm.s32 @!p1 $0x0  }
0x14: {  	s2 =	sld [smem:$0x3F91];
	s0 =	simm.s32 @p1 $0x1  }
0x15: {  	[smem:$0x3FAE] =	sst s0;
	s0 =	simm.s32 @!p2 $0x0  }
0x16: {  	s3 =	sld [smem:$0x3FDB];
	s0 =	simm.s32 @p2 $0x1  }
0x17: {  	s4 =	simm.s32 $0x1BF5;
	[smem:$0x3FB0] =	sst s0  }
0x18: {  	s0 =	sld [smem:$0x3F93];
	_ =	swait.ge [sflag:s4], $0x0  }
0x19: {  	s7 =	sld [smem:$0x3F94]  }
0x1a: {  	s8 =	sadd.s32 $0xFFFFE003, lr  }
0x1b: {  	s9 =	sadd.s32 $0xFFFFFEF7, lr;
	s5 =	simm.s32 $0xFFFFFFFF;
	p2 =	slt.u32 s8, $0xFFFFF086  }
0x1c: {  	p1 =	slt.u32 s9, $0xF7A;
	s5 =	simm.s32 @!p2 $0x0  }
0x1d: {  	s5 =	simm.s32 @p1 $0x1;
	p0 =	seq.s32 s7, s2  }
0x1e: {  	s7 =	smul.u32 @!p0 $0xF7A, s2;
	p2 =	seq.s32 @!p0 s5, $0x0  }
0x1f: {  	s9 =	smul.u32 $0xF7A, s1;
	s8 =	simm.s32 @!p0 $0x1BF5;
	p2 =	por !p2, p0  }
0x20: {  	[sflag:s8] =	ssyncset.s32 @!p0 $0xFFFFF086;
	s6 =	sadd.s32 @!p0 s3, s7;
	s7 =	simm.s32 @!p0 $0x108  }
0x21: {  	s3 =	sadd.s32 s3, s9;
	s6 =	sadd.s32 @!p0 $0x88, s6;
	s7 =	simm.s32 @p2 $0x1082  }
0x22: {  	[simem:s7], [sflag:s8] =	dma.local @!p0 [hbm:s6], $0xF7A  }
0x23: {  	s9 =	sor.u32 $0xD0000000, s2;
	s6 =	simm.s32 $0x108;
	_ =	swait.ge @!p0 [sflag:s8], $0x0  }
0x24: {  	s3 =	sadd.s32 $0x88, s3;
	s6 =	simm.s32 @!p1 $0x1082;
	[sflag:s4] =	ssyncset.s32 $0xFFFFF086  }
0x25: {  	[simem:s6], [sflag:s4] =	dma.local [hbm:s3], $0xF7A  }
0x26: {  	[smem:$0x3F94] =	sst s1;
	(tag) =	ssettag s2;
	_ =	strace s9  }
0x27: {  	s1 =	sld [smem:$0x3FA4]  }
0x28: {  	s2 =	sld [smem:$0x3FA5]  }
0x29: {  	s4 =	sld [smem:$0x3FA7]  }
0x2a: {  	p0 =	seq.s32 s5, $0x0;
	s5 =	sld [smem:$0x3FA8]  }
0x2b: {  	s6 =	sld [smem:$0x3FA9]  }
0x2c: {  	s7 =	sld [smem:$0x3FAA]  }
0x2d: {  	s3 =	simm.s32 $0x108;
	s8 =	sld [smem:$0x3FAB]  }
0x2e: {  	s3 =	simm.s32 @!p0 $0x1082;
	s9 =	sld [smem:$0x3FAC]  }
0x2f: {  	lr =	sadd.s32 s0, s3;
	s0 =	sld [smem:$0x3FA3]  }
0x30: {  	s3 =	sld [smem:$0x3FA6]  }
0x31: {  	[smem:$0x3FAF] =	sst s10  }
0x32: {  	s10 =	sld [smem:$0x3FAD];
	_ =	sdelay $0x3  }
0x33: {  	p0 =	seq.s32 s10, $0x1;
	s10 =	sld [smem:$0x3FAF];
	_ =	sdelay $0x3  }
0x34: {  	[smem:$0x3FAF] =	sst s10  }
0x35: {  	s10 =	sld [smem:$0x3FAE];
	_ =	sdelay $0x3  }
0x36: {  	p1 =	seq.s32 s10, $0x1;
	s10 =	sld [smem:$0x3FAF];
	_ =	sdelay $0x3  }
0x37: {  	[smem:$0x3FAF] =	sst s10  }
0x38: {  	s10 =	sld [smem:$0x3FB0]  }
0x39: {  	_ = 	snop;
	(pc) =	sbr.ind lr, $3  }
0x3a: {  	_ = 	snop  }
0x3b: {  	_ = 	snop  }
0x3c: {  	p2 =	seq.s32 s10, $0x1;
	s10 =	sld [smem:$0x3FAF]  }
0x3d: {  	_ =	shalt  }
0x3e: {  	_ =	shalt  }
0x3f: {  	_ =	shalt  }
0x40: {  	_ =	shalt  }
0x41: {  	_ =	shalt  }
0x42: {  	_ =	shalt  }
0x43: {  	_ =	shalt  }
0x44: {  	_ =	shalt  }
0x45: {  	_ =	shalt  }
0x46: {  	_ =	shalt  }
0x47: {  	_ =	shalt  }
0x48: {  	_ =	shalt  }
0x49: {  	_ =	shalt  }
0x4a: {  	_ =	shalt  }
0x4b: {  	_ =	shalt  }
0x4c: {  	_ =	shalt  }
0x4d: {  	_ =	shalt  }
0x4e: {  	_ =	shalt  }
0x4f: {  	_ =	shalt  }
0x50: {  	_ =	shalt  }
0x51: {  	_ =	shalt  }
0x52: {  	_ =	shalt  }
0x53: {  	_ =	shalt  }
0x54: {  	_ =	shalt  }
0x55: {  	_ =	shalt  }
0x56: {  	_ =	shalt  }
0x57: {  	_ =	shalt  }
0x58: {  	_ =	shalt  }
0x59: {  	_ =	shalt  }
0x5a: {  	_ =	shalt  }
0x5b: {  	_ =	shalt  }
0x5c: {  	_ =	shalt  }
0x5d: {  	_ =	shalt  }
0x5e: {  	_ =	shalt  }
0x5f: {  	_ =	shalt  }
0x60: {  	_ =	shalt  }
0x61: {  	_ =	shalt  }
0x62: {  	_ =	shalt  }
0x63: {  	_ =	shalt  }
0x64: {  	_ =	shalt  }
0x65: {  	_ =	shalt  }
0x66: {  	_ =	shalt  }
0x67: {  	_ =	shalt  }
0x68: {  	_ =	shalt  }
0x69: {  	_ =	shalt  }
0x6a: {  	_ =	shalt  }
0x6b: {  	_ =	shalt  }
0x6c: {  	_ =	shalt  }
0x6d: {  	_ =	shalt  }
0x6e: {  	_ =	shalt  }
0x6f: {  	_ =	shalt  }
0x70: {  	_ =	shalt  }
0x71: {  	_ =	shalt  }
0x72: {  	_ =	shalt  }
0x73: {  	_ =	shalt  }
0x74: {  	_ =	shalt  }
0x75: {  	_ =	shalt  }
0x76: {  	_ =	shalt  }
0x77: {  	_ =	shalt  }
0x78: {  	_ =	shalt  }
0x79: {  	_ =	shalt  }
0x7a: {  	_ =	shalt  }
0x7b: {  	_ =	shalt  }
0x7c: {  	_ =	shalt  }
0x7d: {  	_ =	shalt  }
0x7e: {  	_ =	shalt  }
0x7f: {  	_ =	shalt  }
0x80: {  	_ =	shalt  }
0x81: {  	_ =	shalt  }
0x82: {  	_ =	shalt  }
0x83: {  	_ =	shalt  }
0x84: {  	_ =	shalt  }
0x85: {  	_ =	shalt  }
0x86: {  	_ =	shalt  }
0x87: {  	_ =	shalt  }
.Lfunc_end0:
.L_simem_size_0:
called_computation.2_lowered:
.L_overlay_start_0:
0x88: {  	s2 =	sld [smem:$0x3FD9]  }
0x89: {  	s3 =	sld [smem:$0x3FFE];
	_ =	sdelay $0x1  }
0x8a: {  	s1 =	srdreg.scid  }
0x8b: {  	s0 =	sand.u32 $0x1, s1  }
0x8c: {  	s16 =	sshll.u32 s0, $0xA;
	s2 =	sadd.s32 s3, s2  }
0x8d: {  	s2 =	sadd.s32 s2, s16  }
0x8e: {  	[smem:$0x3FBB] =	sst s2  }
0x8f: {  	_ = 	snop  }
0x90: {  	(tm) =	ssettm $0x1  }
0x91: {  	s17 =	sld [smem:$0x3FFB];
	_ =	sdelay $0x3  }
0x92: {  	_ =	strace s17  }
0x93: {  	s2 =	sld [smem:$0x3FFC];
	_ =	sdelay $0x3  }
0x94: {  	_ =	strace s2  }
0x95: {  	s2 =	sld [smem:$0x3FFD];
	_ =	sdelay $0x3  }
0x96: {  	_ =	strace s2  }
0x97: {  	_ =	strace $0x8FFFFFFF  }
0x98: {  	s18 =	sld [smem:$0x3FDB];
	_ =	sdelay $0x1  }
0x99: {  	s19 =	simm.s32 $_scs_section_size  }
0x9a: {  	s4 =	simm.s32 $_size__tile_overlayer_lowered;
	s5 =	simm.s32 $_tile_overlayer_lowered  }
0x9b: {  	s22 =	simm.s32 $0x1BFF;
	s21 =	sshll.u32 s5, $0x1;
	s2 =	sadd.s32 s19, s18  }
0x9c: {  	s6 =	simm.s32 $0x0;
	s20 =	sshll.u32 s4, $0x1;
	s4 =	sadd.s32 s21, s2  }
0x9d: {  	[timem:s6], [sflag:s22] =	dma.local [hbm:s4], s20  }
0x9e: {  	_ =	swait.ge [sflag:s22], s20  }
0x9f: {  	s3 =	ssub.s32 $0x0, s20;
	[sflag:s22] =	ssyncset.done $0x0  }
0xa0: {  	[sflag:s22] =	ssyncadd.s32 s3;
	_ =	sdelay $0x1  }
0xa1: {  	s23 =	simm.s32 $0x1B8B  }
0xa2: {  	_ =	swait.ge [sflag:s23], $0x1  }
0xa3: {  	[sflag:s23] =	ssyncset.done $0x0  }
0xa4: {  	s25 =	simm.s32 $0x1B8E;
	s24 =	sld [smem:$0x3FFE];
	[sflag:s23] =	ssyncadd.s32 $0xFFFFFFFF  }
0xa5: {  	s26 =	simm.s32 $execute0_lowered;
	[smem:$0x3FD2] =	sst s25  }
0xa6: {  	s4 =	sshll.u32 s26, $0x1;
	_ =	strace $0x8000004C;
	[dreg:$0x1] =	wrdreg $0xFFFFFFFF  }
0xa7: {  	s28 =	simm.s32 $_size_execute0_lowered;
	s2 =	sadd.s32 s2, s4;
	[dreg:$0x0] =	wrdreg $0x0  }
0xa8: {  	s4 =	sshll.u32 s28, $0x1;
	[dreg:$0x2] =	wrdreg s2  }
0xa9: {  	[dreg:$0x3] =	wrdreg s4  }
0xaa: {  	[dreg:$0x4] =	wrdreg $0xC0  }
0xab: {  	_ =	task [dreg:s6], $0x5FFFF  }
0xac: {  	[dreg:$0x1] =	wrdreg $0xFFFFFFFF  }
0xad: {  	[dreg:$0x0] =	wrdreg $0x60  }
0xae: {  	[dreg:$0x2] =	wrdreg s24  }
0xaf: {  	[dreg:$0x3] =	wrdreg $0x19A000  }
0xb0: {  	[dreg:$0x4] =	wrdreg $0x9  }
0xb1: {  	_ =	task.clear_ibuf [dreg:s6], $0x5FFFF;
	_ =	strace $0x9000004C  }
0xb2: {  	s29 =	simm.s32 $0x9;
	_ =	strace $0x8000004E  }
0xb3: {  	_ =	swait.ge [sflag:s29], $0x1  }
0xb4: {  	[sflag:s29] =	ssyncadd.s32 $0xFFFFFFFF  }
0xb5: {  	_ =	strace $0x9000004E  }
0xb6: {  	_ =	sfence  }
0xb7: {  	s30 =	sld [smem:$0x0];
	_ =	sdelay $0x2  }
0xb8: {  	s31 =	sshll.u32 s1, $0xD;
	s1 =	sshrl.u32 s1, $0x2  }
0xb9: {  	s3 =	sand.u32 $0x4000, s31;
	s1 =	sadd.s32 s1, s30  }
0xba: {  	s0 =	sor.u32 s3, s0;
	s1 =	sshll.u32 s1, $0x11  }
0xbb: {  	s0 =	sor.u32 s1, s0  }
0xbc: {  	s0 =	sadd.s32 $0x8F2B, s0  }
0xbd: {  	[sflag:s0] =	ssyncadd.remote.s32 $0x1  }
0xbe: {  	_ =	sfence.sel $0xFFFF  }
0xbf: {  	[dreg:$0x0] =	wrdreg $0xFFFFFFFF;
	(pc) =	sbr.abs _section_cstart, $3  }
0xc0: {  	[dreg:$0x1] =	wrdreg $0xFFFFFFFF  }
0xc1: {  	_ =	task.clear_ibuf [dreg:s6], $0x2FFFF;
	_ =	strace $0x9FFFFFFF  }
0xc2: {  	(tm) =	ssettm $0x7FFFFFFF  }
0xc3: {  	_ =	shalt  }
tec
execute0_lowered:
.L_overlay_start_1:
0x0: {  	(tag) =	ssettag $0x1  }
0x1: {  	s0 =	srdreg.scid;
	s4 =	rddreg [dreg:$0x0]  }
0x2: {  	s6 =	stileid.u32;
	s2 =	rddreg [dreg:$0x1];
	s3 =	simm.s32 $0x0  }
0x3: {  	s12 =	simm.s32 $0x2;
	s13 =	simm.s32 $0xA00;
	s14 =	simm.s32 $0x80  }
0x4: {  	s15 =	simm.s32 $0x1A00;
	s16 =	simm.s32 $0x100;
	s17 =	simm.s32 $0x2A00  }
0x5: {  	s18 =	simm.s32 $0x180;
	s19 =	simm.s32 $0x3A00;
	s20 =	simm.s32 $0x200  }
0x6: {  	s21 =	simm.s32 $0x4A00;
	s22 =	simm.s32 $0x1;
	s23 =	simm.s32 $0x5A00  }
0x7: {  	s29 =	simm.s32 $0x10A00;
	s30 =	simm.s32 $0x880;
	s31 =	simm.s32 $0x11A00  }
0x8: {  	s0 =	sand.u32 $0x1, s0;
	s1 =	sshll.u32 s6, $0x1;
	s6 =	smul.u32 $0x5000, s6  }
0x9: {  	s24 =	simm.s32 $0x980;
	s1 =	sor.u32 s0, s1;
	s7 =	smul.u32 $0x50000, s0  }
0xa: {  	[smem:$0x7FF] =	sst s3;
	s8 =	sadd.s32 $0x5DC00, s4;
	s5 =	smul.u32 $0x140, s1  }
0xb: {  	_ =	strace $0x8000004D;
	s0 =	ssub.s32 $0x2, s0;
	s10 =	smul.u32 $0x14000, s1  }
0xc: {  	s25 =	sshrl.u32 s6, $0x3;
	s26 =	sshrl.u32 s0, $0x1;
	s28 =	smul.u32 $0x2800, s1  }
0xd: {  	p0 =	seq.s32 s1, $0x1F;
	s1 =	simm.s32 $0x900;
	s7 =	sadd.s32 s6, s7  }
0xe: {  	s0 =	ssub.s32 s0, s26;
	s9 =	sadd.s32 s5, s4;
	s7 =	sshrl.u32 s7, $0x3  }
.Ltmp0:
0xf: {  	s5 =	sadd.s32 s25, s4;
	s10 =	sshrl.u32 s10, $0x3;
	(pc) =	sbr.rel .LBB2_1-.Ltmp0, $4  }
0x10: {  	s25 =	simm.s32 $0x13A00;
	s11 =	sadd.s32 s7, s4;
	s4 =	sadd.s32 $0xAE600, s5  }
0x11: {  	s5 =	sadd.s32 s6, s2;
	s10 =	sadd.s32 s8, s10;
	s6 =	sadd.s32 $0xABE00, s9  }
0x12: {  	s7 =	sadd.s32 s8, s28;
	s8 =	sadd.s32 $0xA00, s10;
	s9 =	sadd.s32 $0xB8600, s11  }
0x13: {  	s10 =	smax.u32 s0, $0x1;
	s11 =	simm.s32 $0x14A00;
	s0 =	simm.s32 $0x12A00  }
.LBB2_3:
0x14: {  	[bflag:$0x0] =	sbarrier.arrive $0xFFFF  }
0x15: {  	[spmem:s2] =	stream.indirect.scatter.add.f32 [tilespmem:s13], [sflag:$0x1], $0x20, s3, s14, $0xb8;
	[tilespmem:$0x1EA00] =	vst v63  }
0x16: {  	_ = 	snop  }
0x17: {  	[spmem:s2] =	stream.indirect.scatter.add.f32 [tilespmem:s15], [sflag:$0x1], $0x20, s14, s14, $0xb8;
	[tilespmem:$0x1EA00] =	vst v63  }
0x18: {  	_ = 	snop  }
0x19: {  	[spmem:s2] =	stream.indirect.scatter.add.f32 [tilespmem:s17], [sflag:$0x1], $0x20, s16, s14, $0xb8;
	[tilespmem:$0x1EA00] =	vst v63  }
0x1a: {  	_ = 	snop  }
0x1b: {  	[spmem:s2] =	stream.indirect.scatter.add.f32 [tilespmem:s19], [sflag:$0x1], $0x20, s18, s14, $0xb8;
	[tilespmem:$0x1EA00] =	vst v63  }
0x1c: {  	_ = 	snop  }
0x1d: {  	[spmem:s2] =	stream.indirect.scatter.add.f32 [tilespmem:s21], [sflag:$0x1], $0x20, s20, s14, $0xb8;
	[tilespmem:$0x1EA00] =	vst v63  }
.LBB2_4:
0x1e: {  	_ =	swait.ge [sflag:s22], $0x1000  }
0x1f: {  	[sflag:s22] =	ssyncset.done $0x0  }
0x20: {  	[sflag:s22] =	ssyncadd.s32 $0xFFFFF000  }
0x21: {  	_ =	swait.ge [sflag:s22], $0x1000  }
0x22: {  	[sflag:s22] =	ssyncset.done $0x0  }
0x23: {  	[sflag:s22] =	ssyncadd.s32 $0xFFFFF000  }
0x24: {  	_ =	swait.ge [sflag:s22], $0x1000  }
0x25: {  	[sflag:s22] =	ssyncset.done $0x0  }
0x26: {  	[sflag:s22] =	ssyncadd.s32 $0xFFFFF000  }
0x27: {  	_ =	swait.ge [sflag:s22], $0x1000  }
0x28: {  	[sflag:s22] =	ssyncset.done $0x0  }
0x29: {  	[sflag:s22] =	ssyncadd.s32 $0xFFFFF000  }
0x2a: {  	_ =	swait.ge [sflag:s22], $0x1000  }
0x2b: {  	[sflag:s22] =	ssyncset.done $0x0  }
0x2c: {  	[sflag:s22] =	ssyncadd.s32 $0xFFFFF000  }
0x2d: {  	[bflag:$0x0] =	sbarrier.arrive $0xFFFF  }
0x2e: {  	[tilespmem:s11], [sflag:$0x2] =	stream.linear.gather [spmem:s5], $0x5000, $0x38;
	[tilespmem:$0x1EA00] =	vst v63  }
0x2f: {  	s10 =	sadd.s32 $0xFFFFFFFF, s10;
	_ =	swait.ge [sflag:s12], $0x5000  }
0x30: {  	p1 =	sne.s32 s10, $0x0;
	[sflag:s12] =	ssyncset.done $0x0  }
.Ltmp1:
0x31: {  	[sflag:s12] =	ssyncadd.s32 $0xFFFFB000;
	(pc) =	sbr.rel @!p1 .LBB2_5-.Ltmp1, $4  }
0x32: {  	[hbm4b:s9+s3] =	stream.linear.scatter [tilespmem:s11], [sflag:$0x2], $0x5000, $0x38;
	[tilespmem:$0x1EA00] =	vst v63  }
0x33: {  	_ =	swait.ge [sflag:s12], $0x5000  }
0x34: {  	[sflag:s12] =	ssyncset.done $0x0  }
0x35: {  	[sflag:s12] =	ssyncadd.s32 $0xFFFFB000  }
.LBB2_1:
0x36: {  	[tilespmem:s11], [sflag:$0x2] =	stream.linear.gather [hbm4b:s4+s3], $0x5000, $0x38;
	[tilespmem:$0x1EA00] =	vst v63  }
0x37: {  	_ =	swait.ge [sflag:s12], $0x5000  }
0x38: {  	[sflag:s12] =	ssyncset.done $0x0  }
0x39: {  	[sflag:s12] =	ssyncadd.s32 $0xFFFFB000  }
0x3a: {  	[spmem:s5] =	stream.linear.scatter [tilespmem:s11], [sflag:$0x2], $0x5000, $0x38;
	[tilespmem:$0x1EA00] =	vst v63  }
0x3b: {  	_ =	swait.ge [sflag:s12], $0x5000  }
0x3c: {  	[sflag:s12] =	ssyncset.done $0x0  }
0x3d: {  	[sflag:s12] =	ssyncadd.s32 $0xFFFFB000  }
0x3e: {  	[tilespmem:s3], [sflag:$0x2] =	stream.linear.gather [hbm4b:s6+s3], $0xA00, $0x38;
	[tilespmem:$0x1EA00] =	vst v63  }
0x3f: {  	_ =	swait.ge [sflag:s12], $0xA00  }
0x40: {  	[sflag:s12] =	ssyncset.done $0x0  }
.Ltmp2:
0x41: {  	[sflag:s12] =	ssyncadd.s32 $0xFFFFF600;
	(pc) =	sbr.rel @p0 .LBB2_3-.Ltmp2, $4  }
0x42: {  	[tilespmem:s13], [sflag:$0x2] =	stream.linear.gather [hbm4b:s7+s3], $0x5000, $0x38;
	[tilespmem:$0x1EA00] =	vst v63  }
0x43: {  	_ =	swait.ge [sflag:s12], $0x5000  }
0x44: {  	[sflag:s12] =	ssyncset.done $0x0  }
0x45: {  	[sflag:s12] =	ssyncadd.s32 $0xFFFFB000  }
0x46: {  	[tilespmem:s23], [sflag:$0x2] =	stream.linear.gather [hbm4b:s8+s3], $0xF000, $0x38;
	[tilespmem:$0x1EA00] =	vst v63  }
0x47: {  	_ =	swait.ge [sflag:s12], $0xF000  }
0x48: {  	[sflag:s12] =	ssyncset.done $0x0  }
0x49: {  	[sflag:s12] =	ssyncadd.s32 $0xFFFF1000  }
0x4a: {  	[bflag:$0x0] =	sbarrier.arrive $0xFFFF  }
0x4b: {  	[spmem:s2] =	stream.indirect.scatter.add.f32 [tilespmem:s13], [sflag:$0x1], $0x20, s3, s14, $0xb8;
	[tilespmem:$0x1EA00] =	vst v63  }
0x4c: {  	_ = 	snop  }
0x4d: {  	[spmem:s2] =	stream.indirect.scatter.add.f32 [tilespmem:s15], [sflag:$0x1], $0x20, s14, s14, $0xb8;
	[tilespmem:$0x1EA00] =	vst v63  }
0x4e: {  	_ = 	snop  }
0x4f: {  	[spmem:s2] =	stream.indirect.scatter.add.f32 [tilespmem:s17], [sflag:$0x1], $0x20, s16, s14, $0xb8;
	[tilespmem:$0x1EA00] =	vst v63  }
0x50: {  	_ = 	snop  }
0x51: {  	[spmem:s2] =	stream.indirect.scatter.add.f32 [tilespmem:s19], [sflag:$0x1], $0x20, s18, s14, $0xb8;
	[tilespmem:$0x1EA00] =	vst v63  }
0x52: {  	_ = 	snop  }
0x53: {  	[spmem:s2] =	stream.indirect.scatter.add.f32 [tilespmem:s21], [sflag:$0x1], $0x20, s20, s14, $0xb8;
	[tilespmem:$0x1EA00] =	vst v63  }
0x54: {  	s26 =	simm.s32 $0x280  }
0x55: {  	[spmem:s2] =	stream.indirect.scatter.add.f32 [tilespmem:s23], [sflag:$0x1], $0x20, s26, s14, $0xb8;
	[tilespmem:$0x1EA00] =	vst v63  }
0x56: {  	s28 =	simm.s32 $0x6A00;
	s26 =	simm.s32 $0x300  }
0x57: {  	[spmem:s2] =	stream.indirect.scatter.add.f32 [tilespmem:s28], [sflag:$0x1], $0x20, s26, s14, $0xb8;
	[tilespmem:$0x1EA00] =	vst v63  }
0x58: {  	s26 =	simm.s32 $0x380;
	s28 =	simm.s32 $0x7A00  }
0x59: {  	[spmem:s2] =	stream.indirect.scatter.add.f32 [tilespmem:s28], [sflag:$0x1], $0x20, s26, s14, $0xb8;
	[tilespmem:$0x1EA00] =	vst v63  }
0x5a: {  	s26 =	simm.s32 $0x400;
	s28 =	simm.s32 $0x8A00  }
0x5b: {  	[spmem:s2] =	stream.indirect.scatter.add.f32 [tilespmem:s28], [sflag:$0x1], $0x20, s26, s14, $0xb8;
	[tilespmem:$0x1EA00] =	vst v63  }
0x5c: {  	s26 =	simm.s32 $0x480;
	s28 =	simm.s32 $0x9A00  }
0x5d: {  	[spmem:s2] =	stream.indirect.scatter.add.f32 [tilespmem:s28], [sflag:$0x1], $0x20, s26, s14, $0xb8;
	[tilespmem:$0x1EA00] =	vst v63  }
0x5e: {  	s26 =	simm.s32 $0x500;
	s28 =	simm.s32 $0xAA00  }
0x5f: {  	[spmem:s2] =	stream.indirect.scatter.add.f32 [tilespmem:s28], [sflag:$0x1], $0x20, s26, s14, $0xb8;
	[tilespmem:$0x1EA00] =	vst v63  }
0x60: {  	s26 =	simm.s32 $0x580;
	s28 =	simm.s32 $0xBA00  }
0x61: {  	[spmem:s2] =	stream.indirect.scatter.add.f32 [tilespmem:s28], [sflag:$0x1], $0x20, s26, s14, $0xb8;
	[tilespmem:$0x1EA00] =	vst v63  }
0x62: {  	s26 =	simm.s32 $0x600;
	s28 =	simm.s32 $0xCA00  }
0x63: {  	[spmem:s2] =	stream.indirect.scatter.add.f32 [tilespmem:s28], [sflag:$0x1], $0x20, s26, s14, $0xb8;
	[tilespmem:$0x1EA00] =	vst v63  }
0x64: {  	s26 =	simm.s32 $0x680;
	s28 =	simm.s32 $0xDA00  }
0x65: {  	[spmem:s2] =	stream.indirect.scatter.add.f32 [tilespmem:s28], [sflag:$0x1], $0x20, s26, s14, $0xb8;
	[tilespmem:$0x1EA00] =	vst v63  }
0x66: {  	s26 =	simm.s32 $0x700;
	s28 =	simm.s32 $0xEA00  }
0x67: {  	[spmem:s2] =	stream.indirect.scatter.add.f32 [tilespmem:s28], [sflag:$0x1], $0x20, s26, s14, $0xb8;
	[tilespmem:$0x1EA00] =	vst v63  }
0x68: {  	s26 =	simm.s32 $0x780;
	s28 =	simm.s32 $0xFA00  }
0x69: {  	[spmem:s2] =	stream.indirect.scatter.add.f32 [tilespmem:s28], [sflag:$0x1], $0x20, s26, s14, $0xb8;
	[tilespmem:$0x1EA00] =	vst v63  }
0x6a: {  	s28 =	simm.s32 $0x800  }
0x6b: {  	[spmem:s2] =	stream.indirect.scatter.add.f32 [tilespmem:s29], [sflag:$0x1], $0x20, s28, s14, $0xb8;
	[tilespmem:$0x1EA00] =	vst v63  }
0x6c: {  	_ = 	snop  }
0x6d: {  	[spmem:s2] =	stream.indirect.scatter.add.f32 [tilespmem:s31], [sflag:$0x1], $0x20, s30, s14, $0xb8;
	[tilespmem:$0x1EA00] =	vst v63  }
0x6e: {  	_ = 	snop  }
0x6f: {  	[spmem:s2] =	stream.indirect.scatter.add.f32 [tilespmem:s0], [sflag:$0x1], $0x20, s1, s14, $0xb8;
	[tilespmem:$0x1EA00] =	vst v63  }
0x70: {  	_ = 	snop  }
0x71: {  	[spmem:s2] =	stream.indirect.scatter.add.f32 [tilespmem:s25], [sflag:$0x1], $0x20, s24, s14, $0xb8;
	[tilespmem:$0x1EA00] =	vst v63  }
0x72: {  	_ =	swait.ge [sflag:s22], $0x1000  }
0x73: {  	[sflag:s22] =	ssyncset.done $0x0  }
0x74: {  	[sflag:s22] =	ssyncadd.s32 $0xFFFFF000  }
0x75: {  	_ =	swait.ge [sflag:s22], $0x1000  }
0x76: {  	[sflag:s22] =	ssyncset.done $0x0  }
0x77: {  	[sflag:s22] =	ssyncadd.s32 $0xFFFFF000  }
0x78: {  	_ =	swait.ge [sflag:s22], $0x1000  }
0x79: {  	[sflag:s22] =	ssyncset.done $0x0  }
0x7a: {  	[sflag:s22] =	ssyncadd.s32 $0xFFFFF000  }
0x7b: {  	_ =	swait.ge [sflag:s22], $0x1000  }
0x7c: {  	[sflag:s22] =	ssyncset.done $0x0  }
0x7d: {  	[sflag:s22] =	ssyncadd.s32 $0xFFFFF000  }
0x7e: {  	_ =	swait.ge [sflag:s22], $0x1000  }
0x7f: {  	[sflag:s22] =	ssyncset.done $0x0  }
0x80: {  	[sflag:s22] =	ssyncadd.s32 $0xFFFFF000  }
0x81: {  	_ =	swait.ge [sflag:s22], $0x1000  }
0x82: {  	[sflag:s22] =	ssyncset.done $0x0  }
0x83: {  	[sflag:s22] =	ssyncadd.s32 $0xFFFFF000  }
0x84: {  	_ =	swait.ge [sflag:s22], $0x1000  }
0x85: {  	[sflag:s22] =	ssyncset.done $0x0  }
0x86: {  	[sflag:s22] =	ssyncadd.s32 $0xFFFFF000  }
0x87: {  	_ =	swait.ge [sflag:s22], $0x1000  }
0x88: {  	[sflag:s22] =	ssyncset.done $0x0  }
0x89: {  	[sflag:s22] =	ssyncadd.s32 $0xFFFFF000  }
0x8a: {  	_ =	swait.ge [sflag:s22], $0x1000  }
0x8b: {  	[sflag:s22] =	ssyncset.done $0x0  }
0x8c: {  	[sflag:s22] =	ssyncadd.s32 $0xFFFFF000  }
0x8d: {  	_ =	swait.ge [sflag:s22], $0x1000  }
0x8e: {  	[sflag:s22] =	ssyncset.done $0x0  }
0x8f: {  	[sflag:s22] =	ssyncadd.s32 $0xFFFFF000  }
0x90: {  	_ =	swait.ge [sflag:s22], $0x1000  }
0x91: {  	[sflag:s22] =	ssyncset.done $0x0  }
0x92: {  	[sflag:s22] =	ssyncadd.s32 $0xFFFFF000  }
0x93: {  	_ =	swait.ge [sflag:s22], $0x1000  }
0x94: {  	[sflag:s22] =	ssyncset.done $0x0  }
0x95: {  	[sflag:s22] =	ssyncadd.s32 $0xFFFFF000  }
0x96: {  	_ =	swait.ge [sflag:s22], $0x1000  }
0x97: {  	[sflag:s22] =	ssyncset.done $0x0  }
0x98: {  	[sflag:s22] =	ssyncadd.s32 $0xFFFFF000  }
0x99: {  	_ =	swait.ge [sflag:s22], $0x1000  }
.Ltmp3:
0x9a: {  	[sflag:s22] =	ssyncset.done $0x0;
	(pc) =	sbr.rel .LBB2_4-.Ltmp3, $4  }
0x9b: {  	[sflag:s22] =	ssyncadd.s32 $0xFFFFF000  }
0x9c: {  	_ =	swait.ge [sflag:s22], $0x1000  }
0x9d: {  	[sflag:s22] =	ssyncset.done $0x0  }
0x9e: {  	[sflag:s22] =	ssyncadd.s32 $0xFFFFF000  }
.LBB2_5:
0x9f: {  	_ =	sfence.sel $0x180000  }
0xa0: {  	[bflag:$0x0] =	sbarrier.arrive $0xFFFF  }
0xa1: {  	_ =	strace $0x9000004D  }
0xa2: {  	s0 =	stileid.u32;
	[bflag:$0x2] =	sbarrier.arrive $0xFFFF  }
0xa3: {  	p0 =	sne.s32 s0, $0x0;
	s0 =	rddreg [dreg:$0x2]  }
0xa4: {  	s0 =	sadd.s32 @!p0 $0x100000, s0  }
0xa5: {  	[sflag:s0] =	ssyncadd.tile.s32 @!p0 $0x1;
	_ =	shalt  }
.Lfunc_end2:
_tile_overlayer_lowered:
.L_overlay_start_2:
0xa6: {  	(tag) =	ssettag $0x2  }
0xa7: {  	s0 =	rddreg [dreg:$0x0];
	s2 =	stileid.u32  }
0xa8: {  	s1 =	rddreg [dreg:$0x1];
	p0 =	sne.s32 s2, $0x0  }
0xa9: {  	s3 =	rddreg [dreg:$0x2];
	[bflag:$0x3] =	sbarrier.arrive $0xFFFF;
	s2 =	simm.s32 @!p0 $0x1C02  }
0xaa: {  	[timem:s3], [sflag:s2] =	dma.local @!p0 [hbm:s0], s1  }
0xab: {  	s0 =	simm.s32 @!p0 $0x2  }
0xac: {  	_ =	swait.ge @!p0 [sflag:s0], s1  }
0xad: {  	s1 =	ssub.s32 @!p0 $0x0, s1;
	[sflag:s0] =	ssyncset.done @!p0 $0x0  }
0xae: {  	[sflag:s0] =	ssyncadd.s32 @!p0 s1  }
0xaf: {  	[bflag:$0x3] =	sbarrier.arrive $0xFFFF  }
0xb0: {  	_ =	shalt  }

// kernel: kernel.20.cloned.1.call-start
scs
__scs_entry_jumppad:
0x0: {  	(pc) =	sbr.rel $0x88, $3  }
0x1: {  	(tag) =	ssettag $0x0;
	lr =	simm.s32 $0x1  }
0x2: {  	[smem:$0x3F94] =	sst lr;
	_ =	strace $0xD0000000  }
0x3: {  	_ = 	snop  }
0x4: {  	_ = 	snop  }
0x5: {  	_ = 	snop  }
0x6: {  	_ = 	snop  }
0x7: {  	_ = 	snop  }
__scs_overlays_trampoline_lowered:
0x8: {  	[smem:$0x3FA3] =	sst s0  }
0x9: {  	[smem:$0x3FA4] =	sst s1  }
0xa: {  	[smem:$0x3FA5] =	sst s2  }
0xb: {  	[smem:$0x3FA6] =	sst s3  }
0xc: {  	[smem:$0x3FA7] =	sst s4  }
0xd: {  	[smem:$0x3FA8] =	sst s5  }
0xe: {  	[smem:$0x3FA9] =	sst s6  }
0xf: {  	[smem:$0x3FAA] =	sst s7  }
0x10: {  	[smem:$0x3FAB] =	sst s8  }
0x11: {  	[smem:$0x3FAC] =	sst s9;
	s0 =	simm.s32 @!p0 $0x0  }
0x12: {  	s1 =	sld [smem:$0x3F92];
	s0 =	simm.s32 @p0 $0x1  }
0x13: {  	[smem:$0x3FAD] =	sst s0;
	s0 =	simm.s32 @!p1 $0x0  }
0x14: {  	s2 =	sld [smem:$0x3F91];
	s0 =	simm.s32 @p1 $0x1  }
0x15: {  	[smem:$0x3FAE] =	sst s0;
	s0 =	simm.s32 @!p2 $0x0  }
0x16: {  	s3 =	sld [smem:$0x3FDB];
	s0 =	simm.s32 @p2 $0x1  }
0x17: {  	s4 =	simm.s32 $0x1BF5;
	[smem:$0x3FB0] =	sst s0  }
0x18: {  	s0 =	sld [smem:$0x3F93];
	_ =	swait.ge [sflag:s4], $0x0  }
0x19: {  	s7 =	sld [smem:$0x3F94]  }
0x1a: {  	s8 =	sadd.s32 $0xFFFFE003, lr  }
0x1b: {  	s9 =	sadd.s32 $0xFFFFFEF7, lr;
	s5 =	simm.s32 $0xFFFFFFFF;
	p2 =	slt.u32 s8, $0xFFFFF086  }
0x1c: {  	p1 =	slt.u32 s9, $0xF7A;
	s5 =	simm.s32 @!p2 $0x0  }
0x1d: {  	s5 =	simm.s32 @p1 $0x1;
	p0 =	seq.s32 s7, s2  }
0x1e: {  	s7 =	smul.u32 @!p0 $0xF7A, s2;
	p2 =	seq.s32 @!p0 s5, $0x0  }
0x1f: {  	s9 =	smul.u32 $0xF7A, s1;
	s8 =	simm.s32 @!p0 $0x1BF5;
	p2 =	por !p2, p0  }
0x20: {  	[sflag:s8] =	ssyncset.s32 @!p0 $0xFFFFF086;
	s6 =	sadd.s32 @!p0 s3, s7;
	s7 =	simm.s32 @!p0 $0x108  }
0x21: {  	s3 =	sadd.s32 s3, s9;
	s6 =	sadd.s32 @!p0 $0x88, s6;
	s7 =	simm.s32 @p2 $0x1082  }
0x22: {  	[simem:s7], [sflag:s8] =	dma.local @!p0 [hbm:s6], $0xF7A  }
0x23: {  	s9 =	sor.u32 $0xD0000000, s2;
	s6 =	simm.s32 $0x108;
	_ =	swait.ge @!p0 [sflag:s8], $0x0  }
0x24: {  	s3 =	sadd.s32 $0x88, s3;
	s6 =	simm.s32 @!p1 $0x1082;
	[sflag:s4] =	ssyncset.s32 $0xFFFFF086  }
0x25: {  	[simem:s6], [sflag:s4] =	dma.local [hbm:s3], $0xF7A  }
0x26: {  	[smem:$0x3F94] =	sst s1;
	(tag) =	ssettag s2;
	_ =	strace s9  }
0x27: {  	s1 =	sld [smem:$0x3FA4]  }
0x28: {  	s2 =	sld [smem:$0x3FA5]  }
0x29: {  	s4 =	sld [smem:$0x3FA7]  }
0x2a: {  	p0 =	seq.s32 s5, $0x0;
	s5 =	sld [smem:$0x3FA8]  }
0x2b: {  	s6 =	sld [smem:$0x3FA9]  }
0x2c: {  	s7 =	sld [smem:$0x3FAA]  }
0x2d: {  	s3 =	simm.s32 $0x108;
	s8 =	sld [smem:$0x3FAB]  }
0x2e: {  	s3 =	simm.s32 @!p0 $0x1082;
	s9 =	sld [smem:$0x3FAC]  }
0x2f: {  	lr =	sadd.s32 s0, s3;
	s0 =	sld [smem:$0x3FA3]  }
0x30: {  	s3 =	sld [smem:$0x3FA6]  }
0x31: {  	[smem:$0x3FAF] =	sst s10  }
0x32: {  	s10 =	sld [smem:$0x3FAD];
	_ =	sdelay $0x3  }
0x33: {  	p0 =	seq.s32 s10, $0x1;
	s10 =	sld [smem:$0x3FAF];
	_ =	sdelay $0x3  }
0x34: {  	[smem:$0x3FAF] =	sst s10  }
0x35: {  	s10 =	sld [smem:$0x3FAE];
	_ =	sdelay $0x3  }
0x36: {  	p1 =	seq.s32 s10, $0x1;
	s10 =	sld [smem:$0x3FAF];
	_ =	sdelay $0x3  }
0x37: {  	[smem:$0x3FAF] =	sst s10  }
0x38: {  	s10 =	sld [smem:$0x3FB0]  }
0x39: {  	_ = 	snop;
	(pc) =	sbr.ind lr, $3  }
0x3a: {  	_ = 	snop  }
0x3b: {  	_ = 	snop  }
0x3c: {  	p2 =	seq.s32 s10, $0x1;
	s10 =	sld [smem:$0x3FAF]  }
0x3d: {  	_ =	shalt  }
0x3e: {  	_ =	shalt  }
0x3f: {  	_ =	shalt  }
0x40: {  	_ =	shalt  }
0x41: {  	_ =	shalt  }
0x42: {  	_ =	shalt  }
0x43: {  	_ =	shalt  }
0x44: {  	_ =	shalt  }
0x45: {  	_ =	shalt  }
0x46: {  	_ =	shalt  }
0x47: {  	_ =	shalt  }
0x48: {  	_ =	shalt  }
0x49: {  	_ =	shalt  }
0x4a: {  	_ =	shalt  }
0x4b: {  	_ =	shalt  }
0x4c: {  	_ =	shalt  }
0x4d: {  	_ =	shalt  }
0x4e: {  	_ =	shalt  }
0x4f: {  	_ =	shalt  }
0x50: {  	_ =	shalt  }
0x51: {  	_ =	shalt  }
0x52: {  	_ =	shalt  }
0x53: {  	_ =	shalt  }
0x54: {  	_ =	shalt  }
0x55: {  	_ =	shalt  }
0x56: {  	_ =	shalt  }
0x57: {  	_ =	shalt  }
0x58: {  	_ =	shalt  }
0x59: {  	_ =	shalt  }
0x5a: {  	_ =	shalt  }
0x5b: {  	_ =	shalt  }
0x5c: {  	_ =	shalt  }
0x5d: {  	_ =	shalt  }
0x5e: {  	_ =	shalt  }
0x5f: {  	_ =	shalt  }
0x60: {  	_ =	shalt  }
0x61: {  	_ =	shalt  }
0x62: {  	_ =	shalt  }
0x63: {  	_ =	shalt  }
0x64: {  	_ =	shalt  }
0x65: {  	_ =	shalt  }
0x66: {  	_ =	shalt  }
0x67: {  	_ =	shalt  }
0x68: {  	_ =	shalt  }
0x69: {  	_ =	shalt  }
0x6a: {  	_ =	shalt  }
0x6b: {  	_ =	shalt  }
0x6c: {  	_ =	shalt  }
0x6d: {  	_ =	shalt  }
0x6e: {  	_ =	shalt  }
0x6f: {  	_ =	shalt  }
0x70: {  	_ =	shalt  }
0x71: {  	_ =	shalt  }
0x72: {  	_ =	shalt  }
0x73: {  	_ =	shalt  }
0x74: {  	_ =	shalt  }
0x75: {  	_ =	shalt  }
0x76: {  	_ =	shalt  }
0x77: {  	_ =	shalt  }
0x78: {  	_ =	shalt  }
0x79: {  	_ =	shalt  }
0x7a: {  	_ =	shalt  }
0x7b: {  	_ =	shalt  }
0x7c: {  	_ =	shalt  }
0x7d: {  	_ =	shalt  }
0x7e: {  	_ =	shalt  }
0x7f: {  	_ =	shalt  }
0x80: {  	_ =	shalt  }
0x81: {  	_ =	shalt  }
0x82: {  	_ =	shalt  }
0x83: {  	_ =	shalt  }
0x84: {  	_ =	shalt  }
0x85: {  	_ =	shalt  }
0x86: {  	_ =	shalt  }
0x87: {  	_ =	shalt  }
.Lfunc_end0:
.L_simem_size_0:
called_computation.3_lowered:
.L_overlay_start_0:
0x88: {  	s2 =	sld [smem:$0x3FD9]  }
0x89: {  	s3 =	sld [smem:$0x3FFE];
	_ =	sdelay $0x1  }
0x8a: {  	s1 =	srdreg.scid  }
0x8b: {  	s0 =	sand.u32 $0x1, s1  }
0x8c: {  	s16 =	sshll.u32 s0, $0xA;
	s2 =	sadd.s32 s3, s2  }
0x8d: {  	s2 =	sadd.s32 s2, s16  }
0x8e: {  	[smem:$0x3FBB] =	sst s2  }
0x8f: {  	_ = 	snop  }
0x90: {  	(tm) =	ssettm $0x1  }
0x91: {  	s17 =	sld [smem:$0x3FFB];
	_ =	sdelay $0x3  }
0x92: {  	_ =	strace s17  }
0x93: {  	s2 =	sld [smem:$0x3FFC];
	_ =	sdelay $0x3  }
0x94: {  	_ =	strace s2  }
0x95: {  	s2 =	sld [smem:$0x3FFD];
	_ =	sdelay $0x3  }
0x96: {  	_ =	strace s2  }
0x97: {  	_ =	strace $0x8FFFFFFF  }
0x98: {  	s18 =	sld [smem:$0x3FDB];
	_ =	sdelay $0x1  }
0x99: {  	s19 =	simm.s32 $_scs_section_size  }
0x9a: {  	s4 =	simm.s32 $_size__tile_overlayer_lowered;
	s5 =	simm.s32 $_tile_overlayer_lowered  }
0x9b: {  	s22 =	simm.s32 $0x1BFF;
	s21 =	sshll.u32 s5, $0x1;
	s2 =	sadd.s32 s19, s18  }
0x9c: {  	s6 =	simm.s32 $0x0;
	s20 =	sshll.u32 s4, $0x1;
	s4 =	sadd.s32 s21, s2  }
0x9d: {  	[timem:s6], [sflag:s22] =	dma.local [hbm:s4], s20  }
0x9e: {  	_ =	swait.ge [sflag:s22], s20  }
0x9f: {  	s3 =	ssub.s32 $0x0, s20;
	[sflag:s22] =	ssyncset.done $0x0  }
0xa0: {  	[sflag:s22] =	ssyncadd.s32 s3;
	_ =	sdelay $0x1  }
0xa1: {  	s23 =	simm.s32 $0x1B8B  }
0xa2: {  	_ =	swait.ge [sflag:s23], $0x1  }
0xa3: {  	[sflag:s23] =	ssyncset.done $0x0  }
0xa4: {  	s25 =	simm.s32 $0x1B8E;
	s24 =	sld [smem:$0x3FFE];
	[sflag:s23] =	ssyncadd.s32 $0xFFFFFFFF  }
0xa5: {  	s26 =	simm.s32 $execute0_lowered;
	[smem:$0x3FD2] =	sst s25  }
0xa6: {  	s4 =	sshll.u32 s26, $0x1;
	_ =	strace $0x8000004F;
	[dreg:$0x1] =	wrdreg $0xFFFFFFFF  }
0xa7: {  	s28 =	simm.s32 $_size_execute0_lowered;
	s2 =	sadd.s32 s2, s4;
	[dreg:$0x0] =	wrdreg $0x0  }
0xa8: {  	s4 =	sshll.u32 s28, $0x1;
	[dreg:$0x2] =	wrdreg s2  }
0xa9: {  	[dreg:$0x3] =	wrdreg s4  }
0xaa: {  	[dreg:$0x4] =	wrdreg $0xC0  }
0xab: {  	_ =	task [dreg:s6], $0x5FFFF  }
0xac: {  	[dreg:$0x1] =	wrdreg $0xFFFFFFFF  }
0xad: {  	[dreg:$0x0] =	wrdreg $0x60  }
0xae: {  	[dreg:$0x2] =	wrdreg s24  }
0xaf: {  	[dreg:$0x3] =	wrdreg $0x9  }
0xb0: {  	_ =	task.clear_ibuf [dreg:s6], $0x4FFFF;
	_ =	strace $0x9000004F  }
0xb1: {  	s29 =	simm.s32 $0x9;
	_ =	strace $0x80000051  }
0xb2: {  	_ =	swait.ge [sflag:s29], $0x1  }
0xb3: {  	[sflag:s29] =	ssyncadd.s32 $0xFFFFFFFF  }
0xb4: {  	_ =	strace $0x90000051  }
0xb5: {  	_ =	sfence  }
0xb6: {  	s30 =	sld [smem:$0x0];
	_ =	sdelay $0x2  }
0xb7: {  	s31 =	sshll.u32 s1, $0xD;
	s1 =	sshrl.u32 s1, $0x2  }
0xb8: {  	s3 =	sand.u32 $0x4000, s31;
	s1 =	sadd.s32 s1, s30  }
0xb9: {  	s0 =	sor.u32 s3, s0;
	s1 =	sshll.u32 s1, $0x11  }
0xba: {  	s0 =	sor.u32 s1, s0  }
0xbb: {  	s0 =	sadd.s32 $0x8F2B, s0  }
0xbc: {  	[sflag:s0] =	ssyncadd.remote.s32 $0x1  }
0xbd: {  	_ =	sfence.sel $0xFFFF  }
0xbe: {  	[dreg:$0x0] =	wrdreg $0xFFFFFFFF;
	(pc) =	sbr.abs _section_cstart, $3  }
0xbf: {  	[dreg:$0x1] =	wrdreg $0xFFFFFFFF  }
0xc0: {  	_ =	task.clear_ibuf [dreg:s6], $0x2FFFF;
	_ =	strace $0x9FFFFFFF  }
0xc1: {  	(tm) =	ssettm $0x7FFFFFFF  }
tec
execute0_lowered:
.L_overlay_start_1:
0x0: {  	(tag) =	ssettag $0x1  }
0x1: {  	s0 =	srdreg.scid  }
0x2: {  	s2 =	stileid.u32;
	s1 =	rddreg [dreg:$0x0];
	s9 =	simm.s32 $0x80  }
0x3: {  	s10 =	simm.s32 $0xA00;
	s11 =	simm.s32 $0x1A00;
	s12 =	simm.s32 $0x100  }
0x4: {  	s13 =	simm.s32 $0x2A00;
	s14 =	simm.s32 $0x180;
	s15 =	simm.s32 $0x3A00  }
0x5: {  	s16 =	simm.s32 $0x200;
	s17 =	simm.s32 $0x4A00;
	s18 =	simm.s32 $0x1  }
0x6: {  	s23 =	simm.s32 $0x700;
	s24 =	simm.s32 $0xEA00;
	s25 =	simm.s32 $0x780  }
0x7: {  	s28 =	simm.s32 $0x800;
	s29 =	simm.s32 $0x10A00;
	s30 =	simm.s32 $0x880  }
0x8: {  	s31 =	simm.s32 $0x11A00;
	s0 =	sand.u32 $0x1, s0;
	s3 =	sshll.u32 s2, $0x1  }
0x9: {  	s19 =	simm.s32 $0x980;
	s2 =	simm.s32 $0x0;
	s8 =	sor.u32 s0, s3  }
0xa: {  	s20 =	simm.s32 $0x13A00;
	[smem:$0x7FF] =	sst s2;
	s4 =	smul.u32 $0x140, s8  }
0xb: {  	s3 =	sadd.s32 $0x51600, s1;
	s0 =	ssub.s32 $0x2, s0;
	s5 =	smul.u32 $0x14000, s8  }
0xc: {  	_ =	strace $0x80000050;
	s6 =	sshrl.u32 s0, $0x1;
	s7 =	smul.u32 $0x2800, s8  }
.Ltmp0:
0xd: {  	p0 =	seq.s32 s8, $0x1F;
	s8 =	simm.s32 $0x2;
	(pc) =	sbr.rel .LBB2_1-.Ltmp0, $4  }
0xe: {  	s4 =	sadd.s32 s4, s1;
	s1 =	sadd.s32 $0x5DC00, s1;
	s5 =	sshrl.u32 s5, $0x3  }
0xf: {  	s0 =	ssub.s32 s0, s6;
	s4 =	sadd.s32 $0x5B400, s4;
	s26 =	sadd.s32 s1, s5  }
0x10: {  	s5 =	sadd.s32 s1, s7;
	s7 =	smax.u32 s0, $0x1;
	s1 =	simm.s32 $0x900  }
0x11: {  	s0 =	simm.s32 $0x12A00;
	s6 =	sadd.s32 $0xA00, s26;
	s26 =	simm.s32 $0xFA00  }
.LBB2_3:
0x12: {  	_ =	swait.ge [sflag:s18], $0x1000  }
0x13: {  	[sflag:s18] =	ssyncset.done $0x0  }
0x14: {  	[sflag:s18] =	ssyncadd.s32 $0xFFFFF000  }
0x15: {  	_ =	swait.ge [sflag:s18], $0x1000  }
0x16: {  	[sflag:s18] =	ssyncset.done $0x0  }
0x17: {  	[sflag:s18] =	ssyncadd.s32 $0xFFFFF000  }
0x18: {  	_ =	swait.ge [sflag:s18], $0x1000  }
0x19: {  	[sflag:s18] =	ssyncset.done $0x0  }
0x1a: {  	[sflag:s18] =	ssyncadd.s32 $0xFFFFF000  }
0x1b: {  	_ =	swait.ge [sflag:s18], $0x1000  }
0x1c: {  	[sflag:s18] =	ssyncset.done $0x0  }
0x1d: {  	[sflag:s18] =	ssyncadd.s32 $0xFFFFF000  }
0x1e: {  	_ =	swait.ge [sflag:s18], $0x1000  }
0x1f: {  	[sflag:s18] =	ssyncset.done $0x0  }
0x20: {  	[sflag:s18] =	ssyncadd.s32 $0xFFFFF000  }
0x21: {  	[hbm4b:s5+s2] =	stream.linear.scatter [tilespmem:s10], [sflag:$0x2], $0x5000, $0x38;
	[tilespmem:$0x14A00] =	vst v63  }
0x22: {  	_ =	swait.ge [sflag:s8], $0x5000  }
0x23: {  	s21 =	simm.s32 @!p0 $0x0;
	s7 =	sadd.s32 $0xFFFFFFFF, s7;
	[sflag:s8] =	ssyncset.done $0x0  }
0x24: {  	s22 =	simm.s32 @!p0 $0x5A00;
	p1 =	sne.s32 s7, $0x0;
	[sflag:s8] =	ssyncadd.s32 $0xFFFFB000  }
0x25: {  	[hbm4b:s6+s21] =	stream.linear.scatter @!p0 [tilespmem:s22], [sflag:$0x2], $0xF000, $0x38;
	[tilespmem:$0x14A00] =	vst v63  }
.Ltmp1:
0x26: {  	_ = 	snop;
	(pc) =	sbr.rel @!p1 .LBB2_4-.Ltmp1, $4  }
0x27: {  	s21 =	simm.s32 @!p0 $0x2  }
0x28: {  	_ =	swait.ge @!p0 [sflag:s21], $0xF000  }
0x29: {  	[sflag:s21] =	ssyncset.done @!p0 $0x0  }
0x2a: {  	[sflag:s21] =	ssyncadd.s32 @!p0 $0xFFFF1000  }
.LBB2_1:
0x2b: {  	[tilespmem:s2], [sflag:$0x2] =	stream.linear.gather [hbm4b:s4+s2], $0xA00, $0x38;
	[tilespmem:$0x14A00] =	vst v63  }
0x2c: {  	_ =	swait.ge [sflag:s8], $0xA00  }
0x2d: {  	[sflag:s8] =	ssyncset.done $0x0  }
0x2e: {  	[sflag:s8] =	ssyncadd.s32 $0xFFFFF600  }
0x2f: {  	[tilespmem:s10], [sflag:$0x1] =	stream.indirect.gather [hbm4b:s3+s9], $0x20, s2, s9, $0xb8;
	[tilespmem:$0x14A00] =	vst v63  }
0x30: {  	_ = 	snop  }
0x31: {  	[tilespmem:s11], [sflag:$0x1] =	stream.indirect.gather [hbm4b:s3+s9], $0x20, s9, s9, $0xb8;
	[tilespmem:$0x14A00] =	vst v63  }
0x32: {  	_ = 	snop  }
0x33: {  	[tilespmem:s13], [sflag:$0x1] =	stream.indirect.gather [hbm4b:s3+s9], $0x20, s12, s9, $0xb8;
	[tilespmem:$0x14A00] =	vst v63  }
.Ltmp2:
0x34: {  	_ = 	snop;
	(pc) =	sbr.rel @p0 .LBB2_3-.Ltmp2, $4  }
0x35: {  	_ = 	snop  }
0x36: {  	[tilespmem:s15], [sflag:$0x1] =	stream.indirect.gather [hbm4b:s3+s9], $0x20, s14, s9, $0xb8;
	[tilespmem:$0x14A00] =	vst v63  }
0x37: {  	_ = 	snop  }
0x38: {  	[tilespmem:s17], [sflag:$0x1] =	stream.indirect.gather [hbm4b:s3+s9], $0x20, s16, s9, $0xb8;
	[tilespmem:$0x14A00] =	vst v63  }
0x39: {  	s21 =	simm.s32 $0x280;
	s22 =	simm.s32 $0x5A00  }
0x3a: {  	[tilespmem:s22], [sflag:$0x1] =	stream.indirect.gather [hbm4b:s3+s9], $0x20, s21, s9, $0xb8;
	[tilespmem:$0x14A00] =	vst v63  }
0x3b: {  	s21 =	simm.s32 $0x300;
	s22 =	simm.s32 $0x6A00  }
0x3c: {  	[tilespmem:s22], [sflag:$0x1] =	stream.indirect.gather [hbm4b:s3+s9], $0x20, s21, s9, $0xb8;
	[tilespmem:$0x14A00] =	vst v63  }
0x3d: {  	s21 =	simm.s32 $0x380;
	s22 =	simm.s32 $0x7A00  }
0x3e: {  	[tilespmem:s22], [sflag:$0x1] =	stream.indirect.gather [hbm4b:s3+s9], $0x20, s21, s9, $0xb8;
	[tilespmem:$0x14A00] =	vst v63  }
0x3f: {  	s21 =	simm.s32 $0x400;
	s22 =	simm.s32 $0x8A00  }
0x40: {  	[tilespmem:s22], [sflag:$0x1] =	stream.indirect.gather [hbm4b:s3+s9], $0x20, s21, s9, $0xb8;
	[tilespmem:$0x14A00] =	vst v63  }
0x41: {  	s21 =	simm.s32 $0x480;
	s22 =	simm.s32 $0x9A00  }
0x42: {  	[tilespmem:s22], [sflag:$0x1] =	stream.indirect.gather [hbm4b:s3+s9], $0x20, s21, s9, $0xb8;
	[tilespmem:$0x14A00] =	vst v63  }
0x43: {  	s21 =	simm.s32 $0x500;
	s22 =	simm.s32 $0xAA00  }
0x44: {  	[tilespmem:s22], [sflag:$0x1] =	stream.indirect.gather [hbm4b:s3+s9], $0x20, s21, s9, $0xb8;
	[tilespmem:$0x14A00] =	vst v63  }
0x45: {  	s21 =	simm.s32 $0x580;
	s22 =	simm.s32 $0xBA00  }
0x46: {  	[tilespmem:s22], [sflag:$0x1] =	stream.indirect.gather [hbm4b:s3+s9], $0x20, s21, s9, $0xb8;
	[tilespmem:$0x14A00] =	vst v63  }
0x47: {  	s21 =	simm.s32 $0x600;
	s22 =	simm.s32 $0xCA00  }
0x48: {  	[tilespmem:s22], [sflag:$0x1] =	stream.indirect.gather [hbm4b:s3+s9], $0x20, s21, s9, $0xb8;
	[tilespmem:$0x14A00] =	vst v63  }
0x49: {  	s21 =	simm.s32 $0x680;
	s22 =	simm.s32 $0xDA00  }
0x4a: {  	[tilespmem:s22], [sflag:$0x1] =	stream.indirect.gather [hbm4b:s3+s9], $0x20, s21, s9, $0xb8;
	[tilespmem:$0x14A00] =	vst v63  }
0x4b: {  	_ = 	snop  }
0x4c: {  	[tilespmem:s24], [sflag:$0x1] =	stream.indirect.gather [hbm4b:s3+s9], $0x20, s23, s9, $0xb8;
	[tilespmem:$0x14A00] =	vst v63  }
0x4d: {  	_ = 	snop  }
0x4e: {  	[tilespmem:s26], [sflag:$0x1] =	stream.indirect.gather [hbm4b:s3+s9], $0x20, s25, s9, $0xb8;
	[tilespmem:$0x14A00] =	vst v63  }
0x4f: {  	_ = 	snop  }
0x50: {  	[tilespmem:s29], [sflag:$0x1] =	stream.indirect.gather [hbm4b:s3+s9], $0x20, s28, s9, $0xb8;
	[tilespmem:$0x14A00] =	vst v63  }
0x51: {  	_ = 	snop  }
0x52: {  	[tilespmem:s31], [sflag:$0x1] =	stream.indirect.gather [hbm4b:s3+s9], $0x20, s30, s9, $0xb8;
	[tilespmem:$0x14A00] =	vst v63  }
0x53: {  	_ = 	snop  }
0x54: {  	[tilespmem:s0], [sflag:$0x1] =	stream.indirect.gather [hbm4b:s3+s9], $0x20, s1, s9, $0xb8;
	[tilespmem:$0x14A00] =	vst v63  }
0x55: {  	_ = 	snop  }
0x56: {  	[tilespmem:s20], [sflag:$0x1] =	stream.indirect.gather [hbm4b:s3+s9], $0x20, s19, s9, $0xb8;
	[tilespmem:$0x14A00] =	vst v63  }
0x57: {  	_ =	swait.ge [sflag:s18], $0x1000  }
0x58: {  	[sflag:s18] =	ssyncset.done $0x0  }
0x59: {  	[sflag:s18] =	ssyncadd.s32 $0xFFFFF000  }
0x5a: {  	_ =	swait.ge [sflag:s18], $0x1000  }
0x5b: {  	[sflag:s18] =	ssyncset.done $0x0  }
0x5c: {  	[sflag:s18] =	ssyncadd.s32 $0xFFFFF000  }
0x5d: {  	_ =	swait.ge [sflag:s18], $0x1000  }
0x5e: {  	[sflag:s18] =	ssyncset.done $0x0  }
0x5f: {  	[sflag:s18] =	ssyncadd.s32 $0xFFFFF000  }
0x60: {  	_ =	swait.ge [sflag:s18], $0x1000  }
0x61: {  	[sflag:s18] =	ssyncset.done $0x0  }
0x62: {  	[sflag:s18] =	ssyncadd.s32 $0xFFFFF000  }
0x63: {  	_ =	swait.ge [sflag:s18], $0x1000  }
0x64: {  	[sflag:s18] =	ssyncset.done $0x0  }
0x65: {  	[sflag:s18] =	ssyncadd.s32 $0xFFFFF000  }
0x66: {  	_ =	swait.ge [sflag:s18], $0x1000  }
0x67: {  	[sflag:s18] =	ssyncset.done $0x0  }
0x68: {  	[sflag:s18] =	ssyncadd.s32 $0xFFFFF000  }
0x69: {  	_ =	swait.ge [sflag:s18], $0x1000  }
0x6a: {  	[sflag:s18] =	ssyncset.done $0x0  }
0x6b: {  	[sflag:s18] =	ssyncadd.s32 $0xFFFFF000  }
0x6c: {  	_ =	swait.ge [sflag:s18], $0x1000  }
0x6d: {  	[sflag:s18] =	ssyncset.done $0x0  }
0x6e: {  	[sflag:s18] =	ssyncadd.s32 $0xFFFFF000  }
0x6f: {  	_ =	swait.ge [sflag:s18], $0x1000  }
0x70: {  	[sflag:s18] =	ssyncset.done $0x0  }
0x71: {  	[sflag:s18] =	ssyncadd.s32 $0xFFFFF000  }
0x72: {  	_ =	swait.ge [sflag:s18], $0x1000  }
0x73: {  	[sflag:s18] =	ssyncset.done $0x0  }
0x74: {  	[sflag:s18] =	ssyncadd.s32 $0xFFFFF000  }
0x75: {  	_ =	swait.ge [sflag:s18], $0x1000  }
0x76: {  	[sflag:s18] =	ssyncset.done $0x0  }
0x77: {  	[sflag:s18] =	ssyncadd.s32 $0xFFFFF000  }
0x78: {  	_ =	swait.ge [sflag:s18], $0x1000  }
0x79: {  	[sflag:s18] =	ssyncset.done $0x0  }
0x7a: {  	[sflag:s18] =	ssyncadd.s32 $0xFFFFF000  }
0x7b: {  	_ =	swait.ge [sflag:s18], $0x1000  }
0x7c: {  	[sflag:s18] =	ssyncset.done $0x0  }
0x7d: {  	[sflag:s18] =	ssyncadd.s32 $0xFFFFF000  }
0x7e: {  	_ =	swait.ge [sflag:s18], $0x1000  }
.Ltmp3:
0x7f: {  	[sflag:s18] =	ssyncset.done $0x0;
	(pc) =	sbr.rel .LBB2_3-.Ltmp3, $4  }
0x80: {  	[sflag:s18] =	ssyncadd.s32 $0xFFFFF000  }
0x81: {  	_ =	swait.ge [sflag:s18], $0x1000  }
0x82: {  	[sflag:s18] =	ssyncset.done $0x0  }
0x83: {  	[sflag:s18] =	ssyncadd.s32 $0xFFFFF000  }
.LBB2_4:
0x84: {  	_ =	sfence.sel $0x180000  }
0x85: {  	[bflag:$0x0] =	sbarrier.arrive $0xFFFF  }
0x86: {  	_ =	strace $0x90000050  }
0x87: {  	s0 =	stileid.u32;
	[bflag:$0x2] =	sbarrier.arrive $0xFFFF  }
0x88: {  	p0 =	sne.s32 s0, $0x0;
	s0 =	rddreg [dreg:$0x1]  }
0x89: {  	s0 =	sadd.s32 @!p0 $0x100000, s0  }
0x8a: {  	[sflag:s0] =	ssyncadd.tile.s32 @!p0 $0x1;
	_ =	shalt  }
.Lfunc_end2:
_tile_overlayer_lowered:
.L_overlay_start_2:
0x8b: {  	(tag) =	ssettag $0x2  }
0x8c: {  	s0 =	rddreg [dreg:$0x0];
	s2 =	stileid.u32  }
0x8d: {  	s1 =	rddreg [dreg:$0x1];
	p0 =	sne.s32 s2, $0x0  }
0x8e: {  	s3 =	rddreg [dreg:$0x2];
	[bflag:$0x3] =	sbarrier.arrive $0xFFFF;
	s2 =	simm.s32 @!p0 $0x1C02  }
0x8f: {  	[timem:s3], [sflag:s2] =	dma.local @!p0 [hbm:s0], s1  }
0x90: {  	s0 =	simm.s32 @!p0 $0x2  }
0x91: {  	_ =	swait.ge @!p0 [sflag:s0], s1  }
0x92: {  	s1 =	ssub.s32 @!p0 $0x0, s1;
	[sflag:s0] =	ssyncset.done @!p0 $0x0  }
0x93: {  	[sflag:s0] =	ssyncadd.s32 @!p0 s1  }
0x94: {  	[bflag:$0x3] =	sbarrier.arrive $0xFFFF  }
0x95: {  	_ =	shalt  }

// kernel: kernel.23.cloned.1.call-start
scs
__scs_entry_jumppad:
0x0: {  	(pc) =	sbr.rel $0x88, $3  }
0x1: {  	(tag) =	ssettag $0x0;
	lr =	simm.s32 $0x1  }
0x2: {  	[smem:$0x3F94] =	sst lr;
	_ =	strace $0xD0000000  }
0x3: {  	_ = 	snop  }
0x4: {  	_ = 	snop  }
0x5: {  	_ = 	snop  }
0x6: {  	_ = 	snop  }
0x7: {  	_ = 	snop  }
__scs_overlays_trampoline_lowered:
0x8: {  	[smem:$0x3FA3] =	sst s0  }
0x9: {  	[smem:$0x3FA4] =	sst s1  }
0xa: {  	[smem:$0x3FA5] =	sst s2  }
0xb: {  	[smem:$0x3FA6] =	sst s3  }
0xc: {  	[smem:$0x3FA7] =	sst s4  }
0xd: {  	[smem:$0x3FA8] =	sst s5  }
0xe: {  	[smem:$0x3FA9] =	sst s6  }
0xf: {  	[smem:$0x3FAA] =	sst s7  }
0x10: {  	[smem:$0x3FAB] =	sst s8  }
0x11: {  	[smem:$0x3FAC] =	sst s9;
	s0 =	simm.s32 @!p0 $0x0  }
0x12: {  	s1 =	sld [smem:$0x3F92];
	s0 =	simm.s32 @p0 $0x1  }
0x13: {  	[smem:$0x3FAD] =	sst s0;
	s0 =	simm.s32 @!p1 $0x0  }
0x14: {  	s2 =	sld [smem:$0x3F91];
	s0 =	simm.s32 @p1 $0x1  }
0x15: {  	[smem:$0x3FAE] =	sst s0;
	s0 =	simm.s32 @!p2 $0x0  }
0x16: {  	s3 =	sld [smem:$0x3FDB];
	s0 =	simm.s32 @p2 $0x1  }
0x17: {  	s4 =	simm.s32 $0x1BF5;
	[smem:$0x3FB0] =	sst s0  }
0x18: {  	s0 =	sld [smem:$0x3F93];
	_ =	swait.ge [sflag:s4], $0x0  }
0x19: {  	s7 =	sld [smem:$0x3F94]  }
0x1a: {  	s8 =	sadd.s32 $0xFFFFE003, lr  }
0x1b: {  	s9 =	sadd.s32 $0xFFFFFEF7, lr;
	s5 =	simm.s32 $0xFFFFFFFF;
	p2 =	slt.u32 s8, $0xFFFFF086  }
0x1c: {  	p1 =	slt.u32 s9, $0xF7A;
	s5 =	simm.s32 @!p2 $0x0  }
0x1d: {  	s5 =	simm.s32 @p1 $0x1;
	p0 =	seq.s32 s7, s2  }
0x1e: {  	s7 =	smul.u32 @!p0 $0xF7A, s2;
	p2 =	seq.s32 @!p0 s5, $0x0  }
0x1f: {  	s9 =	smul.u32 $0xF7A, s1;
	s8 =	simm.s32 @!p0 $0x1BF5;
	p2 =	por !p2, p0  }
0x20: {  	[sflag:s8] =	ssyncset.s32 @!p0 $0xFFFFF086;
	s6 =	sadd.s32 @!p0 s3, s7;
	s7 =	simm.s32 @!p0 $0x108  }
0x21: {  	s3 =	sadd.s32 s3, s9;
	s6 =	sadd.s32 @!p0 $0x88, s6;
	s7 =	simm.s32 @p2 $0x1082  }
0x22: {  	[simem:s7], [sflag:s8] =	dma.local @!p0 [hbm:s6], $0xF7A  }
0x23: {  	s9 =	sor.u32 $0xD0000000, s2;
	s6 =	simm.s32 $0x108;
	_ =	swait.ge @!p0 [sflag:s8], $0x0  }
0x24: {  	s3 =	sadd.s32 $0x88, s3;
	s6 =	simm.s32 @!p1 $0x1082;
	[sflag:s4] =	ssyncset.s32 $0xFFFFF086  }
0x25: {  	[simem:s6], [sflag:s4] =	dma.local [hbm:s3], $0xF7A  }
0x26: {  	[smem:$0x3F94] =	sst s1;
	(tag) =	ssettag s2;
	_ =	strace s9  }
0x27: {  	s1 =	sld [smem:$0x3FA4]  }
0x28: {  	s2 =	sld [smem:$0x3FA5]  }
0x29: {  	s4 =	sld [smem:$0x3FA7]  }
0x2a: {  	p0 =	seq.s32 s5, $0x0;
	s5 =	sld [smem:$0x3FA8]  }
0x2b: {  	s6 =	sld [smem:$0x3FA9]  }
0x2c: {  	s7 =	sld [smem:$0x3FAA]  }
0x2d: {  	s3 =	simm.s32 $0x108;
	s8 =	sld [smem:$0x3FAB]  }
0x2e: {  	s3 =	simm.s32 @!p0 $0x1082;
	s9 =	sld [smem:$0x3FAC]  }
0x2f: {  	lr =	sadd.s32 s0, s3;
	s0 =	sld [smem:$0x3FA3]  }
0x30: {  	s3 =	sld [smem:$0x3FA6]  }
0x31: {  	[smem:$0x3FAF] =	sst s10  }
0x32: {  	s10 =	sld [smem:$0x3FAD];
	_ =	sdelay $0x3  }
0x33: {  	p0 =	seq.s32 s10, $0x1;
	s10 =	sld [smem:$0x3FAF];
	_ =	sdelay $0x3  }
0x34: {  	[smem:$0x3FAF] =	sst s10  }
0x35: {  	s10 =	sld [smem:$0x3FAE];
	_ =	sdelay $0x3  }
0x36: {  	p1 =	seq.s32 s10, $0x1;
	s10 =	sld [smem:$0x3FAF];
	_ =	sdelay $0x3  }
0x37: {  	[smem:$0x3FAF] =	sst s10  }
0x38: {  	s10 =	sld [smem:$0x3FB0]  }
0x39: {  	_ = 	snop;
	(pc) =	sbr.ind lr, $3  }
0x3a: {  	_ = 	snop  }
0x3b: {  	_ = 	snop  }
0x3c: {  	p2 =	seq.s32 s10, $0x1;
	s10 =	sld [smem:$0x3FAF]  }
0x3d: {  	_ =	shalt  }
0x3e: {  	_ =	shalt  }
0x3f: {  	_ =	shalt  }
0x40: {  	_ =	shalt  }
0x41: {  	_ =	shalt  }
0x42: {  	_ =	shalt  }
0x43: {  	_ =	shalt  }
0x44: {  	_ =	shalt  }
0x45: {  	_ =	shalt  }
0x46: {  	_ =	shalt  }
0x47: {  	_ =	shalt  }
0x48: {  	_ =	shalt  }
0x49: {  	_ =	shalt  }
0x4a: {  	_ =	shalt  }
0x4b: {  	_ =	shalt  }
0x4c: {  	_ =	shalt  }
0x4d: {  	_ =	shalt  }
0x4e: {  	_ =	shalt  }
0x4f: {  	_ =	shalt  }
0x50: {  	_ =	shalt  }
0x51: {  	_ =	shalt  }
0x52: {  	_ =	shalt  }
0x53: {  	_ =	shalt  }
0x54: {  	_ =	shalt  }
0x55: {  	_ =	shalt  }
0x56: {  	_ =	shalt  }
0x57: {  	_ =	shalt  }
0x58: {  	_ =	shalt  }
0x59: {  	_ =	shalt  }
0x5a: {  	_ =	shalt  }
0x5b: {  	_ =	shalt  }
0x5c: {  	_ =	shalt  }
0x5d: {  	_ =	shalt  }
0x5e: {  	_ =	shalt  }
0x5f: {  	_ =	shalt  }
0x60: {  	_ =	shalt  }
0x61: {  	_ =	shalt  }
0x62: {  	_ =	shalt  }
0x63: {  	_ =	shalt  }
0x64: {  	_ =	shalt  }
0x65: {  	_ =	shalt  }
0x66: {  	_ =	shalt  }
0x67: {  	_ =	shalt  }
0x68: {  	_ =	shalt  }
0x69: {  	_ =	shalt  }
0x6a: {  	_ =	shalt  }
0x6b: {  	_ =	shalt  }
0x6c: {  	_ =	shalt  }
0x6d: {  	_ =	shalt  }
0x6e: {  	_ =	shalt  }
0x6f: {  	_ =	shalt  }
0x70: {  	_ =	shalt  }
0x71: {  	_ =	shalt  }
0x72: {  	_ =	shalt  }
0x73: {  	_ =	shalt  }
0x74: {  	_ =	shalt  }
0x75: {  	_ =	shalt  }
0x76: {  	_ =	shalt  }
0x77: {  	_ =	shalt  }
0x78: {  	_ =	shalt  }
0x79: {  	_ =	shalt  }
0x7a: {  	_ =	shalt  }
0x7b: {  	_ =	shalt  }
0x7c: {  	_ =	shalt  }
0x7d: {  	_ =	shalt  }
0x7e: {  	_ =	shalt  }
0x7f: {  	_ =	shalt  }
0x80: {  	_ =	shalt  }
0x81: {  	_ =	shalt  }
0x82: {  	_ =	shalt  }
0x83: {  	_ =	shalt  }
0x84: {  	_ =	shalt  }
0x85: {  	_ =	shalt  }
0x86: {  	_ =	shalt  }
0x87: {  	_ =	shalt  }
.Lfunc_end0:
.L_simem_size_0:
called_computation.4_lowered:
.L_overlay_start_0:
0x88: {  	s2 =	sld [smem:$0x3FD9]  }
0x89: {  	s3 =	sld [smem:$0x3FFE];
	_ =	sdelay $0x1  }
0x8a: {  	s1 =	srdreg.scid  }
0x8b: {  	s0 =	sand.u32 $0x1, s1  }
0x8c: {  	s16 =	sshll.u32 s0, $0xA;
	s2 =	sadd.s32 s3, s2  }
0x8d: {  	s2 =	sadd.s32 s2, s16  }
0x8e: {  	[smem:$0x3FBB] =	sst s2  }
0x8f: {  	_ = 	snop  }
0x90: {  	(tm) =	ssettm $0x1  }
0x91: {  	s17 =	sld [smem:$0x3FFB];
	_ =	sdelay $0x3  }
0x92: {  	_ =	strace s17  }
0x93: {  	s2 =	sld [smem:$0x3FFC];
	_ =	sdelay $0x3  }
0x94: {  	_ =	strace s2  }
0x95: {  	s2 =	sld [smem:$0x3FFD];
	_ =	sdelay $0x3  }
0x96: {  	_ =	strace s2  }
0x97: {  	_ =	strace $0x8FFFFFFF  }
0x98: {  	s18 =	sld [smem:$0x3FDB];
	_ =	sdelay $0x1  }
0x99: {  	s19 =	simm.s32 $_scs_section_size  }
0x9a: {  	s4 =	simm.s32 $_size__tile_overlayer_lowered;
	s5 =	simm.s32 $_tile_overlayer_lowered  }
0x9b: {  	s22 =	simm.s32 $0x1BFF;
	s21 =	sshll.u32 s5, $0x1;
	s2 =	sadd.s32 s19, s18  }
0x9c: {  	s6 =	simm.s32 $0x0;
	s20 =	sshll.u32 s4, $0x1;
	s4 =	sadd.s32 s21, s2  }
0x9d: {  	[timem:s6], [sflag:s22] =	dma.local [hbm:s4], s20  }
0x9e: {  	_ =	swait.ge [sflag:s22], s20  }
0x9f: {  	s3 =	ssub.s32 $0x0, s20;
	[sflag:s22] =	ssyncset.done $0x0  }
0xa0: {  	[sflag:s22] =	ssyncadd.s32 s3;
	_ =	sdelay $0x1  }
0xa1: {  	s23 =	simm.s32 $0x1B8B  }
0xa2: {  	_ =	swait.ge [sflag:s23], $0x1  }
0xa3: {  	[sflag:s23] =	ssyncset.done $0x0  }
0xa4: {  	s25 =	simm.s32 $0x1B8E;
	s24 =	sld [smem:$0x3FFE];
	[sflag:s23] =	ssyncadd.s32 $0xFFFFFFFF  }
0xa5: {  	s26 =	simm.s32 $execute0_lowered;
	[smem:$0x3FD2] =	sst s25  }
0xa6: {  	s4 =	sshll.u32 s26, $0x1;
	_ =	strace $0x80000052;
	[dreg:$0x1] =	wrdreg $0xFFFFFFFF  }
0xa7: {  	s28 =	simm.s32 $_size_execute0_lowered;
	s2 =	sadd.s32 s2, s4;
	[dreg:$0x0] =	wrdreg $0x0  }
0xa8: {  	s4 =	sshll.u32 s28, $0x1;
	[dreg:$0x2] =	wrdreg s2  }
0xa9: {  	[dreg:$0x3] =	wrdreg s4  }
0xaa: {  	[dreg:$0x4] =	wrdreg $0xC0  }
0xab: {  	_ =	task [dreg:s6], $0x5FFFF  }
0xac: {  	[dreg:$0x1] =	wrdreg $0xFFFFFFFF  }
0xad: {  	[dreg:$0x0] =	wrdreg $0x60  }
0xae: {  	[dreg:$0x2] =	wrdreg s24  }
0xaf: {  	[dreg:$0x3] =	wrdreg $0x19A000  }
0xb0: {  	[dreg:$0x4] =	wrdreg $0x9  }
0xb1: {  	_ =	task.clear_ibuf [dreg:s6], $0x5FFFF;
	_ =	strace $0x90000052  }
0xb2: {  	s29 =	simm.s32 $0x9;
	_ =	strace $0x80000054  }
0xb3: {  	_ =	swait.ge [sflag:s29], $0x1  }
0xb4: {  	[sflag:s29] =	ssyncadd.s32 $0xFFFFFFFF  }
0xb5: {  	_ =	strace $0x90000054  }
0xb6: {  	_ =	sfence  }
0xb7: {  	s30 =	sld [smem:$0x0];
	_ =	sdelay $0x2  }
0xb8: {  	s31 =	sshll.u32 s1, $0xD;
	s1 =	sshrl.u32 s1, $0x2  }
0xb9: {  	s3 =	sand.u32 $0x4000, s31;
	s1 =	sadd.s32 s1, s30  }
0xba: {  	s0 =	sor.u32 s3, s0;
	s1 =	sshll.u32 s1, $0x11  }
0xbb: {  	s0 =	sor.u32 s1, s0  }
0xbc: {  	s0 =	sadd.s32 $0x8F2B, s0  }
0xbd: {  	[sflag:s0] =	ssyncadd.remote.s32 $0x1  }
0xbe: {  	_ =	sfence.sel $0xFFFF  }
0xbf: {  	[dreg:$0x0] =	wrdreg $0xFFFFFFFF;
	(pc) =	sbr.abs _section_cstart, $3  }
0xc0: {  	[dreg:$0x1] =	wrdreg $0xFFFFFFFF  }
0xc1: {  	_ =	task.clear_ibuf [dreg:s6], $0x2FFFF;
	_ =	strace $0x9FFFFFFF  }
0xc2: {  	(tm) =	ssettm $0x7FFFFFFF  }
0xc3: {  	_ =	shalt  }
tec
execute0_lowered:
.L_overlay_start_1:
0x0: {  	(tag) =	ssettag $0x1  }
0x1: {  	s0 =	srdreg.scid;
	s4 =	rddreg [dreg:$0x0]  }
0x2: {  	s6 =	stileid.u32;
	s2 =	rddreg [dreg:$0x1];
	s3 =	simm.s32 $0x0  }
0x3: {  	s12 =	simm.s32 $0x2;
	s13 =	simm.s32 $0xA00;
	s14 =	simm.s32 $0x80  }
0x4: {  	s15 =	simm.s32 $0x1A00;
	s16 =	simm.s32 $0x100;
	s17 =	simm.s32 $0x2A00  }
0x5: {  	s18 =	simm.s32 $0x180;
	s19 =	simm.s32 $0x3A00;
	s20 =	simm.s32 $0x200  }
0x6: {  	s21 =	simm.s32 $0x4A00;
	s22 =	simm.s32 $0x1;
	s23 =	simm.s32 $0x5A00  }
0x7: {  	s29 =	simm.s32 $0x10A00;
	s30 =	simm.s32 $0x880;
	s31 =	simm.s32 $0x11A00  }
0x8: {  	s0 =	sand.u32 $0x1, s0;
	s1 =	sshll.u32 s6, $0x1;
	s6 =	smul.u32 $0x5000, s6  }
0x9: {  	s24 =	simm.s32 $0x980;
	s1 =	sor.u32 s0, s1;
	s7 =	smul.u32 $0x50000, s0  }
0xa: {  	[smem:$0x7FF] =	sst s3;
	s8 =	sadd.s32 $0x3400, s4;
	s5 =	smul.u32 $0x140, s1  }
0xb: {  	_ =	strace $0x80000053;
	s0 =	ssub.s32 $0x2, s0;
	s10 =	smul.u32 $0x14000, s1  }
0xc: {  	s25 =	sshrl.u32 s6, $0x3;
	s26 =	sshrl.u32 s0, $0x1;
	s28 =	smul.u32 $0x2800, s1  }
0xd: {  	p0 =	seq.s32 s1, $0x1F;
	s1 =	simm.s32 $0x900;
	s7 =	sadd.s32 s6, s7  }
0xe: {  	s0 =	ssub.s32 s0, s26;
	s9 =	sadd.s32 s5, s4;
	s7 =	sshrl.u32 s7, $0x3  }
.Ltmp0:
0xf: {  	s5 =	sadd.s32 s25, s4;
	s10 =	sshrl.u32 s10, $0x3;
	(pc) =	sbr.rel .LBB2_1-.Ltmp0, $4  }
0x10: {  	s25 =	simm.s32 $0x13A00;
	s11 =	sadd.s32 s7, s4;
	s4 =	sadd.s32 $0xAE600, s5  }
0x11: {  	s5 =	sadd.s32 s6, s2;
	s10 =	sadd.s32 s8, s10;
	s6 =	sadd.s32 $0xABE00, s9  }
0x12: {  	s7 =	sadd.s32 s8, s28;
	s8 =	sadd.s32 $0xA00, s10;
	s9 =	sadd.s32 $0x51600, s11  }
0x13: {  	s10 =	smax.u32 s0, $0x1;
	s11 =	simm.s32 $0x14A00;
	s0 =	simm.s32 $0x12A00  }
.LBB2_3:
0x14: {  	[bflag:$0x0] =	sbarrier.arrive $0xFFFF  }
0x15: {  	[spmem:s2] =	stream.indirect.scatter.add.f32 [tilespmem:s13], [sflag:$0x1], $0x20, s3, s14, $0xb8;
	[tilespmem:$0x1EA00] =	vst v63  }
0x16: {  	_ = 	snop  }
0x17: {  	[spmem:s2] =	stream.indirect.scatter.add.f32 [tilespmem:s15], [sflag:$0x1], $0x20, s14, s14, $0xb8;
	[tilespmem:$0x1EA00] =	vst v63  }
0x18: {  	_ = 	snop  }
0x19: {  	[spmem:s2] =	stream.indirect.scatter.add.f32 [tilespmem:s17], [sflag:$0x1], $0x20, s16, s14, $0xb8;
	[tilespmem:$0x1EA00] =	vst v63  }
0x1a: {  	_ = 	snop  }
0x1b: {  	[spmem:s2] =	stream.indirect.scatter.add.f32 [tilespmem:s19], [sflag:$0x1], $0x20, s18, s14, $0xb8;
	[tilespmem:$0x1EA00] =	vst v63  }
0x1c: {  	_ = 	snop  }
0x1d: {  	[spmem:s2] =	stream.indirect.scatter.add.f32 [tilespmem:s21], [sflag:$0x1], $0x20, s20, s14, $0xb8;
	[tilespmem:$0x1EA00] =	vst v63  }
.LBB2_4:
0x1e: {  	_ =	swait.ge [sflag:s22], $0x1000  }
0x1f: {  	[sflag:s22] =	ssyncset.done $0x0  }
0x20: {  	[sflag:s22] =	ssyncadd.s32 $0xFFFFF000  }
0x21: {  	_ =	swait.ge [sflag:s22], $0x1000  }
0x22: {  	[sflag:s22] =	ssyncset.done $0x0  }
0x23: {  	[sflag:s22] =	ssyncadd.s32 $0xFFFFF000  }
0x24: {  	_ =	swait.ge [sflag:s22], $0x1000  }
0x25: {  	[sflag:s22] =	ssyncset.done $0x0  }
0x26: {  	[sflag:s22] =	ssyncadd.s32 $0xFFFFF000  }
0x27: {  	_ =	swait.ge [sflag:s22], $0x1000  }
0x28: {  	[sflag:s22] =	ssyncset.done $0x0  }
0x29: {  	[sflag:s22] =	ssyncadd.s32 $0xFFFFF000  }
0x2a: {  	_ =	swait.ge [sflag:s22], $0x1000  }
0x2b: {  	[sflag:s22] =	ssyncset.done $0x0  }
0x2c: {  	[sflag:s22] =	ssyncadd.s32 $0xFFFFF000  }
0x2d: {  	[bflag:$0x0] =	sbarrier.arrive $0xFFFF  }
0x2e: {  	[tilespmem:s11], [sflag:$0x2] =	stream.linear.gather [spmem:s5], $0x5000, $0x38;
	[tilespmem:$0x1EA00] =	vst v63  }
0x2f: {  	s10 =	sadd.s32 $0xFFFFFFFF, s10;
	_ =	swait.ge [sflag:s12], $0x5000  }
0x30: {  	p1 =	sne.s32 s10, $0x0;
	[sflag:s12] =	ssyncset.done $0x0  }
.Ltmp1:
0x31: {  	[sflag:s12] =	ssyncadd.s32 $0xFFFFB000;
	(pc) =	sbr.rel @!p1 .LBB2_5-.Ltmp1, $4  }
0x32: {  	[hbm4b:s9+s3] =	stream.linear.scatter [tilespmem:s11], [sflag:$0x2], $0x5000, $0x38;
	[tilespmem:$0x1EA00] =	vst v63  }
0x33: {  	_ =	swait.ge [sflag:s12], $0x5000  }
0x34: {  	[sflag:s12] =	ssyncset.done $0x0  }
0x35: {  	[sflag:s12] =	ssyncadd.s32 $0xFFFFB000  }
.LBB2_1:
0x36: {  	[tilespmem:s11], [sflag:$0x2] =	stream.linear.gather [hbm4b:s4+s3], $0x5000, $0x38;
	[tilespmem:$0x1EA00] =	vst v63  }
0x37: {  	_ =	swait.ge [sflag:s12], $0x5000  }
0x38: {  	[sflag:s12] =	ssyncset.done $0x0  }
0x39: {  	[sflag:s12] =	ssyncadd.s32 $0xFFFFB000  }
0x3a: {  	[spmem:s5] =	stream.linear.scatter [tilespmem:s11], [sflag:$0x2], $0x5000, $0x38;
	[tilespmem:$0x1EA00] =	vst v63  }
0x3b: {  	_ =	swait.ge [sflag:s12], $0x5000  }
0x3c: {  	[sflag:s12] =	ssyncset.done $0x0  }
0x3d: {  	[sflag:s12] =	ssyncadd.s32 $0xFFFFB000  }
0x3e: {  	[tilespmem:s3], [sflag:$0x2] =	stream.linear.gather [hbm4b:s6+s3], $0xA00, $0x38;
	[tilespmem:$0x1EA00] =	vst v63  }
0x3f: {  	_ =	swait.ge [sflag:s12], $0xA00  }
0x40: {  	[sflag:s12] =	ssyncset.done $0x0  }
.Ltmp2:
0x41: {  	[sflag:s12] =	ssyncadd.s32 $0xFFFFF600;
	(pc) =	sbr.rel @p0 .LBB2_3-.Ltmp2, $4  }
0x42: {  	[tilespmem:s13], [sflag:$0x2] =	stream.linear.gather [hbm4b:s7+s3], $0x5000, $0x38;
	[tilespmem:$0x1EA00] =	vst v63  }
0x43: {  	_ =	swait.ge [sflag:s12], $0x5000  }
0x44: {  	[sflag:s12] =	ssyncset.done $0x0  }
0x45: {  	[sflag:s12] =	ssyncadd.s32 $0xFFFFB000  }
0x46: {  	[tilespmem:s23], [sflag:$0x2] =	stream.linear.gather [hbm4b:s8+s3], $0xF000, $0x38;
	[tilespmem:$0x1EA00] =	vst v63  }
0x47: {  	_ =	swait.ge [sflag:s12], $0xF000  }
0x48: {  	[sflag:s12] =	ssyncset.done $0x0  }
0x49: {  	[sflag:s12] =	ssyncadd.s32 $0xFFFF1000  }
0x4a: {  	[bflag:$0x0] =	sbarrier.arrive $0xFFFF  }
0x4b: {  	[spmem:s2] =	stream.indirect.scatter.add.f32 [tilespmem:s13], [sflag:$0x1], $0x20, s3, s14, $0xb8;
	[tilespmem:$0x1EA00] =	vst v63  }
0x4c: {  	_ = 	snop  }
0x4d: {  	[spmem:s2] =	stream.indirect.scatter.add.f32 [tilespmem:s15], [sflag:$0x1], $0x20, s14, s14, $0xb8;
	[tilespmem:$0x1EA00] =	vst v63  }
0x4e: {  	_ = 	snop  }
0x4f: {  	[spmem:s2] =	stream.indirect.scatter.add.f32 [tilespmem:s17], [sflag:$0x1], $0x20, s16, s14, $0xb8;
	[tilespmem:$0x1EA00] =	vst v63  }
0x50: {  	_ = 	snop  }
0x51: {  	[spmem:s2] =	stream.indirect.scatter.add.f32 [tilespmem:s19], [sflag:$0x1], $0x20, s18, s14, $0xb8;
	[tilespmem:$0x1EA00] =	vst v63  }
0x52: {  	_ = 	snop  }
0x53: {  	[spmem:s2] =	stream.indirect.scatter.add.f32 [tilespmem:s21], [sflag:$0x1], $0x20, s20, s14, $0xb8;
	[tilespmem:$0x1EA00] =	vst v63  }
0x54: {  	s26 =	simm.s32 $0x280  }
0x55: {  	[spmem:s2] =	stream.indirect.scatter.add.f32 [tilespmem:s23], [sflag:$0x1], $0x20, s26, s14, $0xb8;
	[tilespmem:$0x1EA00] =	vst v63  }
0x56: {  	s28 =	simm.s32 $0x6A00;
	s26 =	simm.s32 $0x300  }
0x57: {  	[spmem:s2] =	stream.indirect.scatter.add.f32 [tilespmem:s28], [sflag:$0x1], $0x20, s26, s14, $0xb8;
	[tilespmem:$0x1EA00] =	vst v63  }
0x58: {  	s26 =	simm.s32 $0x380;
	s28 =	simm.s32 $0x7A00  }
0x59: {  	[spmem:s2] =	stream.indirect.scatter.add.f32 [tilespmem:s28], [sflag:$0x1], $0x20, s26, s14, $0xb8;
	[tilespmem:$0x1EA00] =	vst v63  }
0x5a: {  	s26 =	simm.s32 $0x400;
	s28 =	simm.s32 $0x8A00  }
0x5b: {  	[spmem:s2] =	stream.indirect.scatter.add.f32 [tilespmem:s28], [sflag:$0x1], $0x20, s26, s14, $0xb8;
	[tilespmem:$0x1EA00] =	vst v63  }
0x5c: {  	s26 =	simm.s32 $0x480;
	s28 =	simm.s32 $0x9A00  }
0x5d: {  	[spmem:s2] =	stream.indirect.scatter.add.f32 [tilespmem:s28], [sflag:$0x1], $0x20, s26, s14, $0xb8;
	[tilespmem:$0x1EA00] =	vst v63  }
0x5e: {  	s26 =	simm.s32 $0x500;
	s28 =	simm.s32 $0xAA00  }
0x5f: {  	[spmem:s2] =	stream.indirect.scatter.add.f32 [tilespmem:s28], [sflag:$0x1], $0x20, s26, s14, $0xb8;
	[tilespmem:$0x1EA00] =	vst v63  }
0x60: {  	s26 =	simm.s32 $0x580;
	s28 =	simm.s32 $0xBA00  }
0x61: {  	[spmem:s2] =	stream.indirect.scatter.add.f32 [tilespmem:s28], [sflag:$0x1], $0x20, s26, s14, $0xb8;
	[tilespmem:$0x1EA00] =	vst v63  }
0x62: {  	s26 =	simm.s32 $0x600;
	s28 =	simm.s32 $0xCA00  }
0x63: {  	[spmem:s2] =	stream.indirect.scatter.add.f32 [tilespmem:s28], [sflag:$0x1], $0x20, s26, s14, $0xb8;
	[tilespmem:$0x1EA00] =	vst v63  }
0x64: {  	s26 =	simm.s32 $0x680;
	s28 =	simm.s32 $0xDA00  }
0x65: {  	[spmem:s2] =	stream.indirect.scatter.add.f32 [tilespmem:s28], [sflag:$0x1], $0x20, s26, s14, $0xb8;
	[tilespmem:$0x1EA00] =	vst v63  }
0x66: {  	s26 =	simm.s32 $0x700;
	s28 =	simm.s32 $0xEA00  }
0x67: {  	[spmem:s2] =	stream.indirect.scatter.add.f32 [tilespmem:s28], [sflag:$0x1], $0x20, s26, s14, $0xb8;
	[tilespmem:$0x1EA00] =	vst v63  }
0x68: {  	s26 =	simm.s32 $0x780;
	s28 =	simm.s32 $0xFA00  }
0x69: {  	[spmem:s2] =	stream.indirect.scatter.add.f32 [tilespmem:s28], [sflag:$0x1], $0x20, s26, s14, $0xb8;
	[tilespmem:$0x1EA00] =	vst v63  }
0x6a: {  	s28 =	simm.s32 $0x800  }
0x6b: {  	[spmem:s2] =	stream.indirect.scatter.add.f32 [tilespmem:s29], [sflag:$0x1], $0x20, s28, s14, $0xb8;
	[tilespmem:$0x1EA00] =	vst v63  }
0x6c: {  	_ = 	snop  }
0x6d: {  	[spmem:s2] =	stream.indirect.scatter.add.f32 [tilespmem:s31], [sflag:$0x1], $0x20, s30, s14, $0xb8;
	[tilespmem:$0x1EA00] =	vst v63  }
0x6e: {  	_ = 	snop  }
0x6f: {  	[spmem:s2] =	stream.indirect.scatter.add.f32 [tilespmem:s0], [sflag:$0x1], $0x20, s1, s14, $0xb8;
	[tilespmem:$0x1EA00] =	vst v63  }
0x70: {  	_ = 	snop  }
0x71: {  	[spmem:s2] =	stream.indirect.scatter.add.f32 [tilespmem:s25], [sflag:$0x1], $0x20, s24, s14, $0xb8;
	[tilespmem:$0x1EA00] =	vst v63  }
0x72: {  	_ =	swait.ge [sflag:s22], $0x1000  }
0x73: {  	[sflag:s22] =	ssyncset.done $0x0  }
0x74: {  	[sflag:s22] =	ssyncadd.s32 $0xFFFFF000  }
0x75: {  	_ =	swait.ge [sflag:s22], $0x1000  }
0x76: {  	[sflag:s22] =	ssyncset.done $0x0  }
0x77: {  	[sflag:s22] =	ssyncadd.s32 $0xFFFFF000  }
0x78: {  	_ =	swait.ge [sflag:s22], $0x1000  }
0x79: {  	[sflag:s22] =	ssyncset.done $0x0  }
0x7a: {  	[sflag:s22] =	ssyncadd.s32 $0xFFFFF000  }
0x7b: {  	_ =	swait.ge [sflag:s22], $0x1000  }
0x7c: {  	[sflag:s22] =	ssyncset.done $0x0  }
0x7d: {  	[sflag:s22] =	ssyncadd.s32 $0xFFFFF000  }
0x7e: {  	_ =	swait.ge [sflag:s22], $0x1000  }
0x7f: {  	[sflag:s22] =	ssyncset.done $0x0  }
0x80: {  	[sflag:s22] =	ssyncadd.s32 $0xFFFFF000  }
0x81: {  	_ =	swait.ge [sflag:s22], $0x1000  }
0x82: {  	[sflag:s22] =	ssyncset.done $0x0  }
0x83: {  	[sflag:s22] =	ssyncadd.s32 $0xFFFFF000  }
0x84: {  	_ =	swait.ge [sflag:s22], $0x1000  }
0x85: {  	[sflag:s22] =	ssyncset.done $0x0  }
0x86: {  	[sflag:s22] =	ssyncadd.s32 $0xFFFFF000  }
0x87: {  	_ =	swait.ge [sflag:s22], $0x1000  }
0x88: {  	[sflag:s22] =	ssyncset.done $0x0  }
0x89: {  	[sflag:s22] =	ssyncadd.s32 $0xFFFFF000  }
0x8a: {  	_ =	swait.ge [sflag:s22], $0x1000  }
0x8b: {  	[sflag:s22] =	ssyncset.done $0x0  }
0x8c: {  	[sflag:s22] =	ssyncadd.s32 $0xFFFFF000  }
0x8d: {  	_ =	swait.ge [sflag:s22], $0x1000  }
0x8e: {  	[sflag:s22] =	ssyncset.done $0x0  }
0x8f: {  	[sflag:s22] =	ssyncadd.s32 $0xFFFFF000  }
0x90: {  	_ =	swait.ge [sflag:s22], $0x1000  }
0x91: {  	[sflag:s22] =	ssyncset.done $0x0  }
0x92: {  	[sflag:s22] =	ssyncadd.s32 $0xFFFFF000  }
0x93: {  	_ =	swait.ge [sflag:s22], $0x1000  }
0x94: {  	[sflag:s22] =	ssyncset.done $0x0  }
0x95: {  	[sflag:s22] =	ssyncadd.s32 $0xFFFFF000  }
0x96: {  	_ =	swait.ge [sflag:s22], $0x1000  }
0x97: {  	[sflag:s22] =	ssyncset.done $0x0  }
0x98: {  	[sflag:s22] =	ssyncadd.s32 $0xFFFFF000  }
0x99: {  	_ =	swait.ge [sflag:s22], $0x1000  }
.Ltmp3:
0x9a: {  	[sflag:s22] =	ssyncset.done $0x0;
	(pc) =	sbr.rel .LBB2_4-.Ltmp3, $4  }
0x9b: {  	[sflag:s22] =	ssyncadd.s32 $0xFFFFF000  }
0x9c: {  	_ =	swait.ge [sflag:s22], $0x1000  }
0x9d: {  	[sflag:s22] =	ssyncset.done $0x0  }
0x9e: {  	[sflag:s22] =	ssyncadd.s32 $0xFFFFF000  }
.LBB2_5:
0x9f: {  	_ =	sfence.sel $0x180000  }
0xa0: {  	[bflag:$0x0] =	sbarrier.arrive $0xFFFF  }
0xa1: {  	_ =	strace $0x90000053  }
0xa2: {  	s0 =	stileid.u32;
	[bflag:$0x2] =	sbarrier.arrive $0xFFFF  }
0xa3: {  	p0 =	sne.s32 s0, $0x0;
	s0 =	rddreg [dreg:$0x2]  }
0xa4: {  	s0 =	sadd.s32 @!p0 $0x100000, s0  }
0xa5: {  	[sflag:s0] =	ssyncadd.tile.s32 @!p0 $0x1;
	_ =	shalt  }
.Lfunc_end2:
_tile_overlayer_lowered:
.L_overlay_start_2:
0xa6: {  	(tag) =	ssettag $0x2  }
0xa7: {  	s0 =	rddreg [dreg:$0x0];
	s2 =	stileid.u32  }
0xa8: {  	s1 =	rddreg [dreg:$0x1];
	p0 =	sne.s32 s2, $0x0  }
0xa9: {  	s3 =	rddreg [dreg:$0x2];
	[bflag:$0x3] =	sbarrier.arrive $0xFFFF;
	s2 =	simm.s32 @!p0 $0x1C02  }
0xaa: {  	[timem:s3], [sflag:s2] =	dma.local @!p0 [hbm:s0], s1  }
0xab: {  	s0 =	simm.s32 @!p0 $0x2  }
0xac: {  	_ =	swait.ge @!p0 [sflag:s0], s1  }
0xad: {  	s1 =	ssub.s32 @!p0 $0x0, s1;
	[sflag:s0] =	ssyncset.done @!p0 $0x0  }
0xae: {  	[sflag:s0] =	ssyncadd.s32 @!p0 s1  }
0xaf: {  	[bflag:$0x3] =	sbarrier.arrive $0xFFFF  }
0xb0: {  	_ =	shalt  }

</sc_bundles>
